<compile_context>
chip_gen: v7x
topology: tpu7x:2x2x1
jax: 0.10.2.dev20260603
libtpu: 0.0.44.dev20260713+nightly
codegen_flags: <defaults>
</compile_context>

<pallas_src>
import functools

import jax
import jax.numpy as jnp
import numpy as np
from jax.experimental import pallas as pl
from jax.experimental.pallas import tpu as pltpu

KNN = 16
DM = 512
NLEVELS = 4


def _seq_sum(x3):
    acc = x3[:, 0, :]
    for k in range(1, x3.shape[1]):
        acc = acc + x3[:, k, :]
    return acc


def _split3(v):
    mask = np.uint32(0xFFFF0000)
    u = jax.lax.bitcast_convert_type(v, jnp.uint32)
    hi = jax.lax.bitcast_convert_type(u & mask, jnp.float32)
    r = v - hi
    ur = jax.lax.bitcast_convert_type(r, jnp.uint32)
    mid = jax.lax.bitcast_convert_type(ur & mask, jnp.float32)
    lo = r - mid
    return (hi.astype(jnp.bfloat16), mid.astype(jnp.bfloat16),
            lo.astype(jnp.bfloat16))


def _onehot_gather(oh, hi_ref, mid_ref, lo_ref):
    g = jnp.dot(oh, hi_ref[0], preferred_element_type=jnp.float32)
    g = g + jnp.dot(oh, mid_ref[0], preferred_element_type=jnp.float32)
    return g + jnp.dot(oh, lo_ref[0], preferred_element_type=jnp.float32)


def _tb_block_kernel(q_ref, idx_ref, khi_ref, kmid_ref, klo_ref,
                     vhi_ref, vmid_ref, vlo_ref,
                     xyz_ref, xhi_ref, xmid_ref, xlo_ref,
                     d1w_ref, d1b_ref, d2w_ref, d2b_ref,
                     g1w_ref, g1b_ref, g2w_ref, g2b_ref,
                     out_ref, *, m_tile):
    n, dm = khi_ref.shape[1], khi_ref.shape[2]
    mk = idx_ref.shape[1]
    k = mk // m_tile
    idx = idx_ref[0]
    oh = jnp.where(jax.lax.broadcasted_iota(jnp.int32, (mk, n), 1) == idx,
                   1.0, 0.0).astype(jnp.bfloat16)
    xyz_t = xyz_ref[0]
    kxyz = _onehot_gather(oh, xhi_ref, xmid_ref, xlo_ref)
    xyz_rep = jnp.broadcast_to(
        xyz_t[:, None, :], (m_tile, k, xyz_t.shape[1])).reshape(mk, -1)
    rel = xyz_rep - kxyz
    ph = jnp.maximum(
        jnp.dot(rel, d1w_ref[...], preferred_element_type=jnp.float32)
        + d1b_ref[...], 0.0)
    pos = d2b_ref[...] + jnp.dot(ph, d2w_ref[...],
                                 preferred_element_type=jnp.float32)
    q = q_ref[0]
    q_rep = jnp.broadcast_to(q[:, None, :], (m_tile, k, dm)).reshape(mk, dm)
    kg = _onehot_gather(oh, khi_ref, kmid_ref, klo_ref)
    gin = q_rep - kg + pos
    ah = jnp.maximum(
        g1b_ref[...]
        + jnp.dot(gin, g1w_ref[...], preferred_element_type=jnp.float32),
        0.0)
    attn = g2b_ref[...] + jnp.dot(ah, g2w_ref[...],
                                  preferred_element_type=jnp.float32)
    attn = attn / np.sqrt(dm)
    a3 = attn.reshape(m_tile, k, dm)
    amax = jnp.max(a3, axis=1, keepdims=True)
    e = jnp.exp(a3 - amax)
    p = e / _seq_sum(e)[:, None, :]
    vg = _onehot_gather(oh, vhi_ref, vmid_ref, vlo_ref)
    vp = (vg + pos).reshape(m_tile, k, dm)
    out_ref[0] = _seq_sum(p * vp)


def _row2(v):
    return v.reshape(1, -1)


def _transformer_block(p, xyz, feats, knn_idx):
    b, n, dp = feats.shape
    x = feats @ p['fc1_w'] + p['fc1_b']
    q = x @ p['wq']
    kk = x @ p['wk']
    vv = x @ p['wv']
    k = knn_idx.shape[2]
    m = min(n, 128)
    nt = n // m
    mk = m * k
    khi, kmid, klo = _split3(kk)
    vhi, vmid, vlo = _split3(vv)
    xhi, xmid, xlo = _split3(xyz)

    def bcast(shape):
        nd = len(shape)
        return pl.BlockSpec(shape, lambda bi, mi: (0,) * nd)

    tbl = pl.BlockSpec((1, n, DM), lambda bi, mi: (bi, 0, 0))
    tbl3 = pl.BlockSpec((1, n, 3), lambda bi, mi: (bi, 0, 0))
    res = pl.pallas_call(
        functools.partial(_tb_block_kernel, m_tile=m),
        grid=(b, nt),
        in_specs=[
            pl.BlockSpec((1, m, DM), lambda bi, mi: (bi, mi, 0)),
            pl.BlockSpec((1, mk, 1), lambda bi, mi: (bi, mi, 0)),
            tbl, tbl, tbl, tbl, tbl, tbl,
            pl.BlockSpec((1, m, 3), lambda bi, mi: (bi, mi, 0)),
            tbl3, tbl3, tbl3,
            bcast((3, DM)), bcast((1, DM)),
            bcast((DM, DM)), bcast((1, DM)),
            bcast((DM, DM)), bcast((1, DM)),
            bcast((DM, DM)), bcast((1, DM)),
        ],
        out_specs=pl.BlockSpec((1, m, DM), lambda bi, mi: (bi, mi, 0)),
        out_shape=jax.ShapeDtypeStruct((b, n, DM), jnp.float32),
        compiler_params=pltpu.CompilerParams(
            dimension_semantics=("parallel", "arbitrary")),
    )(q, knn_idx.reshape(b, n * k, 1), khi, kmid, klo, vhi, vmid, vlo,
      xyz, xhi, xmid, xlo,
      p['d1_w'], _row2(p['d1_b']), p['d2_w'], _row2(p['d2_b']),
      p['g1_w'], _row2(p['g1_b']), p['g2_w'], _row2(p['g2_b']))
    return res @ p['fc2_w'] + p['fc2_b'] + feats


def _sq_dist(src, dst):
    d = -2.0 * jnp.matmul(src, jnp.swapaxes(dst, -1, -2))
    d = d + jnp.sum(src ** 2, -1)[..., :, None]
    d = d + jnp.sum(dst ** 2, -1)[..., None, :]
    return d


def _knn_kernel(srct_ref, dstT_ref, srcn_ref, dstn_ref, out_ref, *, kk):
    d = -2.0 * jnp.dot(srct_ref[0], dstT_ref[0],
                       preferred_element_type=jnp.float32)
    d = d + srcn_ref[0]
    d = d + dstn_ref[0]
    iota = jax.lax.broadcasted_iota(jnp.int32, d.shape, 1)
    big = jnp.int32(2 ** 30)
    cols = []
    work = d
    for _ in range(kk):
        mn = jnp.min(work, axis=1, keepdims=True)
        cand = jnp.where(work == mn, iota, big)
        j = jnp.min(cand, axis=1, keepdims=True)
        cols.append(j)
        work = jnp.where(iota == j, jnp.float32(jnp.inf), work)
    out_ref[0] = jnp.concatenate(cols, axis=1)


def _knn_idx(src, dst, k):
    b, ns, _ = src.shape
    nd = dst.shape[1]
    k = min(k, nd)
    dst_t = jnp.swapaxes(dst, -1, -2)
    srcn = jnp.sum(src ** 2, -1)[..., :, None]
    dstn = jnp.sum(dst ** 2, -1)[..., None, :]
    ms = min(ns, 128)
    return pl.pallas_call(
        functools.partial(_knn_kernel, kk=k),
        grid=(b, ns // ms),
        in_specs=[
            pl.BlockSpec((1, ms, 3), lambda bi, mi: (bi, mi, 0)),
            pl.BlockSpec((1, 3, nd), lambda bi, mi: (bi, 0, 0)),
            pl.BlockSpec((1, ms, 1), lambda bi, mi: (bi, mi, 0)),
            pl.BlockSpec((1, 1, nd), lambda bi, mi: (bi, 0, 0)),
        ],
        out_specs=pl.BlockSpec((1, ms, k), lambda bi, mi: (bi, mi, 0)),
        out_shape=jax.ShapeDtypeStruct((b, ns, k), jnp.int32),
        compiler_params=pltpu.CompilerParams(
            dimension_semantics=("parallel", "arbitrary")),
    )(src, dst_t, srcn, dstn)


def _fps(xyz, npoint):
    b, n, _ = xyz.shape

    def body(carry, _):
        distance, farthest = carry
        centroid = jax.vmap(lambda p, i: p[i])(xyz, farthest)
        dist = jnp.sum((xyz - centroid[:, None, :]) ** 2, -1)
        distance = jnp.minimum(distance, dist)
        new_farthest = jnp.argmax(distance, -1).astype(jnp.int32)
        return (distance, new_farthest), farthest

    init = (jnp.full((b, n), 1e10, jnp.float32), jnp.zeros((b,), jnp.int32))
    _, cent = jax.lax.scan(body, init, None, length=npoint)
    return jnp.transpose(cent)


def _set_abstraction(mlps, xyz, points, npoint):
    fps_idx = _fps(xyz, npoint)
    gather = jax.vmap(lambda a, i: a[i])
    new_xyz = gather(xyz, fps_idx)
    idx = _knn_idx(new_xyz, xyz, KNN)
    grouped_xyz = gather(xyz, idx)
    grouped_xyz_norm = grouped_xyz - new_xyz[:, :, None, :]
    grouped_points = gather(points, idx)
    h = jnp.concatenate([grouped_xyz_norm, grouped_points], axis=-1)
    for layer in mlps:
        h = h @ layer['w'].T + layer['b']
        mean = jnp.mean(h, axis=(0, 1, 2), keepdims=True)
        var = jnp.var(h, axis=(0, 1, 2), keepdims=True)
        h = (h - mean) / jnp.sqrt(var + 1e-5) * layer['gamma'] + layer['beta']
        h = jax.nn.relu(h)
    new_points = jnp.max(h, axis=2)
    return new_xyz, new_points


def kernel(x, params):
    xyz = x[..., :3]
    f = jax.nn.relu(x @ params['fc1_w1'] + params['fc1_b1'])
    f = f @ params['fc1_w2'] + params['fc1_b2']
    points = _transformer_block(params['tb0'], xyz, f,
                                _knn_idx(xyz, xyz, KNN))
    xyz_and_feats = [(xyz, points)]
    for i in range(NLEVELS):
        npoint = 1024 // 4 ** (i + 1)
        blk = params['blocks'][i]
        xyz, points = _set_abstraction(blk['sa_mlps'], xyz, points, npoint)
        points = _transformer_block(blk['tb'], xyz, points,
                                    _knn_idx(xyz, xyz, KNN))
        xyz_and_feats.append((xyz, points))
    return points, tuple(xyz_and_feats)

# --- scband reference (transcript-rebuilt; emitter-appended) ---
"""Pipeline reference for scband-backbone-5497558139726 (READ-ONLY COPY).

The authoritative reference and input builder live on the scoring server;
editing this copy changes nothing except your own understanding.
"""

import jax, jax.numpy as jnp
import numpy as np

NBLOCKS = 4
K = 16
D_MODEL = 512


def square_distance(src, dst):
    d = -2.0 * jnp.matmul(src, jnp.swapaxes(dst, -1, -2))
    d = d + jnp.sum(src ** 2, -1)[..., :, None]
    d = d + jnp.sum(dst ** 2, -1)[..., None, :]
    return d


def index_points(points, idx):
    return jax.vmap(lambda p, i: p[i])(points, idx)


def farthest_point_sample(xyz, npoint):
    B, N, _ = xyz.shape
    def body(carry, _):
        distance, farthest = carry
        centroid = jax.vmap(lambda p, i: p[i])(xyz, farthest)
        dist = jnp.sum((xyz - centroid[:, None, :]) ** 2, -1)
        distance = jnp.minimum(distance, dist)
        new_farthest = jnp.argmax(distance, -1).astype(jnp.int32)
        return (distance, new_farthest), farthest
    init = (jnp.full((B, N), 1e10, jnp.float32), jnp.zeros((B,), jnp.int32))
    _, cent = jax.lax.scan(body, init, None, length=npoint)
    return jnp.transpose(cent)


def transformer_block(p, xyz, features, k):
    dists = square_distance(xyz, xyz)
    knn_idx = jnp.argsort(dists, axis=-1)[:, :, :k]
    knn_xyz = index_points(xyz, knn_idx)
    pre = features
    x = features @ p['fc1_w'] + p['fc1_b']
    q = x @ p['wq']
    key_g = index_points(x @ p['wk'], knn_idx)
    v = index_points(x @ p['wv'], knn_idx)
    rel = xyz[:, :, None, :] - knn_xyz
    pos_enc = jax.nn.relu(rel @ p['d1_w'] + p['d1_b']) @ p['d2_w'] + p['d2_b']
    gin = q[:, :, None, :] - key_g + pos_enc
    attn = jax.nn.relu(gin @ p['g1_w'] + p['g1_b']) @ p['g2_w'] + p['g2_b']
    attn = jax.nn.softmax(attn / np.sqrt(key_g.shape[-1]), axis=-2)
    res = jnp.einsum('bmnf,bmnf->bmf', attn, v + pos_enc)
    res = res @ p['fc2_w'] + p['fc2_b'] + pre
    return res, attn


def set_abstraction(mlps, xyz, points, npoint, nsample):
    fps_idx = farthest_point_sample(xyz, npoint)
    new_xyz = index_points(xyz, fps_idx)
    dists = square_distance(new_xyz, xyz)
    idx = jnp.argsort(dists, axis=-1)[:, :, :nsample]
    grouped_xyz = index_points(xyz, idx)
    grouped_xyz_norm = grouped_xyz - new_xyz[:, :, None, :]
    grouped_points = index_points(points, idx)
    h = jnp.concatenate([grouped_xyz_norm, grouped_points], axis=-1)
    for layer in mlps:
        h = h @ layer['w'].T + layer['b']
        mean = jnp.mean(h, axis=(0, 1, 2), keepdims=True)
        var = jnp.var(h, axis=(0, 1, 2), keepdims=True)
        h = (h - mean) / jnp.sqrt(var + 1e-5) * layer['gamma'] + layer['beta']
        h = jax.nn.relu(h)
    new_points = jnp.max(h, axis=2)
    return new_xyz, new_points


def backbone(params, x):
    xyz = x[..., :3]
    f = jax.nn.relu(x @ params['fc1_w1'] + params['fc1_b1']) @ params['fc1_w2'] + params['fc1_b2']
    points = transformer_block(params['tb0'], xyz, f, K)[0]
    xyz_and_feats = [(xyz, points)]
    for i in range(NBLOCKS):
        npoint = 1024 // 4 ** (i + 1)
        blk = params['blocks'][i]
        xyz, points = set_abstraction(blk['sa_mlps'], xyz, points, npoint, K)
        points = transformer_block(blk['tb'], xyz, points, K)[0]
        xyz_and_feats.append((xyz, points))
    return points, tuple(xyz_and_feats)


def _make_params(key):
    cnt = [0]
    def nxt(shape):
        cnt[0] += 1
        return jax.random.normal(jax.random.fold_in(key, cnt[0]), shape, dtype=jnp.float32) * 0.05
    def tb(dp, dm):
        return {
            'fc1_w': nxt((dp, dm)), 'fc1_b': nxt((dm,)),
            'fc2_w': nxt((dm, dp)), 'fc2_b': nxt((dp,)),
            'd1_w': nxt((3, dm)), 'd1_b': nxt((dm,)),
            'd2_w': nxt((dm, dm)), 'd2_b': nxt((dm,)),
            'g1_w': nxt((dm, dm)), 'g1_b': nxt((dm,)),
            'g2_w': nxt((dm, dm)), 'g2_b': nxt((dm,)),
            'wq': nxt((dm, dm)), 'wk': nxt((dm, dm)), 'wv': nxt((dm, dm)),
        }
    params = {
        'fc1_w1': nxt((6, 32)), 'fc1_b1': nxt((32,)),
        'fc1_w2': nxt((32, 32)), 'fc1_b2': nxt((32,)),
        'tb0': tb(32, D_MODEL),
        'blocks': [],
    }
    for i in range(NBLOCKS):
        ch = 32 * 2 ** (i + 1)
        cin = ch // 2 + 3
        mlps = []
        for cout in [ch, ch]:
            mlps.append({'w': nxt((cout, cin)), 'b': nxt((cout,)),
                         'gamma': jnp.ones((cout,), jnp.float32),
                         'beta': jnp.zeros((cout,), jnp.float32)})
            cin = cout
        params['blocks'].append({'sa_mlps': mlps, 'tb': tb(ch, D_MODEL)})
    return params


def setup_inputs(seed: int = 0):
    key = jax.random.key(seed)
    x = jax.random.uniform(jax.random.fold_in(key, 0), (8, 1024, 6), dtype=jnp.float32)
    params = _make_params(jax.random.fold_in(key, 1))
    return {'x': x, 'params': params}


def reference(x, params):
    return backbone(params, x)

if __name__ == "__main__":
    import jax
    _d = setup_inputs()
    print(jax.jit(kernel)(*tuple(_d.values())))

</pallas_src>

<mosaic_0001>
module attributes {stable_mosaic.version = 14 : i64} {
  func.func @_knn_kernel(%arg0: i32, %arg1: i32, %arg2: memref<1x128x3xf32, #tpu.memory_space<vmem>>, %arg3: memref<1x3x1024xf32, #tpu.memory_space<vmem>>, %arg4: memref<1x128x1xf32, #tpu.memory_space<vmem>>, %arg5: memref<1x1x1024xf32, #tpu.memory_space<vmem>>, %arg6: memref<1x128x16xi32, #tpu.memory_space<vmem>>) attributes {dimension_semantics = [#tpu.dimension_semantics<parallel>, #tpu.dimension_semantics<arbitrary>], iteration_bounds = array<i64: 8, 8>, scalar_prefetch = 0 : i64, scratch_operands = 0 : i64, tpu.core_type = #tpu.core_type<tc>, window_params = [{transform_indices = @transform_0, window_bounds = array<i64: 1, 128, 3>}, {transform_indices = @transform_1, window_bounds = array<i64: 1, 3, 1024>}, {transform_indices = @transform_2, window_bounds = array<i64: 1, 128, 1>}, {transform_indices = @transform_3, window_bounds = array<i64: 1, 1, 1024>}, {transform_indices = @transform_4, window_bounds = array<i64: 1, 128, 16>}]} {
    %get3A = arith.constant 0 : index
    %get3A_0 = arith.constant 0 : index
    %get3A_1 = arith.constant 0 : index
    %get3A_2 = vector.load %arg2[%get3A, %get3A_0, %get3A_1] : memref<1x128x3xf32, #tpu.memory_space<vmem>>, vector<1x128x3xf32>
    %get3A_3 = vector.shape_cast %get3A_2 : vector<1x128x3xf32> to vector<128x3xf32>
    %get3A_4 = arith.constant 0 : index
    %get3A_5 = arith.constant 0 : index
    %get3A_6 = arith.constant 0 : index
    %get3A_7 = vector.load %arg3[%get3A_4, %get3A_5, %get3A_6] : memref<1x3x1024xf32, #tpu.memory_space<vmem>>, vector<1x3x1024xf32>
    %get3A_8 = vector.shape_cast %get3A_7 : vector<1x3x1024xf32> to vector<3x1024xf32>
    %dot_general3A = arith.constant dense<0.000000e+00> : vector<128x1024xf32>
    %dot_general3A_9 = tpu.matmul %get3A_3, %get3A_8, %dot_general3A {dimension_numbers = #tpu.dot_dimension_numbers<[1], [0], [0], [1], [0, 0, 1, 1], [], []>, transpose_lhs_hint = false} : vector<128x3xf32>, vector<3x1024xf32>, vector<128x1024xf32> -> vector<128x1024xf32>
    %mul3A = arith.constant -2.000000e+00 : f32
    %mul3A_10 = vector.broadcast %mul3A : f32 to vector<128x1024xf32>
    %mul3A_11 = arith.mulf %mul3A_10, %dot_general3A_9 : vector<128x1024xf32>
    %get3A_12 = arith.constant 0 : index
    %get3A_13 = arith.constant 0 : index
    %get3A_14 = arith.constant 0 : index
    %get3A_15 = vector.load %arg4[%get3A_12, %get3A_13, %get3A_14] : memref<1x128x1xf32, #tpu.memory_space<vmem>>, vector<1x128x1xf32>
    %get3A_16 = vector.shape_cast %get3A_15 : vector<1x128x1xf32> to vector<128x1xf32>
    %add3A = vector.broadcast %get3A_16 : vector<128x1xf32> to vector<128x1024xf32>
    %add3A_17 = arith.addf %mul3A_11, %add3A : vector<128x1024xf32>
    %get3A_18 = arith.constant 0 : index
    %get3A_19 = arith.constant 0 : index
    %get3A_20 = arith.constant 0 : index
    %get3A_21 = vector.load %arg5[%get3A_18, %get3A_19, %get3A_20] : memref<1x1x1024xf32, #tpu.memory_space<vmem>>, vector<1x1x1024xf32>
    %get3A_22 = vector.shape_cast %get3A_21 : vector<1x1x1024xf32> to vector<1x1024xf32>
    %add3A_23 = vector.broadcast %get3A_22 : vector<1x1024xf32> to vector<128x1024xf32>
    %add3A_24 = arith.addf %add3A_17, %add3A_23 : vector<128x1024xf32>
    %iota3A = tpu.iota {dimensions = array<i32: 1>} : vector<128x1024xi32>
    %reduce_min3A = arith.constant dense<0x7F800000> : vector<128xf32>
    %reduce_min3A_25 = vector.multi_reduction <minimumf>, %add3A_24, %reduce_min3A [1] : vector<128x1024xf32> to vector<128xf32>
    %broadcast_in_dim3A = vector.shape_cast %reduce_min3A_25 : vector<128xf32> to vector<128x1xf32>
    %eq3A = vector.broadcast %broadcast_in_dim3A : vector<128x1xf32> to vector<128x1024xf32>
    %eq3A_26 = arith.cmpf oeq, %add3A_24, %eq3A : vector<128x1024xf32>
    %jit3A = arith.constant 1073741824 : i32
    %broadcast_in_dim3A_27 = vector.broadcast %jit3A : i32 to vector<128x1024xi32>
    %select_n3A = arith.select %eq3A_26, %iota3A, %broadcast_in_dim3A_27 : vector<128x1024xi1>, vector<128x1024xi32>
    %reduce_min3A_28 = arith.constant dense<2147483647> : vector<128xi32>
    %reduce_min3A_29 = vector.multi_reduction <minsi>, %select_n3A, %reduce_min3A_28 [1] : vector<128x1024xi32> to vector<128xi32>
    %broadcast_in_dim3A_30 = vector.shape_cast %reduce_min3A_29 : vector<128xi32> to vector<128x1xi32>
    %eq3A_31 = vector.broadcast %broadcast_in_dim3A_30 : vector<128x1xi32> to vector<128x1024xi32>
    %eq3A_32 = arith.cmpi eq, %iota3A, %eq3A_31 : vector<128x1024xi32>
    %jit3A_33 = arith.constant 0x7F800000 : f32
    %broadcast_in_dim3A_34 = vector.broadcast %jit3A_33 : f32 to vector<128x1024xf32>
    %select_n3A_35 = arith.select %eq3A_32, %broadcast_in_dim3A_34, %add3A_24 : vector<128x1024xi1>, vector<128x1024xf32>
    %reduce_min3A_36 = arith.constant dense<0x7F800000> : vector<128xf32>
    %reduce_min3A_37 = vector.multi_reduction <minimumf>, %select_n3A_35, %reduce_min3A_36 [1] : vector<128x1024xf32> to vector<128xf32>
    %broadcast_in_dim3A_38 = vector.shape_cast %reduce_min3A_37 : vector<128xf32> to vector<128x1xf32>
    %eq3A_39 = vector.broadcast %broadcast_in_dim3A_38 : vector<128x1xf32> to vector<128x1024xf32>
    %eq3A_40 = arith.cmpf oeq, %select_n3A_35, %eq3A_39 : vector<128x1024xf32>
    %jit3A_41 = arith.constant 1073741824 : i32
    %broadcast_in_dim3A_42 = vector.broadcast %jit3A_41 : i32 to vector<128x1024xi32>
    %select_n3A_43 = arith.select %eq3A_40, %iota3A, %broadcast_in_dim3A_42 : vector<128x1024xi1>, vector<128x1024xi32>
    %reduce_min3A_44 = arith.constant dense<2147483647> : vector<128xi32>
    %reduce_min3A_45 = vector.multi_reduction <minsi>, %select_n3A_43, %reduce_min3A_44 [1] : vector<128x1024xi32> to vector<128xi32>
    %broadcast_in_dim3A_46 = vector.shape_cast %reduce_min3A_45 : vector<128xi32> to vector<128x1xi32>
    %eq3A_47 = vector.broadcast %broadcast_in_dim3A_46 : vector<128x1xi32> to vector<128x1024xi32>
    %eq3A_48 = arith.cmpi eq, %iota3A, %eq3A_47 : vector<128x1024xi32>
    %jit3A_49 = arith.constant 0x7F800000 : f32
    %broadcast_in_dim3A_50 = vector.broadcast %jit3A_49 : f32 to vector<128x1024xf32>
    %select_n3A_51 = arith.select %eq3A_48, %broadcast_in_dim3A_50, %select_n3A_35 : vector<128x1024xi1>, vector<128x1024xf32>
    %reduce_min3A_52 = arith.constant dense<0x7F800000> : vector<128xf32>
    %reduce_min3A_53 = vector.multi_reduction <minimumf>, %select_n3A_51, %reduce_min3A_52 [1] : vector<128x1024xf32> to vector<128xf32>
    %broadcast_in_dim3A_54 = vector.shape_cast %reduce_min3A_53 : vector<128xf32> to vector<128x1xf32>
    %eq3A_55 = vector.broadcast %broadcast_in_dim3A_54 : vector<128x1xf32> to vector<128x1024xf32>
    %eq3A_56 = arith.cmpf oeq, %select_n3A_51, %eq3A_55 : vector<128x1024xf32>
    %jit3A_57 = arith.constant 1073741824 : i32
    %broadcast_in_dim3A_58 = vector.broadcast %jit3A_57 : i32 to vector<128x1024xi32>
    %select_n3A_59 = arith.select %eq3A_56, %iota3A, %broadcast_in_dim3A_58 : vector<128x1024xi1>, vector<128x1024xi32>
    %reduce_min3A_60 = arith.constant dense<2147483647> : vector<128xi32>
    %reduce_min3A_61 = vector.multi_reduction <minsi>, %select_n3A_59, %reduce_min3A_60 [1] : vector<128x1024xi32> to vector<128xi32>
    %broadcast_in_dim3A_62 = vector.shape_cast %reduce_min3A_61 : vector<128xi32> to vector<128x1xi32>
    %eq3A_63 = vector.broadcast %broadcast_in_dim3A_62 : vector<128x1xi32> to vector<128x1024xi32>
    %eq3A_64 = arith.cmpi eq, %iota3A, %eq3A_63 : vector<128x1024xi32>
    %jit3A_65 = arith.constant 0x7F800000 : f32
    %broadcast_in_dim3A_66 = vector.broadcast %jit3A_65 : f32 to vector<128x1024xf32>
    %select_n3A_67 = arith.select %eq3A_64, %broadcast_in_dim3A_66, %select_n3A_51 : vector<128x1024xi1>, vector<128x1024xf32>
    %reduce_min3A_68 = arith.constant dense<0x7F800000> : vector<128xf32>
    %reduce_min3A_69 = vector.multi_reduction <minimumf>, %select_n3A_67, %reduce_min3A_68 [1] : vector<128x1024xf32> to vector<128xf32>
    %broadcast_in_dim3A_70 = vector.shape_cast %reduce_min3A_69 : vector<128xf32> to vector<128x1xf32>
    %eq3A_71 = vector.broadcast %broadcast_in_dim3A_70 : vector<128x1xf32> to vector<128x1024xf32>
    %eq3A_72 = arith.cmpf oeq, %select_n3A_67, %eq3A_71 : vector<128x1024xf32>
    %jit3A_73 = arith.constant 1073741824 : i32
    %broadcast_in_dim3A_74 = vector.broadcast %jit3A_73 : i32 to vector<128x1024xi32>
    %select_n3A_75 = arith.select %eq3A_72, %iota3A, %broadcast_in_dim3A_74 : vector<128x1024xi1>, vector<128x1024xi32>
    %reduce_min3A_76 = arith.constant dense<2147483647> : vector<128xi32>
    %reduce_min3A_77 = vector.multi_reduction <minsi>, %select_n3A_75, %reduce_min3A_76 [1] : vector<128x1024xi32> to vector<128xi32>
    %broadcast_in_dim3A_78 = vector.shape_cast %reduce_min3A_77 : vector<128xi32> to vector<128x1xi32>
    %eq3A_79 = vector.broadcast %broadcast_in_dim3A_78 : vector<128x1xi32> to vector<128x1024xi32>
    %eq3A_80 = arith.cmpi eq, %iota3A, %eq3A_79 : vector<128x1024xi32>
    %jit3A_81 = arith.constant 0x7F800000 : f32
    %broadcast_in_dim3A_82 = vector.broadcast %jit3A_81 : f32 to vector<128x1024xf32>
    %select_n3A_83 = arith.select %eq3A_80, %broadcast_in_dim3A_82, %select_n3A_67 : vector<128x1024xi1>, vector<128x1024xf32>
    %reduce_min3A_84 = arith.constant dense<0x7F800000> : vector<128xf32>
    %reduce_min3A_85 = vector.multi_reduction <minimumf>, %select_n3A_83, %reduce_min3A_84 [1] : vector<128x1024xf32> to vector<128xf32>
    %broadcast_in_dim3A_86 = vector.shape_cast %reduce_min3A_85 : vector<128xf32> to vector<128x1xf32>
    %eq3A_87 = vector.broadcast %broadcast_in_dim3A_86 : vector<128x1xf32> to vector<128x1024xf32>
    %eq3A_88 = arith.cmpf oeq, %select_n3A_83, %eq3A_87 : vector<128x1024xf32>
    %jit3A_89 = arith.constant 1073741824 : i32
    %broadcast_in_dim3A_90 = vector.broadcast %jit3A_89 : i32 to vector<128x1024xi32>
    %select_n3A_91 = arith.select %eq3A_88, %iota3A, %broadcast_in_dim3A_90 : vector<128x1024xi1>, vector<128x1024xi32>
    %reduce_min3A_92 = arith.constant dense<2147483647> : vector<128xi32>
    %reduce_min3A_93 = vector.multi_reduction <minsi>, %select_n3A_91, %reduce_min3A_92 [1] : vector<128x1024xi32> to vector<128xi32>
    %broadcast_in_dim3A_94 = vector.shape_cast %reduce_min3A_93 : vector<128xi32> to vector<128x1xi32>
    %eq3A_95 = vector.broadcast %broadcast_in_dim3A_94 : vector<128x1xi32> to vector<128x1024xi32>
    %eq3A_96 = arith.cmpi eq, %iota3A, %eq3A_95 : vector<128x1024xi32>
    %jit3A_97 = arith.constant 0x7F800000 : f32
    %broadcast_in_dim3A_98 = vector.broadcast %jit3A_97 : f32 to vector<128x1024xf32>
    %select_n3A_99 = arith.select %eq3A_96, %broadcast_in_dim3A_98, %select_n3A_83 : vector<128x1024xi1>, vector<128x1024xf32>
    %reduce_min3A_100 = arith.constant dense<0x7F800000> : vector<128xf32>
    %reduce_min3A_101 = vector.multi_reduction <minimumf>, %select_n3A_99, %reduce_min3A_100 [1] : vector<128x1024xf32> to vector<128xf32>
    %broadcast_in_dim3A_102 = vector.shape_cast %reduce_min3A_101 : vector<128xf32> to vector<128x1xf32>
    %eq3A_103 = vector.broadcast %broadcast_in_dim3A_102 : vector<128x1xf32> to vector<128x1024xf32>
    %eq3A_104 = arith.cmpf oeq, %select_n3A_99, %eq3A_103 : vector<128x1024xf32>
    %jit3A_105 = arith.constant 1073741824 : i32
    %broadcast_in_dim3A_106 = vector.broadcast %jit3A_105 : i32 to vector<128x1024xi32>
    %select_n3A_107 = arith.select %eq3A_104, %iota3A, %broadcast_in_dim3A_106 : vector<128x1024xi1>, vector<128x1024xi32>
    %reduce_min3A_108 = arith.constant dense<2147483647> : vector<128xi32>
    %reduce_min3A_109 = vector.multi_reduction <minsi>, %select_n3A_107, %reduce_min3A_108 [1] : vector<128x1024xi32> to vector<128xi32>
    %broadcast_in_dim3A_110 = vector.shape_cast %reduce_min3A_109 : vector<128xi32> to vector<128x1xi32>
    %eq3A_111 = vector.broadcast %broadcast_in_dim3A_110 : vector<128x1xi32> to vector<128x1024xi32>
    %eq3A_112 = arith.cmpi eq, %iota3A, %eq3A_111 : vector<128x1024xi32>
    %jit3A_113 = arith.constant 0x7F800000 : f32
    %broadcast_in_dim3A_114 = vector.broadcast %jit3A_113 : f32 to vector<128x1024xf32>
    %select_n3A_115 = arith.select %eq3A_112, %broadcast_in_dim3A_114, %select_n3A_99 : vector<128x1024xi1>, vector<128x1024xf32>
    %reduce_min3A_116 = arith.constant dense<0x7F800000> : vector<128xf32>
    %reduce_min3A_117 = vector.multi_reduction <minimumf>, %select_n3A_115, %reduce_min3A_116 [1] : vector<128x1024xf32> to vector<128xf32>
    %broadcast_in_dim3A_118 = vector.shape_cast %reduce_min3A_117 : vector<128xf32> to vector<128x1xf32>
    %eq3A_119 = vector.broadcast %broadcast_in_dim3A_118 : vector<128x1xf32> to vector<128x1024xf32>
    %eq3A_120 = arith.cmpf oeq, %select_n3A_115, %eq3A_119 : vector<128x1024xf32>
    %jit3A_121 = arith.constant 1073741824 : i32
    %broadcast_in_dim3A_122 = vector.broadcast %jit3A_121 : i32 to vector<128x1024xi32>
    %select_n3A_123 = arith.select %eq3A_120, %iota3A, %broadcast_in_dim3A_122 : vector<128x1024xi1>, vector<128x1024xi32>
    %reduce_min3A_124 = arith.constant dense<2147483647> : vector<128xi32>
    %reduce_min3A_125 = vector.multi_reduction <minsi>, %select_n3A_123, %reduce_min3A_124 [1] : vector<128x1024xi32> to vector<128xi32>
    %broadcast_in_dim3A_126 = vector.shape_cast %reduce_min3A_125 : vector<128xi32> to vector<128x1xi32>
    %eq3A_127 = vector.broadcast %broadcast_in_dim3A_126 : vector<128x1xi32> to vector<128x1024xi32>
    %eq3A_128 = arith.cmpi eq, %iota3A, %eq3A_127 : vector<128x1024xi32>
    %jit3A_129 = arith.constant 0x7F800000 : f32
    %broadcast_in_dim3A_130 = vector.broadcast %jit3A_129 : f32 to vector<128x1024xf32>
    %select_n3A_131 = arith.select %eq3A_128, %broadcast_in_dim3A_130, %select_n3A_115 : vector<128x1024xi1>, vector<128x1024xf32>
    %reduce_min3A_132 = arith.constant dense<0x7F800000> : vector<128xf32>
    %reduce_min3A_133 = vector.multi_reduction <minimumf>, %select_n3A_131, %reduce_min3A_132 [1] : vector<128x1024xf32> to vector<128xf32>
    %broadcast_in_dim3A_134 = vector.shape_cast %reduce_min3A_133 : vector<128xf32> to vector<128x1xf32>
    %eq3A_135 = vector.broadcast %broadcast_in_dim3A_134 : vector<128x1xf32> to vector<128x1024xf32>
    %eq3A_136 = arith.cmpf oeq, %select_n3A_131, %eq3A_135 : vector<128x1024xf32>
    %jit3A_137 = arith.constant 1073741824 : i32
    %broadcast_in_dim3A_138 = vector.broadcast %jit3A_137 : i32 to vector<128x1024xi32>
    %select_n3A_139 = arith.select %eq3A_136, %iota3A, %broadcast_in_dim3A_138 : vector<128x1024xi1>, vector<128x1024xi32>
    %reduce_min3A_140 = arith.constant dense<2147483647> : vector<128xi32>
    %reduce_min3A_141 = vector.multi_reduction <minsi>, %select_n3A_139, %reduce_min3A_140 [1] : vector<128x1024xi32> to vector<128xi32>
    %broadcast_in_dim3A_142 = vector.shape_cast %reduce_min3A_141 : vector<128xi32> to vector<128x1xi32>
    %eq3A_143 = vector.broadcast %broadcast_in_dim3A_142 : vector<128x1xi32> to vector<128x1024xi32>
    %eq3A_144 = arith.cmpi eq, %iota3A, %eq3A_143 : vector<128x1024xi32>
    %jit3A_145 = arith.constant 0x7F800000 : f32
    %broadcast_in_dim3A_146 = vector.broadcast %jit3A_145 : f32 to vector<128x1024xf32>
    %select_n3A_147 = arith.select %eq3A_144, %broadcast_in_dim3A_146, %select_n3A_131 : vector<128x1024xi1>, vector<128x1024xf32>
    %reduce_min3A_148 = arith.constant dense<0x7F800000> : vector<128xf32>
    %reduce_min3A_149 = vector.multi_reduction <minimumf>, %select_n3A_147, %reduce_min3A_148 [1] : vector<128x1024xf32> to vector<128xf32>
    %broadcast_in_dim3A_150 = vector.shape_cast %reduce_min3A_149 : vector<128xf32> to vector<128x1xf32>
    %eq3A_151 = vector.broadcast %broadcast_in_dim3A_150 : vector<128x1xf32> to vector<128x1024xf32>
    %eq3A_152 = arith.cmpf oeq, %select_n3A_147, %eq3A_151 : vector<128x1024xf32>
    %jit3A_153 = arith.constant 1073741824 : i32
    %broadcast_in_dim3A_154 = vector.broadcast %jit3A_153 : i32 to vector<128x1024xi32>
    %select_n3A_155 = arith.select %eq3A_152, %iota3A, %broadcast_in_dim3A_154 : vector<128x1024xi1>, vector<128x1024xi32>
    %reduce_min3A_156 = arith.constant dense<2147483647> : vector<128xi32>
    %reduce_min3A_157 = vector.multi_reduction <minsi>, %select_n3A_155, %reduce_min3A_156 [1] : vector<128x1024xi32> to vector<128xi32>
    %broadcast_in_dim3A_158 = vector.shape_cast %reduce_min3A_157 : vector<128xi32> to vector<128x1xi32>
    %eq3A_159 = vector.broadcast %broadcast_in_dim3A_158 : vector<128x1xi32> to vector<128x1024xi32>
    %eq3A_160 = arith.cmpi eq, %iota3A, %eq3A_159 : vector<128x1024xi32>
    %jit3A_161 = arith.constant 0x7F800000 : f32
    %broadcast_in_dim3A_162 = vector.broadcast %jit3A_161 : f32 to vector<128x1024xf32>
    %select_n3A_163 = arith.select %eq3A_160, %broadcast_in_dim3A_162, %select_n3A_147 : vector<128x1024xi1>, vector<128x1024xf32>
    %reduce_min3A_164 = arith.constant dense<0x7F800000> : vector<128xf32>
    %reduce_min3A_165 = vector.multi_reduction <minimumf>, %select_n3A_163, %reduce_min3A_164 [1] : vector<128x1024xf32> to vector<128xf32>
    %broadcast_in_dim3A_166 = vector.shape_cast %reduce_min3A_165 : vector<128xf32> to vector<128x1xf32>
    %eq3A_167 = vector.broadcast %broadcast_in_dim3A_166 : vector<128x1xf32> to vector<128x1024xf32>
    %eq3A_168 = arith.cmpf oeq, %select_n3A_163, %eq3A_167 : vector<128x1024xf32>
    %jit3A_169 = arith.constant 1073741824 : i32
    %broadcast_in_dim3A_170 = vector.broadcast %jit3A_169 : i32 to vector<128x1024xi32>
    %select_n3A_171 = arith.select %eq3A_168, %iota3A, %broadcast_in_dim3A_170 : vector<128x1024xi1>, vector<128x1024xi32>
    %reduce_min3A_172 = arith.constant dense<2147483647> : vector<128xi32>
    %reduce_min3A_173 = vector.multi_reduction <minsi>, %select_n3A_171, %reduce_min3A_172 [1] : vector<128x1024xi32> to vector<128xi32>
    %broadcast_in_dim3A_174 = vector.shape_cast %reduce_min3A_173 : vector<128xi32> to vector<128x1xi32>
    %eq3A_175 = vector.broadcast %broadcast_in_dim3A_174 : vector<128x1xi32> to vector<128x1024xi32>
    %eq3A_176 = arith.cmpi eq, %iota3A, %eq3A_175 : vector<128x1024xi32>
    %jit3A_177 = arith.constant 0x7F800000 : f32
    %broadcast_in_dim3A_178 = vector.broadcast %jit3A_177 : f32 to vector<128x1024xf32>
    %select_n3A_179 = arith.select %eq3A_176, %broadcast_in_dim3A_178, %select_n3A_163 : vector<128x1024xi1>, vector<128x1024xf32>
    %reduce_min3A_180 = arith.constant dense<0x7F800000> : vector<128xf32>
    %reduce_min3A_181 = vector.multi_reduction <minimumf>, %select_n3A_179, %reduce_min3A_180 [1] : vector<128x1024xf32> to vector<128xf32>
    %broadcast_in_dim3A_182 = vector.shape_cast %reduce_min3A_181 : vector<128xf32> to vector<128x1xf32>
    %eq3A_183 = vector.broadcast %broadcast_in_dim3A_182 : vector<128x1xf32> to vector<128x1024xf32>
    %eq3A_184 = arith.cmpf oeq, %select_n3A_179, %eq3A_183 : vector<128x1024xf32>
    %jit3A_185 = arith.constant 1073741824 : i32
    %broadcast_in_dim3A_186 = vector.broadcast %jit3A_185 : i32 to vector<128x1024xi32>
    %select_n3A_187 = arith.select %eq3A_184, %iota3A, %broadcast_in_dim3A_186 : vector<128x1024xi1>, vector<128x1024xi32>
    %reduce_min3A_188 = arith.constant dense<2147483647> : vector<128xi32>
    %reduce_min3A_189 = vector.multi_reduction <minsi>, %select_n3A_187, %reduce_min3A_188 [1] : vector<128x1024xi32> to vector<128xi32>
    %broadcast_in_dim3A_190 = vector.shape_cast %reduce_min3A_189 : vector<128xi32> to vector<128x1xi32>
    %eq3A_191 = vector.broadcast %broadcast_in_dim3A_190 : vector<128x1xi32> to vector<128x1024xi32>
    %eq3A_192 = arith.cmpi eq, %iota3A, %eq3A_191 : vector<128x1024xi32>
    %jit3A_193 = arith.constant 0x7F800000 : f32
    %broadcast_in_dim3A_194 = vector.broadcast %jit3A_193 : f32 to vector<128x1024xf32>
    %select_n3A_195 = arith.select %eq3A_192, %broadcast_in_dim3A_194, %select_n3A_179 : vector<128x1024xi1>, vector<128x1024xf32>
    %reduce_min3A_196 = arith.constant dense<0x7F800000> : vector<128xf32>
    %reduce_min3A_197 = vector.multi_reduction <minimumf>, %select_n3A_195, %reduce_min3A_196 [1] : vector<128x1024xf32> to vector<128xf32>
    %broadcast_in_dim3A_198 = vector.shape_cast %reduce_min3A_197 : vector<128xf32> to vector<128x1xf32>
    %eq3A_199 = vector.broadcast %broadcast_in_dim3A_198 : vector<128x1xf32> to vector<128x1024xf32>
    %eq3A_200 = arith.cmpf oeq, %select_n3A_195, %eq3A_199 : vector<128x1024xf32>
    %jit3A_201 = arith.constant 1073741824 : i32
    %broadcast_in_dim3A_202 = vector.broadcast %jit3A_201 : i32 to vector<128x1024xi32>
    %select_n3A_203 = arith.select %eq3A_200, %iota3A, %broadcast_in_dim3A_202 : vector<128x1024xi1>, vector<128x1024xi32>
    %reduce_min3A_204 = arith.constant dense<2147483647> : vector<128xi32>
    %reduce_min3A_205 = vector.multi_reduction <minsi>, %select_n3A_203, %reduce_min3A_204 [1] : vector<128x1024xi32> to vector<128xi32>
    %broadcast_in_dim3A_206 = vector.shape_cast %reduce_min3A_205 : vector<128xi32> to vector<128x1xi32>
    %eq3A_207 = vector.broadcast %broadcast_in_dim3A_206 : vector<128x1xi32> to vector<128x1024xi32>
    %eq3A_208 = arith.cmpi eq, %iota3A, %eq3A_207 : vector<128x1024xi32>
    %jit3A_209 = arith.constant 0x7F800000 : f32
    %broadcast_in_dim3A_210 = vector.broadcast %jit3A_209 : f32 to vector<128x1024xf32>
    %select_n3A_211 = arith.select %eq3A_208, %broadcast_in_dim3A_210, %select_n3A_195 : vector<128x1024xi1>, vector<128x1024xf32>
    %reduce_min3A_212 = arith.constant dense<0x7F800000> : vector<128xf32>
    %reduce_min3A_213 = vector.multi_reduction <minimumf>, %select_n3A_211, %reduce_min3A_212 [1] : vector<128x1024xf32> to vector<128xf32>
    %broadcast_in_dim3A_214 = vector.shape_cast %reduce_min3A_213 : vector<128xf32> to vector<128x1xf32>
    %eq3A_215 = vector.broadcast %broadcast_in_dim3A_214 : vector<128x1xf32> to vector<128x1024xf32>
    %eq3A_216 = arith.cmpf oeq, %select_n3A_211, %eq3A_215 : vector<128x1024xf32>
    %jit3A_217 = arith.constant 1073741824 : i32
    %broadcast_in_dim3A_218 = vector.broadcast %jit3A_217 : i32 to vector<128x1024xi32>
    %select_n3A_219 = arith.select %eq3A_216, %iota3A, %broadcast_in_dim3A_218 : vector<128x1024xi1>, vector<128x1024xi32>
    %reduce_min3A_220 = arith.constant dense<2147483647> : vector<128xi32>
    %reduce_min3A_221 = vector.multi_reduction <minsi>, %select_n3A_219, %reduce_min3A_220 [1] : vector<128x1024xi32> to vector<128xi32>
    %broadcast_in_dim3A_222 = vector.shape_cast %reduce_min3A_221 : vector<128xi32> to vector<128x1xi32>
    %eq3A_223 = vector.broadcast %broadcast_in_dim3A_222 : vector<128x1xi32> to vector<128x1024xi32>
    %eq3A_224 = arith.cmpi eq, %iota3A, %eq3A_223 : vector<128x1024xi32>
    %jit3A_225 = arith.constant 0x7F800000 : f32
    %broadcast_in_dim3A_226 = vector.broadcast %jit3A_225 : f32 to vector<128x1024xf32>
    %select_n3A_227 = arith.select %eq3A_224, %broadcast_in_dim3A_226, %select_n3A_211 : vector<128x1024xi1>, vector<128x1024xf32>
    %reduce_min3A_228 = arith.constant dense<0x7F800000> : vector<128xf32>
    %reduce_min3A_229 = vector.multi_reduction <minimumf>, %select_n3A_227, %reduce_min3A_228 [1] : vector<128x1024xf32> to vector<128xf32>
    %broadcast_in_dim3A_230 = vector.shape_cast %reduce_min3A_229 : vector<128xf32> to vector<128x1xf32>
    %eq3A_231 = vector.broadcast %broadcast_in_dim3A_230 : vector<128x1xf32> to vector<128x1024xf32>
    %eq3A_232 = arith.cmpf oeq, %select_n3A_227, %eq3A_231 : vector<128x1024xf32>
    %jit3A_233 = arith.constant 1073741824 : i32
    %broadcast_in_dim3A_234 = vector.broadcast %jit3A_233 : i32 to vector<128x1024xi32>
    %select_n3A_235 = arith.select %eq3A_232, %iota3A, %broadcast_in_dim3A_234 : vector<128x1024xi1>, vector<128x1024xi32>
    %reduce_min3A_236 = arith.constant dense<2147483647> : vector<128xi32>
    %reduce_min3A_237 = vector.multi_reduction <minsi>, %select_n3A_235, %reduce_min3A_236 [1] : vector<128x1024xi32> to vector<128xi32>
    %broadcast_in_dim3A_238 = vector.shape_cast %reduce_min3A_237 : vector<128xi32> to vector<128x1xi32>
    %eq3A_239 = vector.broadcast %broadcast_in_dim3A_238 : vector<128x1xi32> to vector<128x1024xi32>
    %eq3A_240 = arith.cmpi eq, %iota3A, %eq3A_239 : vector<128x1024xi32>
    %jit3A_241 = arith.constant 0x7F800000 : f32
    %broadcast_in_dim3A_242 = vector.broadcast %jit3A_241 : f32 to vector<128x1024xf32>
    %select_n3A_243 = arith.select %eq3A_240, %broadcast_in_dim3A_242, %select_n3A_227 : vector<128x1024xi1>, vector<128x1024xf32>
    %reduce_min3A_244 = arith.constant dense<0x7F800000> : vector<128xf32>
    %reduce_min3A_245 = vector.multi_reduction <minimumf>, %select_n3A_243, %reduce_min3A_244 [1] : vector<128x1024xf32> to vector<128xf32>
    %broadcast_in_dim3A_246 = vector.shape_cast %reduce_min3A_245 : vector<128xf32> to vector<128x1xf32>
    %eq3A_247 = vector.broadcast %broadcast_in_dim3A_246 : vector<128x1xf32> to vector<128x1024xf32>
    %eq3A_248 = arith.cmpf oeq, %select_n3A_243, %eq3A_247 : vector<128x1024xf32>
    %jit3A_249 = arith.constant 1073741824 : i32
    %broadcast_in_dim3A_250 = vector.broadcast %jit3A_249 : i32 to vector<128x1024xi32>
    %select_n3A_251 = arith.select %eq3A_248, %iota3A, %broadcast_in_dim3A_250 : vector<128x1024xi1>, vector<128x1024xi32>
    %reduce_min3A_252 = arith.constant dense<2147483647> : vector<128xi32>
    %reduce_min3A_253 = vector.multi_reduction <minsi>, %select_n3A_251, %reduce_min3A_252 [1] : vector<128x1024xi32> to vector<128xi32>
    %broadcast_in_dim3A_254 = vector.shape_cast %reduce_min3A_253 : vector<128xi32> to vector<128x1xi32>
    %eq3A_255 = vector.broadcast %broadcast_in_dim3A_254 : vector<128x1xi32> to vector<128x1024xi32>
    %eq3A_256 = arith.cmpi eq, %iota3A, %eq3A_255 : vector<128x1024xi32>
    %jit3A_257 = arith.constant 0x7F800000 : f32
    %broadcast_in_dim3A_258 = vector.broadcast %jit3A_257 : f32 to vector<128x1024xf32>
    %select_n3A_259 = arith.select %eq3A_256, %broadcast_in_dim3A_258, %select_n3A_243 : vector<128x1024xi1>, vector<128x1024xf32>
    %reduce_min3A_260 = arith.constant dense<0x7F800000> : vector<128xf32>
    %reduce_min3A_261 = vector.multi_reduction <minimumf>, %select_n3A_259, %reduce_min3A_260 [1] : vector<128x1024xf32> to vector<128xf32>
    %broadcast_in_dim3A_262 = vector.shape_cast %reduce_min3A_261 : vector<128xf32> to vector<128x1xf32>
    %eq3A_263 = vector.broadcast %broadcast_in_dim3A_262 : vector<128x1xf32> to vector<128x1024xf32>
    %eq3A_264 = arith.cmpf oeq, %select_n3A_259, %eq3A_263 : vector<128x1024xf32>
    %jit3A_265 = arith.constant 1073741824 : i32
    %broadcast_in_dim3A_266 = vector.broadcast %jit3A_265 : i32 to vector<128x1024xi32>
    %select_n3A_267 = arith.select %eq3A_264, %iota3A, %broadcast_in_dim3A_266 : vector<128x1024xi1>, vector<128x1024xi32>
    %reduce_min3A_268 = arith.constant dense<2147483647> : vector<128xi32>
    %reduce_min3A_269 = vector.multi_reduction <minsi>, %select_n3A_267, %reduce_min3A_268 [1] : vector<128x1024xi32> to vector<128xi32>
    %broadcast_in_dim3A_270 = vector.shape_cast %reduce_min3A_269 : vector<128xi32> to vector<128x1xi32>
    %concatenate3A = tpu.concatenate %broadcast_in_dim3A_30, %broadcast_in_dim3A_46, %broadcast_in_dim3A_62, %broadcast_in_dim3A_78, %broadcast_in_dim3A_94, %broadcast_in_dim3A_110, %broadcast_in_dim3A_126, %broadcast_in_dim3A_142, %broadcast_in_dim3A_158, %broadcast_in_dim3A_174, %broadcast_in_dim3A_190, %broadcast_in_dim3A_206, %broadcast_in_dim3A_222, %broadcast_in_dim3A_238, %broadcast_in_dim3A_254, %broadcast_in_dim3A_270 in 1 : vector<128x1xi32>, vector<128x1xi32>, vector<128x1xi32>, vector<128x1xi32>, vector<128x1xi32>, vector<128x1xi32>, vector<128x1xi32>, vector<128x1xi32>, vector<128x1xi32>, vector<128x1xi32>, vector<128x1xi32>, vector<128x1xi32>, vector<128x1xi32>, vector<128x1xi32>, vector<128x1xi32>, vector<128x1xi32> -> vector<128x16xi32>
    %swap3A = arith.constant 0 : index
    %swap3A_271 = arith.constant 0 : index
    %swap3A_272 = arith.constant 0 : index
    %swap3A_273 = vector.load %arg6[%swap3A, %swap3A_271, %swap3A_272] : memref<1x128x16xi32, #tpu.memory_space<vmem>>, vector<1x128x16xi32>
    %swap3A_274 = vector.shape_cast %swap3A_273 : vector<1x128x16xi32> to vector<128x16xi32>
    %swap3A_275 = vector.shape_cast %concatenate3A : vector<128x16xi32> to vector<1x128x16xi32>
    tpu.vector_store %arg6[%swap3A, %swap3A_271, %swap3A_272], %swap3A_275 {strides = array<i32>} : memref<1x128x16xi32, #tpu.memory_space<vmem>>, vector<1x128x16xi32>,
    return
  }
  func.func @transform_0(%arg0: i32, %arg1: i32) -> (i32, i32, i32) {
    %c0_i32 = arith.constant 0 : i32
    %c0_i32_0 = arith.constant 0 : i32
    return %arg0, %arg1, %c0_i32 : i32, i32, i32
  }
  func.func @transform_1(%arg0: i32, %arg1: i32) -> (i32, i32, i32) {
    %c0_i32 = arith.constant 0 : i32
    %c0_i32_0 = arith.constant 0 : i32
    %c0_i32_1 = arith.constant 0 : i32
    return %arg0, %c0_i32, %c0_i32_0 : i32, i32, i32
  }
  func.func @transform_2(%arg0: i32, %arg1: i32) -> (i32, i32, i32) {
    %c0_i32 = arith.constant 0 : i32
    %c0_i32_0 = arith.constant 0 : i32
    return %arg0, %arg1, %c0_i32 : i32, i32, i32
  }
  func.func @transform_3(%arg0: i32, %arg1: i32) -> (i32, i32, i32) {
    %c0_i32 = arith.constant 0 : i32
    %c0_i32_0 = arith.constant 0 : i32
    %c0_i32_1 = arith.constant 0 : i32
    return %arg0, %c0_i32, %c0_i32_0 : i32, i32, i32
  }
  func.func @transform_4(%arg0: i32, %arg1: i32) -> (i32, i32, i32) {
    %c0_i32 = arith.constant 0 : i32
    %c0_i32_0 = arith.constant 0 : i32
    return %arg0, %arg1, %c0_i32 : i32, i32, i32
  }
}

module attributes {stable_mosaic.version = 14 : i64} {
  func.func @_tb_block_kernel(%arg0: i32, %arg1: i32, %arg2: memref<1x128x512xf32, #tpu.memory_space<vmem>>, %arg3: memref<1x2048x1xi32, #tpu.memory_space<vmem>>, %arg4: memref<1x1024x512xbf16, #tpu.memory_space<vmem>>, %arg5: memref<1x1024x512xbf16, #tpu.memory_space<vmem>>, %arg6: memref<1x1024x512xbf16, #tpu.memory_space<vmem>>, %arg7: memref<1x1024x512xbf16, #tpu.memory_space<vmem>>, %arg8: memref<1x1024x512xbf16, #tpu.memory_space<vmem>>, %arg9: memref<1x1024x512xbf16, #tpu.memory_space<vmem>>, %arg10: memref<1x128x3xf32, #tpu.memory_space<vmem>>, %arg11: memref<1x1024x3xbf16, #tpu.memory_space<vmem>>, %arg12: memref<1x1024x3xbf16, #tpu.memory_space<vmem>>, %arg13: memref<1x1024x3xbf16, #tpu.memory_space<vmem>>, %arg14: memref<3x512xf32, #tpu.memory_space<vmem>>, %arg15: memref<1x512xf32, #tpu.memory_space<vmem>>, %arg16: memref<512x512xf32, #tpu.memory_space<vmem>>, %arg17: memref<1x512xf32, #tpu.memory_space<vmem>>, %arg18: memref<512x512xf32, #tpu.memory_space<vmem>>, %arg19: memref<1x512xf32, #tpu.memory_space<vmem>>, %arg20: memref<512x512xf32, #tpu.memory_space<vmem>>, %arg21: memref<1x512xf32, #tpu.memory_space<vmem>>, %arg22: memref<1x128x512xf32, #tpu.memory_space<vmem>>) attributes {dimension_semantics = [#tpu.dimension_semantics<parallel>, #tpu.dimension_semantics<arbitrary>], iteration_bounds = array<i64: 8, 8>, scalar_prefetch = 0 : i64, scratch_operands = 0 : i64, tpu.core_type = #tpu.core_type<tc>, window_params = [{transform_indices = @transform_0, window_bounds = array<i64: 1, 128, 512>}, {transform_indices = @transform_1, window_bounds = array<i64: 1, 2048, 1>}, {transform_indices = @transform_2, window_bounds = array<i64: 1, 1024, 512>}, {transform_indices = @transform_3, window_bounds = array<i64: 1, 1024, 512>}, {transform_indices = @transform_4, window_bounds = array<i64: 1, 1024, 512>}, {transform_indices = @transform_5, window_bounds = array<i64: 1, 1024, 512>}, {transform_indices = @transform_6, window_bounds = array<i64: 1, 1024, 512>}, {transform_indices = @transform_7, window_bounds = array<i64: 1, 1024, 512>}, {transform_indices = @transform_8, window_bounds = array<i64: 1, 128, 3>}, {transform_indices = @transform_9, window_bounds = array<i64: 1, 1024, 3>}, {transform_indices = @transform_10, window_bounds = array<i64: 1, 1024, 3>}, {transform_indices = @transform_11, window_bounds = array<i64: 1, 1024, 3>}, {pipeline_mode = #tpu.pipeline_mode<synchronous>, transform_indices = @transform_12, window_bounds = array<i64: 3, 512>}, {pipeline_mode = #tpu.pipeline_mode<synchronous>, transform_indices = @transform_13, window_bounds = array<i64: 1, 512>}, {pipeline_mode = #tpu.pipeline_mode<synchronous>, transform_indices = @transform_14, window_bounds = array<i64: 512, 512>}, {pipeline_mode = #tpu.pipeline_mode<synchronous>, transform_indices = @transform_15, window_bounds = array<i64: 1, 512>}, {pipeline_mode = #tpu.pipeline_mode<synchronous>, transform_indices = @transform_16, window_bounds = array<i64: 512, 512>}, {pipeline_mode = #tpu.pipeline_mode<synchronous>, transform_indices = @transform_17, window_bounds = array<i64: 1, 512>}, {pipeline_mode = #tpu.pipeline_mode<synchronous>, transform_indices = @transform_18, window_bounds = array<i64: 512, 512>}, {pipeline_mode = #tpu.pipeline_mode<synchronous>, transform_indices = @transform_19, window_bounds = array<i64: 1, 512>}, {transform_indices = @transform_20, window_bounds = array<i64: 1, 128, 512>}]} {
    %get3A = arith.constant 0 : index
    %get3A_0 = arith.constant 0 : index
    %get3A_1 = arith.constant 0 : index
    %get3A_2 = vector.load %arg3[%get3A, %get3A_0, %get3A_1] : memref<1x2048x1xi32, #tpu.memory_space<vmem>>, vector<1x2048x1xi32>
    %get3A_3 = vector.shape_cast %get3A_2 : vector<1x2048x1xi32> to vector<2048x1xi32>
    %iota3A = tpu.iota {dimensions = array<i32: 1>} : vector<2048x1024xi32>
    %eq3A = vector.broadcast %get3A_3 : vector<2048x1xi32> to vector<2048x1024xi32>
    %eq3A_4 = arith.cmpi eq, %iota3A, %eq3A : vector<2048x1024xi32>
    %jit3A = arith.constant 1.000000e+00 : f32
    %jit3A_5 = arith.constant 0.000000e+00 : f32
    %broadcast_in_dim3A = vector.broadcast %jit3A : f32 to vector<2048x1024xf32>
    %broadcast_in_dim3A_6 = vector.broadcast %jit3A_5 : f32 to vector<2048x1024xf32>
    %select_n3A = arith.select %eq3A_4, %broadcast_in_dim3A, %broadcast_in_dim3A_6 : vector<2048x1024xi1>, vector<2048x1024xf32>
    %convert_element_type3A = arith.truncf %select_n3A : vector<2048x1024xf32> to vector<2048x1024xbf16>
    %get3A_7 = arith.constant 0 : index
    %get3A_8 = arith.constant 0 : index
    %get3A_9 = arith.constant 0 : index
    %get3A_10 = vector.load %arg10[%get3A_7, %get3A_8, %get3A_9] : memref<1x128x3xf32, #tpu.memory_space<vmem>>, vector<1x128x3xf32>
    %get3A_11 = vector.shape_cast %get3A_10 : vector<1x128x3xf32> to vector<128x3xf32>
    %get3A_12 = arith.constant 0 : index
    %get3A_13 = arith.constant 0 : index
    %get3A_14 = arith.constant 0 : index
    %get3A_15 = vector.load %arg11[%get3A_12, %get3A_13, %get3A_14] : memref<1x1024x3xbf16, #tpu.memory_space<vmem>>, vector<1x1024x3xbf16>
    %get3A_16 = vector.shape_cast %get3A_15 : vector<1x1024x3xbf16> to vector<1024x3xbf16>
    %dot_general3A = arith.constant dense<0.000000e+00> : vector<2048x3xf32>
    %dot_general3A_17 = tpu.matmul %convert_element_type3A, %get3A_16, %dot_general3A {dimension_numbers = #tpu.dot_dimension_numbers<[1], [0], [0], [1], [0, 0, 1, 1], [], []>, transpose_lhs_hint = false} : vector<2048x1024xbf16>, vector<1024x3xbf16>, vector<2048x3xf32> -> vector<2048x3xf32>
    %get3A_18 = arith.constant 0 : index
    %get3A_19 = arith.constant 0 : index
    %get3A_20 = arith.constant 0 : index
    %get3A_21 = vector.load %arg12[%get3A_18, %get3A_19, %get3A_20] : memref<1x1024x3xbf16, #tpu.memory_space<vmem>>, vector<1x1024x3xbf16>
    %get3A_22 = vector.shape_cast %get3A_21 : vector<1x1024x3xbf16> to vector<1024x3xbf16>
    %dot_general3A_23 = arith.constant dense<0.000000e+00> : vector<2048x3xf32>
    %dot_general3A_24 = tpu.matmul %convert_element_type3A, %get3A_22, %dot_general3A_23 {dimension_numbers = #tpu.dot_dimension_numbers<[1], [0], [0], [1], [0, 0, 1, 1], [], []>, transpose_lhs_hint = false} : vector<2048x1024xbf16>, vector<1024x3xbf16>, vector<2048x3xf32> -> vector<2048x3xf32>
    %add3A = arith.addf %dot_general3A_17, %dot_general3A_24 : vector<2048x3xf32>
    %get3A_25 = arith.constant 0 : index
    %get3A_26 = arith.constant 0 : index
    %get3A_27 = arith.constant 0 : index
    %get3A_28 = vector.load %arg13[%get3A_25, %get3A_26, %get3A_27] : memref<1x1024x3xbf16, #tpu.memory_space<vmem>>, vector<1x1024x3xbf16>
    %get3A_29 = vector.shape_cast %get3A_28 : vector<1x1024x3xbf16> to vector<1024x3xbf16>
    %dot_general3A_30 = arith.constant dense<0.000000e+00> : vector<2048x3xf32>
    %dot_general3A_31 = tpu.matmul %convert_element_type3A, %get3A_29, %dot_general3A_30 {dimension_numbers = #tpu.dot_dimension_numbers<[1], [0], [0], [1], [0, 0, 1, 1], [], []>, transpose_lhs_hint = false} : vector<2048x1024xbf16>, vector<1024x3xbf16>, vector<2048x3xf32> -> vector<2048x3xf32>
    %add3A_32 = arith.addf %add3A, %dot_general3A_31 : vector<2048x3xf32>
    %broadcast_in_dim3A_33 = vector.shape_cast %get3A_11 : vector<128x3xf32> to vector<128x1x3xf32>
    %broadcast_in_dim3A_34 = vector.shape_cast %broadcast_in_dim3A_33 : vector<128x1x3xf32> to vector<128x1x3xf32>
    %broadcast_in_dim3A_35 = vector.broadcast %broadcast_in_dim3A_34 : vector<128x1x3xf32> to vector<128x16x3xf32>
    %reshape3A = vector.shape_cast %broadcast_in_dim3A_35 : vector<128x16x3xf32> to vector<2048x3xf32>
    %sub3A = arith.subf %reshape3A, %add3A_32 : vector<2048x3xf32>
    %get3A_36 = arith.constant 0 : index
    %get3A_37 = arith.constant 0 : index
    %get3A_38 = vector.load %arg14[%get3A_36, %get3A_37] : memref<3x512xf32, #tpu.memory_space<vmem>>, vector<3x512xf32>
    %dot_general3A_39 = arith.constant dense<0.000000e+00> : vector<2048x512xf32>
    %dot_general3A_40 = tpu.matmul %sub3A, %get3A_38, %dot_general3A_39 {dimension_numbers = #tpu.dot_dimension_numbers<[1], [0], [0], [1], [0, 0, 1, 1], [], []>, transpose_lhs_hint = false} : vector<2048x3xf32>, vector<3x512xf32>, vector<2048x512xf32> -> vector<2048x512xf32>
    %get3A_41 = arith.constant 0 : index
    %get3A_42 = arith.constant 0 : index
    %get3A_43 = vector.load %arg15[%get3A_41, %get3A_42] : memref<1x512xf32, #tpu.memory_space<vmem>>, vector<1x512xf32>
    %add3A_44 = vector.broadcast %get3A_43 : vector<1x512xf32> to vector<2048x512xf32>
    %add3A_45 = arith.addf %dot_general3A_40, %add3A_44 : vector<2048x512xf32>
    %max3A = arith.constant 0.000000e+00 : f32
    %max3A_46 = vector.broadcast %max3A : f32 to vector<2048x512xf32>
    %max3A_47 = arith.maximumf %add3A_45, %max3A_46 : vector<2048x512xf32>
    %get3A_48 = arith.constant 0 : index
    %get3A_49 = arith.constant 0 : index
    %get3A_50 = vector.load %arg17[%get3A_48, %get3A_49] : memref<1x512xf32, #tpu.memory_space<vmem>>, vector<1x512xf32>
    %get3A_51 = arith.constant 0 : index
    %get3A_52 = arith.constant 0 : index
    %get3A_53 = vector.load %arg16[%get3A_51, %get3A_52] : memref<512x512xf32, #tpu.memory_space<vmem>>, vector<512x512xf32>
    %dot_general3A_54 = arith.constant dense<0.000000e+00> : vector<2048x512xf32>
    %dot_general3A_55 = tpu.matmul %max3A_47, %get3A_53, %dot_general3A_54 {dimension_numbers = #tpu.dot_dimension_numbers<[1], [0], [0], [1], [0, 0, 1, 1], [], []>, transpose_lhs_hint = false} : vector<2048x512xf32>, vector<512x512xf32>, vector<2048x512xf32> -> vector<2048x512xf32>
    %add3A_56 = vector.broadcast %get3A_50 : vector<1x512xf32> to vector<2048x512xf32>
    %add3A_57 = arith.addf %add3A_56, %dot_general3A_55 : vector<2048x512xf32>
    %get3A_58 = arith.constant 0 : index
    %get3A_59 = arith.constant 0 : index
    %get3A_60 = arith.constant 0 : index
    %get3A_61 = vector.load %arg2[%get3A_58, %get3A_59, %get3A_60] : memref<1x128x512xf32, #tpu.memory_space<vmem>>, vector<1x128x512xf32>
    %get3A_62 = vector.shape_cast %get3A_61 : vector<1x128x512xf32> to vector<128x512xf32>
    %broadcast_in_dim3A_63 = vector.shape_cast %get3A_62 : vector<128x512xf32> to vector<128x1x512xf32>
    %broadcast_in_dim3A_64 = vector.shape_cast %broadcast_in_dim3A_63 : vector<128x1x512xf32> to vector<128x1x512xf32>
    %broadcast_in_dim3A_65 = vector.broadcast %broadcast_in_dim3A_64 : vector<128x1x512xf32> to vector<128x16x512xf32>
    %reshape3A_66 = vector.shape_cast %broadcast_in_dim3A_65 : vector<128x16x512xf32> to vector<2048x512xf32>
    %get3A_67 = arith.constant 0 : index
    %get3A_68 = arith.constant 0 : index
    %get3A_69 = arith.constant 0 : index
    %get3A_70 = vector.load %arg4[%get3A_67, %get3A_68, %get3A_69] : memref<1x1024x512xbf16, #tpu.memory_space<vmem>>, vector<1x1024x512xbf16>
    %get3A_71 = vector.shape_cast %get3A_70 : vector<1x1024x512xbf16> to vector<1024x512xbf16>
    %dot_general3A_72 = arith.constant dense<0.000000e+00> : vector<2048x512xf32>
    %dot_general3A_73 = tpu.matmul %convert_element_type3A, %get3A_71, %dot_general3A_72 {dimension_numbers = #tpu.dot_dimension_numbers<[1], [0], [0], [1], [0, 0, 1, 1], [], []>, transpose_lhs_hint = false} : vector<2048x1024xbf16>, vector<1024x512xbf16>, vector<2048x512xf32> -> vector<2048x512xf32>
    %get3A_74 = arith.constant 0 : index
    %get3A_75 = arith.constant 0 : index
    %get3A_76 = arith.constant 0 : index
    %get3A_77 = vector.load %arg5[%get3A_74, %get3A_75, %get3A_76] : memref<1x1024x512xbf16, #tpu.memory_space<vmem>>, vector<1x1024x512xbf16>
    %get3A_78 = vector.shape_cast %get3A_77 : vector<1x1024x512xbf16> to vector<1024x512xbf16>
    %dot_general3A_79 = arith.constant dense<0.000000e+00> : vector<2048x512xf32>
    %dot_general3A_80 = tpu.matmul %convert_element_type3A, %get3A_78, %dot_general3A_79 {dimension_numbers = #tpu.dot_dimension_numbers<[1], [0], [0], [1], [0, 0, 1, 1], [], []>, transpose_lhs_hint = false} : vector<2048x1024xbf16>, vector<1024x512xbf16>, vector<2048x512xf32> -> vector<2048x512xf32>
    %add3A_81 = arith.addf %dot_general3A_73, %dot_general3A_80 : vector<2048x512xf32>
    %get3A_82 = arith.constant 0 : index
    %get3A_83 = arith.constant 0 : index
    %get3A_84 = arith.constant 0 : index
    %get3A_85 = vector.load %arg6[%get3A_82, %get3A_83, %get3A_84] : memref<1x1024x512xbf16, #tpu.memory_space<vmem>>, vector<1x1024x512xbf16>
    %get3A_86 = vector.shape_cast %get3A_85 : vector<1x1024x512xbf16> to vector<1024x512xbf16>
    %dot_general3A_87 = arith.constant dense<0.000000e+00> : vector<2048x512xf32>
    %dot_general3A_88 = tpu.matmul %convert_element_type3A, %get3A_86, %dot_general3A_87 {dimension_numbers = #tpu.dot_dimension_numbers<[1], [0], [0], [1], [0, 0, 1, 1], [], []>, transpose_lhs_hint = false} : vector<2048x1024xbf16>, vector<1024x512xbf16>, vector<2048x512xf32> -> vector<2048x512xf32>
    %add3A_89 = arith.addf %add3A_81, %dot_general3A_88 : vector<2048x512xf32>
    %sub3A_90 = arith.subf %reshape3A_66, %add3A_89 : vector<2048x512xf32>
    %add3A_91 = arith.addf %sub3A_90, %add3A_57 : vector<2048x512xf32>
    %get3A_92 = arith.constant 0 : index
    %get3A_93 = arith.constant 0 : index
    %get3A_94 = vector.load %arg19[%get3A_92, %get3A_93] : memref<1x512xf32, #tpu.memory_space<vmem>>, vector<1x512xf32>
    %get3A_95 = arith.constant 0 : index
    %get3A_96 = arith.constant 0 : index
    %get3A_97 = vector.load %arg18[%get3A_95, %get3A_96] : memref<512x512xf32, #tpu.memory_space<vmem>>, vector<512x512xf32>
    %dot_general3A_98 = arith.constant dense<0.000000e+00> : vector<2048x512xf32>
    %dot_general3A_99 = tpu.matmul %add3A_91, %get3A_97, %dot_general3A_98 {dimension_numbers = #tpu.dot_dimension_numbers<[1], [0], [0], [1], [0, 0, 1, 1], [], []>, transpose_lhs_hint = false} : vector<2048x512xf32>, vector<512x512xf32>, vector<2048x512xf32> -> vector<2048x512xf32>
    %add3A_100 = vector.broadcast %get3A_94 : vector<1x512xf32> to vector<2048x512xf32>
    %add3A_101 = arith.addf %add3A_100, %dot_general3A_99 : vector<2048x512xf32>
    %max3A_102 = arith.constant 0.000000e+00 : f32
    %max3A_103 = vector.broadcast %max3A_102 : f32 to vector<2048x512xf32>
    %max3A_104 = arith.maximumf %add3A_101, %max3A_103 : vector<2048x512xf32>
    %get3A_105 = arith.constant 0 : index
    %get3A_106 = arith.constant 0 : index
    %get3A_107 = vector.load %arg21[%get3A_105, %get3A_106] : memref<1x512xf32, #tpu.memory_space<vmem>>, vector<1x512xf32>
    %get3A_108 = arith.constant 0 : index
    %get3A_109 = arith.constant 0 : index
    %get3A_110 = vector.load %arg20[%get3A_108, %get3A_109] : memref<512x512xf32, #tpu.memory_space<vmem>>, vector<512x512xf32>
    %dot_general3A_111 = arith.constant dense<0.000000e+00> : vector<2048x512xf32>
    %dot_general3A_112 = tpu.matmul %max3A_104, %get3A_110, %dot_general3A_111 {dimension_numbers = #tpu.dot_dimension_numbers<[1], [0], [0], [1], [0, 0, 1, 1], [], []>, transpose_lhs_hint = false} : vector<2048x512xf32>, vector<512x512xf32>, vector<2048x512xf32> -> vector<2048x512xf32>
    %add3A_113 = vector.broadcast %get3A_107 : vector<1x512xf32> to vector<2048x512xf32>
    %add3A_114 = arith.addf %add3A_113, %dot_general3A_112 : vector<2048x512xf32>
    %div3A = arith.constant 22.6274166 : f32
    %div3A_115 = vector.broadcast %div3A : f32 to vector<2048x512xf32>
    %div3A_116 = arith.divf %add3A_114, %div3A_115 : vector<2048x512xf32>
    %reshape3A_117 = vector.shape_cast %div3A_116 : vector<2048x512xf32> to vector<128x16x512xf32>
    %reduce_max3A = arith.constant dense<0xFF800000> : vector<128x512xf32>
    %reduce_max3A_118 = vector.multi_reduction <maximumf>, %reshape3A_117, %reduce_max3A [1] : vector<128x16x512xf32> to vector<128x512xf32>
    %broadcast_in_dim3A_119 = vector.shape_cast %reduce_max3A_118 : vector<128x512xf32> to vector<128x1x512xf32>
    %sub3A_120 = vector.broadcast %broadcast_in_dim3A_119 : vector<128x1x512xf32> to vector<128x16x512xf32>
    %sub3A_121 = arith.subf %reshape3A_117, %sub3A_120 : vector<128x16x512xf32>
    %exp3A = math.exp %sub3A_121 : vector<128x16x512xf32>
    %slice3A = vector.extract_strided_slice %exp3A {offsets = [0, 0, 0], sizes = [128, 1, 512], strides = [1, 1, 1]} : vector<128x16x512xf32> to vector<128x1x512xf32>
    %squeeze3A = vector.shape_cast %slice3A : vector<128x1x512xf32> to vector<128x512xf32>
    %slice3A_122 = vector.extract_strided_slice %exp3A {offsets = [0, 1, 0], sizes = [128, 1, 512], strides = [1, 1, 1]} : vector<128x16x512xf32> to vector<128x1x512xf32>
    %squeeze3A_123 = vector.shape_cast %slice3A_122 : vector<128x1x512xf32> to vector<128x512xf32>
    %add3A_124 = arith.addf %squeeze3A, %squeeze3A_123 : vector<128x512xf32>
    %slice3A_125 = vector.extract_strided_slice %exp3A {offsets = [0, 2, 0], sizes = [128, 1, 512], strides = [1, 1, 1]} : vector<128x16x512xf32> to vector<128x1x512xf32>
    %squeeze3A_126 = vector.shape_cast %slice3A_125 : vector<128x1x512xf32> to vector<128x512xf32>
    %add3A_127 = arith.addf %add3A_124, %squeeze3A_126 : vector<128x512xf32>
    %slice3A_128 = vector.extract_strided_slice %exp3A {offsets = [0, 3, 0], sizes = [128, 1, 512], strides = [1, 1, 1]} : vector<128x16x512xf32> to vector<128x1x512xf32>
    %squeeze3A_129 = vector.shape_cast %slice3A_128 : vector<128x1x512xf32> to vector<128x512xf32>
    %add3A_130 = arith.addf %add3A_127, %squeeze3A_129 : vector<128x512xf32>
    %slice3A_131 = vector.extract_strided_slice %exp3A {offsets = [0, 4, 0], sizes = [128, 1, 512], strides = [1, 1, 1]} : vector<128x16x512xf32> to vector<128x1x512xf32>
    %squeeze3A_132 = vector.shape_cast %slice3A_131 : vector<128x1x512xf32> to vector<128x512xf32>
    %add3A_133 = arith.addf %add3A_130, %squeeze3A_132 : vector<128x512xf32>
    %slice3A_134 = vector.extract_strided_slice %exp3A {offsets = [0, 5, 0], sizes = [128, 1, 512], strides = [1, 1, 1]} : vector<128x16x512xf32> to vector<128x1x512xf32>
    %squeeze3A_135 = vector.shape_cast %slice3A_134 : vector<128x1x512xf32> to vector<128x512xf32>
    %add3A_136 = arith.addf %add3A_133, %squeeze3A_135 : vector<128x512xf32>
    %slice3A_137 = vector.extract_strided_slice %exp3A {offsets = [0, 6, 0], sizes = [128, 1, 512], strides = [1, 1, 1]} : vector<128x16x512xf32> to vector<128x1x512xf32>
    %squeeze3A_138 = vector.shape_cast %slice3A_137 : vector<128x1x512xf32> to vector<128x512xf32>
    %add3A_139 = arith.addf %add3A_136, %squeeze3A_138 : vector<128x512xf32>
    %slice3A_140 = vector.extract_strided_slice %exp3A {offsets = [0, 7, 0], sizes = [128, 1, 512], strides = [1, 1, 1]} : vector<128x16x512xf32> to vector<128x1x512xf32>
    %squeeze3A_141 = vector.shape_cast %slice3A_140 : vector<128x1x512xf32> to vector<128x512xf32>
    %add3A_142 = arith.addf %add3A_139, %squeeze3A_141 : vector<128x512xf32>
    %slice3A_143 = vector.extract_strided_slice %exp3A {offsets = [0, 8, 0], sizes = [128, 1, 512], strides = [1, 1, 1]} : vector<128x16x512xf32> to vector<128x1x512xf32>
    %squeeze3A_144 = vector.shape_cast %slice3A_143 : vector<128x1x512xf32> to vector<128x512xf32>
    %add3A_145 = arith.addf %add3A_142, %squeeze3A_144 : vector<128x512xf32>
    %slice3A_146 = vector.extract_strided_slice %exp3A {offsets = [0, 9, 0], sizes = [128, 1, 512], strides = [1, 1, 1]} : vector<128x16x512xf32> to vector<128x1x512xf32>
    %squeeze3A_147 = vector.shape_cast %slice3A_146 : vector<128x1x512xf32> to vector<128x512xf32>
    %add3A_148 = arith.addf %add3A_145, %squeeze3A_147 : vector<128x512xf32>
    %slice3A_149 = vector.extract_strided_slice %exp3A {offsets = [0, 10, 0], sizes = [128, 1, 512], strides = [1, 1, 1]} : vector<128x16x512xf32> to vector<128x1x512xf32>
    %squeeze3A_150 = vector.shape_cast %slice3A_149 : vector<128x1x512xf32> to vector<128x512xf32>
    %add3A_151 = arith.addf %add3A_148, %squeeze3A_150 : vector<128x512xf32>
    %slice3A_152 = vector.extract_strided_slice %exp3A {offsets = [0, 11, 0], sizes = [128, 1, 512], strides = [1, 1, 1]} : vector<128x16x512xf32> to vector<128x1x512xf32>
    %squeeze3A_153 = vector.shape_cast %slice3A_152 : vector<128x1x512xf32> to vector<128x512xf32>
    %add3A_154 = arith.addf %add3A_151, %squeeze3A_153 : vector<128x512xf32>
    %slice3A_155 = vector.extract_strided_slice %exp3A {offsets = [0, 12, 0], sizes = [128, 1, 512], strides = [1, 1, 1]} : vector<128x16x512xf32> to vector<128x1x512xf32>
    %squeeze3A_156 = vector.shape_cast %slice3A_155 : vector<128x1x512xf32> to vector<128x512xf32>
    %add3A_157 = arith.addf %add3A_154, %squeeze3A_156 : vector<128x512xf32>
    %slice3A_158 = vector.extract_strided_slice %exp3A {offsets = [0, 13, 0], sizes = [128, 1, 512], strides = [1, 1, 1]} : vector<128x16x512xf32> to vector<128x1x512xf32>
    %squeeze3A_159 = vector.shape_cast %slice3A_158 : vector<128x1x512xf32> to vector<128x512xf32>
    %add3A_160 = arith.addf %add3A_157, %squeeze3A_159 : vector<128x512xf32>
    %slice3A_161 = vector.extract_strided_slice %exp3A {offsets = [0, 14, 0], sizes = [128, 1, 512], strides = [1, 1, 1]} : vector<128x16x512xf32> to vector<128x1x512xf32>
    %squeeze3A_162 = vector.shape_cast %slice3A_161 : vector<128x1x512xf32> to vector<128x512xf32>
    %add3A_163 = arith.addf %add3A_160, %squeeze3A_162 : vector<128x512xf32>
    %slice3A_164 = vector.extract_strided_slice %exp3A {offsets = [0, 15, 0], sizes = [128, 1, 512], strides = [1, 1, 1]} : vector<128x16x512xf32> to vector<128x1x512xf32>
    %squeeze3A_165 = vector.shape_cast %slice3A_164 : vector<128x1x512xf32> to vector<128x512xf32>
    %add3A_166 = arith.addf %add3A_163, %squeeze3A_165 : vector<128x512xf32>
    %broadcast_in_dim3A_167 = vector.shape_cast %add3A_166 : vector<128x512xf32> to vector<128x1x512xf32>
    %div3A_168 = vector.broadcast %broadcast_in_dim3A_167 : vector<128x1x512xf32> to vector<128x16x512xf32>
    %div3A_169 = arith.divf %exp3A, %div3A_168 : vector<128x16x512xf32>
    %get3A_170 = arith.constant 0 : index
    %get3A_171 = arith.constant 0 : index
    %get3A_172 = arith.constant 0 : index
    %get3A_173 = vector.load %arg7[%get3A_170, %get3A_171, %get3A_172] : memref<1x1024x512xbf16, #tpu.memory_space<vmem>>, vector<1x1024x512xbf16>
    %get3A_174 = vector.shape_cast %get3A_173 : vector<1x1024x512xbf16> to vector<1024x512xbf16>
    %dot_general3A_175 = arith.constant dense<0.000000e+00> : vector<2048x512xf32>
    %dot_general3A_176 = tpu.matmul %convert_element_type3A, %get3A_174, %dot_general3A_175 {dimension_numbers = #tpu.dot_dimension_numbers<[1], [0], [0], [1], [0, 0, 1, 1], [], []>, transpose_lhs_hint = false} : vector<2048x1024xbf16>, vector<1024x512xbf16>, vector<2048x512xf32> -> vector<2048x512xf32>
    %get3A_177 = arith.constant 0 : index
    %get3A_178 = arith.constant 0 : index
    %get3A_179 = arith.constant 0 : index
    %get3A_180 = vector.load %arg8[%get3A_177, %get3A_178, %get3A_179] : memref<1x1024x512xbf16, #tpu.memory_space<vmem>>, vector<1x1024x512xbf16>
    %get3A_181 = vector.shape_cast %get3A_180 : vector<1x1024x512xbf16> to vector<1024x512xbf16>
    %dot_general3A_182 = arith.constant dense<0.000000e+00> : vector<2048x512xf32>
    %dot_general3A_183 = tpu.matmul %convert_element_type3A, %get3A_181, %dot_general3A_182 {dimension_numbers = #tpu.dot_dimension_numbers<[1], [0], [0], [1], [0, 0, 1, 1], [], []>, transpose_lhs_hint = false} : vector<2048x1024xbf16>, vector<1024x512xbf16>, vector<2048x512xf32> -> vector<2048x512xf32>
    %add3A_184 = arith.addf %dot_general3A_176, %dot_general3A_183 : vector<2048x512xf32>
    %get3A_185 = arith.constant 0 : index
    %get3A_186 = arith.constant 0 : index
    %get3A_187 = arith.constant 0 : index
    %get3A_188 = vector.load %arg9[%get3A_185, %get3A_186, %get3A_187] : memref<1x1024x512xbf16, #tpu.memory_space<vmem>>, vector<1x1024x512xbf16>
    %get3A_189 = vector.shape_cast %get3A_188 : vector<1x1024x512xbf16> to vector<1024x512xbf16>
    %dot_general3A_190 = arith.constant dense<0.000000e+00> : vector<2048x512xf32>
    %dot_general3A_191 = tpu.matmul %convert_element_type3A, %get3A_189, %dot_general3A_190 {dimension_numbers = #tpu.dot_dimension_numbers<[1], [0], [0], [1], [0, 0, 1, 1], [], []>, transpose_lhs_hint = false} : vector<2048x1024xbf16>, vector<1024x512xbf16>, vector<2048x512xf32> -> vector<2048x512xf32>
    %add3A_192 = arith.addf %add3A_184, %dot_general3A_191 : vector<2048x512xf32>
    %add3A_193 = arith.addf %add3A_192, %add3A_57 : vector<2048x512xf32>
    %reshape3A_194 = vector.shape_cast %add3A_193 : vector<2048x512xf32> to vector<128x16x512xf32>
    %mul3A = arith.mulf %div3A_169, %reshape3A_194 : vector<128x16x512xf32>
    %slice3A_195 = vector.extract_strided_slice %mul3A {offsets = [0, 0, 0], sizes = [128, 1, 512], strides = [1, 1, 1]} : vector<128x16x512xf32> to vector<128x1x512xf32>
    %squeeze3A_196 = vector.shape_cast %slice3A_195 : vector<128x1x512xf32> to vector<128x512xf32>
    %slice3A_197 = vector.extract_strided_slice %mul3A {offsets = [0, 1, 0], sizes = [128, 1, 512], strides = [1, 1, 1]} : vector<128x16x512xf32> to vector<128x1x512xf32>
    %squeeze3A_198 = vector.shape_cast %slice3A_197 : vector<128x1x512xf32> to vector<128x512xf32>
    %add3A_199 = arith.addf %squeeze3A_196, %squeeze3A_198 : vector<128x512xf32>
    %slice3A_200 = vector.extract_strided_slice %mul3A {offsets = [0, 2, 0], sizes = [128, 1, 512], strides = [1, 1, 1]} : vector<128x16x512xf32> to vector<128x1x512xf32>
    %squeeze3A_201 = vector.shape_cast %slice3A_200 : vector<128x1x512xf32> to vector<128x512xf32>
    %add3A_202 = arith.addf %add3A_199, %squeeze3A_201 : vector<128x512xf32>
    %slice3A_203 = vector.extract_strided_slice %mul3A {offsets = [0, 3, 0], sizes = [128, 1, 512], strides = [1, 1, 1]} : vector<128x16x512xf32> to vector<128x1x512xf32>
    %squeeze3A_204 = vector.shape_cast %slice3A_203 : vector<128x1x512xf32> to vector<128x512xf32>
    %add3A_205 = arith.addf %add3A_202, %squeeze3A_204 : vector<128x512xf32>
    %slice3A_206 = vector.extract_strided_slice %mul3A {offsets = [0, 4, 0], sizes = [128, 1, 512], strides = [1, 1, 1]} : vector<128x16x512xf32> to vector<128x1x512xf32>
    %squeeze3A_207 = vector.shape_cast %slice3A_206 : vector<128x1x512xf32> to vector<128x512xf32>
    %add3A_208 = arith.addf %add3A_205, %squeeze3A_207 : vector<128x512xf32>
    %slice3A_209 = vector.extract_strided_slice %mul3A {offsets = [0, 5, 0], sizes = [128, 1, 512], strides = [1, 1, 1]} : vector<128x16x512xf32> to vector<128x1x512xf32>
    %squeeze3A_210 = vector.shape_cast %slice3A_209 : vector<128x1x512xf32> to vector<128x512xf32>
    %add3A_211 = arith.addf %add3A_208, %squeeze3A_210 : vector<128x512xf32>
    %slice3A_212 = vector.extract_strided_slice %mul3A {offsets = [0, 6, 0], sizes = [128, 1, 512], strides = [1, 1, 1]} : vector<128x16x512xf32> to vector<128x1x512xf32>
    %squeeze3A_213 = vector.shape_cast %slice3A_212 : vector<128x1x512xf32> to vector<128x512xf32>
    %add3A_214 = arith.addf %add3A_211, %squeeze3A_213 : vector<128x512xf32>
    %slice3A_215 = vector.extract_strided_slice %mul3A {offsets = [0, 7, 0], sizes = [128, 1, 512], strides = [1, 1, 1]} : vector<128x16x512xf32> to vector<128x1x512xf32>
    %squeeze3A_216 = vector.shape_cast %slice3A_215 : vector<128x1x512xf32> to vector<128x512xf32>
    %add3A_217 = arith.addf %add3A_214, %squeeze3A_216 : vector<128x512xf32>
    %slice3A_218 = vector.extract_strided_slice %mul3A {offsets = [0, 8, 0], sizes = [128, 1, 512], strides = [1, 1, 1]} : vector<128x16x512xf32> to vector<128x1x512xf32>
    %squeeze3A_219 = vector.shape_cast %slice3A_218 : vector<128x1x512xf32> to vector<128x512xf32>
    %add3A_220 = arith.addf %add3A_217, %squeeze3A_219 : vector<128x512xf32>
    %slice3A_221 = vector.extract_strided_slice %mul3A {offsets = [0, 9, 0], sizes = [128, 1, 512], strides = [1, 1, 1]} : vector<128x16x512xf32> to vector<128x1x512xf32>
    %squeeze3A_222 = vector.shape_cast %slice3A_221 : vector<128x1x512xf32> to vector<128x512xf32>
    %add3A_223 = arith.addf %add3A_220, %squeeze3A_222 : vector<128x512xf32>
    %slice3A_224 = vector.extract_strided_slice %mul3A {offsets = [0, 10, 0], sizes = [128, 1, 512], strides = [1, 1, 1]} : vector<128x16x512xf32> to vector<128x1x512xf32>
    %squeeze3A_225 = vector.shape_cast %slice3A_224 : vector<128x1x512xf32> to vector<128x512xf32>
    %add3A_226 = arith.addf %add3A_223, %squeeze3A_225 : vector<128x512xf32>
    %slice3A_227 = vector.extract_strided_slice %mul3A {offsets = [0, 11, 0], sizes = [128, 1, 512], strides = [1, 1, 1]} : vector<128x16x512xf32> to vector<128x1x512xf32>
    %squeeze3A_228 = vector.shape_cast %slice3A_227 : vector<128x1x512xf32> to vector<128x512xf32>
    %add3A_229 = arith.addf %add3A_226, %squeeze3A_228 : vector<128x512xf32>
    %slice3A_230 = vector.extract_strided_slice %mul3A {offsets = [0, 12, 0], sizes = [128, 1, 512], strides = [1, 1, 1]} : vector<128x16x512xf32> to vector<128x1x512xf32>
    %squeeze3A_231 = vector.shape_cast %slice3A_230 : vector<128x1x512xf32> to vector<128x512xf32>
    %add3A_232 = arith.addf %add3A_229, %squeeze3A_231 : vector<128x512xf32>
    %slice3A_233 = vector.extract_strided_slice %mul3A {offsets = [0, 13, 0], sizes = [128, 1, 512], strides = [1, 1, 1]} : vector<128x16x512xf32> to vector<128x1x512xf32>
    %squeeze3A_234 = vector.shape_cast %slice3A_233 : vector<128x1x512xf32> to vector<128x512xf32>
    %add3A_235 = arith.addf %add3A_232, %squeeze3A_234 : vector<128x512xf32>
    %slice3A_236 = vector.extract_strided_slice %mul3A {offsets = [0, 14, 0], sizes = [128, 1, 512], strides = [1, 1, 1]} : vector<128x16x512xf32> to vector<128x1x512xf32>
    %squeeze3A_237 = vector.shape_cast %slice3A_236 : vector<128x1x512xf32> to vector<128x512xf32>
    %add3A_238 = arith.addf %add3A_235, %squeeze3A_237 : vector<128x512xf32>
    %slice3A_239 = vector.extract_strided_slice %mul3A {offsets = [0, 15, 0], sizes = [128, 1, 512], strides = [1, 1, 1]} : vector<128x16x512xf32> to vector<128x1x512xf32>
    %squeeze3A_240 = vector.shape_cast %slice3A_239 : vector<128x1x512xf32> to vector<128x512xf32>
    %add3A_241 = arith.addf %add3A_238, %squeeze3A_240 : vector<128x512xf32>
    %swap3A = arith.constant 0 : index
    %swap3A_242 = arith.constant 0 : index
    %swap3A_243 = arith.constant 0 : index
    %swap3A_244 = vector.load %arg22[%swap3A, %swap3A_242, %swap3A_243] : memref<1x128x512xf32, #tpu.memory_space<vmem>>, vector<1x128x512xf32>
    %swap3A_245 = vector.shape_cast %swap3A_244 : vector<1x128x512xf32> to vector<128x512xf32>
    %swap3A_246 = vector.shape_cast %add3A_241 : vector<128x512xf32> to vector<1x128x512xf32>
    tpu.vector_store %arg22[%swap3A, %swap3A_242, %swap3A_243], %swap3A_246 {strides = array<i32>} : memref<1x128x512xf32, #tpu.memory_space<vmem>>, vector<1x128x512xf32>,
    return
  }
  func.func @transform_0(%arg0: i32, %arg1: i32) -> (i32, i32, i32) {
    %c0_i32 = arith.constant 0 : i32
    %c0_i32_0 = arith.constant 0 : i32
    return %arg0, %arg1, %c0_i32 : i32, i32, i32
  }
  func.func @transform_1(%arg0: i32, %arg1: i32) -> (i32, i32, i32) {
    %c0_i32 = arith.constant 0 : i32
    %c0_i32_0 = arith.constant 0 : i32
    return %arg0, %arg1, %c0_i32 : i32, i32, i32
  }
  func.func @transform_2(%arg0: i32, %arg1: i32) -> (i32, i32, i32) {
    %c0_i32 = arith.constant 0 : i32
    %c0_i32_0 = arith.constant 0 : i32
    %c0_i32_1 = arith.constant 0 : i32
    return %arg0, %c0_i32, %c0_i32_0 : i32, i32, i32
  }
  func.func @transform_3(%arg0: i32, %arg1: i32) -> (i32, i32, i32) {
    %c0_i32 = arith.constant 0 : i32
    %c0_i32_0 = arith.constant 0 : i32
    %c0_i32_1 = arith.constant 0 : i32
    return %arg0, %c0_i32, %c0_i32_0 : i32, i32, i32
  }
  func.func @transform_4(%arg0: i32, %arg1: i32) -> (i32, i32, i32) {
    %c0_i32 = arith.constant 0 : i32
    %c0_i32_0 = arith.constant 0 : i32
    %c0_i32_1 = arith.constant 0 : i32
    return %arg0, %c0_i32, %c0_i32_0 : i32, i32, i32
  }
  func.func @transform_5(%arg0: i32, %arg1: i32) -> (i32, i32, i32) {
    %c0_i32 = arith.constant 0 : i32
    %c0_i32_0 = arith.constant 0 : i32
    %c0_i32_1 = arith.constant 0 : i32
    return %arg0, %c0_i32, %c0_i32_0 : i32, i32, i32
  }
  func.func @transform_6(%arg0: i32, %arg1: i32) -> (i32, i32, i32) {
    %c0_i32 = arith.constant 0 : i32
    %c0_i32_0 = arith.constant 0 : i32
    %c0_i32_1 = arith.constant 0 : i32
    return %arg0, %c0_i32, %c0_i32_0 : i32, i32, i32
  }
  func.func @transform_7(%arg0: i32, %arg1: i32) -> (i32, i32, i32) {
    %c0_i32 = arith.constant 0 : i32
    %c0_i32_0 = arith.constant 0 : i32
    %c0_i32_1 = arith.constant 0 : i32
    return %arg0, %c0_i32, %c0_i32_0 : i32, i32, i32
  }
  func.func @transform_8(%arg0: i32, %arg1: i32) -> (i32, i32, i32) {
    %c0_i32 = arith.constant 0 : i32
    %c0_i32_0 = arith.constant 0 : i32
    return %arg0, %arg1, %c0_i32 : i32, i32, i32
  }
  func.func @transform_9(%arg0: i32, %arg1: i32) -> (i32, i32, i32) {
    %c0_i32 = arith.constant 0 : i32
    %c0_i32_0 = arith.constant 0 : i32
    %c0_i32_1 = arith.constant 0 : i32
    return %arg0, %c0_i32, %c0_i32_0 : i32, i32, i32
  }
  func.func @transform_10(%arg0: i32, %arg1: i32) -> (i32, i32, i32) {
    %c0_i32 = arith.constant 0 : i32
    %c0_i32_0 = arith.constant 0 : i32
    %c0_i32_1 = arith.constant 0 : i32
    return %arg0, %c0_i32, %c0_i32_0 : i32, i32, i32
  }
  func.func @transform_11(%arg0: i32, %arg1: i32) -> (i32, i32, i32) {
    %c0_i32 = arith.constant 0 : i32
    %c0_i32_0 = arith.constant 0 : i32
    %c0_i32_1 = arith.constant 0 : i32
    return %arg0, %c0_i32, %c0_i32_0 : i32, i32, i32
  }
  func.func @transform_12(%arg0: i32, %arg1: i32) -> (i32, i32) {
    %c0_i32 = arith.constant 0 : i32
    %c0_i32_0 = arith.constant 0 : i32
    %c0_i32_1 = arith.constant 0 : i32
    return %c0_i32, %c0_i32_0 : i32, i32
  }
  func.func @transform_13(%arg0: i32, %arg1: i32) -> (i32, i32) {
    %c0_i32 = arith.constant 0 : i32
    %c0_i32_0 = arith.constant 0 : i32
    %c0_i32_1 = arith.constant 0 : i32
    return %c0_i32, %c0_i32_0 : i32, i32
  }
  func.func @transform_14(%arg0: i32, %arg1: i32) -> (i32, i32) {
    %c0_i32 = arith.constant 0 : i32
    %c0_i32_0 = arith.constant 0 : i32
    %c0_i32_1 = arith.constant 0 : i32
    return %c0_i32, %c0_i32_0 : i32, i32
  }
  func.func @transform_15(%arg0: i32, %arg1: i32) -> (i32, i32) {
    %c0_i32 = arith.constant 0 : i32
    %c0_i32_0 = arith.constant 0 : i32
    %c0_i32_1 = arith.constant 0 : i32
    return %c0_i32, %c0_i32_0 : i32, i32
  }
  func.func @transform_16(%arg0: i32, %arg1: i32) -> (i32, i32) {
    %c0_i32 = arith.constant 0 : i32
    %c0_i32_0 = arith.constant 0 : i32
    %c0_i32_1 = arith.constant 0 : i32
    return %c0_i32, %c0_i32_0 : i32, i32
  }
  func.func @transform_17(%arg0: i32, %arg1: i32) -> (i32, i32) {
    %c0_i32 = arith.constant 0 : i32
    %c0_i32_0 = arith.constant 0 : i32
    %c0_i32_1 = arith.constant 0 : i32
    return %c0_i32, %c0_i32_0 : i32, i32
  }
  func.func @transform_18(%arg0: i32, %arg1: i32) -> (i32, i32) {
    %c0_i32 = arith.constant 0 : i32
    %c0_i32_0 = arith.constant 0 : i32
    %c0_i32_1 = arith.constant 0 : i32
    return %c0_i32, %c0_i32_0 : i32, i32
  }
  func.func @transform_19(%arg0: i32, %arg1: i32) -> (i32, i32) {
    %c0_i32 = arith.constant 0 : i32
    %c0_i32_0 = arith.constant 0 : i32
    %c0_i32_1 = arith.constant 0 : i32
    return %c0_i32, %c0_i32_0 : i32, i32
  }
  func.func @transform_20(%arg0: i32, %arg1: i32) -> (i32, i32, i32) {
    %c0_i32 = arith.constant 0 : i32
    %c0_i32_0 = arith.constant 0 : i32
    return %arg0, %arg1, %c0_i32 : i32, i32, i32
  }
}

module attributes {stable_mosaic.version = 14 : i64} {
  func.func @_knn_kernel(%arg0: i32, %arg1: i32, %arg2: memref<1x128x3xf32, #tpu.memory_space<vmem>>, %arg3: memref<1x3x1024xf32, #tpu.memory_space<vmem>>, %arg4: memref<1x128x1xf32, #tpu.memory_space<vmem>>, %arg5: memref<1x1x1024xf32, #tpu.memory_space<vmem>>, %arg6: memref<1x128x16xi32, #tpu.memory_space<vmem>>) attributes {dimension_semantics = [#tpu.dimension_semantics<parallel>, #tpu.dimension_semantics<arbitrary>], iteration_bounds = array<i64: 8, 2>, scalar_prefetch = 0 : i64, scratch_operands = 0 : i64, tpu.core_type = #tpu.core_type<tc>, window_params = [{transform_indices = @transform_0, window_bounds = array<i64: 1, 128, 3>}, {transform_indices = @transform_1, window_bounds = array<i64: 1, 3, 1024>}, {transform_indices = @transform_2, window_bounds = array<i64: 1, 128, 1>}, {transform_indices = @transform_3, window_bounds = array<i64: 1, 1, 1024>}, {transform_indices = @transform_4, window_bounds = array<i64: 1, 128, 16>}]} {
    %get3A = arith.constant 0 : index
    %get3A_0 = arith.constant 0 : index
    %get3A_1 = arith.constant 0 : index
    %get3A_2 = vector.load %arg2[%get3A, %get3A_0, %get3A_1] : memref<1x128x3xf32, #tpu.memory_space<vmem>>, vector<1x128x3xf32>
    %get3A_3 = vector.shape_cast %get3A_2 : vector<1x128x3xf32> to vector<128x3xf32>
    %get3A_4 = arith.constant 0 : index
    %get3A_5 = arith.constant 0 : index
    %get3A_6 = arith.constant 0 : index
    %get3A_7 = vector.load %arg3[%get3A_4, %get3A_5, %get3A_6] : memref<1x3x1024xf32, #tpu.memory_space<vmem>>, vector<1x3x1024xf32>
    %get3A_8 = vector.shape_cast %get3A_7 : vector<1x3x1024xf32> to vector<3x1024xf32>
    %dot_general3A = arith.constant dense<0.000000e+00> : vector<128x1024xf32>
    %dot_general3A_9 = tpu.matmul %get3A_3, %get3A_8, %dot_general3A {dimension_numbers = #tpu.dot_dimension_numbers<[1], [0], [0], [1], [0, 0, 1, 1], [], []>, transpose_lhs_hint = false} : vector<128x3xf32>, vector<3x1024xf32>, vector<128x1024xf32> -> vector<128x1024xf32>
    %mul3A = arith.constant -2.000000e+00 : f32
    %mul3A_10 = vector.broadcast %mul3A : f32 to vector<128x1024xf32>
    %mul3A_11 = arith.mulf %mul3A_10, %dot_general3A_9 : vector<128x1024xf32>
    %get3A_12 = arith.constant 0 : index
    %get3A_13 = arith.constant 0 : index
    %get3A_14 = arith.constant 0 : index
    %get3A_15 = vector.load %arg4[%get3A_12, %get3A_13, %get3A_14] : memref<1x128x1xf32, #tpu.memory_space<vmem>>, vector<1x128x1xf32>
    %get3A_16 = vector.shape_cast %get3A_15 : vector<1x128x1xf32> to vector<128x1xf32>
    %add3A = vector.broadcast %get3A_16 : vector<128x1xf32> to vector<128x1024xf32>
    %add3A_17 = arith.addf %mul3A_11, %add3A : vector<128x1024xf32>
    %get3A_18 = arith.constant 0 : index
    %get3A_19 = arith.constant 0 : index
    %get3A_20 = arith.constant 0 : index
    %get3A_21 = vector.load %arg5[%get3A_18, %get3A_19, %get3A_20] : memref<1x1x1024xf32, #tpu.memory_space<vmem>>, vector<1x1x1024xf32>
    %get3A_22 = vector.shape_cast %get3A_21 : vector<1x1x1024xf32> to vector<1x1024xf32>
    %add3A_23 = vector.broadcast %get3A_22 : vector<1x1024xf32> to vector<128x1024xf32>
    %add3A_24 = arith.addf %add3A_17, %add3A_23 : vector<128x1024xf32>
    %iota3A = tpu.iota {dimensions = array<i32: 1>} : vector<128x1024xi32>
    %reduce_min3A = arith.constant dense<0x7F800000> : vector<128xf32>
    %reduce_min3A_25 = vector.multi_reduction <minimumf>, %add3A_24, %reduce_min3A [1] : vector<128x1024xf32> to vector<128xf32>
    %broadcast_in_dim3A = vector.shape_cast %reduce_min3A_25 : vector<128xf32> to vector<128x1xf32>
    %eq3A = vector.broadcast %broadcast_in_dim3A : vector<128x1xf32> to vector<128x1024xf32>
    %eq3A_26 = arith.cmpf oeq, %add3A_24, %eq3A : vector<128x1024xf32>
    %jit3A = arith.constant 1073741824 : i32
    %broadcast_in_dim3A_27 = vector.broadcast %jit3A : i32 to vector<128x1024xi32>
    %select_n3A = arith.select %eq3A_26, %iota3A, %broadcast_in_dim3A_27 : vector<128x1024xi1>, vector<128x1024xi32>
    %reduce_min3A_28 = arith.constant dense<2147483647> : vector<128xi32>
    %reduce_min3A_29 = vector.multi_reduction <minsi>, %select_n3A, %reduce_min3A_28 [1] : vector<128x1024xi32> to vector<128xi32>
    %broadcast_in_dim3A_30 = vector.shape_cast %reduce_min3A_29 : vector<128xi32> to vector<128x1xi32>
    %eq3A_31 = vector.broadcast %broadcast_in_dim3A_30 : vector<128x1xi32> to vector<128x1024xi32>
    %eq3A_32 = arith.cmpi eq, %iota3A, %eq3A_31 : vector<128x1024xi32>
    %jit3A_33 = arith.constant 0x7F800000 : f32
    %broadcast_in_dim3A_34 = vector.broadcast %jit3A_33 : f32 to vector<128x1024xf32>
    %select_n3A_35 = arith.select %eq3A_32, %broadcast_in_dim3A_34, %add3A_24 : vector<128x1024xi1>, vector<128x1024xf32>
    %reduce_min3A_36 = arith.constant dense<0x7F800000> : vector<128xf32>
    %reduce_min3A_37 = vector.multi_reduction <minimumf>, %select_n3A_35, %reduce_min3A_36 [1] : vector<128x1024xf32> to vector<128xf32>
    %broadcast_in_dim3A_38 = vector.shape_cast %reduce_min3A_37 : vector<128xf32> to vector<128x1xf32>
    %eq3A_39 = vector.broadcast %broadcast_in_dim3A_38 : vector<128x1xf32> to vector<128x1024xf32>
    %eq3A_40 = arith.cmpf oeq, %select_n3A_35, %eq3A_39 : vector<128x1024xf32>
    %jit3A_41 = arith.constant 1073741824 : i32
    %broadcast_in_dim3A_42 = vector.broadcast %jit3A_41 : i32 to vector<128x1024xi32>
    %select_n3A_43 = arith.select %eq3A_40, %iota3A, %broadcast_in_dim3A_42 : vector<128x1024xi1>, vector<128x1024xi32>
    %reduce_min3A_44 = arith.constant dense<2147483647> : vector<128xi32>
    %reduce_min3A_45 = vector.multi_reduction <minsi>, %select_n3A_43, %reduce_min3A_44 [1] : vector<128x1024xi32> to vector<128xi32>
    %broadcast_in_dim3A_46 = vector.shape_cast %reduce_min3A_45 : vector<128xi32> to vector<128x1xi32>
    %eq3A_47 = vector.broadcast %broadcast_in_dim3A_46 : vector<128x1xi32> to vector<128x1024xi32>
    %eq3A_48 = arith.cmpi eq, %iota3A, %eq3A_47 : vector<128x1024xi32>
    %jit3A_49 = arith.constant 0x7F800000 : f32
    %broadcast_in_dim3A_50 = vector.broadcast %jit3A_49 : f32 to vector<128x1024xf32>
    %select_n3A_51 = arith.select %eq3A_48, %broadcast_in_dim3A_50, %select_n3A_35 : vector<128x1024xi1>, vector<128x1024xf32>
    %reduce_min3A_52 = arith.constant dense<0x7F800000> : vector<128xf32>
    %reduce_min3A_53 = vector.multi_reduction <minimumf>, %select_n3A_51, %reduce_min3A_52 [1] : vector<128x1024xf32> to vector<128xf32>
    %broadcast_in_dim3A_54 = vector.shape_cast %reduce_min3A_53 : vector<128xf32> to vector<128x1xf32>
    %eq3A_55 = vector.broadcast %broadcast_in_dim3A_54 : vector<128x1xf32> to vector<128x1024xf32>
    %eq3A_56 = arith.cmpf oeq, %select_n3A_51, %eq3A_55 : vector<128x1024xf32>
    %jit3A_57 = arith.constant 1073741824 : i32
    %broadcast_in_dim3A_58 = vector.broadcast %jit3A_57 : i32 to vector<128x1024xi32>
    %select_n3A_59 = arith.select %eq3A_56, %iota3A, %broadcast_in_dim3A_58 : vector<128x1024xi1>, vector<128x1024xi32>
    %reduce_min3A_60 = arith.constant dense<2147483647> : vector<128xi32>
    %reduce_min3A_61 = vector.multi_reduction <minsi>, %select_n3A_59, %reduce_min3A_60 [1] : vector<128x1024xi32> to vector<128xi32>
    %broadcast_in_dim3A_62 = vector.shape_cast %reduce_min3A_61 : vector<128xi32> to vector<128x1xi32>
    %eq3A_63 = vector.broadcast %broadcast_in_dim3A_62 : vector<128x1xi32> to vector<128x1024xi32>
    %eq3A_64 = arith.cmpi eq, %iota3A, %eq3A_63 : vector<128x1024xi32>
    %jit3A_65 = arith.constant 0x7F800000 : f32
    %broadcast_in_dim3A_66 = vector.broadcast %jit3A_65 : f32 to vector<128x1024xf32>
    %select_n3A_67 = arith.select %eq3A_64, %broadcast_in_dim3A_66, %select_n3A_51 : vector<128x1024xi1>, vector<128x1024xf32>
    %reduce_min3A_68 = arith.constant dense<0x7F800000> : vector<128xf32>
    %reduce_min3A_69 = vector.multi_reduction <minimumf>, %select_n3A_67, %reduce_min3A_68 [1] : vector<128x1024xf32> to vector<128xf32>
    %broadcast_in_dim3A_70 = vector.shape_cast %reduce_min3A_69 : vector<128xf32> to vector<128x1xf32>
    %eq3A_71 = vector.broadcast %broadcast_in_dim3A_70 : vector<128x1xf32> to vector<128x1024xf32>
    %eq3A_72 = arith.cmpf oeq, %select_n3A_67, %eq3A_71 : vector<128x1024xf32>
    %jit3A_73 = arith.constant 1073741824 : i32
    %broadcast_in_dim3A_74 = vector.broadcast %jit3A_73 : i32 to vector<128x1024xi32>
    %select_n3A_75 = arith.select %eq3A_72, %iota3A, %broadcast_in_dim3A_74 : vector<128x1024xi1>, vector<128x1024xi32>
    %reduce_min3A_76 = arith.constant dense<2147483647> : vector<128xi32>
    %reduce_min3A_77 = vector.multi_reduction <minsi>, %select_n3A_75, %reduce_min3A_76 [1] : vector<128x1024xi32> to vector<128xi32>
    %broadcast_in_dim3A_78 = vector.shape_cast %reduce_min3A_77 : vector<128xi32> to vector<128x1xi32>
    %eq3A_79 = vector.broadcast %broadcast_in_dim3A_78 : vector<128x1xi32> to vector<128x1024xi32>
    %eq3A_80 = arith.cmpi eq, %iota3A, %eq3A_79 : vector<128x1024xi32>
    %jit3A_81 = arith.constant 0x7F800000 : f32
    %broadcast_in_dim3A_82 = vector.broadcast %jit3A_81 : f32 to vector<128x1024xf32>
    %select_n3A_83 = arith.select %eq3A_80, %broadcast_in_dim3A_82, %select_n3A_67 : vector<128x1024xi1>, vector<128x1024xf32>
    %reduce_min3A_84 = arith.constant dense<0x7F800000> : vector<128xf32>
    %reduce_min3A_85 = vector.multi_reduction <minimumf>, %select_n3A_83, %reduce_min3A_84 [1] : vector<128x1024xf32> to vector<128xf32>
    %broadcast_in_dim3A_86 = vector.shape_cast %reduce_min3A_85 : vector<128xf32> to vector<128x1xf32>
    %eq3A_87 = vector.broadcast %broadcast_in_dim3A_86 : vector<128x1xf32> to vector<128x1024xf32>
    %eq3A_88 = arith.cmpf oeq, %select_n3A_83, %eq3A_87 : vector<128x1024xf32>
    %jit3A_89 = arith.constant 1073741824 : i32
    %broadcast_in_dim3A_90 = vector.broadcast %jit3A_89 : i32 to vector<128x1024xi32>
    %select_n3A_91 = arith.select %eq3A_88, %iota3A, %broadcast_in_dim3A_90 : vector<128x1024xi1>, vector<128x1024xi32>
    %reduce_min3A_92 = arith.constant dense<2147483647> : vector<128xi32>
    %reduce_min3A_93 = vector.multi_reduction <minsi>, %select_n3A_91, %reduce_min3A_92 [1] : vector<128x1024xi32> to vector<128xi32>
    %broadcast_in_dim3A_94 = vector.shape_cast %reduce_min3A_93 : vector<128xi32> to vector<128x1xi32>
    %eq3A_95 = vector.broadcast %broadcast_in_dim3A_94 : vector<128x1xi32> to vector<128x1024xi32>
    %eq3A_96 = arith.cmpi eq, %iota3A, %eq3A_95 : vector<128x1024xi32>
    %jit3A_97 = arith.constant 0x7F800000 : f32
    %broadcast_in_dim3A_98 = vector.broadcast %jit3A_97 : f32 to vector<128x1024xf32>
    %select_n3A_99 = arith.select %eq3A_96, %broadcast_in_dim3A_98, %select_n3A_83 : vector<128x1024xi1>, vector<128x1024xf32>
    %reduce_min3A_100 = arith.constant dense<0x7F800000> : vector<128xf32>
    %reduce_min3A_101 = vector.multi_reduction <minimumf>, %select_n3A_99, %reduce_min3A_100 [1] : vector<128x1024xf32> to vector<128xf32>
    %broadcast_in_dim3A_102 = vector.shape_cast %reduce_min3A_101 : vector<128xf32> to vector<128x1xf32>
    %eq3A_103 = vector.broadcast %broadcast_in_dim3A_102 : vector<128x1xf32> to vector<128x1024xf32>
    %eq3A_104 = arith.cmpf oeq, %select_n3A_99, %eq3A_103 : vector<128x1024xf32>
    %jit3A_105 = arith.constant 1073741824 : i32
    %broadcast_in_dim3A_106 = vector.broadcast %jit3A_105 : i32 to vector<128x1024xi32>
    %select_n3A_107 = arith.select %eq3A_104, %iota3A, %broadcast_in_dim3A_106 : vector<128x1024xi1>, vector<128x1024xi32>
    %reduce_min3A_108 = arith.constant dense<2147483647> : vector<128xi32>
    %reduce_min3A_109 = vector.multi_reduction <minsi>, %select_n3A_107, %reduce_min3A_108 [1] : vector<128x1024xi32> to vector<128xi32>
    %broadcast_in_dim3A_110 = vector.shape_cast %reduce_min3A_109 : vector<128xi32> to vector<128x1xi32>
    %eq3A_111 = vector.broadcast %broadcast_in_dim3A_110 : vector<128x1xi32> to vector<128x1024xi32>
    %eq3A_112 = arith.cmpi eq, %iota3A, %eq3A_111 : vector<128x1024xi32>
    %jit3A_113 = arith.constant 0x7F800000 : f32
    %broadcast_in_dim3A_114 = vector.broadcast %jit3A_113 : f32 to vector<128x1024xf32>
    %select_n3A_115 = arith.select %eq3A_112, %broadcast_in_dim3A_114, %select_n3A_99 : vector<128x1024xi1>, vector<128x1024xf32>
    %reduce_min3A_116 = arith.constant dense<0x7F800000> : vector<128xf32>
    %reduce_min3A_117 = vector.multi_reduction <minimumf>, %select_n3A_115, %reduce_min3A_116 [1] : vector<128x1024xf32> to vector<128xf32>
    %broadcast_in_dim3A_118 = vector.shape_cast %reduce_min3A_117 : vector<128xf32> to vector<128x1xf32>
    %eq3A_119 = vector.broadcast %broadcast_in_dim3A_118 : vector<128x1xf32> to vector<128x1024xf32>
    %eq3A_120 = arith.cmpf oeq, %select_n3A_115, %eq3A_119 : vector<128x1024xf32>
    %jit3A_121 = arith.constant 1073741824 : i32
    %broadcast_in_dim3A_122 = vector.broadcast %jit3A_121 : i32 to vector<128x1024xi32>
    %select_n3A_123 = arith.select %eq3A_120, %iota3A, %broadcast_in_dim3A_122 : vector<128x1024xi1>, vector<128x1024xi32>
    %reduce_min3A_124 = arith.constant dense<2147483647> : vector<128xi32>
    %reduce_min3A_125 = vector.multi_reduction <minsi>, %select_n3A_123, %reduce_min3A_124 [1] : vector<128x1024xi32> to vector<128xi32>
    %broadcast_in_dim3A_126 = vector.shape_cast %reduce_min3A_125 : vector<128xi32> to vector<128x1xi32>
    %eq3A_127 = vector.broadcast %broadcast_in_dim3A_126 : vector<128x1xi32> to vector<128x1024xi32>
    %eq3A_128 = arith.cmpi eq, %iota3A, %eq3A_127 : vector<128x1024xi32>
    %jit3A_129 = arith.constant 0x7F800000 : f32
    %broadcast_in_dim3A_130 = vector.broadcast %jit3A_129 : f32 to vector<128x1024xf32>
    %select_n3A_131 = arith.select %eq3A_128, %broadcast_in_dim3A_130, %select_n3A_115 : vector<128x1024xi1>, vector<128x1024xf32>
    %reduce_min3A_132 = arith.constant dense<0x7F800000> : vector<128xf32>
    %reduce_min3A_133 = vector.multi_reduction <minimumf>, %select_n3A_131, %reduce_min3A_132 [1] : vector<128x1024xf32> to vector<128xf32>
    %broadcast_in_dim3A_134 = vector.shape_cast %reduce_min3A_133 : vector<128xf32> to vector<128x1xf32>
    %eq3A_135 = vector.broadcast %broadcast_in_dim3A_134 : vector<128x1xf32> to vector<128x1024xf32>
    %eq3A_136 = arith.cmpf oeq, %select_n3A_131, %eq3A_135 : vector<128x1024xf32>
    %jit3A_137 = arith.constant 1073741824 : i32
    %broadcast_in_dim3A_138 = vector.broadcast %jit3A_137 : i32 to vector<128x1024xi32>
    %select_n3A_139 = arith.select %eq3A_136, %iota3A, %broadcast_in_dim3A_138 : vector<128x1024xi1>, vector<128x1024xi32>
    %reduce_min3A_140 = arith.constant dense<2147483647> : vector<128xi32>
    %reduce_min3A_141 = vector.multi_reduction <minsi>, %select_n3A_139, %reduce_min3A_140 [1] : vector<128x1024xi32> to vector<128xi32>
    %broadcast_in_dim3A_142 = vector.shape_cast %reduce_min3A_141 : vector<128xi32> to vector<128x1xi32>
    %eq3A_143 = vector.broadcast %broadcast_in_dim3A_142 : vector<128x1xi32> to vector<128x1024xi32>
    %eq3A_144 = arith.cmpi eq, %iota3A, %eq3A_143 : vector<128x1024xi32>
    %jit3A_145 = arith.constant 0x7F800000 : f32
    %broadcast_in_dim3A_146 = vector.broadcast %jit3A_145 : f32 to vector<128x1024xf32>
    %select_n3A_147 = arith.select %eq3A_144, %broadcast_in_dim3A_146, %select_n3A_131 : vector<128x1024xi1>, vector<128x1024xf32>
    %reduce_min3A_148 = arith.constant dense<0x7F800000> : vector<128xf32>
    %reduce_min3A_149 = vector.multi_reduction <minimumf>, %select_n3A_147, %reduce_min3A_148 [1] : vector<128x1024xf32> to vector<128xf32>
    %broadcast_in_dim3A_150 = vector.shape_cast %reduce_min3A_149 : vector<128xf32> to vector<128x1xf32>
    %eq3A_151 = vector.broadcast %broadcast_in_dim3A_150 : vector<128x1xf32> to vector<128x1024xf32>
    %eq3A_152 = arith.cmpf oeq, %select_n3A_147, %eq3A_151 : vector<128x1024xf32>
    %jit3A_153 = arith.constant 1073741824 : i32
    %broadcast_in_dim3A_154 = vector.broadcast %jit3A_153 : i32 to vector<128x1024xi32>
    %select_n3A_155 = arith.select %eq3A_152, %iota3A, %broadcast_in_dim3A_154 : vector<128x1024xi1>, vector<128x1024xi32>
    %reduce_min3A_156 = arith.constant dense<2147483647> : vector<128xi32>
    %reduce_min3A_157 = vector.multi_reduction <minsi>, %select_n3A_155, %reduce_min3A_156 [1] : vector<128x1024xi32> to vector<128xi32>
    %broadcast_in_dim3A_158 = vector.shape_cast %reduce_min3A_157 : vector<128xi32> to vector<128x1xi32>
    %eq3A_159 = vector.broadcast %broadcast_in_dim3A_158 : vector<128x1xi32> to vector<128x1024xi32>
    %eq3A_160 = arith.cmpi eq, %iota3A, %eq3A_159 : vector<128x1024xi32>
    %jit3A_161 = arith.constant 0x7F800000 : f32
    %broadcast_in_dim3A_162 = vector.broadcast %jit3A_161 : f32 to vector<128x1024xf32>
    %select_n3A_163 = arith.select %eq3A_160, %broadcast_in_dim3A_162, %select_n3A_147 : vector<128x1024xi1>, vector<128x1024xf32>
    %reduce_min3A_164 = arith.constant dense<0x7F800000> : vector<128xf32>
    %reduce_min3A_165 = vector.multi_reduction <minimumf>, %select_n3A_163, %reduce_min3A_164 [1] : vector<128x1024xf32> to vector<128xf32>
    %broadcast_in_dim3A_166 = vector.shape_cast %reduce_min3A_165 : vector<128xf32> to vector<128x1xf32>
    %eq3A_167 = vector.broadcast %broadcast_in_dim3A_166 : vector<128x1xf32> to vector<128x1024xf32>
    %eq3A_168 = arith.cmpf oeq, %select_n3A_163, %eq3A_167 : vector<128x1024xf32>
    %jit3A_169 = arith.constant 1073741824 : i32
    %broadcast_in_dim3A_170 = vector.broadcast %jit3A_169 : i32 to vector<128x1024xi32>
    %select_n3A_171 = arith.select %eq3A_168, %iota3A, %broadcast_in_dim3A_170 : vector<128x1024xi1>, vector<128x1024xi32>
    %reduce_min3A_172 = arith.constant dense<2147483647> : vector<128xi32>
    %reduce_min3A_173 = vector.multi_reduction <minsi>, %select_n3A_171, %reduce_min3A_172 [1] : vector<128x1024xi32> to vector<128xi32>
    %broadcast_in_dim3A_174 = vector.shape_cast %reduce_min3A_173 : vector<128xi32> to vector<128x1xi32>
    %eq3A_175 = vector.broadcast %broadcast_in_dim3A_174 : vector<128x1xi32> to vector<128x1024xi32>
    %eq3A_176 = arith.cmpi eq, %iota3A, %eq3A_175 : vector<128x1024xi32>
    %jit3A_177 = arith.constant 0x7F800000 : f32
    %broadcast_in_dim3A_178 = vector.broadcast %jit3A_177 : f32 to vector<128x1024xf32>
    %select_n3A_179 = arith.select %eq3A_176, %broadcast_in_dim3A_178, %select_n3A_163 : vector<128x1024xi1>, vector<128x1024xf32>
    %reduce_min3A_180 = arith.constant dense<0x7F800000> : vector<128xf32>
    %reduce_min3A_181 = vector.multi_reduction <minimumf>, %select_n3A_179, %reduce_min3A_180 [1] : vector<128x1024xf32> to vector<128xf32>
    %broadcast_in_dim3A_182 = vector.shape_cast %reduce_min3A_181 : vector<128xf32> to vector<128x1xf32>
    %eq3A_183 = vector.broadcast %broadcast_in_dim3A_182 : vector<128x1xf32> to vector<128x1024xf32>
    %eq3A_184 = arith.cmpf oeq, %select_n3A_179, %eq3A_183 : vector<128x1024xf32>
    %jit3A_185 = arith.constant 1073741824 : i32
    %broadcast_in_dim3A_186 = vector.broadcast %jit3A_185 : i32 to vector<128x1024xi32>
    %select_n3A_187 = arith.select %eq3A_184, %iota3A, %broadcast_in_dim3A_186 : vector<128x1024xi1>, vector<128x1024xi32>
    %reduce_min3A_188 = arith.constant dense<2147483647> : vector<128xi32>
    %reduce_min3A_189 = vector.multi_reduction <minsi>, %select_n3A_187, %reduce_min3A_188 [1] : vector<128x1024xi32> to vector<128xi32>
    %broadcast_in_dim3A_190 = vector.shape_cast %reduce_min3A_189 : vector<128xi32> to vector<128x1xi32>
    %eq3A_191 = vector.broadcast %broadcast_in_dim3A_190 : vector<128x1xi32> to vector<128x1024xi32>
    %eq3A_192 = arith.cmpi eq, %iota3A, %eq3A_191 : vector<128x1024xi32>
    %jit3A_193 = arith.constant 0x7F800000 : f32
    %broadcast_in_dim3A_194 = vector.broadcast %jit3A_193 : f32 to vector<128x1024xf32>
    %select_n3A_195 = arith.select %eq3A_192, %broadcast_in_dim3A_194, %select_n3A_179 : vector<128x1024xi1>, vector<128x1024xf32>
    %reduce_min3A_196 = arith.constant dense<0x7F800000> : vector<128xf32>
    %reduce_min3A_197 = vector.multi_reduction <minimumf>, %select_n3A_195, %reduce_min3A_196 [1] : vector<128x1024xf32> to vector<128xf32>
    %broadcast_in_dim3A_198 = vector.shape_cast %reduce_min3A_197 : vector<128xf32> to vector<128x1xf32>
    %eq3A_199 = vector.broadcast %broadcast_in_dim3A_198 : vector<128x1xf32> to vector<128x1024xf32>
    %eq3A_200 = arith.cmpf oeq, %select_n3A_195, %eq3A_199 : vector<128x1024xf32>
    %jit3A_201 = arith.constant 1073741824 : i32
    %broadcast_in_dim3A_202 = vector.broadcast %jit3A_201 : i32 to vector<128x1024xi32>
    %select_n3A_203 = arith.select %eq3A_200, %iota3A, %broadcast_in_dim3A_202 : vector<128x1024xi1>, vector<128x1024xi32>
    %reduce_min3A_204 = arith.constant dense<2147483647> : vector<128xi32>
    %reduce_min3A_205 = vector.multi_reduction <minsi>, %select_n3A_203, %reduce_min3A_204 [1] : vector<128x1024xi32> to vector<128xi32>
    %broadcast_in_dim3A_206 = vector.shape_cast %reduce_min3A_205 : vector<128xi32> to vector<128x1xi32>
    %eq3A_207 = vector.broadcast %broadcast_in_dim3A_206 : vector<128x1xi32> to vector<128x1024xi32>
    %eq3A_208 = arith.cmpi eq, %iota3A, %eq3A_207 : vector<128x1024xi32>
    %jit3A_209 = arith.constant 0x7F800000 : f32
    %broadcast_in_dim3A_210 = vector.broadcast %jit3A_209 : f32 to vector<128x1024xf32>
    %select_n3A_211 = arith.select %eq3A_208, %broadcast_in_dim3A_210, %select_n3A_195 : vector<128x1024xi1>, vector<128x1024xf32>
    %reduce_min3A_212 = arith.constant dense<0x7F800000> : vector<128xf32>
    %reduce_min3A_213 = vector.multi_reduction <minimumf>, %select_n3A_211, %reduce_min3A_212 [1] : vector<128x1024xf32> to vector<128xf32>
    %broadcast_in_dim3A_214 = vector.shape_cast %reduce_min3A_213 : vector<128xf32> to vector<128x1xf32>
    %eq3A_215 = vector.broadcast %broadcast_in_dim3A_214 : vector<128x1xf32> to vector<128x1024xf32>
    %eq3A_216 = arith.cmpf oeq, %select_n3A_211, %eq3A_215 : vector<128x1024xf32>
    %jit3A_217 = arith.constant 1073741824 : i32
    %broadcast_in_dim3A_218 = vector.broadcast %jit3A_217 : i32 to vector<128x1024xi32>
    %select_n3A_219 = arith.select %eq3A_216, %iota3A, %broadcast_in_dim3A_218 : vector<128x1024xi1>, vector<128x1024xi32>
    %reduce_min3A_220 = arith.constant dense<2147483647> : vector<128xi32>
    %reduce_min3A_221 = vector.multi_reduction <minsi>, %select_n3A_219, %reduce_min3A_220 [1] : vector<128x1024xi32> to vector<128xi32>
    %broadcast_in_dim3A_222 = vector.shape_cast %reduce_min3A_221 : vector<128xi32> to vector<128x1xi32>
    %eq3A_223 = vector.broadcast %broadcast_in_dim3A_222 : vector<128x1xi32> to vector<128x1024xi32>
    %eq3A_224 = arith.cmpi eq, %iota3A, %eq3A_223 : vector<128x1024xi32>
    %jit3A_225 = arith.constant 0x7F800000 : f32
    %broadcast_in_dim3A_226 = vector.broadcast %jit3A_225 : f32 to vector<128x1024xf32>
    %select_n3A_227 = arith.select %eq3A_224, %broadcast_in_dim3A_226, %select_n3A_211 : vector<128x1024xi1>, vector<128x1024xf32>
    %reduce_min3A_228 = arith.constant dense<0x7F800000> : vector<128xf32>
    %reduce_min3A_229 = vector.multi_reduction <minimumf>, %select_n3A_227, %reduce_min3A_228 [1] : vector<128x1024xf32> to vector<128xf32>
    %broadcast_in_dim3A_230 = vector.shape_cast %reduce_min3A_229 : vector<128xf32> to vector<128x1xf32>
    %eq3A_231 = vector.broadcast %broadcast_in_dim3A_230 : vector<128x1xf32> to vector<128x1024xf32>
    %eq3A_232 = arith.cmpf oeq, %select_n3A_227, %eq3A_231 : vector<128x1024xf32>
    %jit3A_233 = arith.constant 1073741824 : i32
    %broadcast_in_dim3A_234 = vector.broadcast %jit3A_233 : i32 to vector<128x1024xi32>
    %select_n3A_235 = arith.select %eq3A_232, %iota3A, %broadcast_in_dim3A_234 : vector<128x1024xi1>, vector<128x1024xi32>
    %reduce_min3A_236 = arith.constant dense<2147483647> : vector<128xi32>
    %reduce_min3A_237 = vector.multi_reduction <minsi>, %select_n3A_235, %reduce_min3A_236 [1] : vector<128x1024xi32> to vector<128xi32>
    %broadcast_in_dim3A_238 = vector.shape_cast %reduce_min3A_237 : vector<128xi32> to vector<128x1xi32>
    %eq3A_239 = vector.broadcast %broadcast_in_dim3A_238 : vector<128x1xi32> to vector<128x1024xi32>
    %eq3A_240 = arith.cmpi eq, %iota3A, %eq3A_239 : vector<128x1024xi32>
    %jit3A_241 = arith.constant 0x7F800000 : f32
    %broadcast_in_dim3A_242 = vector.broadcast %jit3A_241 : f32 to vector<128x1024xf32>
    %select_n3A_243 = arith.select %eq3A_240, %broadcast_in_dim3A_242, %select_n3A_227 : vector<128x1024xi1>, vector<128x1024xf32>
    %reduce_min3A_244 = arith.constant dense<0x7F800000> : vector<128xf32>
    %reduce_min3A_245 = vector.multi_reduction <minimumf>, %select_n3A_243, %reduce_min3A_244 [1] : vector<128x1024xf32> to vector<128xf32>
    %broadcast_in_dim3A_246 = vector.shape_cast %reduce_min3A_245 : vector<128xf32> to vector<128x1xf32>
    %eq3A_247 = vector.broadcast %broadcast_in_dim3A_246 : vector<128x1xf32> to vector<128x1024xf32>
    %eq3A_248 = arith.cmpf oeq, %select_n3A_243, %eq3A_247 : vector<128x1024xf32>
    %jit3A_249 = arith.constant 1073741824 : i32
    %broadcast_in_dim3A_250 = vector.broadcast %jit3A_249 : i32 to vector<128x1024xi32>
    %select_n3A_251 = arith.select %eq3A_248, %iota3A, %broadcast_in_dim3A_250 : vector<128x1024xi1>, vector<128x1024xi32>
    %reduce_min3A_252 = arith.constant dense<2147483647> : vector<128xi32>
    %reduce_min3A_253 = vector.multi_reduction <minsi>, %select_n3A_251, %reduce_min3A_252 [1] : vector<128x1024xi32> to vector<128xi32>
    %broadcast_in_dim3A_254 = vector.shape_cast %reduce_min3A_253 : vector<128xi32> to vector<128x1xi32>
    %eq3A_255 = vector.broadcast %broadcast_in_dim3A_254 : vector<128x1xi32> to vector<128x1024xi32>
    %eq3A_256 = arith.cmpi eq, %iota3A, %eq3A_255 : vector<128x1024xi32>
    %jit3A_257 = arith.constant 0x7F800000 : f32
    %broadcast_in_dim3A_258 = vector.broadcast %jit3A_257 : f32 to vector<128x1024xf32>
    %select_n3A_259 = arith.select %eq3A_256, %broadcast_in_dim3A_258, %select_n3A_243 : vector<128x1024xi1>, vector<128x1024xf32>
    %reduce_min3A_260 = arith.constant dense<0x7F800000> : vector<128xf32>
    %reduce_min3A_261 = vector.multi_reduction <minimumf>, %select_n3A_259, %reduce_min3A_260 [1] : vector<128x1024xf32> to vector<128xf32>
    %broadcast_in_dim3A_262 = vector.shape_cast %reduce_min3A_261 : vector<128xf32> to vector<128x1xf32>
    %eq3A_263 = vector.broadcast %broadcast_in_dim3A_262 : vector<128x1xf32> to vector<128x1024xf32>
    %eq3A_264 = arith.cmpf oeq, %select_n3A_259, %eq3A_263 : vector<128x1024xf32>
    %jit3A_265 = arith.constant 1073741824 : i32
    %broadcast_in_dim3A_266 = vector.broadcast %jit3A_265 : i32 to vector<128x1024xi32>
    %select_n3A_267 = arith.select %eq3A_264, %iota3A, %broadcast_in_dim3A_266 : vector<128x1024xi1>, vector<128x1024xi32>
    %reduce_min3A_268 = arith.constant dense<2147483647> : vector<128xi32>
    %reduce_min3A_269 = vector.multi_reduction <minsi>, %select_n3A_267, %reduce_min3A_268 [1] : vector<128x1024xi32> to vector<128xi32>
    %broadcast_in_dim3A_270 = vector.shape_cast %reduce_min3A_269 : vector<128xi32> to vector<128x1xi32>
    %concatenate3A = tpu.concatenate %broadcast_in_dim3A_30, %broadcast_in_dim3A_46, %broadcast_in_dim3A_62, %broadcast_in_dim3A_78, %broadcast_in_dim3A_94, %broadcast_in_dim3A_110, %broadcast_in_dim3A_126, %broadcast_in_dim3A_142, %broadcast_in_dim3A_158, %broadcast_in_dim3A_174, %broadcast_in_dim3A_190, %broadcast_in_dim3A_206, %broadcast_in_dim3A_222, %broadcast_in_dim3A_238, %broadcast_in_dim3A_254, %broadcast_in_dim3A_270 in 1 : vector<128x1xi32>, vector<128x1xi32>, vector<128x1xi32>, vector<128x1xi32>, vector<128x1xi32>, vector<128x1xi32>, vector<128x1xi32>, vector<128x1xi32>, vector<128x1xi32>, vector<128x1xi32>, vector<128x1xi32>, vector<128x1xi32>, vector<128x1xi32>, vector<128x1xi32>, vector<128x1xi32>, vector<128x1xi32> -> vector<128x16xi32>
    %swap3A = arith.constant 0 : index
    %swap3A_271 = arith.constant 0 : index
    %swap3A_272 = arith.constant 0 : index
    %swap3A_273 = vector.load %arg6[%swap3A, %swap3A_271, %swap3A_272] : memref<1x128x16xi32, #tpu.memory_space<vmem>>, vector<1x128x16xi32>
    %swap3A_274 = vector.shape_cast %swap3A_273 : vector<1x128x16xi32> to vector<128x16xi32>
    %swap3A_275 = vector.shape_cast %concatenate3A : vector<128x16xi32> to vector<1x128x16xi32>
    tpu.vector_store %arg6[%swap3A, %swap3A_271, %swap3A_272], %swap3A_275 {strides = array<i32>} : memref<1x128x16xi32, #tpu.memory_space<vmem>>, vector<1x128x16xi32>,
    return
  }
  func.func @transform_0(%arg0: i32, %arg1: i32) -> (i32, i32, i32) {
    %c0_i32 = arith.constant 0 : i32
    %c0_i32_0 = arith.constant 0 : i32
    return %arg0, %arg1, %c0_i32 : i32, i32, i32
  }
  func.func @transform_1(%arg0: i32, %arg1: i32) -> (i32, i32, i32) {
    %c0_i32 = arith.constant 0 : i32
    %c0_i32_0 = arith.constant 0 : i32
    %c0_i32_1 = arith.constant 0 : i32
    return %arg0, %c0_i32, %c0_i32_0 : i32, i32, i32
  }
  func.func @transform_2(%arg0: i32, %arg1: i32) -> (i32, i32, i32) {
    %c0_i32 = arith.constant 0 : i32
    %c0_i32_0 = arith.constant 0 : i32
    return %arg0, %arg1, %c0_i32 : i32, i32, i32
  }
  func.func @transform_3(%arg0: i32, %arg1: i32) -> (i32, i32, i32) {
    %c0_i32 = arith.constant 0 : i32
    %c0_i32_0 = arith.constant 0 : i32
    %c0_i32_1 = arith.constant 0 : i32
    return %arg0, %c0_i32, %c0_i32_0 : i32, i32, i32
  }
  func.func @transform_4(%arg0: i32, %arg1: i32) -> (i32, i32, i32) {
    %c0_i32 = arith.constant 0 : i32
    %c0_i32_0 = arith.constant 0 : i32
    return %arg0, %arg1, %c0_i32 : i32, i32, i32
  }
}

module attributes {stable_mosaic.version = 14 : i64} {
  func.func @_knn_kernel(%arg0: i32, %arg1: i32, %arg2: memref<1x128x3xf32, #tpu.memory_space<vmem>>, %arg3: memref<1x3x256xf32, #tpu.memory_space<vmem>>, %arg4: memref<1x128x1xf32, #tpu.memory_space<vmem>>, %arg5: memref<1x1x256xf32, #tpu.memory_space<vmem>>, %arg6: memref<1x128x16xi32, #tpu.memory_space<vmem>>) attributes {dimension_semantics = [#tpu.dimension_semantics<parallel>, #tpu.dimension_semantics<arbitrary>], iteration_bounds = array<i64: 8, 2>, scalar_prefetch = 0 : i64, scratch_operands = 0 : i64, tpu.core_type = #tpu.core_type<tc>, window_params = [{transform_indices = @transform_0, window_bounds = array<i64: 1, 128, 3>}, {transform_indices = @transform_1, window_bounds = array<i64: 1, 3, 256>}, {transform_indices = @transform_2, window_bounds = array<i64: 1, 128, 1>}, {transform_indices = @transform_3, window_bounds = array<i64: 1, 1, 256>}, {transform_indices = @transform_4, window_bounds = array<i64: 1, 128, 16>}]} {
    %get3A = arith.constant 0 : index
    %get3A_0 = arith.constant 0 : index
    %get3A_1 = arith.constant 0 : index
    %get3A_2 = vector.load %arg2[%get3A, %get3A_0, %get3A_1] : memref<1x128x3xf32, #tpu.memory_space<vmem>>, vector<1x128x3xf32>
    %get3A_3 = vector.shape_cast %get3A_2 : vector<1x128x3xf32> to vector<128x3xf32>
    %get3A_4 = arith.constant 0 : index
    %get3A_5 = arith.constant 0 : index
    %get3A_6 = arith.constant 0 : index
    %get3A_7 = vector.load %arg3[%get3A_4, %get3A_5, %get3A_6] : memref<1x3x256xf32, #tpu.memory_space<vmem>>, vector<1x3x256xf32>
    %get3A_8 = vector.shape_cast %get3A_7 : vector<1x3x256xf32> to vector<3x256xf32>
    %dot_general3A = arith.constant dense<0.000000e+00> : vector<128x256xf32>
    %dot_general3A_9 = tpu.matmul %get3A_3, %get3A_8, %dot_general3A {dimension_numbers = #tpu.dot_dimension_numbers<[1], [0], [0], [1], [0, 0, 1, 1], [], []>, transpose_lhs_hint = false} : vector<128x3xf32>, vector<3x256xf32>, vector<128x256xf32> -> vector<128x256xf32>
    %mul3A = arith.constant -2.000000e+00 : f32
    %mul3A_10 = vector.broadcast %mul3A : f32 to vector<128x256xf32>
    %mul3A_11 = arith.mulf %mul3A_10, %dot_general3A_9 : vector<128x256xf32>
    %get3A_12 = arith.constant 0 : index
    %get3A_13 = arith.constant 0 : index
    %get3A_14 = arith.constant 0 : index
    %get3A_15 = vector.load %arg4[%get3A_12, %get3A_13, %get3A_14] : memref<1x128x1xf32, #tpu.memory_space<vmem>>, vector<1x128x1xf32>
    %get3A_16 = vector.shape_cast %get3A_15 : vector<1x128x1xf32> to vector<128x1xf32>
    %add3A = vector.broadcast %get3A_16 : vector<128x1xf32> to vector<128x256xf32>
    %add3A_17 = arith.addf %mul3A_11, %add3A : vector<128x256xf32>
    %get3A_18 = arith.constant 0 : index
    %get3A_19 = arith.constant 0 : index
    %get3A_20 = arith.constant 0 : index
    %get3A_21 = vector.load %arg5[%get3A_18, %get3A_19, %get3A_20] : memref<1x1x256xf32, #tpu.memory_space<vmem>>, vector<1x1x256xf32>
    %get3A_22 = vector.shape_cast %get3A_21 : vector<1x1x256xf32> to vector<1x256xf32>
    %add3A_23 = vector.broadcast %get3A_22 : vector<1x256xf32> to vector<128x256xf32>
    %add3A_24 = arith.addf %add3A_17, %add3A_23 : vector<128x256xf32>
    %iota3A = tpu.iota {dimensions = array<i32: 1>} : vector<128x256xi32>
    %reduce_min3A = arith.constant dense<0x7F800000> : vector<128xf32>
    %reduce_min3A_25 = vector.multi_reduction <minimumf>, %add3A_24, %reduce_min3A [1] : vector<128x256xf32> to vector<128xf32>
    %broadcast_in_dim3A = vector.shape_cast %reduce_min3A_25 : vector<128xf32> to vector<128x1xf32>
    %eq3A = vector.broadcast %broadcast_in_dim3A : vector<128x1xf32> to vector<128x256xf32>
    %eq3A_26 = arith.cmpf oeq, %add3A_24, %eq3A : vector<128x256xf32>
    %jit3A = arith.constant 1073741824 : i32
    %broadcast_in_dim3A_27 = vector.broadcast %jit3A : i32 to vector<128x256xi32>
    %select_n3A = arith.select %eq3A_26, %iota3A, %broadcast_in_dim3A_27 : vector<128x256xi1>, vector<128x256xi32>
    %reduce_min3A_28 = arith.constant dense<2147483647> : vector<128xi32>
    %reduce_min3A_29 = vector.multi_reduction <minsi>, %select_n3A, %reduce_min3A_28 [1] : vector<128x256xi32> to vector<128xi32>
    %broadcast_in_dim3A_30 = vector.shape_cast %reduce_min3A_29 : vector<128xi32> to vector<128x1xi32>
    %eq3A_31 = vector.broadcast %broadcast_in_dim3A_30 : vector<128x1xi32> to vector<128x256xi32>
    %eq3A_32 = arith.cmpi eq, %iota3A, %eq3A_31 : vector<128x256xi32>
    %jit3A_33 = arith.constant 0x7F800000 : f32
    %broadcast_in_dim3A_34 = vector.broadcast %jit3A_33 : f32 to vector<128x256xf32>
    %select_n3A_35 = arith.select %eq3A_32, %broadcast_in_dim3A_34, %add3A_24 : vector<128x256xi1>, vector<128x256xf32>
    %reduce_min3A_36 = arith.constant dense<0x7F800000> : vector<128xf32>
    %reduce_min3A_37 = vector.multi_reduction <minimumf>, %select_n3A_35, %reduce_min3A_36 [1] : vector<128x256xf32> to vector<128xf32>
    %broadcast_in_dim3A_38 = vector.shape_cast %reduce_min3A_37 : vector<128xf32> to vector<128x1xf32>
    %eq3A_39 = vector.broadcast %broadcast_in_dim3A_38 : vector<128x1xf32> to vector<128x256xf32>
    %eq3A_40 = arith.cmpf oeq, %select_n3A_35, %eq3A_39 : vector<128x256xf32>
    %jit3A_41 = arith.constant 1073741824 : i32
    %broadcast_in_dim3A_42 = vector.broadcast %jit3A_41 : i32 to vector<128x256xi32>
    %select_n3A_43 = arith.select %eq3A_40, %iota3A, %broadcast_in_dim3A_42 : vector<128x256xi1>, vector<128x256xi32>
    %reduce_min3A_44 = arith.constant dense<2147483647> : vector<128xi32>
    %reduce_min3A_45 = vector.multi_reduction <minsi>, %select_n3A_43, %reduce_min3A_44 [1] : vector<128x256xi32> to vector<128xi32>
    %broadcast_in_dim3A_46 = vector.shape_cast %reduce_min3A_45 : vector<128xi32> to vector<128x1xi32>
    %eq3A_47 = vector.broadcast %broadcast_in_dim3A_46 : vector<128x1xi32> to vector<128x256xi32>
    %eq3A_48 = arith.cmpi eq, %iota3A, %eq3A_47 : vector<128x256xi32>
    %jit3A_49 = arith.constant 0x7F800000 : f32
    %broadcast_in_dim3A_50 = vector.broadcast %jit3A_49 : f32 to vector<128x256xf32>
    %select_n3A_51 = arith.select %eq3A_48, %broadcast_in_dim3A_50, %select_n3A_35 : vector<128x256xi1>, vector<128x256xf32>
    %reduce_min3A_52 = arith.constant dense<0x7F800000> : vector<128xf32>
    %reduce_min3A_53 = vector.multi_reduction <minimumf>, %select_n3A_51, %reduce_min3A_52 [1] : vector<128x256xf32> to vector<128xf32>
    %broadcast_in_dim3A_54 = vector.shape_cast %reduce_min3A_53 : vector<128xf32> to vector<128x1xf32>
    %eq3A_55 = vector.broadcast %broadcast_in_dim3A_54 : vector<128x1xf32> to vector<128x256xf32>
    %eq3A_56 = arith.cmpf oeq, %select_n3A_51, %eq3A_55 : vector<128x256xf32>
    %jit3A_57 = arith.constant 1073741824 : i32
    %broadcast_in_dim3A_58 = vector.broadcast %jit3A_57 : i32 to vector<128x256xi32>
    %select_n3A_59 = arith.select %eq3A_56, %iota3A, %broadcast_in_dim3A_58 : vector<128x256xi1>, vector<128x256xi32>
    %reduce_min3A_60 = arith.constant dense<2147483647> : vector<128xi32>
    %reduce_min3A_61 = vector.multi_reduction <minsi>, %select_n3A_59, %reduce_min3A_60 [1] : vector<128x256xi32> to vector<128xi32>
    %broadcast_in_dim3A_62 = vector.shape_cast %reduce_min3A_61 : vector<128xi32> to vector<128x1xi32>
    %eq3A_63 = vector.broadcast %broadcast_in_dim3A_62 : vector<128x1xi32> to vector<128x256xi32>
    %eq3A_64 = arith.cmpi eq, %iota3A, %eq3A_63 : vector<128x256xi32>
    %jit3A_65 = arith.constant 0x7F800000 : f32
    %broadcast_in_dim3A_66 = vector.broadcast %jit3A_65 : f32 to vector<128x256xf32>
    %select_n3A_67 = arith.select %eq3A_64, %broadcast_in_dim3A_66, %select_n3A_51 : vector<128x256xi1>, vector<128x256xf32>
    %reduce_min3A_68 = arith.constant dense<0x7F800000> : vector<128xf32>
    %reduce_min3A_69 = vector.multi_reduction <minimumf>, %select_n3A_67, %reduce_min3A_68 [1] : vector<128x256xf32> to vector<128xf32>
    %broadcast_in_dim3A_70 = vector.shape_cast %reduce_min3A_69 : vector<128xf32> to vector<128x1xf32>
    %eq3A_71 = vector.broadcast %broadcast_in_dim3A_70 : vector<128x1xf32> to vector<128x256xf32>
    %eq3A_72 = arith.cmpf oeq, %select_n3A_67, %eq3A_71 : vector<128x256xf32>
    %jit3A_73 = arith.constant 1073741824 : i32
    %broadcast_in_dim3A_74 = vector.broadcast %jit3A_73 : i32 to vector<128x256xi32>
    %select_n3A_75 = arith.select %eq3A_72, %iota3A, %broadcast_in_dim3A_74 : vector<128x256xi1>, vector<128x256xi32>
    %reduce_min3A_76 = arith.constant dense<2147483647> : vector<128xi32>
    %reduce_min3A_77 = vector.multi_reduction <minsi>, %select_n3A_75, %reduce_min3A_76 [1] : vector<128x256xi32> to vector<128xi32>
    %broadcast_in_dim3A_78 = vector.shape_cast %reduce_min3A_77 : vector<128xi32> to vector<128x1xi32>
    %eq3A_79 = vector.broadcast %broadcast_in_dim3A_78 : vector<128x1xi32> to vector<128x256xi32>
    %eq3A_80 = arith.cmpi eq, %iota3A, %eq3A_79 : vector<128x256xi32>
    %jit3A_81 = arith.constant 0x7F800000 : f32
    %broadcast_in_dim3A_82 = vector.broadcast %jit3A_81 : f32 to vector<128x256xf32>
    %select_n3A_83 = arith.select %eq3A_80, %broadcast_in_dim3A_82, %select_n3A_67 : vector<128x256xi1>, vector<128x256xf32>
    %reduce_min3A_84 = arith.constant dense<0x7F800000> : vector<128xf32>
    %reduce_min3A_85 = vector.multi_reduction <minimumf>, %select_n3A_83, %reduce_min3A_84 [1] : vector<128x256xf32> to vector<128xf32>
    %broadcast_in_dim3A_86 = vector.shape_cast %reduce_min3A_85 : vector<128xf32> to vector<128x1xf32>
    %eq3A_87 = vector.broadcast %broadcast_in_dim3A_86 : vector<128x1xf32> to vector<128x256xf32>
    %eq3A_88 = arith.cmpf oeq, %select_n3A_83, %eq3A_87 : vector<128x256xf32>
    %jit3A_89 = arith.constant 1073741824 : i32
    %broadcast_in_dim3A_90 = vector.broadcast %jit3A_89 : i32 to vector<128x256xi32>
    %select_n3A_91 = arith.select %eq3A_88, %iota3A, %broadcast_in_dim3A_90 : vector<128x256xi1>, vector<128x256xi32>
    %reduce_min3A_92 = arith.constant dense<2147483647> : vector<128xi32>
    %reduce_min3A_93 = vector.multi_reduction <minsi>, %select_n3A_91, %reduce_min3A_92 [1] : vector<128x256xi32> to vector<128xi32>
    %broadcast_in_dim3A_94 = vector.shape_cast %reduce_min3A_93 : vector<128xi32> to vector<128x1xi32>
    %eq3A_95 = vector.broadcast %broadcast_in_dim3A_94 : vector<128x1xi32> to vector<128x256xi32>
    %eq3A_96 = arith.cmpi eq, %iota3A, %eq3A_95 : vector<128x256xi32>
    %jit3A_97 = arith.constant 0x7F800000 : f32
    %broadcast_in_dim3A_98 = vector.broadcast %jit3A_97 : f32 to vector<128x256xf32>
    %select_n3A_99 = arith.select %eq3A_96, %broadcast_in_dim3A_98, %select_n3A_83 : vector<128x256xi1>, vector<128x256xf32>
    %reduce_min3A_100 = arith.constant dense<0x7F800000> : vector<128xf32>
    %reduce_min3A_101 = vector.multi_reduction <minimumf>, %select_n3A_99, %reduce_min3A_100 [1] : vector<128x256xf32> to vector<128xf32>
    %broadcast_in_dim3A_102 = vector.shape_cast %reduce_min3A_101 : vector<128xf32> to vector<128x1xf32>
    %eq3A_103 = vector.broadcast %broadcast_in_dim3A_102 : vector<128x1xf32> to vector<128x256xf32>
    %eq3A_104 = arith.cmpf oeq, %select_n3A_99, %eq3A_103 : vector<128x256xf32>
    %jit3A_105 = arith.constant 1073741824 : i32
    %broadcast_in_dim3A_106 = vector.broadcast %jit3A_105 : i32 to vector<128x256xi32>
    %select_n3A_107 = arith.select %eq3A_104, %iota3A, %broadcast_in_dim3A_106 : vector<128x256xi1>, vector<128x256xi32>
    %reduce_min3A_108 = arith.constant dense<2147483647> : vector<128xi32>
    %reduce_min3A_109 = vector.multi_reduction <minsi>, %select_n3A_107, %reduce_min3A_108 [1] : vector<128x256xi32> to vector<128xi32>
    %broadcast_in_dim3A_110 = vector.shape_cast %reduce_min3A_109 : vector<128xi32> to vector<128x1xi32>
    %eq3A_111 = vector.broadcast %broadcast_in_dim3A_110 : vector<128x1xi32> to vector<128x256xi32>
    %eq3A_112 = arith.cmpi eq, %iota3A, %eq3A_111 : vector<128x256xi32>
    %jit3A_113 = arith.constant 0x7F800000 : f32
    %broadcast_in_dim3A_114 = vector.broadcast %jit3A_113 : f32 to vector<128x256xf32>
    %select_n3A_115 = arith.select %eq3A_112, %broadcast_in_dim3A_114, %select_n3A_99 : vector<128x256xi1>, vector<128x256xf32>
    %reduce_min3A_116 = arith.constant dense<0x7F800000> : vector<128xf32>
    %reduce_min3A_117 = vector.multi_reduction <minimumf>, %select_n3A_115, %reduce_min3A_116 [1] : vector<128x256xf32> to vector<128xf32>
    %broadcast_in_dim3A_118 = vector.shape_cast %reduce_min3A_117 : vector<128xf32> to vector<128x1xf32>
    %eq3A_119 = vector.broadcast %broadcast_in_dim3A_118 : vector<128x1xf32> to vector<128x256xf32>
    %eq3A_120 = arith.cmpf oeq, %select_n3A_115, %eq3A_119 : vector<128x256xf32>
    %jit3A_121 = arith.constant 1073741824 : i32
    %broadcast_in_dim3A_122 = vector.broadcast %jit3A_121 : i32 to vector<128x256xi32>
    %select_n3A_123 = arith.select %eq3A_120, %iota3A, %broadcast_in_dim3A_122 : vector<128x256xi1>, vector<128x256xi32>
    %reduce_min3A_124 = arith.constant dense<2147483647> : vector<128xi32>
    %reduce_min3A_125 = vector.multi_reduction <minsi>, %select_n3A_123, %reduce_min3A_124 [1] : vector<128x256xi32> to vector<128xi32>
    %broadcast_in_dim3A_126 = vector.shape_cast %reduce_min3A_125 : vector<128xi32> to vector<128x1xi32>
    %eq3A_127 = vector.broadcast %broadcast_in_dim3A_126 : vector<128x1xi32> to vector<128x256xi32>
    %eq3A_128 = arith.cmpi eq, %iota3A, %eq3A_127 : vector<128x256xi32>
    %jit3A_129 = arith.constant 0x7F800000 : f32
    %broadcast_in_dim3A_130 = vector.broadcast %jit3A_129 : f32 to vector<128x256xf32>
    %select_n3A_131 = arith.select %eq3A_128, %broadcast_in_dim3A_130, %select_n3A_115 : vector<128x256xi1>, vector<128x256xf32>
    %reduce_min3A_132 = arith.constant dense<0x7F800000> : vector<128xf32>
    %reduce_min3A_133 = vector.multi_reduction <minimumf>, %select_n3A_131, %reduce_min3A_132 [1] : vector<128x256xf32> to vector<128xf32>
    %broadcast_in_dim3A_134 = vector.shape_cast %reduce_min3A_133 : vector<128xf32> to vector<128x1xf32>
    %eq3A_135 = vector.broadcast %broadcast_in_dim3A_134 : vector<128x1xf32> to vector<128x256xf32>
    %eq3A_136 = arith.cmpf oeq, %select_n3A_131, %eq3A_135 : vector<128x256xf32>
    %jit3A_137 = arith.constant 1073741824 : i32
    %broadcast_in_dim3A_138 = vector.broadcast %jit3A_137 : i32 to vector<128x256xi32>
    %select_n3A_139 = arith.select %eq3A_136, %iota3A, %broadcast_in_dim3A_138 : vector<128x256xi1>, vector<128x256xi32>
    %reduce_min3A_140 = arith.constant dense<2147483647> : vector<128xi32>
    %reduce_min3A_141 = vector.multi_reduction <minsi>, %select_n3A_139, %reduce_min3A_140 [1] : vector<128x256xi32> to vector<128xi32>
    %broadcast_in_dim3A_142 = vector.shape_cast %reduce_min3A_141 : vector<128xi32> to vector<128x1xi32>
    %eq3A_143 = vector.broadcast %broadcast_in_dim3A_142 : vector<128x1xi32> to vector<128x256xi32>
    %eq3A_144 = arith.cmpi eq, %iota3A, %eq3A_143 : vector<128x256xi32>
    %jit3A_145 = arith.constant 0x7F800000 : f32
    %broadcast_in_dim3A_146 = vector.broadcast %jit3A_145 : f32 to vector<128x256xf32>
    %select_n3A_147 = arith.select %eq3A_144, %broadcast_in_dim3A_146, %select_n3A_131 : vector<128x256xi1>, vector<128x256xf32>
    %reduce_min3A_148 = arith.constant dense<0x7F800000> : vector<128xf32>
    %reduce_min3A_149 = vector.multi_reduction <minimumf>, %select_n3A_147, %reduce_min3A_148 [1] : vector<128x256xf32> to vector<128xf32>
    %broadcast_in_dim3A_150 = vector.shape_cast %reduce_min3A_149 : vector<128xf32> to vector<128x1xf32>
    %eq3A_151 = vector.broadcast %broadcast_in_dim3A_150 : vector<128x1xf32> to vector<128x256xf32>
    %eq3A_152 = arith.cmpf oeq, %select_n3A_147, %eq3A_151 : vector<128x256xf32>
    %jit3A_153 = arith.constant 1073741824 : i32
    %broadcast_in_dim3A_154 = vector.broadcast %jit3A_153 : i32 to vector<128x256xi32>
    %select_n3A_155 = arith.select %eq3A_152, %iota3A, %broadcast_in_dim3A_154 : vector<128x256xi1>, vector<128x256xi32>
    %reduce_min3A_156 = arith.constant dense<2147483647> : vector<128xi32>
    %reduce_min3A_157 = vector.multi_reduction <minsi>, %select_n3A_155, %reduce_min3A_156 [1] : vector<128x256xi32> to vector<128xi32>
    %broadcast_in_dim3A_158 = vector.shape_cast %reduce_min3A_157 : vector<128xi32> to vector<128x1xi32>
    %eq3A_159 = vector.broadcast %broadcast_in_dim3A_158 : vector<128x1xi32> to vector<128x256xi32>
    %eq3A_160 = arith.cmpi eq, %iota3A, %eq3A_159 : vector<128x256xi32>
    %jit3A_161 = arith.constant 0x7F800000 : f32
    %broadcast_in_dim3A_162 = vector.broadcast %jit3A_161 : f32 to vector<128x256xf32>
    %select_n3A_163 = arith.select %eq3A_160, %broadcast_in_dim3A_162, %select_n3A_147 : vector<128x256xi1>, vector<128x256xf32>
    %reduce_min3A_164 = arith.constant dense<0x7F800000> : vector<128xf32>
    %reduce_min3A_165 = vector.multi_reduction <minimumf>, %select_n3A_163, %reduce_min3A_164 [1] : vector<128x256xf32> to vector<128xf32>
    %broadcast_in_dim3A_166 = vector.shape_cast %reduce_min3A_165 : vector<128xf32> to vector<128x1xf32>
    %eq3A_167 = vector.broadcast %broadcast_in_dim3A_166 : vector<128x1xf32> to vector<128x256xf32>
    %eq3A_168 = arith.cmpf oeq, %select_n3A_163, %eq3A_167 : vector<128x256xf32>
    %jit3A_169 = arith.constant 1073741824 : i32
    %broadcast_in_dim3A_170 = vector.broadcast %jit3A_169 : i32 to vector<128x256xi32>
    %select_n3A_171 = arith.select %eq3A_168, %iota3A, %broadcast_in_dim3A_170 : vector<128x256xi1>, vector<128x256xi32>
    %reduce_min3A_172 = arith.constant dense<2147483647> : vector<128xi32>
    %reduce_min3A_173 = vector.multi_reduction <minsi>, %select_n3A_171, %reduce_min3A_172 [1] : vector<128x256xi32> to vector<128xi32>
    %broadcast_in_dim3A_174 = vector.shape_cast %reduce_min3A_173 : vector<128xi32> to vector<128x1xi32>
    %eq3A_175 = vector.broadcast %broadcast_in_dim3A_174 : vector<128x1xi32> to vector<128x256xi32>
    %eq3A_176 = arith.cmpi eq, %iota3A, %eq3A_175 : vector<128x256xi32>
    %jit3A_177 = arith.constant 0x7F800000 : f32
    %broadcast_in_dim3A_178 = vector.broadcast %jit3A_177 : f32 to vector<128x256xf32>
    %select_n3A_179 = arith.select %eq3A_176, %broadcast_in_dim3A_178, %select_n3A_163 : vector<128x256xi1>, vector<128x256xf32>
    %reduce_min3A_180 = arith.constant dense<0x7F800000> : vector<128xf32>
    %reduce_min3A_181 = vector.multi_reduction <minimumf>, %select_n3A_179, %reduce_min3A_180 [1] : vector<128x256xf32> to vector<128xf32>
    %broadcast_in_dim3A_182 = vector.shape_cast %reduce_min3A_181 : vector<128xf32> to vector<128x1xf32>
    %eq3A_183 = vector.broadcast %broadcast_in_dim3A_182 : vector<128x1xf32> to vector<128x256xf32>
    %eq3A_184 = arith.cmpf oeq, %select_n3A_179, %eq3A_183 : vector<128x256xf32>
    %jit3A_185 = arith.constant 1073741824 : i32
    %broadcast_in_dim3A_186 = vector.broadcast %jit3A_185 : i32 to vector<128x256xi32>
    %select_n3A_187 = arith.select %eq3A_184, %iota3A, %broadcast_in_dim3A_186 : vector<128x256xi1>, vector<128x256xi32>
    %reduce_min3A_188 = arith.constant dense<2147483647> : vector<128xi32>
    %reduce_min3A_189 = vector.multi_reduction <minsi>, %select_n3A_187, %reduce_min3A_188 [1] : vector<128x256xi32> to vector<128xi32>
    %broadcast_in_dim3A_190 = vector.shape_cast %reduce_min3A_189 : vector<128xi32> to vector<128x1xi32>
    %eq3A_191 = vector.broadcast %broadcast_in_dim3A_190 : vector<128x1xi32> to vector<128x256xi32>
    %eq3A_192 = arith.cmpi eq, %iota3A, %eq3A_191 : vector<128x256xi32>
    %jit3A_193 = arith.constant 0x7F800000 : f32
    %broadcast_in_dim3A_194 = vector.broadcast %jit3A_193 : f32 to vector<128x256xf32>
    %select_n3A_195 = arith.select %eq3A_192, %broadcast_in_dim3A_194, %select_n3A_179 : vector<128x256xi1>, vector<128x256xf32>
    %reduce_min3A_196 = arith.constant dense<0x7F800000> : vector<128xf32>
    %reduce_min3A_197 = vector.multi_reduction <minimumf>, %select_n3A_195, %reduce_min3A_196 [1] : vector<128x256xf32> to vector<128xf32>
    %broadcast_in_dim3A_198 = vector.shape_cast %reduce_min3A_197 : vector<128xf32> to vector<128x1xf32>
    %eq3A_199 = vector.broadcast %broadcast_in_dim3A_198 : vector<128x1xf32> to vector<128x256xf32>
    %eq3A_200 = arith.cmpf oeq, %select_n3A_195, %eq3A_199 : vector<128x256xf32>
    %jit3A_201 = arith.constant 1073741824 : i32
    %broadcast_in_dim3A_202 = vector.broadcast %jit3A_201 : i32 to vector<128x256xi32>
    %select_n3A_203 = arith.select %eq3A_200, %iota3A, %broadcast_in_dim3A_202 : vector<128x256xi1>, vector<128x256xi32>
    %reduce_min3A_204 = arith.constant dense<2147483647> : vector<128xi32>
    %reduce_min3A_205 = vector.multi_reduction <minsi>, %select_n3A_203, %reduce_min3A_204 [1] : vector<128x256xi32> to vector<128xi32>
    %broadcast_in_dim3A_206 = vector.shape_cast %reduce_min3A_205 : vector<128xi32> to vector<128x1xi32>
    %eq3A_207 = vector.broadcast %broadcast_in_dim3A_206 : vector<128x1xi32> to vector<128x256xi32>
    %eq3A_208 = arith.cmpi eq, %iota3A, %eq3A_207 : vector<128x256xi32>
    %jit3A_209 = arith.constant 0x7F800000 : f32
    %broadcast_in_dim3A_210 = vector.broadcast %jit3A_209 : f32 to vector<128x256xf32>
    %select_n3A_211 = arith.select %eq3A_208, %broadcast_in_dim3A_210, %select_n3A_195 : vector<128x256xi1>, vector<128x256xf32>
    %reduce_min3A_212 = arith.constant dense<0x7F800000> : vector<128xf32>
    %reduce_min3A_213 = vector.multi_reduction <minimumf>, %select_n3A_211, %reduce_min3A_212 [1] : vector<128x256xf32> to vector<128xf32>
    %broadcast_in_dim3A_214 = vector.shape_cast %reduce_min3A_213 : vector<128xf32> to vector<128x1xf32>
    %eq3A_215 = vector.broadcast %broadcast_in_dim3A_214 : vector<128x1xf32> to vector<128x256xf32>
    %eq3A_216 = arith.cmpf oeq, %select_n3A_211, %eq3A_215 : vector<128x256xf32>
    %jit3A_217 = arith.constant 1073741824 : i32
    %broadcast_in_dim3A_218 = vector.broadcast %jit3A_217 : i32 to vector<128x256xi32>
    %select_n3A_219 = arith.select %eq3A_216, %iota3A, %broadcast_in_dim3A_218 : vector<128x256xi1>, vector<128x256xi32>
    %reduce_min3A_220 = arith.constant dense<2147483647> : vector<128xi32>
    %reduce_min3A_221 = vector.multi_reduction <minsi>, %select_n3A_219, %reduce_min3A_220 [1] : vector<128x256xi32> to vector<128xi32>
    %broadcast_in_dim3A_222 = vector.shape_cast %reduce_min3A_221 : vector<128xi32> to vector<128x1xi32>
    %eq3A_223 = vector.broadcast %broadcast_in_dim3A_222 : vector<128x1xi32> to vector<128x256xi32>
    %eq3A_224 = arith.cmpi eq, %iota3A, %eq3A_223 : vector<128x256xi32>
    %jit3A_225 = arith.constant 0x7F800000 : f32
    %broadcast_in_dim3A_226 = vector.broadcast %jit3A_225 : f32 to vector<128x256xf32>
    %select_n3A_227 = arith.select %eq3A_224, %broadcast_in_dim3A_226, %select_n3A_211 : vector<128x256xi1>, vector<128x256xf32>
    %reduce_min3A_228 = arith.constant dense<0x7F800000> : vector<128xf32>
    %reduce_min3A_229 = vector.multi_reduction <minimumf>, %select_n3A_227, %reduce_min3A_228 [1] : vector<128x256xf32> to vector<128xf32>
    %broadcast_in_dim3A_230 = vector.shape_cast %reduce_min3A_229 : vector<128xf32> to vector<128x1xf32>
    %eq3A_231 = vector.broadcast %broadcast_in_dim3A_230 : vector<128x1xf32> to vector<128x256xf32>
    %eq3A_232 = arith.cmpf oeq, %select_n3A_227, %eq3A_231 : vector<128x256xf32>
    %jit3A_233 = arith.constant 1073741824 : i32
    %broadcast_in_dim3A_234 = vector.broadcast %jit3A_233 : i32 to vector<128x256xi32>
    %select_n3A_235 = arith.select %eq3A_232, %iota3A, %broadcast_in_dim3A_234 : vector<128x256xi1>, vector<128x256xi32>
    %reduce_min3A_236 = arith.constant dense<2147483647> : vector<128xi32>
    %reduce_min3A_237 = vector.multi_reduction <minsi>, %select_n3A_235, %reduce_min3A_236 [1] : vector<128x256xi32> to vector<128xi32>
    %broadcast_in_dim3A_238 = vector.shape_cast %reduce_min3A_237 : vector<128xi32> to vector<128x1xi32>
    %eq3A_239 = vector.broadcast %broadcast_in_dim3A_238 : vector<128x1xi32> to vector<128x256xi32>
    %eq3A_240 = arith.cmpi eq, %iota3A, %eq3A_239 : vector<128x256xi32>
    %jit3A_241 = arith.constant 0x7F800000 : f32
    %broadcast_in_dim3A_242 = vector.broadcast %jit3A_241 : f32 to vector<128x256xf32>
    %select_n3A_243 = arith.select %eq3A_240, %broadcast_in_dim3A_242, %select_n3A_227 : vector<128x256xi1>, vector<128x256xf32>
    %reduce_min3A_244 = arith.constant dense<0x7F800000> : vector<128xf32>
    %reduce_min3A_245 = vector.multi_reduction <minimumf>, %select_n3A_243, %reduce_min3A_244 [1] : vector<128x256xf32> to vector<128xf32>
    %broadcast_in_dim3A_246 = vector.shape_cast %reduce_min3A_245 : vector<128xf32> to vector<128x1xf32>
    %eq3A_247 = vector.broadcast %broadcast_in_dim3A_246 : vector<128x1xf32> to vector<128x256xf32>
    %eq3A_248 = arith.cmpf oeq, %select_n3A_243, %eq3A_247 : vector<128x256xf32>
    %jit3A_249 = arith.constant 1073741824 : i32
    %broadcast_in_dim3A_250 = vector.broadcast %jit3A_249 : i32 to vector<128x256xi32>
    %select_n3A_251 = arith.select %eq3A_248, %iota3A, %broadcast_in_dim3A_250 : vector<128x256xi1>, vector<128x256xi32>
    %reduce_min3A_252 = arith.constant dense<2147483647> : vector<128xi32>
    %reduce_min3A_253 = vector.multi_reduction <minsi>, %select_n3A_251, %reduce_min3A_252 [1] : vector<128x256xi32> to vector<128xi32>
    %broadcast_in_dim3A_254 = vector.shape_cast %reduce_min3A_253 : vector<128xi32> to vector<128x1xi32>
    %eq3A_255 = vector.broadcast %broadcast_in_dim3A_254 : vector<128x1xi32> to vector<128x256xi32>
    %eq3A_256 = arith.cmpi eq, %iota3A, %eq3A_255 : vector<128x256xi32>
    %jit3A_257 = arith.constant 0x7F800000 : f32
    %broadcast_in_dim3A_258 = vector.broadcast %jit3A_257 : f32 to vector<128x256xf32>
    %select_n3A_259 = arith.select %eq3A_256, %broadcast_in_dim3A_258, %select_n3A_243 : vector<128x256xi1>, vector<128x256xf32>
    %reduce_min3A_260 = arith.constant dense<0x7F800000> : vector<128xf32>
    %reduce_min3A_261 = vector.multi_reduction <minimumf>, %select_n3A_259, %reduce_min3A_260 [1] : vector<128x256xf32> to vector<128xf32>
    %broadcast_in_dim3A_262 = vector.shape_cast %reduce_min3A_261 : vector<128xf32> to vector<128x1xf32>
    %eq3A_263 = vector.broadcast %broadcast_in_dim3A_262 : vector<128x1xf32> to vector<128x256xf32>
    %eq3A_264 = arith.cmpf oeq, %select_n3A_259, %eq3A_263 : vector<128x256xf32>
    %jit3A_265 = arith.constant 1073741824 : i32
    %broadcast_in_dim3A_266 = vector.broadcast %jit3A_265 : i32 to vector<128x256xi32>
    %select_n3A_267 = arith.select %eq3A_264, %iota3A, %broadcast_in_dim3A_266 : vector<128x256xi1>, vector<128x256xi32>
    %reduce_min3A_268 = arith.constant dense<2147483647> : vector<128xi32>
    %reduce_min3A_269 = vector.multi_reduction <minsi>, %select_n3A_267, %reduce_min3A_268 [1] : vector<128x256xi32> to vector<128xi32>
    %broadcast_in_dim3A_270 = vector.shape_cast %reduce_min3A_269 : vector<128xi32> to vector<128x1xi32>
    %concatenate3A = tpu.concatenate %broadcast_in_dim3A_30, %broadcast_in_dim3A_46, %broadcast_in_dim3A_62, %broadcast_in_dim3A_78, %broadcast_in_dim3A_94, %broadcast_in_dim3A_110, %broadcast_in_dim3A_126, %broadcast_in_dim3A_142, %broadcast_in_dim3A_158, %broadcast_in_dim3A_174, %broadcast_in_dim3A_190, %broadcast_in_dim3A_206, %broadcast_in_dim3A_222, %broadcast_in_dim3A_238, %broadcast_in_dim3A_254, %broadcast_in_dim3A_270 in 1 : vector<128x1xi32>, vector<128x1xi32>, vector<128x1xi32>, vector<128x1xi32>, vector<128x1xi32>, vector<128x1xi32>, vector<128x1xi32>, vector<128x1xi32>, vector<128x1xi32>, vector<128x1xi32>, vector<128x1xi32>, vector<128x1xi32>, vector<128x1xi32>, vector<128x1xi32>, vector<128x1xi32>, vector<128x1xi32> -> vector<128x16xi32>
    %swap3A = arith.constant 0 : index
    %swap3A_271 = arith.constant 0 : index
    %swap3A_272 = arith.constant 0 : index
    %swap3A_273 = vector.load %arg6[%swap3A, %swap3A_271, %swap3A_272] : memref<1x128x16xi32, #tpu.memory_space<vmem>>, vector<1x128x16xi32>
    %swap3A_274 = vector.shape_cast %swap3A_273 : vector<1x128x16xi32> to vector<128x16xi32>
    %swap3A_275 = vector.shape_cast %concatenate3A : vector<128x16xi32> to vector<1x128x16xi32>
    tpu.vector_store %arg6[%swap3A, %swap3A_271, %swap3A_272], %swap3A_275 {strides = array<i32>} : memref<1x128x16xi32, #tpu.memory_space<vmem>>, vector<1x128x16xi32>,
    return
  }
  func.func @transform_0(%arg0: i32, %arg1: i32) -> (i32, i32, i32) {
    %c0_i32 = arith.constant 0 : i32
    %c0_i32_0 = arith.constant 0 : i32
    return %arg0, %arg1, %c0_i32 : i32, i32, i32
  }
  func.func @transform_1(%arg0: i32, %arg1: i32) -> (i32, i32, i32) {
    %c0_i32 = arith.constant 0 : i32
    %c0_i32_0 = arith.constant 0 : i32
    %c0_i32_1 = arith.constant 0 : i32
    return %arg0, %c0_i32, %c0_i32_0 : i32, i32, i32
  }
  func.func @transform_2(%arg0: i32, %arg1: i32) -> (i32, i32, i32) {
    %c0_i32 = arith.constant 0 : i32
    %c0_i32_0 = arith.constant 0 : i32
    return %arg0, %arg1, %c0_i32 : i32, i32, i32
  }
  func.func @transform_3(%arg0: i32, %arg1: i32) -> (i32, i32, i32) {
    %c0_i32 = arith.constant 0 : i32
    %c0_i32_0 = arith.constant 0 : i32
    %c0_i32_1 = arith.constant 0 : i32
    return %arg0, %c0_i32, %c0_i32_0 : i32, i32, i32
  }
  func.func @transform_4(%arg0: i32, %arg1: i32) -> (i32, i32, i32) {
    %c0_i32 = arith.constant 0 : i32
    %c0_i32_0 = arith.constant 0 : i32
    return %arg0, %arg1, %c0_i32 : i32, i32, i32
  }
}

module attributes {stable_mosaic.version = 14 : i64} {
  func.func @_tb_block_kernel(%arg0: i32, %arg1: i32, %arg2: memref<1x128x512xf32, #tpu.memory_space<vmem>>, %arg3: memref<1x2048x1xi32, #tpu.memory_space<vmem>>, %arg4: memref<1x256x512xbf16, #tpu.memory_space<vmem>>, %arg5: memref<1x256x512xbf16, #tpu.memory_space<vmem>>, %arg6: memref<1x256x512xbf16, #tpu.memory_space<vmem>>, %arg7: memref<1x256x512xbf16, #tpu.memory_space<vmem>>, %arg8: memref<1x256x512xbf16, #tpu.memory_space<vmem>>, %arg9: memref<1x256x512xbf16, #tpu.memory_space<vmem>>, %arg10: memref<1x128x3xf32, #tpu.memory_space<vmem>>, %arg11: memref<1x256x3xbf16, #tpu.memory_space<vmem>>, %arg12: memref<1x256x3xbf16, #tpu.memory_space<vmem>>, %arg13: memref<1x256x3xbf16, #tpu.memory_space<vmem>>, %arg14: memref<3x512xf32, #tpu.memory_space<vmem>>, %arg15: memref<1x512xf32, #tpu.memory_space<vmem>>, %arg16: memref<512x512xf32, #tpu.memory_space<vmem>>, %arg17: memref<1x512xf32, #tpu.memory_space<vmem>>, %arg18: memref<512x512xf32, #tpu.memory_space<vmem>>, %arg19: memref<1x512xf32, #tpu.memory_space<vmem>>, %arg20: memref<512x512xf32, #tpu.memory_space<vmem>>, %arg21: memref<1x512xf32, #tpu.memory_space<vmem>>, %arg22: memref<1x128x512xf32, #tpu.memory_space<vmem>>) attributes {dimension_semantics = [#tpu.dimension_semantics<parallel>, #tpu.dimension_semantics<arbitrary>], iteration_bounds = array<i64: 8, 2>, scalar_prefetch = 0 : i64, scratch_operands = 0 : i64, tpu.core_type = #tpu.core_type<tc>, window_params = [{transform_indices = @transform_0, window_bounds = array<i64: 1, 128, 512>}, {transform_indices = @transform_1, window_bounds = array<i64: 1, 2048, 1>}, {transform_indices = @transform_2, window_bounds = array<i64: 1, 256, 512>}, {transform_indices = @transform_3, window_bounds = array<i64: 1, 256, 512>}, {transform_indices = @transform_4, window_bounds = array<i64: 1, 256, 512>}, {transform_indices = @transform_5, window_bounds = array<i64: 1, 256, 512>}, {transform_indices = @transform_6, window_bounds = array<i64: 1, 256, 512>}, {transform_indices = @transform_7, window_bounds = array<i64: 1, 256, 512>}, {transform_indices = @transform_8, window_bounds = array<i64: 1, 128, 3>}, {transform_indices = @transform_9, window_bounds = array<i64: 1, 256, 3>}, {transform_indices = @transform_10, window_bounds = array<i64: 1, 256, 3>}, {transform_indices = @transform_11, window_bounds = array<i64: 1, 256, 3>}, {pipeline_mode = #tpu.pipeline_mode<synchronous>, transform_indices = @transform_12, window_bounds = array<i64: 3, 512>}, {pipeline_mode = #tpu.pipeline_mode<synchronous>, transform_indices = @transform_13, window_bounds = array<i64: 1, 512>}, {pipeline_mode = #tpu.pipeline_mode<synchronous>, transform_indices = @transform_14, window_bounds = array<i64: 512, 512>}, {pipeline_mode = #tpu.pipeline_mode<synchronous>, transform_indices = @transform_15, window_bounds = array<i64: 1, 512>}, {pipeline_mode = #tpu.pipeline_mode<synchronous>, transform_indices = @transform_16, window_bounds = array<i64: 512, 512>}, {pipeline_mode = #tpu.pipeline_mode<synchronous>, transform_indices = @transform_17, window_bounds = array<i64: 1, 512>}, {pipeline_mode = #tpu.pipeline_mode<synchronous>, transform_indices = @transform_18, window_bounds = array<i64: 512, 512>}, {pipeline_mode = #tpu.pipeline_mode<synchronous>, transform_indices = @transform_19, window_bounds = array<i64: 1, 512>}, {transform_indices = @transform_20, window_bounds = array<i64: 1, 128, 512>}]} {
    %get3A = arith.constant 0 : index
    %get3A_0 = arith.constant 0 : index
    %get3A_1 = arith.constant 0 : index
    %get3A_2 = vector.load %arg3[%get3A, %get3A_0, %get3A_1] : memref<1x2048x1xi32, #tpu.memory_space<vmem>>, vector<1x2048x1xi32>
    %get3A_3 = vector.shape_cast %get3A_2 : vector<1x2048x1xi32> to vector<2048x1xi32>
    %iota3A = tpu.iota {dimensions = array<i32: 1>} : vector<2048x256xi32>
    %eq3A = vector.broadcast %get3A_3 : vector<2048x1xi32> to vector<2048x256xi32>
    %eq3A_4 = arith.cmpi eq, %iota3A, %eq3A : vector<2048x256xi32>
    %jit3A = arith.constant 1.000000e+00 : f32
    %jit3A_5 = arith.constant 0.000000e+00 : f32
    %broadcast_in_dim3A = vector.broadcast %jit3A : f32 to vector<2048x256xf32>
    %broadcast_in_dim3A_6 = vector.broadcast %jit3A_5 : f32 to vector<2048x256xf32>
    %select_n3A = arith.select %eq3A_4, %broadcast_in_dim3A, %broadcast_in_dim3A_6 : vector<2048x256xi1>, vector<2048x256xf32>
    %convert_element_type3A = arith.truncf %select_n3A : vector<2048x256xf32> to vector<2048x256xbf16>
    %get3A_7 = arith.constant 0 : index
    %get3A_8 = arith.constant 0 : index
    %get3A_9 = arith.constant 0 : index
    %get3A_10 = vector.load %arg10[%get3A_7, %get3A_8, %get3A_9] : memref<1x128x3xf32, #tpu.memory_space<vmem>>, vector<1x128x3xf32>
    %get3A_11 = vector.shape_cast %get3A_10 : vector<1x128x3xf32> to vector<128x3xf32>
    %get3A_12 = arith.constant 0 : index
    %get3A_13 = arith.constant 0 : index
    %get3A_14 = arith.constant 0 : index
    %get3A_15 = vector.load %arg11[%get3A_12, %get3A_13, %get3A_14] : memref<1x256x3xbf16, #tpu.memory_space<vmem>>, vector<1x256x3xbf16>
    %get3A_16 = vector.shape_cast %get3A_15 : vector<1x256x3xbf16> to vector<256x3xbf16>
    %dot_general3A = arith.constant dense<0.000000e+00> : vector<2048x3xf32>
    %dot_general3A_17 = tpu.matmul %convert_element_type3A, %get3A_16, %dot_general3A {dimension_numbers = #tpu.dot_dimension_numbers<[1], [0], [0], [1], [0, 0, 1, 1], [], []>, transpose_lhs_hint = false} : vector<2048x256xbf16>, vector<256x3xbf16>, vector<2048x3xf32> -> vector<2048x3xf32>
    %get3A_18 = arith.constant 0 : index
    %get3A_19 = arith.constant 0 : index
    %get3A_20 = arith.constant 0 : index
    %get3A_21 = vector.load %arg12[%get3A_18, %get3A_19, %get3A_20] : memref<1x256x3xbf16, #tpu.memory_space<vmem>>, vector<1x256x3xbf16>
    %get3A_22 = vector.shape_cast %get3A_21 : vector<1x256x3xbf16> to vector<256x3xbf16>
    %dot_general3A_23 = arith.constant dense<0.000000e+00> : vector<2048x3xf32>
    %dot_general3A_24 = tpu.matmul %convert_element_type3A, %get3A_22, %dot_general3A_23 {dimension_numbers = #tpu.dot_dimension_numbers<[1], [0], [0], [1], [0, 0, 1, 1], [], []>, transpose_lhs_hint = false} : vector<2048x256xbf16>, vector<256x3xbf16>, vector<2048x3xf32> -> vector<2048x3xf32>
    %add3A = arith.addf %dot_general3A_17, %dot_general3A_24 : vector<2048x3xf32>
    %get3A_25 = arith.constant 0 : index
    %get3A_26 = arith.constant 0 : index
    %get3A_27 = arith.constant 0 : index
    %get3A_28 = vector.load %arg13[%get3A_25, %get3A_26, %get3A_27] : memref<1x256x3xbf16, #tpu.memory_space<vmem>>, vector<1x256x3xbf16>
    %get3A_29 = vector.shape_cast %get3A_28 : vector<1x256x3xbf16> to vector<256x3xbf16>
    %dot_general3A_30 = arith.constant dense<0.000000e+00> : vector<2048x3xf32>
    %dot_general3A_31 = tpu.matmul %convert_element_type3A, %get3A_29, %dot_general3A_30 {dimension_numbers = #tpu.dot_dimension_numbers<[1], [0], [0], [1], [0, 0, 1, 1], [], []>, transpose_lhs_hint = false} : vector<2048x256xbf16>, vector<256x3xbf16>, vector<2048x3xf32> -> vector<2048x3xf32>
    %add3A_32 = arith.addf %add3A, %dot_general3A_31 : vector<2048x3xf32>
    %broadcast_in_dim3A_33 = vector.shape_cast %get3A_11 : vector<128x3xf32> to vector<128x1x3xf32>
    %broadcast_in_dim3A_34 = vector.shape_cast %broadcast_in_dim3A_33 : vector<128x1x3xf32> to vector<128x1x3xf32>
    %broadcast_in_dim3A_35 = vector.broadcast %broadcast_in_dim3A_34 : vector<128x1x3xf32> to vector<128x16x3xf32>
    %reshape3A = vector.shape_cast %broadcast_in_dim3A_35 : vector<128x16x3xf32> to vector<2048x3xf32>
    %sub3A = arith.subf %reshape3A, %add3A_32 : vector<2048x3xf32>
    %get3A_36 = arith.constant 0 : index
    %get3A_37 = arith.constant 0 : index
    %get3A_38 = vector.load %arg14[%get3A_36, %get3A_37] : memref<3x512xf32, #tpu.memory_space<vmem>>, vector<3x512xf32>
    %dot_general3A_39 = arith.constant dense<0.000000e+00> : vector<2048x512xf32>
    %dot_general3A_40 = tpu.matmul %sub3A, %get3A_38, %dot_general3A_39 {dimension_numbers = #tpu.dot_dimension_numbers<[1], [0], [0], [1], [0, 0, 1, 1], [], []>, transpose_lhs_hint = false} : vector<2048x3xf32>, vector<3x512xf32>, vector<2048x512xf32> -> vector<2048x512xf32>
    %get3A_41 = arith.constant 0 : index
    %get3A_42 = arith.constant 0 : index
    %get3A_43 = vector.load %arg15[%get3A_41, %get3A_42] : memref<1x512xf32, #tpu.memory_space<vmem>>, vector<1x512xf32>
    %add3A_44 = vector.broadcast %get3A_43 : vector<1x512xf32> to vector<2048x512xf32>
    %add3A_45 = arith.addf %dot_general3A_40, %add3A_44 : vector<2048x512xf32>
    %max3A = arith.constant 0.000000e+00 : f32
    %max3A_46 = vector.broadcast %max3A : f32 to vector<2048x512xf32>
    %max3A_47 = arith.maximumf %add3A_45, %max3A_46 : vector<2048x512xf32>
    %get3A_48 = arith.constant 0 : index
    %get3A_49 = arith.constant 0 : index
    %get3A_50 = vector.load %arg17[%get3A_48, %get3A_49] : memref<1x512xf32, #tpu.memory_space<vmem>>, vector<1x512xf32>
    %get3A_51 = arith.constant 0 : index
    %get3A_52 = arith.constant 0 : index
    %get3A_53 = vector.load %arg16[%get3A_51, %get3A_52] : memref<512x512xf32, #tpu.memory_space<vmem>>, vector<512x512xf32>
    %dot_general3A_54 = arith.constant dense<0.000000e+00> : vector<2048x512xf32>
    %dot_general3A_55 = tpu.matmul %max3A_47, %get3A_53, %dot_general3A_54 {dimension_numbers = #tpu.dot_dimension_numbers<[1], [0], [0], [1], [0, 0, 1, 1], [], []>, transpose_lhs_hint = false} : vector<2048x512xf32>, vector<512x512xf32>, vector<2048x512xf32> -> vector<2048x512xf32>
    %add3A_56 = vector.broadcast %get3A_50 : vector<1x512xf32> to vector<2048x512xf32>
    %add3A_57 = arith.addf %add3A_56, %dot_general3A_55 : vector<2048x512xf32>
    %get3A_58 = arith.constant 0 : index
    %get3A_59 = arith.constant 0 : index
    %get3A_60 = arith.constant 0 : index
    %get3A_61 = vector.load %arg2[%get3A_58, %get3A_59, %get3A_60] : memref<1x128x512xf32, #tpu.memory_space<vmem>>, vector<1x128x512xf32>
    %get3A_62 = vector.shape_cast %get3A_61 : vector<1x128x512xf32> to vector<128x512xf32>
    %broadcast_in_dim3A_63 = vector.shape_cast %get3A_62 : vector<128x512xf32> to vector<128x1x512xf32>
    %broadcast_in_dim3A_64 = vector.shape_cast %broadcast_in_dim3A_63 : vector<128x1x512xf32> to vector<128x1x512xf32>
    %broadcast_in_dim3A_65 = vector.broadcast %broadcast_in_dim3A_64 : vector<128x1x512xf32> to vector<128x16x512xf32>
    %reshape3A_66 = vector.shape_cast %broadcast_in_dim3A_65 : vector<128x16x512xf32> to vector<2048x512xf32>
    %get3A_67 = arith.constant 0 : index
    %get3A_68 = arith.constant 0 : index
    %get3A_69 = arith.constant 0 : index
    %get3A_70 = vector.load %arg4[%get3A_67, %get3A_68, %get3A_69] : memref<1x256x512xbf16, #tpu.memory_space<vmem>>, vector<1x256x512xbf16>
    %get3A_71 = vector.shape_cast %get3A_70 : vector<1x256x512xbf16> to vector<256x512xbf16>
    %dot_general3A_72 = arith.constant dense<0.000000e+00> : vector<2048x512xf32>
    %dot_general3A_73 = tpu.matmul %convert_element_type3A, %get3A_71, %dot_general3A_72 {dimension_numbers = #tpu.dot_dimension_numbers<[1], [0], [0], [1], [0, 0, 1, 1], [], []>, transpose_lhs_hint = false} : vector<2048x256xbf16>, vector<256x512xbf16>, vector<2048x512xf32> -> vector<2048x512xf32>
    %get3A_74 = arith.constant 0 : index
    %get3A_75 = arith.constant 0 : index
    %get3A_76 = arith.constant 0 : index
    %get3A_77 = vector.load %arg5[%get3A_74, %get3A_75, %get3A_76] : memref<1x256x512xbf16, #tpu.memory_space<vmem>>, vector<1x256x512xbf16>
    %get3A_78 = vector.shape_cast %get3A_77 : vector<1x256x512xbf16> to vector<256x512xbf16>
    %dot_general3A_79 = arith.constant dense<0.000000e+00> : vector<2048x512xf32>
    %dot_general3A_80 = tpu.matmul %convert_element_type3A, %get3A_78, %dot_general3A_79 {dimension_numbers = #tpu.dot_dimension_numbers<[1], [0], [0], [1], [0, 0, 1, 1], [], []>, transpose_lhs_hint = false} : vector<2048x256xbf16>, vector<256x512xbf16>, vector<2048x512xf32> -> vector<2048x512xf32>
    %add3A_81 = arith.addf %dot_general3A_73, %dot_general3A_80 : vector<2048x512xf32>
    %get3A_82 = arith.constant 0 : index
    %get3A_83 = arith.constant 0 : index
    %get3A_84 = arith.constant 0 : index
    %get3A_85 = vector.load %arg6[%get3A_82, %get3A_83, %get3A_84] : memref<1x256x512xbf16, #tpu.memory_space<vmem>>, vector<1x256x512xbf16>
    %get3A_86 = vector.shape_cast %get3A_85 : vector<1x256x512xbf16> to vector<256x512xbf16>
    %dot_general3A_87 = arith.constant dense<0.000000e+00> : vector<2048x512xf32>
    %dot_general3A_88 = tpu.matmul %convert_element_type3A, %get3A_86, %dot_general3A_87 {dimension_numbers = #tpu.dot_dimension_numbers<[1], [0], [0], [1], [0, 0, 1, 1], [], []>, transpose_lhs_hint = false} : vector<2048x256xbf16>, vector<256x512xbf16>, vector<2048x512xf32> -> vector<2048x512xf32>
    %add3A_89 = arith.addf %add3A_81, %dot_general3A_88 : vector<2048x512xf32>
    %sub3A_90 = arith.subf %reshape3A_66, %add3A_89 : vector<2048x512xf32>
    %add3A_91 = arith.addf %sub3A_90, %add3A_57 : vector<2048x512xf32>
    %get3A_92 = arith.constant 0 : index
    %get3A_93 = arith.constant 0 : index
    %get3A_94 = vector.load %arg19[%get3A_92, %get3A_93] : memref<1x512xf32, #tpu.memory_space<vmem>>, vector<1x512xf32>
    %get3A_95 = arith.constant 0 : index
    %get3A_96 = arith.constant 0 : index
    %get3A_97 = vector.load %arg18[%get3A_95, %get3A_96] : memref<512x512xf32, #tpu.memory_space<vmem>>, vector<512x512xf32>
    %dot_general3A_98 = arith.constant dense<0.000000e+00> : vector<2048x512xf32>
    %dot_general3A_99 = tpu.matmul %add3A_91, %get3A_97, %dot_general3A_98 {dimension_numbers = #tpu.dot_dimension_numbers<[1], [0], [0], [1], [0, 0, 1, 1], [], []>, transpose_lhs_hint = false} : vector<2048x512xf32>, vector<512x512xf32>, vector<2048x512xf32> -> vector<2048x512xf32>
    %add3A_100 = vector.broadcast %get3A_94 : vector<1x512xf32> to vector<2048x512xf32>
    %add3A_101 = arith.addf %add3A_100, %dot_general3A_99 : vector<2048x512xf32>
    %max3A_102 = arith.constant 0.000000e+00 : f32
    %max3A_103 = vector.broadcast %max3A_102 : f32 to vector<2048x512xf32>
    %max3A_104 = arith.maximumf %add3A_101, %max3A_103 : vector<2048x512xf32>
    %get3A_105 = arith.constant 0 : index
    %get3A_106 = arith.constant 0 : index
    %get3A_107 = vector.load %arg21[%get3A_105, %get3A_106] : memref<1x512xf32, #tpu.memory_space<vmem>>, vector<1x512xf32>
    %get3A_108 = arith.constant 0 : index
    %get3A_109 = arith.constant 0 : index
    %get3A_110 = vector.load %arg20[%get3A_108, %get3A_109] : memref<512x512xf32, #tpu.memory_space<vmem>>, vector<512x512xf32>
    %dot_general3A_111 = arith.constant dense<0.000000e+00> : vector<2048x512xf32>
    %dot_general3A_112 = tpu.matmul %max3A_104, %get3A_110, %dot_general3A_111 {dimension_numbers = #tpu.dot_dimension_numbers<[1], [0], [0], [1], [0, 0, 1, 1], [], []>, transpose_lhs_hint = false} : vector<2048x512xf32>, vector<512x512xf32>, vector<2048x512xf32> -> vector<2048x512xf32>
    %add3A_113 = vector.broadcast %get3A_107 : vector<1x512xf32> to vector<2048x512xf32>
    %add3A_114 = arith.addf %add3A_113, %dot_general3A_112 : vector<2048x512xf32>
    %div3A = arith.constant 22.6274166 : f32
    %div3A_115 = vector.broadcast %div3A : f32 to vector<2048x512xf32>
    %div3A_116 = arith.divf %add3A_114, %div3A_115 : vector<2048x512xf32>
    %reshape3A_117 = vector.shape_cast %div3A_116 : vector<2048x512xf32> to vector<128x16x512xf32>
    %reduce_max3A = arith.constant dense<0xFF800000> : vector<128x512xf32>
    %reduce_max3A_118 = vector.multi_reduction <maximumf>, %reshape3A_117, %reduce_max3A [1] : vector<128x16x512xf32> to vector<128x512xf32>
    %broadcast_in_dim3A_119 = vector.shape_cast %reduce_max3A_118 : vector<128x512xf32> to vector<128x1x512xf32>
    %sub3A_120 = vector.broadcast %broadcast_in_dim3A_119 : vector<128x1x512xf32> to vector<128x16x512xf32>
    %sub3A_121 = arith.subf %reshape3A_117, %sub3A_120 : vector<128x16x512xf32>
    %exp3A = math.exp %sub3A_121 : vector<128x16x512xf32>
    %slice3A = vector.extract_strided_slice %exp3A {offsets = [0, 0, 0], sizes = [128, 1, 512], strides = [1, 1, 1]} : vector<128x16x512xf32> to vector<128x1x512xf32>
    %squeeze3A = vector.shape_cast %slice3A : vector<128x1x512xf32> to vector<128x512xf32>
    %slice3A_122 = vector.extract_strided_slice %exp3A {offsets = [0, 1, 0], sizes = [128, 1, 512], strides = [1, 1, 1]} : vector<128x16x512xf32> to vector<128x1x512xf32>
    %squeeze3A_123 = vector.shape_cast %slice3A_122 : vector<128x1x512xf32> to vector<128x512xf32>
    %add3A_124 = arith.addf %squeeze3A, %squeeze3A_123 : vector<128x512xf32>
    %slice3A_125 = vector.extract_strided_slice %exp3A {offsets = [0, 2, 0], sizes = [128, 1, 512], strides = [1, 1, 1]} : vector<128x16x512xf32> to vector<128x1x512xf32>
    %squeeze3A_126 = vector.shape_cast %slice3A_125 : vector<128x1x512xf32> to vector<128x512xf32>
    %add3A_127 = arith.addf %add3A_124, %squeeze3A_126 : vector<128x512xf32>
    %slice3A_128 = vector.extract_strided_slice %exp3A {offsets = [0, 3, 0], sizes = [128, 1, 512], strides = [1, 1, 1]} : vector<128x16x512xf32> to vector<128x1x512xf32>
    %squeeze3A_129 = vector.shape_cast %slice3A_128 : vector<128x1x512xf32> to vector<128x512xf32>
    %add3A_130 = arith.addf %add3A_127, %squeeze3A_129 : vector<128x512xf32>
    %slice3A_131 = vector.extract_strided_slice %exp3A {offsets = [0, 4, 0], sizes = [128, 1, 512], strides = [1, 1, 1]} : vector<128x16x512xf32> to vector<128x1x512xf32>
    %squeeze3A_132 = vector.shape_cast %slice3A_131 : vector<128x1x512xf32> to vector<128x512xf32>
    %add3A_133 = arith.addf %add3A_130, %squeeze3A_132 : vector<128x512xf32>
    %slice3A_134 = vector.extract_strided_slice %exp3A {offsets = [0, 5, 0], sizes = [128, 1, 512], strides = [1, 1, 1]} : vector<128x16x512xf32> to vector<128x1x512xf32>
    %squeeze3A_135 = vector.shape_cast %slice3A_134 : vector<128x1x512xf32> to vector<128x512xf32>
    %add3A_136 = arith.addf %add3A_133, %squeeze3A_135 : vector<128x512xf32>
    %slice3A_137 = vector.extract_strided_slice %exp3A {offsets = [0, 6, 0], sizes = [128, 1, 512], strides = [1, 1, 1]} : vector<128x16x512xf32> to vector<128x1x512xf32>
    %squeeze3A_138 = vector.shape_cast %slice3A_137 : vector<128x1x512xf32> to vector<128x512xf32>
    %add3A_139 = arith.addf %add3A_136, %squeeze3A_138 : vector<128x512xf32>
    %slice3A_140 = vector.extract_strided_slice %exp3A {offsets = [0, 7, 0], sizes = [128, 1, 512], strides = [1, 1, 1]} : vector<128x16x512xf32> to vector<128x1x512xf32>
    %squeeze3A_141 = vector.shape_cast %slice3A_140 : vector<128x1x512xf32> to vector<128x512xf32>
    %add3A_142 = arith.addf %add3A_139, %squeeze3A_141 : vector<128x512xf32>
    %slice3A_143 = vector.extract_strided_slice %exp3A {offsets = [0, 8, 0], sizes = [128, 1, 512], strides = [1, 1, 1]} : vector<128x16x512xf32> to vector<128x1x512xf32>
    %squeeze3A_144 = vector.shape_cast %slice3A_143 : vector<128x1x512xf32> to vector<128x512xf32>
    %add3A_145 = arith.addf %add3A_142, %squeeze3A_144 : vector<128x512xf32>
    %slice3A_146 = vector.extract_strided_slice %exp3A {offsets = [0, 9, 0], sizes = [128, 1, 512], strides = [1, 1, 1]} : vector<128x16x512xf32> to vector<128x1x512xf32>
    %squeeze3A_147 = vector.shape_cast %slice3A_146 : vector<128x1x512xf32> to vector<128x512xf32>
    %add3A_148 = arith.addf %add3A_145, %squeeze3A_147 : vector<128x512xf32>
    %slice3A_149 = vector.extract_strided_slice %exp3A {offsets = [0, 10, 0], sizes = [128, 1, 512], strides = [1, 1, 1]} : vector<128x16x512xf32> to vector<128x1x512xf32>
    %squeeze3A_150 = vector.shape_cast %slice3A_149 : vector<128x1x512xf32> to vector<128x512xf32>
    %add3A_151 = arith.addf %add3A_148, %squeeze3A_150 : vector<128x512xf32>
    %slice3A_152 = vector.extract_strided_slice %exp3A {offsets = [0, 11, 0], sizes = [128, 1, 512], strides = [1, 1, 1]} : vector<128x16x512xf32> to vector<128x1x512xf32>
    %squeeze3A_153 = vector.shape_cast %slice3A_152 : vector<128x1x512xf32> to vector<128x512xf32>
    %add3A_154 = arith.addf %add3A_151, %squeeze3A_153 : vector<128x512xf32>
    %slice3A_155 = vector.extract_strided_slice %exp3A {offsets = [0, 12, 0], sizes = [128, 1, 512], strides = [1, 1, 1]} : vector<128x16x512xf32> to vector<128x1x512xf32>
    %squeeze3A_156 = vector.shape_cast %slice3A_155 : vector<128x1x512xf32> to vector<128x512xf32>
    %add3A_157 = arith.addf %add3A_154, %squeeze3A_156 : vector<128x512xf32>
    %slice3A_158 = vector.extract_strided_slice %exp3A {offsets = [0, 13, 0], sizes = [128, 1, 512], strides = [1, 1, 1]} : vector<128x16x512xf32> to vector<128x1x512xf32>
    %squeeze3A_159 = vector.shape_cast %slice3A_158 : vector<128x1x512xf32> to vector<128x512xf32>
    %add3A_160 = arith.addf %add3A_157, %squeeze3A_159 : vector<128x512xf32>
    %slice3A_161 = vector.extract_strided_slice %exp3A {offsets = [0, 14, 0], sizes = [128, 1, 512], strides = [1, 1, 1]} : vector<128x16x512xf32> to vector<128x1x512xf32>
    %squeeze3A_162 = vector.shape_cast %slice3A_161 : vector<128x1x512xf32> to vector<128x512xf32>
    %add3A_163 = arith.addf %add3A_160, %squeeze3A_162 : vector<128x512xf32>
    %slice3A_164 = vector.extract_strided_slice %exp3A {offsets = [0, 15, 0], sizes = [128, 1, 512], strides = [1, 1, 1]} : vector<128x16x512xf32> to vector<128x1x512xf32>
    %squeeze3A_165 = vector.shape_cast %slice3A_164 : vector<128x1x512xf32> to vector<128x512xf32>
    %add3A_166 = arith.addf %add3A_163, %squeeze3A_165 : vector<128x512xf32>
    %broadcast_in_dim3A_167 = vector.shape_cast %add3A_166 : vector<128x512xf32> to vector<128x1x512xf32>
    %div3A_168 = vector.broadcast %broadcast_in_dim3A_167 : vector<128x1x512xf32> to vector<128x16x512xf32>
    %div3A_169 = arith.divf %exp3A, %div3A_168 : vector<128x16x512xf32>
    %get3A_170 = arith.constant 0 : index
    %get3A_171 = arith.constant 0 : index
    %get3A_172 = arith.constant 0 : index
    %get3A_173 = vector.load %arg7[%get3A_170, %get3A_171, %get3A_172] : memref<1x256x512xbf16, #tpu.memory_space<vmem>>, vector<1x256x512xbf16>
    %get3A_174 = vector.shape_cast %get3A_173 : vector<1x256x512xbf16> to vector<256x512xbf16>
    %dot_general3A_175 = arith.constant dense<0.000000e+00> : vector<2048x512xf32>
    %dot_general3A_176 = tpu.matmul %convert_element_type3A, %get3A_174, %dot_general3A_175 {dimension_numbers = #tpu.dot_dimension_numbers<[1], [0], [0], [1], [0, 0, 1, 1], [], []>, transpose_lhs_hint = false} : vector<2048x256xbf16>, vector<256x512xbf16>, vector<2048x512xf32> -> vector<2048x512xf32>
    %get3A_177 = arith.constant 0 : index
    %get3A_178 = arith.constant 0 : index
    %get3A_179 = arith.constant 0 : index
    %get3A_180 = vector.load %arg8[%get3A_177, %get3A_178, %get3A_179] : memref<1x256x512xbf16, #tpu.memory_space<vmem>>, vector<1x256x512xbf16>
    %get3A_181 = vector.shape_cast %get3A_180 : vector<1x256x512xbf16> to vector<256x512xbf16>
    %dot_general3A_182 = arith.constant dense<0.000000e+00> : vector<2048x512xf32>
    %dot_general3A_183 = tpu.matmul %convert_element_type3A, %get3A_181, %dot_general3A_182 {dimension_numbers = #tpu.dot_dimension_numbers<[1], [0], [0], [1], [0, 0, 1, 1], [], []>, transpose_lhs_hint = false} : vector<2048x256xbf16>, vector<256x512xbf16>, vector<2048x512xf32> -> vector<2048x512xf32>
    %add3A_184 = arith.addf %dot_general3A_176, %dot_general3A_183 : vector<2048x512xf32>
    %get3A_185 = arith.constant 0 : index
    %get3A_186 = arith.constant 0 : index
    %get3A_187 = arith.constant 0 : index
    %get3A_188 = vector.load %arg9[%get3A_185, %get3A_186, %get3A_187] : memref<1x256x512xbf16, #tpu.memory_space<vmem>>, vector<1x256x512xbf16>
    %get3A_189 = vector.shape_cast %get3A_188 : vector<1x256x512xbf16> to vector<256x512xbf16>
    %dot_general3A_190 = arith.constant dense<0.000000e+00> : vector<2048x512xf32>
    %dot_general3A_191 = tpu.matmul %convert_element_type3A, %get3A_189, %dot_general3A_190 {dimension_numbers = #tpu.dot_dimension_numbers<[1], [0], [0], [1], [0, 0, 1, 1], [], []>, transpose_lhs_hint = false} : vector<2048x256xbf16>, vector<256x512xbf16>, vector<2048x512xf32> -> vector<2048x512xf32>
    %add3A_192 = arith.addf %add3A_184, %dot_general3A_191 : vector<2048x512xf32>
    %add3A_193 = arith.addf %add3A_192, %add3A_57 : vector<2048x512xf32>
    %reshape3A_194 = vector.shape_cast %add3A_193 : vector<2048x512xf32> to vector<128x16x512xf32>
    %mul3A = arith.mulf %div3A_169, %reshape3A_194 : vector<128x16x512xf32>
    %slice3A_195 = vector.extract_strided_slice %mul3A {offsets = [0, 0, 0], sizes = [128, 1, 512], strides = [1, 1, 1]} : vector<128x16x512xf32> to vector<128x1x512xf32>
    %squeeze3A_196 = vector.shape_cast %slice3A_195 : vector<128x1x512xf32> to vector<128x512xf32>
    %slice3A_197 = vector.extract_strided_slice %mul3A {offsets = [0, 1, 0], sizes = [128, 1, 512], strides = [1, 1, 1]} : vector<128x16x512xf32> to vector<128x1x512xf32>
    %squeeze3A_198 = vector.shape_cast %slice3A_197 : vector<128x1x512xf32> to vector<128x512xf32>
    %add3A_199 = arith.addf %squeeze3A_196, %squeeze3A_198 : vector<128x512xf32>
    %slice3A_200 = vector.extract_strided_slice %mul3A {offsets = [0, 2, 0], sizes = [128, 1, 512], strides = [1, 1, 1]} : vector<128x16x512xf32> to vector<128x1x512xf32>
    %squeeze3A_201 = vector.shape_cast %slice3A_200 : vector<128x1x512xf32> to vector<128x512xf32>
    %add3A_202 = arith.addf %add3A_199, %squeeze3A_201 : vector<128x512xf32>
    %slice3A_203 = vector.extract_strided_slice %mul3A {offsets = [0, 3, 0], sizes = [128, 1, 512], strides = [1, 1, 1]} : vector<128x16x512xf32> to vector<128x1x512xf32>
    %squeeze3A_204 = vector.shape_cast %slice3A_203 : vector<128x1x512xf32> to vector<128x512xf32>
    %add3A_205 = arith.addf %add3A_202, %squeeze3A_204 : vector<128x512xf32>
    %slice3A_206 = vector.extract_strided_slice %mul3A {offsets = [0, 4, 0], sizes = [128, 1, 512], strides = [1, 1, 1]} : vector<128x16x512xf32> to vector<128x1x512xf32>
    %squeeze3A_207 = vector.shape_cast %slice3A_206 : vector<128x1x512xf32> to vector<128x512xf32>
    %add3A_208 = arith.addf %add3A_205, %squeeze3A_207 : vector<128x512xf32>
    %slice3A_209 = vector.extract_strided_slice %mul3A {offsets = [0, 5, 0], sizes = [128, 1, 512], strides = [1, 1, 1]} : vector<128x16x512xf32> to vector<128x1x512xf32>
    %squeeze3A_210 = vector.shape_cast %slice3A_209 : vector<128x1x512xf32> to vector<128x512xf32>
    %add3A_211 = arith.addf %add3A_208, %squeeze3A_210 : vector<128x512xf32>
    %slice3A_212 = vector.extract_strided_slice %mul3A {offsets = [0, 6, 0], sizes = [128, 1, 512], strides = [1, 1, 1]} : vector<128x16x512xf32> to vector<128x1x512xf32>
    %squeeze3A_213 = vector.shape_cast %slice3A_212 : vector<128x1x512xf32> to vector<128x512xf32>
    %add3A_214 = arith.addf %add3A_211, %squeeze3A_213 : vector<128x512xf32>
    %slice3A_215 = vector.extract_strided_slice %mul3A {offsets = [0, 7, 0], sizes = [128, 1, 512], strides = [1, 1, 1]} : vector<128x16x512xf32> to vector<128x1x512xf32>
    %squeeze3A_216 = vector.shape_cast %slice3A_215 : vector<128x1x512xf32> to vector<128x512xf32>
    %add3A_217 = arith.addf %add3A_214, %squeeze3A_216 : vector<128x512xf32>
    %slice3A_218 = vector.extract_strided_slice %mul3A {offsets = [0, 8, 0], sizes = [128, 1, 512], strides = [1, 1, 1]} : vector<128x16x512xf32> to vector<128x1x512xf32>
    %squeeze3A_219 = vector.shape_cast %slice3A_218 : vector<128x1x512xf32> to vector<128x512xf32>
    %add3A_220 = arith.addf %add3A_217, %squeeze3A_219 : vector<128x512xf32>
    %slice3A_221 = vector.extract_strided_slice %mul3A {offsets = [0, 9, 0], sizes = [128, 1, 512], strides = [1, 1, 1]} : vector<128x16x512xf32> to vector<128x1x512xf32>
    %squeeze3A_222 = vector.shape_cast %slice3A_221 : vector<128x1x512xf32> to vector<128x512xf32>
    %add3A_223 = arith.addf %add3A_220, %squeeze3A_222 : vector<128x512xf32>
    %slice3A_224 = vector.extract_strided_slice %mul3A {offsets = [0, 10, 0], sizes = [128, 1, 512], strides = [1, 1, 1]} : vector<128x16x512xf32> to vector<128x1x512xf32>
    %squeeze3A_225 = vector.shape_cast %slice3A_224 : vector<128x1x512xf32> to vector<128x512xf32>
    %add3A_226 = arith.addf %add3A_223, %squeeze3A_225 : vector<128x512xf32>
    %slice3A_227 = vector.extract_strided_slice %mul3A {offsets = [0, 11, 0], sizes = [128, 1, 512], strides = [1, 1, 1]} : vector<128x16x512xf32> to vector<128x1x512xf32>
    %squeeze3A_228 = vector.shape_cast %slice3A_227 : vector<128x1x512xf32> to vector<128x512xf32>
    %add3A_229 = arith.addf %add3A_226, %squeeze3A_228 : vector<128x512xf32>
    %slice3A_230 = vector.extract_strided_slice %mul3A {offsets = [0, 12, 0], sizes = [128, 1, 512], strides = [1, 1, 1]} : vector<128x16x512xf32> to vector<128x1x512xf32>
    %squeeze3A_231 = vector.shape_cast %slice3A_230 : vector<128x1x512xf32> to vector<128x512xf32>
    %add3A_232 = arith.addf %add3A_229, %squeeze3A_231 : vector<128x512xf32>
    %slice3A_233 = vector.extract_strided_slice %mul3A {offsets = [0, 13, 0], sizes = [128, 1, 512], strides = [1, 1, 1]} : vector<128x16x512xf32> to vector<128x1x512xf32>
    %squeeze3A_234 = vector.shape_cast %slice3A_233 : vector<128x1x512xf32> to vector<128x512xf32>
    %add3A_235 = arith.addf %add3A_232, %squeeze3A_234 : vector<128x512xf32>
    %slice3A_236 = vector.extract_strided_slice %mul3A {offsets = [0, 14, 0], sizes = [128, 1, 512], strides = [1, 1, 1]} : vector<128x16x512xf32> to vector<128x1x512xf32>
    %squeeze3A_237 = vector.shape_cast %slice3A_236 : vector<128x1x512xf32> to vector<128x512xf32>
    %add3A_238 = arith.addf %add3A_235, %squeeze3A_237 : vector<128x512xf32>
    %slice3A_239 = vector.extract_strided_slice %mul3A {offsets = [0, 15, 0], sizes = [128, 1, 512], strides = [1, 1, 1]} : vector<128x16x512xf32> to vector<128x1x512xf32>
    %squeeze3A_240 = vector.shape_cast %slice3A_239 : vector<128x1x512xf32> to vector<128x512xf32>
    %add3A_241 = arith.addf %add3A_238, %squeeze3A_240 : vector<128x512xf32>
    %swap3A = arith.constant 0 : index
    %swap3A_242 = arith.constant 0 : index
    %swap3A_243 = arith.constant 0 : index
    %swap3A_244 = vector.load %arg22[%swap3A, %swap3A_242, %swap3A_243] : memref<1x128x512xf32, #tpu.memory_space<vmem>>, vector<1x128x512xf32>
    %swap3A_245 = vector.shape_cast %swap3A_244 : vector<1x128x512xf32> to vector<128x512xf32>
    %swap3A_246 = vector.shape_cast %add3A_241 : vector<128x512xf32> to vector<1x128x512xf32>
    tpu.vector_store %arg22[%swap3A, %swap3A_242, %swap3A_243], %swap3A_246 {strides = array<i32>} : memref<1x128x512xf32, #tpu.memory_space<vmem>>, vector<1x128x512xf32>,
    return
  }
  func.func @transform_0(%arg0: i32, %arg1: i32) -> (i32, i32, i32) {
    %c0_i32 = arith.constant 0 : i32
    %c0_i32_0 = arith.constant 0 : i32
    return %arg0, %arg1, %c0_i32 : i32, i32, i32
  }
  func.func @transform_1(%arg0: i32, %arg1: i32) -> (i32, i32, i32) {
    %c0_i32 = arith.constant 0 : i32
    %c0_i32_0 = arith.constant 0 : i32
    return %arg0, %arg1, %c0_i32 : i32, i32, i32
  }
  func.func @transform_2(%arg0: i32, %arg1: i32) -> (i32, i32, i32) {
    %c0_i32 = arith.constant 0 : i32
    %c0_i32_0 = arith.constant 0 : i32
    %c0_i32_1 = arith.constant 0 : i32
    return %arg0, %c0_i32, %c0_i32_0 : i32, i32, i32
  }
  func.func @transform_3(%arg0: i32, %arg1: i32) -> (i32, i32, i32) {
    %c0_i32 = arith.constant 0 : i32
    %c0_i32_0 = arith.constant 0 : i32
    %c0_i32_1 = arith.constant 0 : i32
    return %arg0, %c0_i32, %c0_i32_0 : i32, i32, i32
  }
  func.func @transform_4(%arg0: i32, %arg1: i32) -> (i32, i32, i32) {
    %c0_i32 = arith.constant 0 : i32
    %c0_i32_0 = arith.constant 0 : i32
    %c0_i32_1 = arith.constant 0 : i32
    return %arg0, %c0_i32, %c0_i32_0 : i32, i32, i32
  }
  func.func @transform_5(%arg0: i32, %arg1: i32) -> (i32, i32, i32) {
    %c0_i32 = arith.constant 0 : i32
    %c0_i32_0 = arith.constant 0 : i32
    %c0_i32_1 = arith.constant 0 : i32
    return %arg0, %c0_i32, %c0_i32_0 : i32, i32, i32
  }
  func.func @transform_6(%arg0: i32, %arg1: i32) -> (i32, i32, i32) {
    %c0_i32 = arith.constant 0 : i32
    %c0_i32_0 = arith.constant 0 : i32
    %c0_i32_1 = arith.constant 0 : i32
    return %arg0, %c0_i32, %c0_i32_0 : i32, i32, i32
  }
  func.func @transform_7(%arg0: i32, %arg1: i32) -> (i32, i32, i32) {
    %c0_i32 = arith.constant 0 : i32
    %c0_i32_0 = arith.constant 0 : i32
    %c0_i32_1 = arith.constant 0 : i32
    return %arg0, %c0_i32, %c0_i32_0 : i32, i32, i32
  }
  func.func @transform_8(%arg0: i32, %arg1: i32) -> (i32, i32, i32) {
    %c0_i32 = arith.constant 0 : i32
    %c0_i32_0 = arith.constant 0 : i32
    return %arg0, %arg1, %c0_i32 : i32, i32, i32
  }
  func.func @transform_9(%arg0: i32, %arg1: i32) -> (i32, i32, i32) {
    %c0_i32 = arith.constant 0 : i32
    %c0_i32_0 = arith.constant 0 : i32
    %c0_i32_1 = arith.constant 0 : i32
    return %arg0, %c0_i32, %c0_i32_0 : i32, i32, i32
  }
  func.func @transform_10(%arg0: i32, %arg1: i32) -> (i32, i32, i32) {
    %c0_i32 = arith.constant 0 : i32
    %c0_i32_0 = arith.constant 0 : i32
    %c0_i32_1 = arith.constant 0 : i32
    return %arg0, %c0_i32, %c0_i32_0 : i32, i32, i32
  }
  func.func @transform_11(%arg0: i32, %arg1: i32) -> (i32, i32, i32) {
    %c0_i32 = arith.constant 0 : i32
    %c0_i32_0 = arith.constant 0 : i32
    %c0_i32_1 = arith.constant 0 : i32
    return %arg0, %c0_i32, %c0_i32_0 : i32, i32, i32
  }
  func.func @transform_12(%arg0: i32, %arg1: i32) -> (i32, i32) {
    %c0_i32 = arith.constant 0 : i32
    %c0_i32_0 = arith.constant 0 : i32
    %c0_i32_1 = arith.constant 0 : i32
    return %c0_i32, %c0_i32_0 : i32, i32
  }
  func.func @transform_13(%arg0: i32, %arg1: i32) -> (i32, i32) {
    %c0_i32 = arith.constant 0 : i32
    %c0_i32_0 = arith.constant 0 : i32
    %c0_i32_1 = arith.constant 0 : i32
    return %c0_i32, %c0_i32_0 : i32, i32
  }
  func.func @transform_14(%arg0: i32, %arg1: i32) -> (i32, i32) {
    %c0_i32 = arith.constant 0 : i32
    %c0_i32_0 = arith.constant 0 : i32
    %c0_i32_1 = arith.constant 0 : i32
    return %c0_i32, %c0_i32_0 : i32, i32
  }
  func.func @transform_15(%arg0: i32, %arg1: i32) -> (i32, i32) {
    %c0_i32 = arith.constant 0 : i32
    %c0_i32_0 = arith.constant 0 : i32
    %c0_i32_1 = arith.constant 0 : i32
    return %c0_i32, %c0_i32_0 : i32, i32
  }
  func.func @transform_16(%arg0: i32, %arg1: i32) -> (i32, i32) {
    %c0_i32 = arith.constant 0 : i32
    %c0_i32_0 = arith.constant 0 : i32
    %c0_i32_1 = arith.constant 0 : i32
    return %c0_i32, %c0_i32_0 : i32, i32
  }
  func.func @transform_17(%arg0: i32, %arg1: i32) -> (i32, i32) {
    %c0_i32 = arith.constant 0 : i32
    %c0_i32_0 = arith.constant 0 : i32
    %c0_i32_1 = arith.constant 0 : i32
    return %c0_i32, %c0_i32_0 : i32, i32
  }
  func.func @transform_18(%arg0: i32, %arg1: i32) -> (i32, i32) {
    %c0_i32 = arith.constant 0 : i32
    %c0_i32_0 = arith.constant 0 : i32
    %c0_i32_1 = arith.constant 0 : i32
    return %c0_i32, %c0_i32_0 : i32, i32
  }
  func.func @transform_19(%arg0: i32, %arg1: i32) -> (i32, i32) {
    %c0_i32 = arith.constant 0 : i32
    %c0_i32_0 = arith.constant 0 : i32
    %c0_i32_1 = arith.constant 0 : i32
    return %c0_i32, %c0_i32_0 : i32, i32
  }
  func.func @transform_20(%arg0: i32, %arg1: i32) -> (i32, i32, i32) {
    %c0_i32 = arith.constant 0 : i32
    %c0_i32_0 = arith.constant 0 : i32
    return %arg0, %arg1, %c0_i32 : i32, i32, i32
  }
}

module attributes {stable_mosaic.version = 14 : i64} {
  func.func @_knn_kernel(%arg0: i32, %arg1: i32, %arg2: memref<1x64x3xf32, #tpu.memory_space<vmem>>, %arg3: memref<1x3x256xf32, #tpu.memory_space<vmem>>, %arg4: memref<1x64x1xf32, #tpu.memory_space<vmem>>, %arg5: memref<1x1x256xf32, #tpu.memory_space<vmem>>, %arg6: memref<1x64x16xi32, #tpu.memory_space<vmem>>) attributes {dimension_semantics = [#tpu.dimension_semantics<parallel>, #tpu.dimension_semantics<arbitrary>], iteration_bounds = array<i64: 8, 1>, scalar_prefetch = 0 : i64, scratch_operands = 0 : i64, tpu.core_type = #tpu.core_type<tc>, window_params = [{transform_indices = @transform_0, window_bounds = array<i64: 1, 64, 3>}, {transform_indices = @transform_1, window_bounds = array<i64: 1, 3, 256>}, {transform_indices = @transform_2, window_bounds = array<i64: 1, 64, 1>}, {transform_indices = @transform_3, window_bounds = array<i64: 1, 1, 256>}, {transform_indices = @transform_4, window_bounds = array<i64: 1, 64, 16>}]} {
    %get3A = arith.constant 0 : index
    %get3A_0 = arith.constant 0 : index
    %get3A_1 = arith.constant 0 : index
    %get3A_2 = vector.load %arg2[%get3A, %get3A_0, %get3A_1] : memref<1x64x3xf32, #tpu.memory_space<vmem>>, vector<1x64x3xf32>
    %get3A_3 = vector.shape_cast %get3A_2 : vector<1x64x3xf32> to vector<64x3xf32>
    %get3A_4 = arith.constant 0 : index
    %get3A_5 = arith.constant 0 : index
    %get3A_6 = arith.constant 0 : index
    %get3A_7 = vector.load %arg3[%get3A_4, %get3A_5, %get3A_6] : memref<1x3x256xf32, #tpu.memory_space<vmem>>, vector<1x3x256xf32>
    %get3A_8 = vector.shape_cast %get3A_7 : vector<1x3x256xf32> to vector<3x256xf32>
    %dot_general3A = arith.constant dense<0.000000e+00> : vector<64x256xf32>
    %dot_general3A_9 = tpu.matmul %get3A_3, %get3A_8, %dot_general3A {dimension_numbers = #tpu.dot_dimension_numbers<[1], [0], [0], [1], [0, 0, 1, 1], [], []>, transpose_lhs_hint = false} : vector<64x3xf32>, vector<3x256xf32>, vector<64x256xf32> -> vector<64x256xf32>
    %mul3A = arith.constant -2.000000e+00 : f32
    %mul3A_10 = vector.broadcast %mul3A : f32 to vector<64x256xf32>
    %mul3A_11 = arith.mulf %mul3A_10, %dot_general3A_9 : vector<64x256xf32>
    %get3A_12 = arith.constant 0 : index
    %get3A_13 = arith.constant 0 : index
    %get3A_14 = arith.constant 0 : index
    %get3A_15 = vector.load %arg4[%get3A_12, %get3A_13, %get3A_14] : memref<1x64x1xf32, #tpu.memory_space<vmem>>, vector<1x64x1xf32>
    %get3A_16 = vector.shape_cast %get3A_15 : vector<1x64x1xf32> to vector<64x1xf32>
    %add3A = vector.broadcast %get3A_16 : vector<64x1xf32> to vector<64x256xf32>
    %add3A_17 = arith.addf %mul3A_11, %add3A : vector<64x256xf32>
    %get3A_18 = arith.constant 0 : index
    %get3A_19 = arith.constant 0 : index
    %get3A_20 = arith.constant 0 : index
    %get3A_21 = vector.load %arg5[%get3A_18, %get3A_19, %get3A_20] : memref<1x1x256xf32, #tpu.memory_space<vmem>>, vector<1x1x256xf32>
    %get3A_22 = vector.shape_cast %get3A_21 : vector<1x1x256xf32> to vector<1x256xf32>
    %add3A_23 = vector.broadcast %get3A_22 : vector<1x256xf32> to vector<64x256xf32>
    %add3A_24 = arith.addf %add3A_17, %add3A_23 : vector<64x256xf32>
    %iota3A = tpu.iota {dimensions = array<i32: 1>} : vector<64x256xi32>
    %reduce_min3A = arith.constant dense<0x7F800000> : vector<64xf32>
    %reduce_min3A_25 = vector.multi_reduction <minimumf>, %add3A_24, %reduce_min3A [1] : vector<64x256xf32> to vector<64xf32>
    %broadcast_in_dim3A = vector.shape_cast %reduce_min3A_25 : vector<64xf32> to vector<64x1xf32>
    %eq3A = vector.broadcast %broadcast_in_dim3A : vector<64x1xf32> to vector<64x256xf32>
    %eq3A_26 = arith.cmpf oeq, %add3A_24, %eq3A : vector<64x256xf32>
    %jit3A = arith.constant 1073741824 : i32
    %broadcast_in_dim3A_27 = vector.broadcast %jit3A : i32 to vector<64x256xi32>
    %select_n3A = arith.select %eq3A_26, %iota3A, %broadcast_in_dim3A_27 : vector<64x256xi1>, vector<64x256xi32>
    %reduce_min3A_28 = arith.constant dense<2147483647> : vector<64xi32>
    %reduce_min3A_29 = vector.multi_reduction <minsi>, %select_n3A, %reduce_min3A_28 [1] : vector<64x256xi32> to vector<64xi32>
    %broadcast_in_dim3A_30 = vector.shape_cast %reduce_min3A_29 : vector<64xi32> to vector<64x1xi32>
    %eq3A_31 = vector.broadcast %broadcast_in_dim3A_30 : vector<64x1xi32> to vector<64x256xi32>
    %eq3A_32 = arith.cmpi eq, %iota3A, %eq3A_31 : vector<64x256xi32>
    %jit3A_33 = arith.constant 0x7F800000 : f32
    %broadcast_in_dim3A_34 = vector.broadcast %jit3A_33 : f32 to vector<64x256xf32>
    %select_n3A_35 = arith.select %eq3A_32, %broadcast_in_dim3A_34, %add3A_24 : vector<64x256xi1>, vector<64x256xf32>
    %reduce_min3A_36 = arith.constant dense<0x7F800000> : vector<64xf32>
    %reduce_min3A_37 = vector.multi_reduction <minimumf>, %select_n3A_35, %reduce_min3A_36 [1] : vector<64x256xf32> to vector<64xf32>
    %broadcast_in_dim3A_38 = vector.shape_cast %reduce_min3A_37 : vector<64xf32> to vector<64x1xf32>
    %eq3A_39 = vector.broadcast %broadcast_in_dim3A_38 : vector<64x1xf32> to vector<64x256xf32>
    %eq3A_40 = arith.cmpf oeq, %select_n3A_35, %eq3A_39 : vector<64x256xf32>
    %jit3A_41 = arith.constant 1073741824 : i32
    %broadcast_in_dim3A_42 = vector.broadcast %jit3A_41 : i32 to vector<64x256xi32>
    %select_n3A_43 = arith.select %eq3A_40, %iota3A, %broadcast_in_dim3A_42 : vector<64x256xi1>, vector<64x256xi32>
    %reduce_min3A_44 = arith.constant dense<2147483647> : vector<64xi32>
    %reduce_min3A_45 = vector.multi_reduction <minsi>, %select_n3A_43, %reduce_min3A_44 [1] : vector<64x256xi32> to vector<64xi32>
    %broadcast_in_dim3A_46 = vector.shape_cast %reduce_min3A_45 : vector<64xi32> to vector<64x1xi32>
    %eq3A_47 = vector.broadcast %broadcast_in_dim3A_46 : vector<64x1xi32> to vector<64x256xi32>
    %eq3A_48 = arith.cmpi eq, %iota3A, %eq3A_47 : vector<64x256xi32>
    %jit3A_49 = arith.constant 0x7F800000 : f32
    %broadcast_in_dim3A_50 = vector.broadcast %jit3A_49 : f32 to vector<64x256xf32>
    %select_n3A_51 = arith.select %eq3A_48, %broadcast_in_dim3A_50, %select_n3A_35 : vector<64x256xi1>, vector<64x256xf32>
    %reduce_min3A_52 = arith.constant dense<0x7F800000> : vector<64xf32>
    %reduce_min3A_53 = vector.multi_reduction <minimumf>, %select_n3A_51, %reduce_min3A_52 [1] : vector<64x256xf32> to vector<64xf32>
    %broadcast_in_dim3A_54 = vector.shape_cast %reduce_min3A_53 : vector<64xf32> to vector<64x1xf32>
    %eq3A_55 = vector.broadcast %broadcast_in_dim3A_54 : vector<64x1xf32> to vector<64x256xf32>
    %eq3A_56 = arith.cmpf oeq, %select_n3A_51, %eq3A_55 : vector<64x256xf32>
    %jit3A_57 = arith.constant 1073741824 : i32
    %broadcast_in_dim3A_58 = vector.broadcast %jit3A_57 : i32 to vector<64x256xi32>
    %select_n3A_59 = arith.select %eq3A_56, %iota3A, %broadcast_in_dim3A_58 : vector<64x256xi1>, vector<64x256xi32>
    %reduce_min3A_60 = arith.constant dense<2147483647> : vector<64xi32>
    %reduce_min3A_61 = vector.multi_reduction <minsi>, %select_n3A_59, %reduce_min3A_60 [1] : vector<64x256xi32> to vector<64xi32>
    %broadcast_in_dim3A_62 = vector.shape_cast %reduce_min3A_61 : vector<64xi32> to vector<64x1xi32>
    %eq3A_63 = vector.broadcast %broadcast_in_dim3A_62 : vector<64x1xi32> to vector<64x256xi32>
    %eq3A_64 = arith.cmpi eq, %iota3A, %eq3A_63 : vector<64x256xi32>
    %jit3A_65 = arith.constant 0x7F800000 : f32
    %broadcast_in_dim3A_66 = vector.broadcast %jit3A_65 : f32 to vector<64x256xf32>
    %select_n3A_67 = arith.select %eq3A_64, %broadcast_in_dim3A_66, %select_n3A_51 : vector<64x256xi1>, vector<64x256xf32>
    %reduce_min3A_68 = arith.constant dense<0x7F800000> : vector<64xf32>
    %reduce_min3A_69 = vector.multi_reduction <minimumf>, %select_n3A_67, %reduce_min3A_68 [1] : vector<64x256xf32> to vector<64xf32>
    %broadcast_in_dim3A_70 = vector.shape_cast %reduce_min3A_69 : vector<64xf32> to vector<64x1xf32>
    %eq3A_71 = vector.broadcast %broadcast_in_dim3A_70 : vector<64x1xf32> to vector<64x256xf32>
    %eq3A_72 = arith.cmpf oeq, %select_n3A_67, %eq3A_71 : vector<64x256xf32>
    %jit3A_73 = arith.constant 1073741824 : i32
    %broadcast_in_dim3A_74 = vector.broadcast %jit3A_73 : i32 to vector<64x256xi32>
    %select_n3A_75 = arith.select %eq3A_72, %iota3A, %broadcast_in_dim3A_74 : vector<64x256xi1>, vector<64x256xi32>
    %reduce_min3A_76 = arith.constant dense<2147483647> : vector<64xi32>
    %reduce_min3A_77 = vector.multi_reduction <minsi>, %select_n3A_75, %reduce_min3A_76 [1] : vector<64x256xi32> to vector<64xi32>
    %broadcast_in_dim3A_78 = vector.shape_cast %reduce_min3A_77 : vector<64xi32> to vector<64x1xi32>
    %eq3A_79 = vector.broadcast %broadcast_in_dim3A_78 : vector<64x1xi32> to vector<64x256xi32>
    %eq3A_80 = arith.cmpi eq, %iota3A, %eq3A_79 : vector<64x256xi32>
    %jit3A_81 = arith.constant 0x7F800000 : f32
    %broadcast_in_dim3A_82 = vector.broadcast %jit3A_81 : f32 to vector<64x256xf32>
    %select_n3A_83 = arith.select %eq3A_80, %broadcast_in_dim3A_82, %select_n3A_67 : vector<64x256xi1>, vector<64x256xf32>
    %reduce_min3A_84 = arith.constant dense<0x7F800000> : vector<64xf32>
    %reduce_min3A_85 = vector.multi_reduction <minimumf>, %select_n3A_83, %reduce_min3A_84 [1] : vector<64x256xf32> to vector<64xf32>
    %broadcast_in_dim3A_86 = vector.shape_cast %reduce_min3A_85 : vector<64xf32> to vector<64x1xf32>
    %eq3A_87 = vector.broadcast %broadcast_in_dim3A_86 : vector<64x1xf32> to vector<64x256xf32>
    %eq3A_88 = arith.cmpf oeq, %select_n3A_83, %eq3A_87 : vector<64x256xf32>
    %jit3A_89 = arith.constant 1073741824 : i32
    %broadcast_in_dim3A_90 = vector.broadcast %jit3A_89 : i32 to vector<64x256xi32>
    %select_n3A_91 = arith.select %eq3A_88, %iota3A, %broadcast_in_dim3A_90 : vector<64x256xi1>, vector<64x256xi32>
    %reduce_min3A_92 = arith.constant dense<2147483647> : vector<64xi32>
    %reduce_min3A_93 = vector.multi_reduction <minsi>, %select_n3A_91, %reduce_min3A_92 [1] : vector<64x256xi32> to vector<64xi32>
    %broadcast_in_dim3A_94 = vector.shape_cast %reduce_min3A_93 : vector<64xi32> to vector<64x1xi32>
    %eq3A_95 = vector.broadcast %broadcast_in_dim3A_94 : vector<64x1xi32> to vector<64x256xi32>
    %eq3A_96 = arith.cmpi eq, %iota3A, %eq3A_95 : vector<64x256xi32>
    %jit3A_97 = arith.constant 0x7F800000 : f32
    %broadcast_in_dim3A_98 = vector.broadcast %jit3A_97 : f32 to vector<64x256xf32>
    %select_n3A_99 = arith.select %eq3A_96, %broadcast_in_dim3A_98, %select_n3A_83 : vector<64x256xi1>, vector<64x256xf32>
    %reduce_min3A_100 = arith.constant dense<0x7F800000> : vector<64xf32>
    %reduce_min3A_101 = vector.multi_reduction <minimumf>, %select_n3A_99, %reduce_min3A_100 [1] : vector<64x256xf32> to vector<64xf32>
    %broadcast_in_dim3A_102 = vector.shape_cast %reduce_min3A_101 : vector<64xf32> to vector<64x1xf32>
    %eq3A_103 = vector.broadcast %broadcast_in_dim3A_102 : vector<64x1xf32> to vector<64x256xf32>
    %eq3A_104 = arith.cmpf oeq, %select_n3A_99, %eq3A_103 : vector<64x256xf32>
    %jit3A_105 = arith.constant 1073741824 : i32
    %broadcast_in_dim3A_106 = vector.broadcast %jit3A_105 : i32 to vector<64x256xi32>
    %select_n3A_107 = arith.select %eq3A_104, %iota3A, %broadcast_in_dim3A_106 : vector<64x256xi1>, vector<64x256xi32>
    %reduce_min3A_108 = arith.constant dense<2147483647> : vector<64xi32>
    %reduce_min3A_109 = vector.multi_reduction <minsi>, %select_n3A_107, %reduce_min3A_108 [1] : vector<64x256xi32> to vector<64xi32>
    %broadcast_in_dim3A_110 = vector.shape_cast %reduce_min3A_109 : vector<64xi32> to vector<64x1xi32>
    %eq3A_111 = vector.broadcast %broadcast_in_dim3A_110 : vector<64x1xi32> to vector<64x256xi32>
    %eq3A_112 = arith.cmpi eq, %iota3A, %eq3A_111 : vector<64x256xi32>
    %jit3A_113 = arith.constant 0x7F800000 : f32
    %broadcast_in_dim3A_114 = vector.broadcast %jit3A_113 : f32 to vector<64x256xf32>
    %select_n3A_115 = arith.select %eq3A_112, %broadcast_in_dim3A_114, %select_n3A_99 : vector<64x256xi1>, vector<64x256xf32>
    %reduce_min3A_116 = arith.constant dense<0x7F800000> : vector<64xf32>
    %reduce_min3A_117 = vector.multi_reduction <minimumf>, %select_n3A_115, %reduce_min3A_116 [1] : vector<64x256xf32> to vector<64xf32>
    %broadcast_in_dim3A_118 = vector.shape_cast %reduce_min3A_117 : vector<64xf32> to vector<64x1xf32>
    %eq3A_119 = vector.broadcast %broadcast_in_dim3A_118 : vector<64x1xf32> to vector<64x256xf32>
    %eq3A_120 = arith.cmpf oeq, %select_n3A_115, %eq3A_119 : vector<64x256xf32>
    %jit3A_121 = arith.constant 1073741824 : i32
    %broadcast_in_dim3A_122 = vector.broadcast %jit3A_121 : i32 to vector<64x256xi32>
    %select_n3A_123 = arith.select %eq3A_120, %iota3A, %broadcast_in_dim3A_122 : vector<64x256xi1>, vector<64x256xi32>
    %reduce_min3A_124 = arith.constant dense<2147483647> : vector<64xi32>
    %reduce_min3A_125 = vector.multi_reduction <minsi>, %select_n3A_123, %reduce_min3A_124 [1] : vector<64x256xi32> to vector<64xi32>
    %broadcast_in_dim3A_126 = vector.shape_cast %reduce_min3A_125 : vector<64xi32> to vector<64x1xi32>
    %eq3A_127 = vector.broadcast %broadcast_in_dim3A_126 : vector<64x1xi32> to vector<64x256xi32>
    %eq3A_128 = arith.cmpi eq, %iota3A, %eq3A_127 : vector<64x256xi32>
    %jit3A_129 = arith.constant 0x7F800000 : f32
    %broadcast_in_dim3A_130 = vector.broadcast %jit3A_129 : f32 to vector<64x256xf32>
    %select_n3A_131 = arith.select %eq3A_128, %broadcast_in_dim3A_130, %select_n3A_115 : vector<64x256xi1>, vector<64x256xf32>
    %reduce_min3A_132 = arith.constant dense<0x7F800000> : vector<64xf32>
    %reduce_min3A_133 = vector.multi_reduction <minimumf>, %select_n3A_131, %reduce_min3A_132 [1] : vector<64x256xf32> to vector<64xf32>
    %broadcast_in_dim3A_134 = vector.shape_cast %reduce_min3A_133 : vector<64xf32> to vector<64x1xf32>
    %eq3A_135 = vector.broadcast %broadcast_in_dim3A_134 : vector<64x1xf32> to vector<64x256xf32>
    %eq3A_136 = arith.cmpf oeq, %select_n3A_131, %eq3A_135 : vector<64x256xf32>
    %jit3A_137 = arith.constant 1073741824 : i32
    %broadcast_in_dim3A_138 = vector.broadcast %jit3A_137 : i32 to vector<64x256xi32>
    %select_n3A_139 = arith.select %eq3A_136, %iota3A, %broadcast_in_dim3A_138 : vector<64x256xi1>, vector<64x256xi32>
    %reduce_min3A_140 = arith.constant dense<2147483647> : vector<64xi32>
    %reduce_min3A_141 = vector.multi_reduction <minsi>, %select_n3A_139, %reduce_min3A_140 [1] : vector<64x256xi32> to vector<64xi32>
    %broadcast_in_dim3A_142 = vector.shape_cast %reduce_min3A_141 : vector<64xi32> to vector<64x1xi32>
    %eq3A_143 = vector.broadcast %broadcast_in_dim3A_142 : vector<64x1xi32> to vector<64x256xi32>
    %eq3A_144 = arith.cmpi eq, %iota3A, %eq3A_143 : vector<64x256xi32>
    %jit3A_145 = arith.constant 0x7F800000 : f32
    %broadcast_in_dim3A_146 = vector.broadcast %jit3A_145 : f32 to vector<64x256xf32>
    %select_n3A_147 = arith.select %eq3A_144, %broadcast_in_dim3A_146, %select_n3A_131 : vector<64x256xi1>, vector<64x256xf32>
    %reduce_min3A_148 = arith.constant dense<0x7F800000> : vector<64xf32>
    %reduce_min3A_149 = vector.multi_reduction <minimumf>, %select_n3A_147, %reduce_min3A_148 [1] : vector<64x256xf32> to vector<64xf32>
    %broadcast_in_dim3A_150 = vector.shape_cast %reduce_min3A_149 : vector<64xf32> to vector<64x1xf32>
    %eq3A_151 = vector.broadcast %broadcast_in_dim3A_150 : vector<64x1xf32> to vector<64x256xf32>
    %eq3A_152 = arith.cmpf oeq, %select_n3A_147, %eq3A_151 : vector<64x256xf32>
    %jit3A_153 = arith.constant 1073741824 : i32
    %broadcast_in_dim3A_154 = vector.broadcast %jit3A_153 : i32 to vector<64x256xi32>
    %select_n3A_155 = arith.select %eq3A_152, %iota3A, %broadcast_in_dim3A_154 : vector<64x256xi1>, vector<64x256xi32>
    %reduce_min3A_156 = arith.constant dense<2147483647> : vector<64xi32>
    %reduce_min3A_157 = vector.multi_reduction <minsi>, %select_n3A_155, %reduce_min3A_156 [1] : vector<64x256xi32> to vector<64xi32>
    %broadcast_in_dim3A_158 = vector.shape_cast %reduce_min3A_157 : vector<64xi32> to vector<64x1xi32>
    %eq3A_159 = vector.broadcast %broadcast_in_dim3A_158 : vector<64x1xi32> to vector<64x256xi32>
    %eq3A_160 = arith.cmpi eq, %iota3A, %eq3A_159 : vector<64x256xi32>
    %jit3A_161 = arith.constant 0x7F800000 : f32
    %broadcast_in_dim3A_162 = vector.broadcast %jit3A_161 : f32 to vector<64x256xf32>
    %select_n3A_163 = arith.select %eq3A_160, %broadcast_in_dim3A_162, %select_n3A_147 : vector<64x256xi1>, vector<64x256xf32>
    %reduce_min3A_164 = arith.constant dense<0x7F800000> : vector<64xf32>
    %reduce_min3A_165 = vector.multi_reduction <minimumf>, %select_n3A_163, %reduce_min3A_164 [1] : vector<64x256xf32> to vector<64xf32>
    %broadcast_in_dim3A_166 = vector.shape_cast %reduce_min3A_165 : vector<64xf32> to vector<64x1xf32>
    %eq3A_167 = vector.broadcast %broadcast_in_dim3A_166 : vector<64x1xf32> to vector<64x256xf32>
    %eq3A_168 = arith.cmpf oeq, %select_n3A_163, %eq3A_167 : vector<64x256xf32>
    %jit3A_169 = arith.constant 1073741824 : i32
    %broadcast_in_dim3A_170 = vector.broadcast %jit3A_169 : i32 to vector<64x256xi32>
    %select_n3A_171 = arith.select %eq3A_168, %iota3A, %broadcast_in_dim3A_170 : vector<64x256xi1>, vector<64x256xi32>
    %reduce_min3A_172 = arith.constant dense<2147483647> : vector<64xi32>
    %reduce_min3A_173 = vector.multi_reduction <minsi>, %select_n3A_171, %reduce_min3A_172 [1] : vector<64x256xi32> to vector<64xi32>
    %broadcast_in_dim3A_174 = vector.shape_cast %reduce_min3A_173 : vector<64xi32> to vector<64x1xi32>
    %eq3A_175 = vector.broadcast %broadcast_in_dim3A_174 : vector<64x1xi32> to vector<64x256xi32>
    %eq3A_176 = arith.cmpi eq, %iota3A, %eq3A_175 : vector<64x256xi32>
    %jit3A_177 = arith.constant 0x7F800000 : f32
    %broadcast_in_dim3A_178 = vector.broadcast %jit3A_177 : f32 to vector<64x256xf32>
    %select_n3A_179 = arith.select %eq3A_176, %broadcast_in_dim3A_178, %select_n3A_163 : vector<64x256xi1>, vector<64x256xf32>
    %reduce_min3A_180 = arith.constant dense<0x7F800000> : vector<64xf32>
    %reduce_min3A_181 = vector.multi_reduction <minimumf>, %select_n3A_179, %reduce_min3A_180 [1] : vector<64x256xf32> to vector<64xf32>
    %broadcast_in_dim3A_182 = vector.shape_cast %reduce_min3A_181 : vector<64xf32> to vector<64x1xf32>
    %eq3A_183 = vector.broadcast %broadcast_in_dim3A_182 : vector<64x1xf32> to vector<64x256xf32>
    %eq3A_184 = arith.cmpf oeq, %select_n3A_179, %eq3A_183 : vector<64x256xf32>
    %jit3A_185 = arith.constant 1073741824 : i32
    %broadcast_in_dim3A_186 = vector.broadcast %jit3A_185 : i32 to vector<64x256xi32>
    %select_n3A_187 = arith.select %eq3A_184, %iota3A, %broadcast_in_dim3A_186 : vector<64x256xi1>, vector<64x256xi32>
    %reduce_min3A_188 = arith.constant dense<2147483647> : vector<64xi32>
    %reduce_min3A_189 = vector.multi_reduction <minsi>, %select_n3A_187, %reduce_min3A_188 [1] : vector<64x256xi32> to vector<64xi32>
    %broadcast_in_dim3A_190 = vector.shape_cast %reduce_min3A_189 : vector<64xi32> to vector<64x1xi32>
    %eq3A_191 = vector.broadcast %broadcast_in_dim3A_190 : vector<64x1xi32> to vector<64x256xi32>
    %eq3A_192 = arith.cmpi eq, %iota3A, %eq3A_191 : vector<64x256xi32>
    %jit3A_193 = arith.constant 0x7F800000 : f32
    %broadcast_in_dim3A_194 = vector.broadcast %jit3A_193 : f32 to vector<64x256xf32>
    %select_n3A_195 = arith.select %eq3A_192, %broadcast_in_dim3A_194, %select_n3A_179 : vector<64x256xi1>, vector<64x256xf32>
    %reduce_min3A_196 = arith.constant dense<0x7F800000> : vector<64xf32>
    %reduce_min3A_197 = vector.multi_reduction <minimumf>, %select_n3A_195, %reduce_min3A_196 [1] : vector<64x256xf32> to vector<64xf32>
    %broadcast_in_dim3A_198 = vector.shape_cast %reduce_min3A_197 : vector<64xf32> to vector<64x1xf32>
    %eq3A_199 = vector.broadcast %broadcast_in_dim3A_198 : vector<64x1xf32> to vector<64x256xf32>
    %eq3A_200 = arith.cmpf oeq, %select_n3A_195, %eq3A_199 : vector<64x256xf32>
    %jit3A_201 = arith.constant 1073741824 : i32
    %broadcast_in_dim3A_202 = vector.broadcast %jit3A_201 : i32 to vector<64x256xi32>
    %select_n3A_203 = arith.select %eq3A_200, %iota3A, %broadcast_in_dim3A_202 : vector<64x256xi1>, vector<64x256xi32>
    %reduce_min3A_204 = arith.constant dense<2147483647> : vector<64xi32>
    %reduce_min3A_205 = vector.multi_reduction <minsi>, %select_n3A_203, %reduce_min3A_204 [1] : vector<64x256xi32> to vector<64xi32>
    %broadcast_in_dim3A_206 = vector.shape_cast %reduce_min3A_205 : vector<64xi32> to vector<64x1xi32>
    %eq3A_207 = vector.broadcast %broadcast_in_dim3A_206 : vector<64x1xi32> to vector<64x256xi32>
    %eq3A_208 = arith.cmpi eq, %iota3A, %eq3A_207 : vector<64x256xi32>
    %jit3A_209 = arith.constant 0x7F800000 : f32
    %broadcast_in_dim3A_210 = vector.broadcast %jit3A_209 : f32 to vector<64x256xf32>
    %select_n3A_211 = arith.select %eq3A_208, %broadcast_in_dim3A_210, %select_n3A_195 : vector<64x256xi1>, vector<64x256xf32>
    %reduce_min3A_212 = arith.constant dense<0x7F800000> : vector<64xf32>
    %reduce_min3A_213 = vector.multi_reduction <minimumf>, %select_n3A_211, %reduce_min3A_212 [1] : vector<64x256xf32> to vector<64xf32>
    %broadcast_in_dim3A_214 = vector.shape_cast %reduce_min3A_213 : vector<64xf32> to vector<64x1xf32>
    %eq3A_215 = vector.broadcast %broadcast_in_dim3A_214 : vector<64x1xf32> to vector<64x256xf32>
    %eq3A_216 = arith.cmpf oeq, %select_n3A_211, %eq3A_215 : vector<64x256xf32>
    %jit3A_217 = arith.constant 1073741824 : i32
    %broadcast_in_dim3A_218 = vector.broadcast %jit3A_217 : i32 to vector<64x256xi32>
    %select_n3A_219 = arith.select %eq3A_216, %iota3A, %broadcast_in_dim3A_218 : vector<64x256xi1>, vector<64x256xi32>
    %reduce_min3A_220 = arith.constant dense<2147483647> : vector<64xi32>
    %reduce_min3A_221 = vector.multi_reduction <minsi>, %select_n3A_219, %reduce_min3A_220 [1] : vector<64x256xi32> to vector<64xi32>
    %broadcast_in_dim3A_222 = vector.shape_cast %reduce_min3A_221 : vector<64xi32> to vector<64x1xi32>
    %eq3A_223 = vector.broadcast %broadcast_in_dim3A_222 : vector<64x1xi32> to vector<64x256xi32>
    %eq3A_224 = arith.cmpi eq, %iota3A, %eq3A_223 : vector<64x256xi32>
    %jit3A_225 = arith.constant 0x7F800000 : f32
    %broadcast_in_dim3A_226 = vector.broadcast %jit3A_225 : f32 to vector<64x256xf32>
    %select_n3A_227 = arith.select %eq3A_224, %broadcast_in_dim3A_226, %select_n3A_211 : vector<64x256xi1>, vector<64x256xf32>
    %reduce_min3A_228 = arith.constant dense<0x7F800000> : vector<64xf32>
    %reduce_min3A_229 = vector.multi_reduction <minimumf>, %select_n3A_227, %reduce_min3A_228 [1] : vector<64x256xf32> to vector<64xf32>
    %broadcast_in_dim3A_230 = vector.shape_cast %reduce_min3A_229 : vector<64xf32> to vector<64x1xf32>
    %eq3A_231 = vector.broadcast %broadcast_in_dim3A_230 : vector<64x1xf32> to vector<64x256xf32>
    %eq3A_232 = arith.cmpf oeq, %select_n3A_227, %eq3A_231 : vector<64x256xf32>
    %jit3A_233 = arith.constant 1073741824 : i32
    %broadcast_in_dim3A_234 = vector.broadcast %jit3A_233 : i32 to vector<64x256xi32>
    %select_n3A_235 = arith.select %eq3A_232, %iota3A, %broadcast_in_dim3A_234 : vector<64x256xi1>, vector<64x256xi32>
    %reduce_min3A_236 = arith.constant dense<2147483647> : vector<64xi32>
    %reduce_min3A_237 = vector.multi_reduction <minsi>, %select_n3A_235, %reduce_min3A_236 [1] : vector<64x256xi32> to vector<64xi32>
    %broadcast_in_dim3A_238 = vector.shape_cast %reduce_min3A_237 : vector<64xi32> to vector<64x1xi32>
    %eq3A_239 = vector.broadcast %broadcast_in_dim3A_238 : vector<64x1xi32> to vector<64x256xi32>
    %eq3A_240 = arith.cmpi eq, %iota3A, %eq3A_239 : vector<64x256xi32>
    %jit3A_241 = arith.constant 0x7F800000 : f32
    %broadcast_in_dim3A_242 = vector.broadcast %jit3A_241 : f32 to vector<64x256xf32>
    %select_n3A_243 = arith.select %eq3A_240, %broadcast_in_dim3A_242, %select_n3A_227 : vector<64x256xi1>, vector<64x256xf32>
    %reduce_min3A_244 = arith.constant dense<0x7F800000> : vector<64xf32>
    %reduce_min3A_245 = vector.multi_reduction <minimumf>, %select_n3A_243, %reduce_min3A_244 [1] : vector<64x256xf32> to vector<64xf32>
    %broadcast_in_dim3A_246 = vector.shape_cast %reduce_min3A_245 : vector<64xf32> to vector<64x1xf32>
    %eq3A_247 = vector.broadcast %broadcast_in_dim3A_246 : vector<64x1xf32> to vector<64x256xf32>
    %eq3A_248 = arith.cmpf oeq, %select_n3A_243, %eq3A_247 : vector<64x256xf32>
    %jit3A_249 = arith.constant 1073741824 : i32
    %broadcast_in_dim3A_250 = vector.broadcast %jit3A_249 : i32 to vector<64x256xi32>
    %select_n3A_251 = arith.select %eq3A_248, %iota3A, %broadcast_in_dim3A_250 : vector<64x256xi1>, vector<64x256xi32>
    %reduce_min3A_252 = arith.constant dense<2147483647> : vector<64xi32>
    %reduce_min3A_253 = vector.multi_reduction <minsi>, %select_n3A_251, %reduce_min3A_252 [1] : vector<64x256xi32> to vector<64xi32>
    %broadcast_in_dim3A_254 = vector.shape_cast %reduce_min3A_253 : vector<64xi32> to vector<64x1xi32>
    %eq3A_255 = vector.broadcast %broadcast_in_dim3A_254 : vector<64x1xi32> to vector<64x256xi32>
    %eq3A_256 = arith.cmpi eq, %iota3A, %eq3A_255 : vector<64x256xi32>
    %jit3A_257 = arith.constant 0x7F800000 : f32
    %broadcast_in_dim3A_258 = vector.broadcast %jit3A_257 : f32 to vector<64x256xf32>
    %select_n3A_259 = arith.select %eq3A_256, %broadcast_in_dim3A_258, %select_n3A_243 : vector<64x256xi1>, vector<64x256xf32>
    %reduce_min3A_260 = arith.constant dense<0x7F800000> : vector<64xf32>
    %reduce_min3A_261 = vector.multi_reduction <minimumf>, %select_n3A_259, %reduce_min3A_260 [1] : vector<64x256xf32> to vector<64xf32>
    %broadcast_in_dim3A_262 = vector.shape_cast %reduce_min3A_261 : vector<64xf32> to vector<64x1xf32>
    %eq3A_263 = vector.broadcast %broadcast_in_dim3A_262 : vector<64x1xf32> to vector<64x256xf32>
    %eq3A_264 = arith.cmpf oeq, %select_n3A_259, %eq3A_263 : vector<64x256xf32>
    %jit3A_265 = arith.constant 1073741824 : i32
    %broadcast_in_dim3A_266 = vector.broadcast %jit3A_265 : i32 to vector<64x256xi32>
    %select_n3A_267 = arith.select %eq3A_264, %iota3A, %broadcast_in_dim3A_266 : vector<64x256xi1>, vector<64x256xi32>
    %reduce_min3A_268 = arith.constant dense<2147483647> : vector<64xi32>
    %reduce_min3A_269 = vector.multi_reduction <minsi>, %select_n3A_267, %reduce_min3A_268 [1] : vector<64x256xi32> to vector<64xi32>
    %broadcast_in_dim3A_270 = vector.shape_cast %reduce_min3A_269 : vector<64xi32> to vector<64x1xi32>
    %concatenate3A = tpu.concatenate %broadcast_in_dim3A_30, %broadcast_in_dim3A_46, %broadcast_in_dim3A_62, %broadcast_in_dim3A_78, %broadcast_in_dim3A_94, %broadcast_in_dim3A_110, %broadcast_in_dim3A_126, %broadcast_in_dim3A_142, %broadcast_in_dim3A_158, %broadcast_in_dim3A_174, %broadcast_in_dim3A_190, %broadcast_in_dim3A_206, %broadcast_in_dim3A_222, %broadcast_in_dim3A_238, %broadcast_in_dim3A_254, %broadcast_in_dim3A_270 in 1 : vector<64x1xi32>, vector<64x1xi32>, vector<64x1xi32>, vector<64x1xi32>, vector<64x1xi32>, vector<64x1xi32>, vector<64x1xi32>, vector<64x1xi32>, vector<64x1xi32>, vector<64x1xi32>, vector<64x1xi32>, vector<64x1xi32>, vector<64x1xi32>, vector<64x1xi32>, vector<64x1xi32>, vector<64x1xi32> -> vector<64x16xi32>
    %swap3A = arith.constant 0 : index
    %swap3A_271 = arith.constant 0 : index
    %swap3A_272 = arith.constant 0 : index
    %swap3A_273 = vector.load %arg6[%swap3A, %swap3A_271, %swap3A_272] : memref<1x64x16xi32, #tpu.memory_space<vmem>>, vector<1x64x16xi32>
    %swap3A_274 = vector.shape_cast %swap3A_273 : vector<1x64x16xi32> to vector<64x16xi32>
    %swap3A_275 = vector.shape_cast %concatenate3A : vector<64x16xi32> to vector<1x64x16xi32>
    tpu.vector_store %arg6[%swap3A, %swap3A_271, %swap3A_272], %swap3A_275 {strides = array<i32>} : memref<1x64x16xi32, #tpu.memory_space<vmem>>, vector<1x64x16xi32>,
    return
  }
  func.func @transform_0(%arg0: i32, %arg1: i32) -> (i32, i32, i32) {
    %c0_i32 = arith.constant 0 : i32
    %c0_i32_0 = arith.constant 0 : i32
    return %arg0, %arg1, %c0_i32 : i32, i32, i32
  }
  func.func @transform_1(%arg0: i32, %arg1: i32) -> (i32, i32, i32) {
    %c0_i32 = arith.constant 0 : i32
    %c0_i32_0 = arith.constant 0 : i32
    %c0_i32_1 = arith.constant 0 : i32
    return %arg0, %c0_i32, %c0_i32_0 : i32, i32, i32
  }
  func.func @transform_2(%arg0: i32, %arg1: i32) -> (i32, i32, i32) {
    %c0_i32 = arith.constant 0 : i32
    %c0_i32_0 = arith.constant 0 : i32
    return %arg0, %arg1, %c0_i32 : i32, i32, i32
  }
  func.func @transform_3(%arg0: i32, %arg1: i32) -> (i32, i32, i32) {
    %c0_i32 = arith.constant 0 : i32
    %c0_i32_0 = arith.constant 0 : i32
    %c0_i32_1 = arith.constant 0 : i32
    return %arg0, %c0_i32, %c0_i32_0 : i32, i32, i32
  }
  func.func @transform_4(%arg0: i32, %arg1: i32) -> (i32, i32, i32) {
    %c0_i32 = arith.constant 0 : i32
    %c0_i32_0 = arith.constant 0 : i32
    return %arg0, %arg1, %c0_i32 : i32, i32, i32
  }
}

module attributes {stable_mosaic.version = 14 : i64} {
  func.func @_knn_kernel(%arg0: i32, %arg1: i32, %arg2: memref<1x64x3xf32, #tpu.memory_space<vmem>>, %arg3: memref<1x3x64xf32, #tpu.memory_space<vmem>>, %arg4: memref<1x64x1xf32, #tpu.memory_space<vmem>>, %arg5: memref<1x1x64xf32, #tpu.memory_space<vmem>>, %arg6: memref<1x64x16xi32, #tpu.memory_space<vmem>>) attributes {dimension_semantics = [#tpu.dimension_semantics<parallel>, #tpu.dimension_semantics<arbitrary>], iteration_bounds = array<i64: 8, 1>, scalar_prefetch = 0 : i64, scratch_operands = 0 : i64, tpu.core_type = #tpu.core_type<tc>, window_params = [{transform_indices = @transform_0, window_bounds = array<i64: 1, 64, 3>}, {transform_indices = @transform_1, window_bounds = array<i64: 1, 3, 64>}, {transform_indices = @transform_2, window_bounds = array<i64: 1, 64, 1>}, {transform_indices = @transform_3, window_bounds = array<i64: 1, 1, 64>}, {transform_indices = @transform_4, window_bounds = array<i64: 1, 64, 16>}]} {
    %get3A = arith.constant 0 : index
    %get3A_0 = arith.constant 0 : index
    %get3A_1 = arith.constant 0 : index
    %get3A_2 = vector.load %arg2[%get3A, %get3A_0, %get3A_1] : memref<1x64x3xf32, #tpu.memory_space<vmem>>, vector<1x64x3xf32>
    %get3A_3 = vector.shape_cast %get3A_2 : vector<1x64x3xf32> to vector<64x3xf32>
    %get3A_4 = arith.constant 0 : index
    %get3A_5 = arith.constant 0 : index
    %get3A_6 = arith.constant 0 : index
    %get3A_7 = vector.load %arg3[%get3A_4, %get3A_5, %get3A_6] : memref<1x3x64xf32, #tpu.memory_space<vmem>>, vector<1x3x64xf32>
    %get3A_8 = vector.shape_cast %get3A_7 : vector<1x3x64xf32> to vector<3x64xf32>
    %dot_general3A = arith.constant dense<0.000000e+00> : vector<64x64xf32>
    %dot_general3A_9 = tpu.matmul %get3A_3, %get3A_8, %dot_general3A {dimension_numbers = #tpu.dot_dimension_numbers<[1], [0], [0], [1], [0, 0, 1, 1], [], []>, transpose_lhs_hint = false} : vector<64x3xf32>, vector<3x64xf32>, vector<64x64xf32> -> vector<64x64xf32>
    %mul3A = arith.constant -2.000000e+00 : f32
    %mul3A_10 = vector.broadcast %mul3A : f32 to vector<64x64xf32>
    %mul3A_11 = arith.mulf %mul3A_10, %dot_general3A_9 : vector<64x64xf32>
    %get3A_12 = arith.constant 0 : index
    %get3A_13 = arith.constant 0 : index
    %get3A_14 = arith.constant 0 : index
    %get3A_15 = vector.load %arg4[%get3A_12, %get3A_13, %get3A_14] : memref<1x64x1xf32, #tpu.memory_space<vmem>>, vector<1x64x1xf32>
    %get3A_16 = vector.shape_cast %get3A_15 : vector<1x64x1xf32> to vector<64x1xf32>
    %add3A = vector.broadcast %get3A_16 : vector<64x1xf32> to vector<64x64xf32>
    %add3A_17 = arith.addf %mul3A_11, %add3A : vector<64x64xf32>
    %get3A_18 = arith.constant 0 : index
    %get3A_19 = arith.constant 0 : index
    %get3A_20 = arith.constant 0 : index
    %get3A_21 = vector.load %arg5[%get3A_18, %get3A_19, %get3A_20] : memref<1x1x64xf32, #tpu.memory_space<vmem>>, vector<1x1x64xf32>
    %get3A_22 = vector.shape_cast %get3A_21 : vector<1x1x64xf32> to vector<1x64xf32>
    %add3A_23 = vector.broadcast %get3A_22 : vector<1x64xf32> to vector<64x64xf32>
    %add3A_24 = arith.addf %add3A_17, %add3A_23 : vector<64x64xf32>
    %iota3A = tpu.iota {dimensions = array<i32: 1>} : vector<64x64xi32>
    %reduce_min3A = arith.constant dense<0x7F800000> : vector<64xf32>
    %reduce_min3A_25 = vector.multi_reduction <minimumf>, %add3A_24, %reduce_min3A [1] : vector<64x64xf32> to vector<64xf32>
    %broadcast_in_dim3A = vector.shape_cast %reduce_min3A_25 : vector<64xf32> to vector<64x1xf32>
    %eq3A = vector.broadcast %broadcast_in_dim3A : vector<64x1xf32> to vector<64x64xf32>
    %eq3A_26 = arith.cmpf oeq, %add3A_24, %eq3A : vector<64x64xf32>
    %jit3A = arith.constant 1073741824 : i32
    %broadcast_in_dim3A_27 = vector.broadcast %jit3A : i32 to vector<64x64xi32>
    %select_n3A = arith.select %eq3A_26, %iota3A, %broadcast_in_dim3A_27 : vector<64x64xi1>, vector<64x64xi32>
    %reduce_min3A_28 = arith.constant dense<2147483647> : vector<64xi32>
    %reduce_min3A_29 = vector.multi_reduction <minsi>, %select_n3A, %reduce_min3A_28 [1] : vector<64x64xi32> to vector<64xi32>
    %broadcast_in_dim3A_30 = vector.shape_cast %reduce_min3A_29 : vector<64xi32> to vector<64x1xi32>
    %eq3A_31 = vector.broadcast %broadcast_in_dim3A_30 : vector<64x1xi32> to vector<64x64xi32>
    %eq3A_32 = arith.cmpi eq, %iota3A, %eq3A_31 : vector<64x64xi32>
    %jit3A_33 = arith.constant 0x7F800000 : f32
    %broadcast_in_dim3A_34 = vector.broadcast %jit3A_33 : f32 to vector<64x64xf32>
    %select_n3A_35 = arith.select %eq3A_32, %broadcast_in_dim3A_34, %add3A_24 : vector<64x64xi1>, vector<64x64xf32>
    %reduce_min3A_36 = arith.constant dense<0x7F800000> : vector<64xf32>
    %reduce_min3A_37 = vector.multi_reduction <minimumf>, %select_n3A_35, %reduce_min3A_36 [1] : vector<64x64xf32> to vector<64xf32>
    %broadcast_in_dim3A_38 = vector.shape_cast %reduce_min3A_37 : vector<64xf32> to vector<64x1xf32>
    %eq3A_39 = vector.broadcast %broadcast_in_dim3A_38 : vector<64x1xf32> to vector<64x64xf32>
    %eq3A_40 = arith.cmpf oeq, %select_n3A_35, %eq3A_39 : vector<64x64xf32>
    %jit3A_41 = arith.constant 1073741824 : i32
    %broadcast_in_dim3A_42 = vector.broadcast %jit3A_41 : i32 to vector<64x64xi32>
    %select_n3A_43 = arith.select %eq3A_40, %iota3A, %broadcast_in_dim3A_42 : vector<64x64xi1>, vector<64x64xi32>
    %reduce_min3A_44 = arith.constant dense<2147483647> : vector<64xi32>
    %reduce_min3A_45 = vector.multi_reduction <minsi>, %select_n3A_43, %reduce_min3A_44 [1] : vector<64x64xi32> to vector<64xi32>
    %broadcast_in_dim3A_46 = vector.shape_cast %reduce_min3A_45 : vector<64xi32> to vector<64x1xi32>
    %eq3A_47 = vector.broadcast %broadcast_in_dim3A_46 : vector<64x1xi32> to vector<64x64xi32>
    %eq3A_48 = arith.cmpi eq, %iota3A, %eq3A_47 : vector<64x64xi32>
    %jit3A_49 = arith.constant 0x7F800000 : f32
    %broadcast_in_dim3A_50 = vector.broadcast %jit3A_49 : f32 to vector<64x64xf32>
    %select_n3A_51 = arith.select %eq3A_48, %broadcast_in_dim3A_50, %select_n3A_35 : vector<64x64xi1>, vector<64x64xf32>
    %reduce_min3A_52 = arith.constant dense<0x7F800000> : vector<64xf32>
    %reduce_min3A_53 = vector.multi_reduction <minimumf>, %select_n3A_51, %reduce_min3A_52 [1] : vector<64x64xf32> to vector<64xf32>
    %broadcast_in_dim3A_54 = vector.shape_cast %reduce_min3A_53 : vector<64xf32> to vector<64x1xf32>
    %eq3A_55 = vector.broadcast %broadcast_in_dim3A_54 : vector<64x1xf32> to vector<64x64xf32>
    %eq3A_56 = arith.cmpf oeq, %select_n3A_51, %eq3A_55 : vector<64x64xf32>
    %jit3A_57 = arith.constant 1073741824 : i32
    %broadcast_in_dim3A_58 = vector.broadcast %jit3A_57 : i32 to vector<64x64xi32>
    %select_n3A_59 = arith.select %eq3A_56, %iota3A, %broadcast_in_dim3A_58 : vector<64x64xi1>, vector<64x64xi32>
    %reduce_min3A_60 = arith.constant dense<2147483647> : vector<64xi32>
    %reduce_min3A_61 = vector.multi_reduction <minsi>, %select_n3A_59, %reduce_min3A_60 [1] : vector<64x64xi32> to vector<64xi32>
    %broadcast_in_dim3A_62 = vector.shape_cast %reduce_min3A_61 : vector<64xi32> to vector<64x1xi32>
    %eq3A_63 = vector.broadcast %broadcast_in_dim3A_62 : vector<64x1xi32> to vector<64x64xi32>
    %eq3A_64 = arith.cmpi eq, %iota3A, %eq3A_63 : vector<64x64xi32>
    %jit3A_65 = arith.constant 0x7F800000 : f32
    %broadcast_in_dim3A_66 = vector.broadcast %jit3A_65 : f32 to vector<64x64xf32>
    %select_n3A_67 = arith.select %eq3A_64, %broadcast_in_dim3A_66, %select_n3A_51 : vector<64x64xi1>, vector<64x64xf32>
    %reduce_min3A_68 = arith.constant dense<0x7F800000> : vector<64xf32>
    %reduce_min3A_69 = vector.multi_reduction <minimumf>, %select_n3A_67, %reduce_min3A_68 [1] : vector<64x64xf32> to vector<64xf32>
    %broadcast_in_dim3A_70 = vector.shape_cast %reduce_min3A_69 : vector<64xf32> to vector<64x1xf32>
    %eq3A_71 = vector.broadcast %broadcast_in_dim3A_70 : vector<64x1xf32> to vector<64x64xf32>
    %eq3A_72 = arith.cmpf oeq, %select_n3A_67, %eq3A_71 : vector<64x64xf32>
    %jit3A_73 = arith.constant 1073741824 : i32
    %broadcast_in_dim3A_74 = vector.broadcast %jit3A_73 : i32 to vector<64x64xi32>
    %select_n3A_75 = arith.select %eq3A_72, %iota3A, %broadcast_in_dim3A_74 : vector<64x64xi1>, vector<64x64xi32>
    %reduce_min3A_76 = arith.constant dense<2147483647> : vector<64xi32>
    %reduce_min3A_77 = vector.multi_reduction <minsi>, %select_n3A_75, %reduce_min3A_76 [1] : vector<64x64xi32> to vector<64xi32>
    %broadcast_in_dim3A_78 = vector.shape_cast %reduce_min3A_77 : vector<64xi32> to vector<64x1xi32>
    %eq3A_79 = vector.broadcast %broadcast_in_dim3A_78 : vector<64x1xi32> to vector<64x64xi32>
    %eq3A_80 = arith.cmpi eq, %iota3A, %eq3A_79 : vector<64x64xi32>
    %jit3A_81 = arith.constant 0x7F800000 : f32
    %broadcast_in_dim3A_82 = vector.broadcast %jit3A_81 : f32 to vector<64x64xf32>
    %select_n3A_83 = arith.select %eq3A_80, %broadcast_in_dim3A_82, %select_n3A_67 : vector<64x64xi1>, vector<64x64xf32>
    %reduce_min3A_84 = arith.constant dense<0x7F800000> : vector<64xf32>
    %reduce_min3A_85 = vector.multi_reduction <minimumf>, %select_n3A_83, %reduce_min3A_84 [1] : vector<64x64xf32> to vector<64xf32>
    %broadcast_in_dim3A_86 = vector.shape_cast %reduce_min3A_85 : vector<64xf32> to vector<64x1xf32>
    %eq3A_87 = vector.broadcast %broadcast_in_dim3A_86 : vector<64x1xf32> to vector<64x64xf32>
    %eq3A_88 = arith.cmpf oeq, %select_n3A_83, %eq3A_87 : vector<64x64xf32>
    %jit3A_89 = arith.constant 1073741824 : i32
    %broadcast_in_dim3A_90 = vector.broadcast %jit3A_89 : i32 to vector<64x64xi32>
    %select_n3A_91 = arith.select %eq3A_88, %iota3A, %broadcast_in_dim3A_90 : vector<64x64xi1>, vector<64x64xi32>
    %reduce_min3A_92 = arith.constant dense<2147483647> : vector<64xi32>
    %reduce_min3A_93 = vector.multi_reduction <minsi>, %select_n3A_91, %reduce_min3A_92 [1] : vector<64x64xi32> to vector<64xi32>
    %broadcast_in_dim3A_94 = vector.shape_cast %reduce_min3A_93 : vector<64xi32> to vector<64x1xi32>
    %eq3A_95 = vector.broadcast %broadcast_in_dim3A_94 : vector<64x1xi32> to vector<64x64xi32>
    %eq3A_96 = arith.cmpi eq, %iota3A, %eq3A_95 : vector<64x64xi32>
    %jit3A_97 = arith.constant 0x7F800000 : f32
    %broadcast_in_dim3A_98 = vector.broadcast %jit3A_97 : f32 to vector<64x64xf32>
    %select_n3A_99 = arith.select %eq3A_96, %broadcast_in_dim3A_98, %select_n3A_83 : vector<64x64xi1>, vector<64x64xf32>
    %reduce_min3A_100 = arith.constant dense<0x7F800000> : vector<64xf32>
    %reduce_min3A_101 = vector.multi_reduction <minimumf>, %select_n3A_99, %reduce_min3A_100 [1] : vector<64x64xf32> to vector<64xf32>
    %broadcast_in_dim3A_102 = vector.shape_cast %reduce_min3A_101 : vector<64xf32> to vector<64x1xf32>
    %eq3A_103 = vector.broadcast %broadcast_in_dim3A_102 : vector<64x1xf32> to vector<64x64xf32>
    %eq3A_104 = arith.cmpf oeq, %select_n3A_99, %eq3A_103 : vector<64x64xf32>
    %jit3A_105 = arith.constant 1073741824 : i32
    %broadcast_in_dim3A_106 = vector.broadcast %jit3A_105 : i32 to vector<64x64xi32>
    %select_n3A_107 = arith.select %eq3A_104, %iota3A, %broadcast_in_dim3A_106 : vector<64x64xi1>, vector<64x64xi32>
    %reduce_min3A_108 = arith.constant dense<2147483647> : vector<64xi32>
    %reduce_min3A_109 = vector.multi_reduction <minsi>, %select_n3A_107, %reduce_min3A_108 [1] : vector<64x64xi32> to vector<64xi32>
    %broadcast_in_dim3A_110 = vector.shape_cast %reduce_min3A_109 : vector<64xi32> to vector<64x1xi32>
    %eq3A_111 = vector.broadcast %broadcast_in_dim3A_110 : vector<64x1xi32> to vector<64x64xi32>
    %eq3A_112 = arith.cmpi eq, %iota3A, %eq3A_111 : vector<64x64xi32>
    %jit3A_113 = arith.constant 0x7F800000 : f32
    %broadcast_in_dim3A_114 = vector.broadcast %jit3A_113 : f32 to vector<64x64xf32>
    %select_n3A_115 = arith.select %eq3A_112, %broadcast_in_dim3A_114, %select_n3A_99 : vector<64x64xi1>, vector<64x64xf32>
    %reduce_min3A_116 = arith.constant dense<0x7F800000> : vector<64xf32>
    %reduce_min3A_117 = vector.multi_reduction <minimumf>, %select_n3A_115, %reduce_min3A_116 [1] : vector<64x64xf32> to vector<64xf32>
    %broadcast_in_dim3A_118 = vector.shape_cast %reduce_min3A_117 : vector<64xf32> to vector<64x1xf32>
    %eq3A_119 = vector.broadcast %broadcast_in_dim3A_118 : vector<64x1xf32> to vector<64x64xf32>
    %eq3A_120 = arith.cmpf oeq, %select_n3A_115, %eq3A_119 : vector<64x64xf32>
    %jit3A_121 = arith.constant 1073741824 : i32
    %broadcast_in_dim3A_122 = vector.broadcast %jit3A_121 : i32 to vector<64x64xi32>
    %select_n3A_123 = arith.select %eq3A_120, %iota3A, %broadcast_in_dim3A_122 : vector<64x64xi1>, vector<64x64xi32>
    %reduce_min3A_124 = arith.constant dense<2147483647> : vector<64xi32>
    %reduce_min3A_125 = vector.multi_reduction <minsi>, %select_n3A_123, %reduce_min3A_124 [1] : vector<64x64xi32> to vector<64xi32>
    %broadcast_in_dim3A_126 = vector.shape_cast %reduce_min3A_125 : vector<64xi32> to vector<64x1xi32>
    %eq3A_127 = vector.broadcast %broadcast_in_dim3A_126 : vector<64x1xi32> to vector<64x64xi32>
    %eq3A_128 = arith.cmpi eq, %iota3A, %eq3A_127 : vector<64x64xi32>
    %jit3A_129 = arith.constant 0x7F800000 : f32
    %broadcast_in_dim3A_130 = vector.broadcast %jit3A_129 : f32 to vector<64x64xf32>
    %select_n3A_131 = arith.select %eq3A_128, %broadcast_in_dim3A_130, %select_n3A_115 : vector<64x64xi1>, vector<64x64xf32>
    %reduce_min3A_132 = arith.constant dense<0x7F800000> : vector<64xf32>
    %reduce_min3A_133 = vector.multi_reduction <minimumf>, %select_n3A_131, %reduce_min3A_132 [1] : vector<64x64xf32> to vector<64xf32>
    %broadcast_in_dim3A_134 = vector.shape_cast %reduce_min3A_133 : vector<64xf32> to vector<64x1xf32>
    %eq3A_135 = vector.broadcast %broadcast_in_dim3A_134 : vector<64x1xf32> to vector<64x64xf32>
    %eq3A_136 = arith.cmpf oeq, %select_n3A_131, %eq3A_135 : vector<64x64xf32>
    %jit3A_137 = arith.constant 1073741824 : i32
    %broadcast_in_dim3A_138 = vector.broadcast %jit3A_137 : i32 to vector<64x64xi32>
    %select_n3A_139 = arith.select %eq3A_136, %iota3A, %broadcast_in_dim3A_138 : vector<64x64xi1>, vector<64x64xi32>
    %reduce_min3A_140 = arith.constant dense<2147483647> : vector<64xi32>
    %reduce_min3A_141 = vector.multi_reduction <minsi>, %select_n3A_139, %reduce_min3A_140 [1] : vector<64x64xi32> to vector<64xi32>
    %broadcast_in_dim3A_142 = vector.shape_cast %reduce_min3A_141 : vector<64xi32> to vector<64x1xi32>
    %eq3A_143 = vector.broadcast %broadcast_in_dim3A_142 : vector<64x1xi32> to vector<64x64xi32>
    %eq3A_144 = arith.cmpi eq, %iota3A, %eq3A_143 : vector<64x64xi32>
    %jit3A_145 = arith.constant 0x7F800000 : f32
    %broadcast_in_dim3A_146 = vector.broadcast %jit3A_145 : f32 to vector<64x64xf32>
    %select_n3A_147 = arith.select %eq3A_144, %broadcast_in_dim3A_146, %select_n3A_131 : vector<64x64xi1>, vector<64x64xf32>
    %reduce_min3A_148 = arith.constant dense<0x7F800000> : vector<64xf32>
    %reduce_min3A_149 = vector.multi_reduction <minimumf>, %select_n3A_147, %reduce_min3A_148 [1] : vector<64x64xf32> to vector<64xf32>
    %broadcast_in_dim3A_150 = vector.shape_cast %reduce_min3A_149 : vector<64xf32> to vector<64x1xf32>
    %eq3A_151 = vector.broadcast %broadcast_in_dim3A_150 : vector<64x1xf32> to vector<64x64xf32>
    %eq3A_152 = arith.cmpf oeq, %select_n3A_147, %eq3A_151 : vector<64x64xf32>
    %jit3A_153 = arith.constant 1073741824 : i32
    %broadcast_in_dim3A_154 = vector.broadcast %jit3A_153 : i32 to vector<64x64xi32>
    %select_n3A_155 = arith.select %eq3A_152, %iota3A, %broadcast_in_dim3A_154 : vector<64x64xi1>, vector<64x64xi32>
    %reduce_min3A_156 = arith.constant dense<2147483647> : vector<64xi32>
    %reduce_min3A_157 = vector.multi_reduction <minsi>, %select_n3A_155, %reduce_min3A_156 [1] : vector<64x64xi32> to vector<64xi32>
    %broadcast_in_dim3A_158 = vector.shape_cast %reduce_min3A_157 : vector<64xi32> to vector<64x1xi32>
    %eq3A_159 = vector.broadcast %broadcast_in_dim3A_158 : vector<64x1xi32> to vector<64x64xi32>
    %eq3A_160 = arith.cmpi eq, %iota3A, %eq3A_159 : vector<64x64xi32>
    %jit3A_161 = arith.constant 0x7F800000 : f32
    %broadcast_in_dim3A_162 = vector.broadcast %jit3A_161 : f32 to vector<64x64xf32>
    %select_n3A_163 = arith.select %eq3A_160, %broadcast_in_dim3A_162, %select_n3A_147 : vector<64x64xi1>, vector<64x64xf32>
    %reduce_min3A_164 = arith.constant dense<0x7F800000> : vector<64xf32>
    %reduce_min3A_165 = vector.multi_reduction <minimumf>, %select_n3A_163, %reduce_min3A_164 [1] : vector<64x64xf32> to vector<64xf32>
    %broadcast_in_dim3A_166 = vector.shape_cast %reduce_min3A_165 : vector<64xf32> to vector<64x1xf32>
    %eq3A_167 = vector.broadcast %broadcast_in_dim3A_166 : vector<64x1xf32> to vector<64x64xf32>
    %eq3A_168 = arith.cmpf oeq, %select_n3A_163, %eq3A_167 : vector<64x64xf32>
    %jit3A_169 = arith.constant 1073741824 : i32
    %broadcast_in_dim3A_170 = vector.broadcast %jit3A_169 : i32 to vector<64x64xi32>
    %select_n3A_171 = arith.select %eq3A_168, %iota3A, %broadcast_in_dim3A_170 : vector<64x64xi1>, vector<64x64xi32>
    %reduce_min3A_172 = arith.constant dense<2147483647> : vector<64xi32>
    %reduce_min3A_173 = vector.multi_reduction <minsi>, %select_n3A_171, %reduce_min3A_172 [1] : vector<64x64xi32> to vector<64xi32>
    %broadcast_in_dim3A_174 = vector.shape_cast %reduce_min3A_173 : vector<64xi32> to vector<64x1xi32>
    %eq3A_175 = vector.broadcast %broadcast_in_dim3A_174 : vector<64x1xi32> to vector<64x64xi32>
    %eq3A_176 = arith.cmpi eq, %iota3A, %eq3A_175 : vector<64x64xi32>
    %jit3A_177 = arith.constant 0x7F800000 : f32
    %broadcast_in_dim3A_178 = vector.broadcast %jit3A_177 : f32 to vector<64x64xf32>
    %select_n3A_179 = arith.select %eq3A_176, %broadcast_in_dim3A_178, %select_n3A_163 : vector<64x64xi1>, vector<64x64xf32>
    %reduce_min3A_180 = arith.constant dense<0x7F800000> : vector<64xf32>
    %reduce_min3A_181 = vector.multi_reduction <minimumf>, %select_n3A_179, %reduce_min3A_180 [1] : vector<64x64xf32> to vector<64xf32>
    %broadcast_in_dim3A_182 = vector.shape_cast %reduce_min3A_181 : vector<64xf32> to vector<64x1xf32>
    %eq3A_183 = vector.broadcast %broadcast_in_dim3A_182 : vector<64x1xf32> to vector<64x64xf32>
    %eq3A_184 = arith.cmpf oeq, %select_n3A_179, %eq3A_183 : vector<64x64xf32>
    %jit3A_185 = arith.constant 1073741824 : i32
    %broadcast_in_dim3A_186 = vector.broadcast %jit3A_185 : i32 to vector<64x64xi32>
    %select_n3A_187 = arith.select %eq3A_184, %iota3A, %broadcast_in_dim3A_186 : vector<64x64xi1>, vector<64x64xi32>
    %reduce_min3A_188 = arith.constant dense<2147483647> : vector<64xi32>
    %reduce_min3A_189 = vector.multi_reduction <minsi>, %select_n3A_187, %reduce_min3A_188 [1] : vector<64x64xi32> to vector<64xi32>
    %broadcast_in_dim3A_190 = vector.shape_cast %reduce_min3A_189 : vector<64xi32> to vector<64x1xi32>
    %eq3A_191 = vector.broadcast %broadcast_in_dim3A_190 : vector<64x1xi32> to vector<64x64xi32>
    %eq3A_192 = arith.cmpi eq, %iota3A, %eq3A_191 : vector<64x64xi32>
    %jit3A_193 = arith.constant 0x7F800000 : f32
    %broadcast_in_dim3A_194 = vector.broadcast %jit3A_193 : f32 to vector<64x64xf32>
    %select_n3A_195 = arith.select %eq3A_192, %broadcast_in_dim3A_194, %select_n3A_179 : vector<64x64xi1>, vector<64x64xf32>
    %reduce_min3A_196 = arith.constant dense<0x7F800000> : vector<64xf32>
    %reduce_min3A_197 = vector.multi_reduction <minimumf>, %select_n3A_195, %reduce_min3A_196 [1] : vector<64x64xf32> to vector<64xf32>
    %broadcast_in_dim3A_198 = vector.shape_cast %reduce_min3A_197 : vector<64xf32> to vector<64x1xf32>
    %eq3A_199 = vector.broadcast %broadcast_in_dim3A_198 : vector<64x1xf32> to vector<64x64xf32>
    %eq3A_200 = arith.cmpf oeq, %select_n3A_195, %eq3A_199 : vector<64x64xf32>
    %jit3A_201 = arith.constant 1073741824 : i32
    %broadcast_in_dim3A_202 = vector.broadcast %jit3A_201 : i32 to vector<64x64xi32>
    %select_n3A_203 = arith.select %eq3A_200, %iota3A, %broadcast_in_dim3A_202 : vector<64x64xi1>, vector<64x64xi32>
    %reduce_min3A_204 = arith.constant dense<2147483647> : vector<64xi32>
    %reduce_min3A_205 = vector.multi_reduction <minsi>, %select_n3A_203, %reduce_min3A_204 [1] : vector<64x64xi32> to vector<64xi32>
    %broadcast_in_dim3A_206 = vector.shape_cast %reduce_min3A_205 : vector<64xi32> to vector<64x1xi32>
    %eq3A_207 = vector.broadcast %broadcast_in_dim3A_206 : vector<64x1xi32> to vector<64x64xi32>
    %eq3A_208 = arith.cmpi eq, %iota3A, %eq3A_207 : vector<64x64xi32>
    %jit3A_209 = arith.constant 0x7F800000 : f32
    %broadcast_in_dim3A_210 = vector.broadcast %jit3A_209 : f32 to vector<64x64xf32>
    %select_n3A_211 = arith.select %eq3A_208, %broadcast_in_dim3A_210, %select_n3A_195 : vector<64x64xi1>, vector<64x64xf32>
    %reduce_min3A_212 = arith.constant dense<0x7F800000> : vector<64xf32>
    %reduce_min3A_213 = vector.multi_reduction <minimumf>, %select_n3A_211, %reduce_min3A_212 [1] : vector<64x64xf32> to vector<64xf32>
    %broadcast_in_dim3A_214 = vector.shape_cast %reduce_min3A_213 : vector<64xf32> to vector<64x1xf32>
    %eq3A_215 = vector.broadcast %broadcast_in_dim3A_214 : vector<64x1xf32> to vector<64x64xf32>
    %eq3A_216 = arith.cmpf oeq, %select_n3A_211, %eq3A_215 : vector<64x64xf32>
    %jit3A_217 = arith.constant 1073741824 : i32
    %broadcast_in_dim3A_218 = vector.broadcast %jit3A_217 : i32 to vector<64x64xi32>
    %select_n3A_219 = arith.select %eq3A_216, %iota3A, %broadcast_in_dim3A_218 : vector<64x64xi1>, vector<64x64xi32>
    %reduce_min3A_220 = arith.constant dense<2147483647> : vector<64xi32>
    %reduce_min3A_221 = vector.multi_reduction <minsi>, %select_n3A_219, %reduce_min3A_220 [1] : vector<64x64xi32> to vector<64xi32>
    %broadcast_in_dim3A_222 = vector.shape_cast %reduce_min3A_221 : vector<64xi32> to vector<64x1xi32>
    %eq3A_223 = vector.broadcast %broadcast_in_dim3A_222 : vector<64x1xi32> to vector<64x64xi32>
    %eq3A_224 = arith.cmpi eq, %iota3A, %eq3A_223 : vector<64x64xi32>
    %jit3A_225 = arith.constant 0x7F800000 : f32
    %broadcast_in_dim3A_226 = vector.broadcast %jit3A_225 : f32 to vector<64x64xf32>
    %select_n3A_227 = arith.select %eq3A_224, %broadcast_in_dim3A_226, %select_n3A_211 : vector<64x64xi1>, vector<64x64xf32>
    %reduce_min3A_228 = arith.constant dense<0x7F800000> : vector<64xf32>
    %reduce_min3A_229 = vector.multi_reduction <minimumf>, %select_n3A_227, %reduce_min3A_228 [1] : vector<64x64xf32> to vector<64xf32>
    %broadcast_in_dim3A_230 = vector.shape_cast %reduce_min3A_229 : vector<64xf32> to vector<64x1xf32>
    %eq3A_231 = vector.broadcast %broadcast_in_dim3A_230 : vector<64x1xf32> to vector<64x64xf32>
    %eq3A_232 = arith.cmpf oeq, %select_n3A_227, %eq3A_231 : vector<64x64xf32>
    %jit3A_233 = arith.constant 1073741824 : i32
    %broadcast_in_dim3A_234 = vector.broadcast %jit3A_233 : i32 to vector<64x64xi32>
    %select_n3A_235 = arith.select %eq3A_232, %iota3A, %broadcast_in_dim3A_234 : vector<64x64xi1>, vector<64x64xi32>
    %reduce_min3A_236 = arith.constant dense<2147483647> : vector<64xi32>
    %reduce_min3A_237 = vector.multi_reduction <minsi>, %select_n3A_235, %reduce_min3A_236 [1] : vector<64x64xi32> to vector<64xi32>
    %broadcast_in_dim3A_238 = vector.shape_cast %reduce_min3A_237 : vector<64xi32> to vector<64x1xi32>
    %eq3A_239 = vector.broadcast %broadcast_in_dim3A_238 : vector<64x1xi32> to vector<64x64xi32>
    %eq3A_240 = arith.cmpi eq, %iota3A, %eq3A_239 : vector<64x64xi32>
    %jit3A_241 = arith.constant 0x7F800000 : f32
    %broadcast_in_dim3A_242 = vector.broadcast %jit3A_241 : f32 to vector<64x64xf32>
    %select_n3A_243 = arith.select %eq3A_240, %broadcast_in_dim3A_242, %select_n3A_227 : vector<64x64xi1>, vector<64x64xf32>
    %reduce_min3A_244 = arith.constant dense<0x7F800000> : vector<64xf32>
    %reduce_min3A_245 = vector.multi_reduction <minimumf>, %select_n3A_243, %reduce_min3A_244 [1] : vector<64x64xf32> to vector<64xf32>
    %broadcast_in_dim3A_246 = vector.shape_cast %reduce_min3A_245 : vector<64xf32> to vector<64x1xf32>
    %eq3A_247 = vector.broadcast %broadcast_in_dim3A_246 : vector<64x1xf32> to vector<64x64xf32>
    %eq3A_248 = arith.cmpf oeq, %select_n3A_243, %eq3A_247 : vector<64x64xf32>
    %jit3A_249 = arith.constant 1073741824 : i32
    %broadcast_in_dim3A_250 = vector.broadcast %jit3A_249 : i32 to vector<64x64xi32>
    %select_n3A_251 = arith.select %eq3A_248, %iota3A, %broadcast_in_dim3A_250 : vector<64x64xi1>, vector<64x64xi32>
    %reduce_min3A_252 = arith.constant dense<2147483647> : vector<64xi32>
    %reduce_min3A_253 = vector.multi_reduction <minsi>, %select_n3A_251, %reduce_min3A_252 [1] : vector<64x64xi32> to vector<64xi32>
    %broadcast_in_dim3A_254 = vector.shape_cast %reduce_min3A_253 : vector<64xi32> to vector<64x1xi32>
    %eq3A_255 = vector.broadcast %broadcast_in_dim3A_254 : vector<64x1xi32> to vector<64x64xi32>
    %eq3A_256 = arith.cmpi eq, %iota3A, %eq3A_255 : vector<64x64xi32>
    %jit3A_257 = arith.constant 0x7F800000 : f32
    %broadcast_in_dim3A_258 = vector.broadcast %jit3A_257 : f32 to vector<64x64xf32>
    %select_n3A_259 = arith.select %eq3A_256, %broadcast_in_dim3A_258, %select_n3A_243 : vector<64x64xi1>, vector<64x64xf32>
    %reduce_min3A_260 = arith.constant dense<0x7F800000> : vector<64xf32>
    %reduce_min3A_261 = vector.multi_reduction <minimumf>, %select_n3A_259, %reduce_min3A_260 [1] : vector<64x64xf32> to vector<64xf32>
    %broadcast_in_dim3A_262 = vector.shape_cast %reduce_min3A_261 : vector<64xf32> to vector<64x1xf32>
    %eq3A_263 = vector.broadcast %broadcast_in_dim3A_262 : vector<64x1xf32> to vector<64x64xf32>
    %eq3A_264 = arith.cmpf oeq, %select_n3A_259, %eq3A_263 : vector<64x64xf32>
    %jit3A_265 = arith.constant 1073741824 : i32
    %broadcast_in_dim3A_266 = vector.broadcast %jit3A_265 : i32 to vector<64x64xi32>
    %select_n3A_267 = arith.select %eq3A_264, %iota3A, %broadcast_in_dim3A_266 : vector<64x64xi1>, vector<64x64xi32>
    %reduce_min3A_268 = arith.constant dense<2147483647> : vector<64xi32>
    %reduce_min3A_269 = vector.multi_reduction <minsi>, %select_n3A_267, %reduce_min3A_268 [1] : vector<64x64xi32> to vector<64xi32>
    %broadcast_in_dim3A_270 = vector.shape_cast %reduce_min3A_269 : vector<64xi32> to vector<64x1xi32>
    %concatenate3A = tpu.concatenate %broadcast_in_dim3A_30, %broadcast_in_dim3A_46, %broadcast_in_dim3A_62, %broadcast_in_dim3A_78, %broadcast_in_dim3A_94, %broadcast_in_dim3A_110, %broadcast_in_dim3A_126, %broadcast_in_dim3A_142, %broadcast_in_dim3A_158, %broadcast_in_dim3A_174, %broadcast_in_dim3A_190, %broadcast_in_dim3A_206, %broadcast_in_dim3A_222, %broadcast_in_dim3A_238, %broadcast_in_dim3A_254, %broadcast_in_dim3A_270 in 1 : vector<64x1xi32>, vector<64x1xi32>, vector<64x1xi32>, vector<64x1xi32>, vector<64x1xi32>, vector<64x1xi32>, vector<64x1xi32>, vector<64x1xi32>, vector<64x1xi32>, vector<64x1xi32>, vector<64x1xi32>, vector<64x1xi32>, vector<64x1xi32>, vector<64x1xi32>, vector<64x1xi32>, vector<64x1xi32> -> vector<64x16xi32>
    %swap3A = arith.constant 0 : index
    %swap3A_271 = arith.constant 0 : index
    %swap3A_272 = arith.constant 0 : index
    %swap3A_273 = vector.load %arg6[%swap3A, %swap3A_271, %swap3A_272] : memref<1x64x16xi32, #tpu.memory_space<vmem>>, vector<1x64x16xi32>
    %swap3A_274 = vector.shape_cast %swap3A_273 : vector<1x64x16xi32> to vector<64x16xi32>
    %swap3A_275 = vector.shape_cast %concatenate3A : vector<64x16xi32> to vector<1x64x16xi32>
    tpu.vector_store %arg6[%swap3A, %swap3A_271, %swap3A_272], %swap3A_275 {strides = array<i32>} : memref<1x64x16xi32, #tpu.memory_space<vmem>>, vector<1x64x16xi32>,
    return
  }
  func.func @transform_0(%arg0: i32, %arg1: i32) -> (i32, i32, i32) {
    %c0_i32 = arith.constant 0 : i32
    %c0_i32_0 = arith.constant 0 : i32
    return %arg0, %arg1, %c0_i32 : i32, i32, i32
  }
  func.func @transform_1(%arg0: i32, %arg1: i32) -> (i32, i32, i32) {
    %c0_i32 = arith.constant 0 : i32
    %c0_i32_0 = arith.constant 0 : i32
    %c0_i32_1 = arith.constant 0 : i32
    return %arg0, %c0_i32, %c0_i32_0 : i32, i32, i32
  }
  func.func @transform_2(%arg0: i32, %arg1: i32) -> (i32, i32, i32) {
    %c0_i32 = arith.constant 0 : i32
    %c0_i32_0 = arith.constant 0 : i32
    return %arg0, %arg1, %c0_i32 : i32, i32, i32
  }
  func.func @transform_3(%arg0: i32, %arg1: i32) -> (i32, i32, i32) {
    %c0_i32 = arith.constant 0 : i32
    %c0_i32_0 = arith.constant 0 : i32
    %c0_i32_1 = arith.constant 0 : i32
    return %arg0, %c0_i32, %c0_i32_0 : i32, i32, i32
  }
  func.func @transform_4(%arg0: i32, %arg1: i32) -> (i32, i32, i32) {
    %c0_i32 = arith.constant 0 : i32
    %c0_i32_0 = arith.constant 0 : i32
    return %arg0, %arg1, %c0_i32 : i32, i32, i32
  }
}

module attributes {stable_mosaic.version = 14 : i64} {
  func.func @_knn_kernel(%arg0: i32, %arg1: i32, %arg2: memref<1x16x3xf32, #tpu.memory_space<vmem>>, %arg3: memref<1x3x64xf32, #tpu.memory_space<vmem>>, %arg4: memref<1x16x1xf32, #tpu.memory_space<vmem>>, %arg5: memref<1x1x64xf32, #tpu.memory_space<vmem>>, %arg6: memref<1x16x16xi32, #tpu.memory_space<vmem>>) attributes {dimension_semantics = [#tpu.dimension_semantics<parallel>, #tpu.dimension_semantics<arbitrary>], iteration_bounds = array<i64: 8, 1>, scalar_prefetch = 0 : i64, scratch_operands = 0 : i64, tpu.core_type = #tpu.core_type<tc>, window_params = [{transform_indices = @transform_0, window_bounds = array<i64: 1, 16, 3>}, {transform_indices = @transform_1, window_bounds = array<i64: 1, 3, 64>}, {transform_indices = @transform_2, window_bounds = array<i64: 1, 16, 1>}, {transform_indices = @transform_3, window_bounds = array<i64: 1, 1, 64>}, {transform_indices = @transform_4, window_bounds = array<i64: 1, 16, 16>}]} {
    %get3A = arith.constant 0 : index
    %get3A_0 = arith.constant 0 : index
    %get3A_1 = arith.constant 0 : index
    %get3A_2 = vector.load %arg2[%get3A, %get3A_0, %get3A_1] : memref<1x16x3xf32, #tpu.memory_space<vmem>>, vector<1x16x3xf32>
    %get3A_3 = vector.shape_cast %get3A_2 : vector<1x16x3xf32> to vector<16x3xf32>
    %get3A_4 = arith.constant 0 : index
    %get3A_5 = arith.constant 0 : index
    %get3A_6 = arith.constant 0 : index
    %get3A_7 = vector.load %arg3[%get3A_4, %get3A_5, %get3A_6] : memref<1x3x64xf32, #tpu.memory_space<vmem>>, vector<1x3x64xf32>
    %get3A_8 = vector.shape_cast %get3A_7 : vector<1x3x64xf32> to vector<3x64xf32>
    %dot_general3A = arith.constant dense<0.000000e+00> : vector<16x64xf32>
    %dot_general3A_9 = tpu.matmul %get3A_3, %get3A_8, %dot_general3A {dimension_numbers = #tpu.dot_dimension_numbers<[1], [0], [0], [1], [0, 0, 1, 1], [], []>, transpose_lhs_hint = false} : vector<16x3xf32>, vector<3x64xf32>, vector<16x64xf32> -> vector<16x64xf32>
    %mul3A = arith.constant -2.000000e+00 : f32
    %mul3A_10 = vector.broadcast %mul3A : f32 to vector<16x64xf32>
    %mul3A_11 = arith.mulf %mul3A_10, %dot_general3A_9 : vector<16x64xf32>
    %get3A_12 = arith.constant 0 : index
    %get3A_13 = arith.constant 0 : index
    %get3A_14 = arith.constant 0 : index
    %get3A_15 = vector.load %arg4[%get3A_12, %get3A_13, %get3A_14] : memref<1x16x1xf32, #tpu.memory_space<vmem>>, vector<1x16x1xf32>
    %get3A_16 = vector.shape_cast %get3A_15 : vector<1x16x1xf32> to vector<16x1xf32>
    %add3A = vector.broadcast %get3A_16 : vector<16x1xf32> to vector<16x64xf32>
    %add3A_17 = arith.addf %mul3A_11, %add3A : vector<16x64xf32>
    %get3A_18 = arith.constant 0 : index
    %get3A_19 = arith.constant 0 : index
    %get3A_20 = arith.constant 0 : index
    %get3A_21 = vector.load %arg5[%get3A_18, %get3A_19, %get3A_20] : memref<1x1x64xf32, #tpu.memory_space<vmem>>, vector<1x1x64xf32>
    %get3A_22 = vector.shape_cast %get3A_21 : vector<1x1x64xf32> to vector<1x64xf32>
    %add3A_23 = vector.broadcast %get3A_22 : vector<1x64xf32> to vector<16x64xf32>
    %add3A_24 = arith.addf %add3A_17, %add3A_23 : vector<16x64xf32>
    %iota3A = tpu.iota {dimensions = array<i32: 1>} : vector<16x64xi32>
    %reduce_min3A = arith.constant dense<0x7F800000> : vector<16xf32>
    %reduce_min3A_25 = vector.multi_reduction <minimumf>, %add3A_24, %reduce_min3A [1] : vector<16x64xf32> to vector<16xf32>
    %broadcast_in_dim3A = vector.shape_cast %reduce_min3A_25 : vector<16xf32> to vector<16x1xf32>
    %eq3A = vector.broadcast %broadcast_in_dim3A : vector<16x1xf32> to vector<16x64xf32>
    %eq3A_26 = arith.cmpf oeq, %add3A_24, %eq3A : vector<16x64xf32>
    %jit3A = arith.constant 1073741824 : i32
    %broadcast_in_dim3A_27 = vector.broadcast %jit3A : i32 to vector<16x64xi32>
    %select_n3A = arith.select %eq3A_26, %iota3A, %broadcast_in_dim3A_27 : vector<16x64xi1>, vector<16x64xi32>
    %reduce_min3A_28 = arith.constant dense<2147483647> : vector<16xi32>
    %reduce_min3A_29 = vector.multi_reduction <minsi>, %select_n3A, %reduce_min3A_28 [1] : vector<16x64xi32> to vector<16xi32>
    %broadcast_in_dim3A_30 = vector.shape_cast %reduce_min3A_29 : vector<16xi32> to vector<16x1xi32>
    %eq3A_31 = vector.broadcast %broadcast_in_dim3A_30 : vector<16x1xi32> to vector<16x64xi32>
    %eq3A_32 = arith.cmpi eq, %iota3A, %eq3A_31 : vector<16x64xi32>
    %jit3A_33 = arith.constant 0x7F800000 : f32
    %broadcast_in_dim3A_34 = vector.broadcast %jit3A_33 : f32 to vector<16x64xf32>
    %select_n3A_35 = arith.select %eq3A_32, %broadcast_in_dim3A_34, %add3A_24 : vector<16x64xi1>, vector<16x64xf32>
    %reduce_min3A_36 = arith.constant dense<0x7F800000> : vector<16xf32>
    %reduce_min3A_37 = vector.multi_reduction <minimumf>, %select_n3A_35, %reduce_min3A_36 [1] : vector<16x64xf32> to vector<16xf32>
    %broadcast_in_dim3A_38 = vector.shape_cast %reduce_min3A_37 : vector<16xf32> to vector<16x1xf32>
    %eq3A_39 = vector.broadcast %broadcast_in_dim3A_38 : vector<16x1xf32> to vector<16x64xf32>
    %eq3A_40 = arith.cmpf oeq, %select_n3A_35, %eq3A_39 : vector<16x64xf32>
    %jit3A_41 = arith.constant 1073741824 : i32
    %broadcast_in_dim3A_42 = vector.broadcast %jit3A_41 : i32 to vector<16x64xi32>
    %select_n3A_43 = arith.select %eq3A_40, %iota3A, %broadcast_in_dim3A_42 : vector<16x64xi1>, vector<16x64xi32>
    %reduce_min3A_44 = arith.constant dense<2147483647> : vector<16xi32>
    %reduce_min3A_45 = vector.multi_reduction <minsi>, %select_n3A_43, %reduce_min3A_44 [1] : vector<16x64xi32> to vector<16xi32>
    %broadcast_in_dim3A_46 = vector.shape_cast %reduce_min3A_45 : vector<16xi32> to vector<16x1xi32>
    %eq3A_47 = vector.broadcast %broadcast_in_dim3A_46 : vector<16x1xi32> to vector<16x64xi32>
    %eq3A_48 = arith.cmpi eq, %iota3A, %eq3A_47 : vector<16x64xi32>
    %jit3A_49 = arith.constant 0x7F800000 : f32
    %broadcast_in_dim3A_50 = vector.broadcast %jit3A_49 : f32 to vector<16x64xf32>
    %select_n3A_51 = arith.select %eq3A_48, %broadcast_in_dim3A_50, %select_n3A_35 : vector<16x64xi1>, vector<16x64xf32>
    %reduce_min3A_52 = arith.constant dense<0x7F800000> : vector<16xf32>
    %reduce_min3A_53 = vector.multi_reduction <minimumf>, %select_n3A_51, %reduce_min3A_52 [1] : vector<16x64xf32> to vector<16xf32>
    %broadcast_in_dim3A_54 = vector.shape_cast %reduce_min3A_53 : vector<16xf32> to vector<16x1xf32>
    %eq3A_55 = vector.broadcast %broadcast_in_dim3A_54 : vector<16x1xf32> to vector<16x64xf32>
    %eq3A_56 = arith.cmpf oeq, %select_n3A_51, %eq3A_55 : vector<16x64xf32>
    %jit3A_57 = arith.constant 1073741824 : i32
    %broadcast_in_dim3A_58 = vector.broadcast %jit3A_57 : i32 to vector<16x64xi32>
    %select_n3A_59 = arith.select %eq3A_56, %iota3A, %broadcast_in_dim3A_58 : vector<16x64xi1>, vector<16x64xi32>
    %reduce_min3A_60 = arith.constant dense<2147483647> : vector<16xi32>
    %reduce_min3A_61 = vector.multi_reduction <minsi>, %select_n3A_59, %reduce_min3A_60 [1] : vector<16x64xi32> to vector<16xi32>
    %broadcast_in_dim3A_62 = vector.shape_cast %reduce_min3A_61 : vector<16xi32> to vector<16x1xi32>
    %eq3A_63 = vector.broadcast %broadcast_in_dim3A_62 : vector<16x1xi32> to vector<16x64xi32>
    %eq3A_64 = arith.cmpi eq, %iota3A, %eq3A_63 : vector<16x64xi32>
    %jit3A_65 = arith.constant 0x7F800000 : f32
    %broadcast_in_dim3A_66 = vector.broadcast %jit3A_65 : f32 to vector<16x64xf32>
    %select_n3A_67 = arith.select %eq3A_64, %broadcast_in_dim3A_66, %select_n3A_51 : vector<16x64xi1>, vector<16x64xf32>
    %reduce_min3A_68 = arith.constant dense<0x7F800000> : vector<16xf32>
    %reduce_min3A_69 = vector.multi_reduction <minimumf>, %select_n3A_67, %reduce_min3A_68 [1] : vector<16x64xf32> to vector<16xf32>
    %broadcast_in_dim3A_70 = vector.shape_cast %reduce_min3A_69 : vector<16xf32> to vector<16x1xf32>
    %eq3A_71 = vector.broadcast %broadcast_in_dim3A_70 : vector<16x1xf32> to vector<16x64xf32>
    %eq3A_72 = arith.cmpf oeq, %select_n3A_67, %eq3A_71 : vector<16x64xf32>
    %jit3A_73 = arith.constant 1073741824 : i32
    %broadcast_in_dim3A_74 = vector.broadcast %jit3A_73 : i32 to vector<16x64xi32>
    %select_n3A_75 = arith.select %eq3A_72, %iota3A, %broadcast_in_dim3A_74 : vector<16x64xi1>, vector<16x64xi32>
    %reduce_min3A_76 = arith.constant dense<2147483647> : vector<16xi32>
    %reduce_min3A_77 = vector.multi_reduction <minsi>, %select_n3A_75, %reduce_min3A_76 [1] : vector<16x64xi32> to vector<16xi32>
    %broadcast_in_dim3A_78 = vector.shape_cast %reduce_min3A_77 : vector<16xi32> to vector<16x1xi32>
    %eq3A_79 = vector.broadcast %broadcast_in_dim3A_78 : vector<16x1xi32> to vector<16x64xi32>
    %eq3A_80 = arith.cmpi eq, %iota3A, %eq3A_79 : vector<16x64xi32>
    %jit3A_81 = arith.constant 0x7F800000 : f32
    %broadcast_in_dim3A_82 = vector.broadcast %jit3A_81 : f32 to vector<16x64xf32>
    %select_n3A_83 = arith.select %eq3A_80, %broadcast_in_dim3A_82, %select_n3A_67 : vector<16x64xi1>, vector<16x64xf32>
    %reduce_min3A_84 = arith.constant dense<0x7F800000> : vector<16xf32>
    %reduce_min3A_85 = vector.multi_reduction <minimumf>, %select_n3A_83, %reduce_min3A_84 [1] : vector<16x64xf32> to vector<16xf32>
    %broadcast_in_dim3A_86 = vector.shape_cast %reduce_min3A_85 : vector<16xf32> to vector<16x1xf32>
    %eq3A_87 = vector.broadcast %broadcast_in_dim3A_86 : vector<16x1xf32> to vector<16x64xf32>
    %eq3A_88 = arith.cmpf oeq, %select_n3A_83, %eq3A_87 : vector<16x64xf32>
    %jit3A_89 = arith.constant 1073741824 : i32
    %broadcast_in_dim3A_90 = vector.broadcast %jit3A_89 : i32 to vector<16x64xi32>
    %select_n3A_91 = arith.select %eq3A_88, %iota3A, %broadcast_in_dim3A_90 : vector<16x64xi1>, vector<16x64xi32>
    %reduce_min3A_92 = arith.constant dense<2147483647> : vector<16xi32>
    %reduce_min3A_93 = vector.multi_reduction <minsi>, %select_n3A_91, %reduce_min3A_92 [1] : vector<16x64xi32> to vector<16xi32>
    %broadcast_in_dim3A_94 = vector.shape_cast %reduce_min3A_93 : vector<16xi32> to vector<16x1xi32>
    %eq3A_95 = vector.broadcast %broadcast_in_dim3A_94 : vector<16x1xi32> to vector<16x64xi32>
    %eq3A_96 = arith.cmpi eq, %iota3A, %eq3A_95 : vector<16x64xi32>
    %jit3A_97 = arith.constant 0x7F800000 : f32
    %broadcast_in_dim3A_98 = vector.broadcast %jit3A_97 : f32 to vector<16x64xf32>
    %select_n3A_99 = arith.select %eq3A_96, %broadcast_in_dim3A_98, %select_n3A_83 : vector<16x64xi1>, vector<16x64xf32>
    %reduce_min3A_100 = arith.constant dense<0x7F800000> : vector<16xf32>
    %reduce_min3A_101 = vector.multi_reduction <minimumf>, %select_n3A_99, %reduce_min3A_100 [1] : vector<16x64xf32> to vector<16xf32>
    %broadcast_in_dim3A_102 = vector.shape_cast %reduce_min3A_101 : vector<16xf32> to vector<16x1xf32>
    %eq3A_103 = vector.broadcast %broadcast_in_dim3A_102 : vector<16x1xf32> to vector<16x64xf32>
    %eq3A_104 = arith.cmpf oeq, %select_n3A_99, %eq3A_103 : vector<16x64xf32>
    %jit3A_105 = arith.constant 1073741824 : i32
    %broadcast_in_dim3A_106 = vector.broadcast %jit3A_105 : i32 to vector<16x64xi32>
    %select_n3A_107 = arith.select %eq3A_104, %iota3A, %broadcast_in_dim3A_106 : vector<16x64xi1>, vector<16x64xi32>
    %reduce_min3A_108 = arith.constant dense<2147483647> : vector<16xi32>
    %reduce_min3A_109 = vector.multi_reduction <minsi>, %select_n3A_107, %reduce_min3A_108 [1] : vector<16x64xi32> to vector<16xi32>
    %broadcast_in_dim3A_110 = vector.shape_cast %reduce_min3A_109 : vector<16xi32> to vector<16x1xi32>
    %eq3A_111 = vector.broadcast %broadcast_in_dim3A_110 : vector<16x1xi32> to vector<16x64xi32>
    %eq3A_112 = arith.cmpi eq, %iota3A, %eq3A_111 : vector<16x64xi32>
    %jit3A_113 = arith.constant 0x7F800000 : f32
    %broadcast_in_dim3A_114 = vector.broadcast %jit3A_113 : f32 to vector<16x64xf32>
    %select_n3A_115 = arith.select %eq3A_112, %broadcast_in_dim3A_114, %select_n3A_99 : vector<16x64xi1>, vector<16x64xf32>
    %reduce_min3A_116 = arith.constant dense<0x7F800000> : vector<16xf32>
    %reduce_min3A_117 = vector.multi_reduction <minimumf>, %select_n3A_115, %reduce_min3A_116 [1] : vector<16x64xf32> to vector<16xf32>
    %broadcast_in_dim3A_118 = vector.shape_cast %reduce_min3A_117 : vector<16xf32> to vector<16x1xf32>
    %eq3A_119 = vector.broadcast %broadcast_in_dim3A_118 : vector<16x1xf32> to vector<16x64xf32>
    %eq3A_120 = arith.cmpf oeq, %select_n3A_115, %eq3A_119 : vector<16x64xf32>
    %jit3A_121 = arith.constant 1073741824 : i32
    %broadcast_in_dim3A_122 = vector.broadcast %jit3A_121 : i32 to vector<16x64xi32>
    %select_n3A_123 = arith.select %eq3A_120, %iota3A, %broadcast_in_dim3A_122 : vector<16x64xi1>, vector<16x64xi32>
    %reduce_min3A_124 = arith.constant dense<2147483647> : vector<16xi32>
    %reduce_min3A_125 = vector.multi_reduction <minsi>, %select_n3A_123, %reduce_min3A_124 [1] : vector<16x64xi32> to vector<16xi32>
    %broadcast_in_dim3A_126 = vector.shape_cast %reduce_min3A_125 : vector<16xi32> to vector<16x1xi32>
    %eq3A_127 = vector.broadcast %broadcast_in_dim3A_126 : vector<16x1xi32> to vector<16x64xi32>
    %eq3A_128 = arith.cmpi eq, %iota3A, %eq3A_127 : vector<16x64xi32>
    %jit3A_129 = arith.constant 0x7F800000 : f32
    %broadcast_in_dim3A_130 = vector.broadcast %jit3A_129 : f32 to vector<16x64xf32>
    %select_n3A_131 = arith.select %eq3A_128, %broadcast_in_dim3A_130, %select_n3A_115 : vector<16x64xi1>, vector<16x64xf32>
    %reduce_min3A_132 = arith.constant dense<0x7F800000> : vector<16xf32>
    %reduce_min3A_133 = vector.multi_reduction <minimumf>, %select_n3A_131, %reduce_min3A_132 [1] : vector<16x64xf32> to vector<16xf32>
    %broadcast_in_dim3A_134 = vector.shape_cast %reduce_min3A_133 : vector<16xf32> to vector<16x1xf32>
    %eq3A_135 = vector.broadcast %broadcast_in_dim3A_134 : vector<16x1xf32> to vector<16x64xf32>
    %eq3A_136 = arith.cmpf oeq, %select_n3A_131, %eq3A_135 : vector<16x64xf32>
    %jit3A_137 = arith.constant 1073741824 : i32
    %broadcast_in_dim3A_138 = vector.broadcast %jit3A_137 : i32 to vector<16x64xi32>
    %select_n3A_139 = arith.select %eq3A_136, %iota3A, %broadcast_in_dim3A_138 : vector<16x64xi1>, vector<16x64xi32>
    %reduce_min3A_140 = arith.constant dense<2147483647> : vector<16xi32>
    %reduce_min3A_141 = vector.multi_reduction <minsi>, %select_n3A_139, %reduce_min3A_140 [1] : vector<16x64xi32> to vector<16xi32>
    %broadcast_in_dim3A_142 = vector.shape_cast %reduce_min3A_141 : vector<16xi32> to vector<16x1xi32>
    %eq3A_143 = vector.broadcast %broadcast_in_dim3A_142 : vector<16x1xi32> to vector<16x64xi32>
    %eq3A_144 = arith.cmpi eq, %iota3A, %eq3A_143 : vector<16x64xi32>
    %jit3A_145 = arith.constant 0x7F800000 : f32
    %broadcast_in_dim3A_146 = vector.broadcast %jit3A_145 : f32 to vector<16x64xf32>
    %select_n3A_147 = arith.select %eq3A_144, %broadcast_in_dim3A_146, %select_n3A_131 : vector<16x64xi1>, vector<16x64xf32>
    %reduce_min3A_148 = arith.constant dense<0x7F800000> : vector<16xf32>
    %reduce_min3A_149 = vector.multi_reduction <minimumf>, %select_n3A_147, %reduce_min3A_148 [1] : vector<16x64xf32> to vector<16xf32>
    %broadcast_in_dim3A_150 = vector.shape_cast %reduce_min3A_149 : vector<16xf32> to vector<16x1xf32>
    %eq3A_151 = vector.broadcast %broadcast_in_dim3A_150 : vector<16x1xf32> to vector<16x64xf32>
    %eq3A_152 = arith.cmpf oeq, %select_n3A_147, %eq3A_151 : vector<16x64xf32>
    %jit3A_153 = arith.constant 1073741824 : i32
    %broadcast_in_dim3A_154 = vector.broadcast %jit3A_153 : i32 to vector<16x64xi32>
    %select_n3A_155 = arith.select %eq3A_152, %iota3A, %broadcast_in_dim3A_154 : vector<16x64xi1>, vector<16x64xi32>
    %reduce_min3A_156 = arith.constant dense<2147483647> : vector<16xi32>
    %reduce_min3A_157 = vector.multi_reduction <minsi>, %select_n3A_155, %reduce_min3A_156 [1] : vector<16x64xi32> to vector<16xi32>
    %broadcast_in_dim3A_158 = vector.shape_cast %reduce_min3A_157 : vector<16xi32> to vector<16x1xi32>
    %eq3A_159 = vector.broadcast %broadcast_in_dim3A_158 : vector<16x1xi32> to vector<16x64xi32>
    %eq3A_160 = arith.cmpi eq, %iota3A, %eq3A_159 : vector<16x64xi32>
    %jit3A_161 = arith.constant 0x7F800000 : f32
    %broadcast_in_dim3A_162 = vector.broadcast %jit3A_161 : f32 to vector<16x64xf32>
    %select_n3A_163 = arith.select %eq3A_160, %broadcast_in_dim3A_162, %select_n3A_147 : vector<16x64xi1>, vector<16x64xf32>
    %reduce_min3A_164 = arith.constant dense<0x7F800000> : vector<16xf32>
    %reduce_min3A_165 = vector.multi_reduction <minimumf>, %select_n3A_163, %reduce_min3A_164 [1] : vector<16x64xf32> to vector<16xf32>
    %broadcast_in_dim3A_166 = vector.shape_cast %reduce_min3A_165 : vector<16xf32> to vector<16x1xf32>
    %eq3A_167 = vector.broadcast %broadcast_in_dim3A_166 : vector<16x1xf32> to vector<16x64xf32>
    %eq3A_168 = arith.cmpf oeq, %select_n3A_163, %eq3A_167 : vector<16x64xf32>
    %jit3A_169 = arith.constant 1073741824 : i32
    %broadcast_in_dim3A_170 = vector.broadcast %jit3A_169 : i32 to vector<16x64xi32>
    %select_n3A_171 = arith.select %eq3A_168, %iota3A, %broadcast_in_dim3A_170 : vector<16x64xi1>, vector<16x64xi32>
    %reduce_min3A_172 = arith.constant dense<2147483647> : vector<16xi32>
    %reduce_min3A_173 = vector.multi_reduction <minsi>, %select_n3A_171, %reduce_min3A_172 [1] : vector<16x64xi32> to vector<16xi32>
    %broadcast_in_dim3A_174 = vector.shape_cast %reduce_min3A_173 : vector<16xi32> to vector<16x1xi32>
    %eq3A_175 = vector.broadcast %broadcast_in_dim3A_174 : vector<16x1xi32> to vector<16x64xi32>
    %eq3A_176 = arith.cmpi eq, %iota3A, %eq3A_175 : vector<16x64xi32>
    %jit3A_177 = arith.constant 0x7F800000 : f32
    %broadcast_in_dim3A_178 = vector.broadcast %jit3A_177 : f32 to vector<16x64xf32>
    %select_n3A_179 = arith.select %eq3A_176, %broadcast_in_dim3A_178, %select_n3A_163 : vector<16x64xi1>, vector<16x64xf32>
    %reduce_min3A_180 = arith.constant dense<0x7F800000> : vector<16xf32>
    %reduce_min3A_181 = vector.multi_reduction <minimumf>, %select_n3A_179, %reduce_min3A_180 [1] : vector<16x64xf32> to vector<16xf32>
    %broadcast_in_dim3A_182 = vector.shape_cast %reduce_min3A_181 : vector<16xf32> to vector<16x1xf32>
    %eq3A_183 = vector.broadcast %broadcast_in_dim3A_182 : vector<16x1xf32> to vector<16x64xf32>
    %eq3A_184 = arith.cmpf oeq, %select_n3A_179, %eq3A_183 : vector<16x64xf32>
    %jit3A_185 = arith.constant 1073741824 : i32
    %broadcast_in_dim3A_186 = vector.broadcast %jit3A_185 : i32 to vector<16x64xi32>
    %select_n3A_187 = arith.select %eq3A_184, %iota3A, %broadcast_in_dim3A_186 : vector<16x64xi1>, vector<16x64xi32>
    %reduce_min3A_188 = arith.constant dense<2147483647> : vector<16xi32>
    %reduce_min3A_189 = vector.multi_reduction <minsi>, %select_n3A_187, %reduce_min3A_188 [1] : vector<16x64xi32> to vector<16xi32>
    %broadcast_in_dim3A_190 = vector.shape_cast %reduce_min3A_189 : vector<16xi32> to vector<16x1xi32>
    %eq3A_191 = vector.broadcast %broadcast_in_dim3A_190 : vector<16x1xi32> to vector<16x64xi32>
    %eq3A_192 = arith.cmpi eq, %iota3A, %eq3A_191 : vector<16x64xi32>
    %jit3A_193 = arith.constant 0x7F800000 : f32
    %broadcast_in_dim3A_194 = vector.broadcast %jit3A_193 : f32 to vector<16x64xf32>
    %select_n3A_195 = arith.select %eq3A_192, %broadcast_in_dim3A_194, %select_n3A_179 : vector<16x64xi1>, vector<16x64xf32>
    %reduce_min3A_196 = arith.constant dense<0x7F800000> : vector<16xf32>
    %reduce_min3A_197 = vector.multi_reduction <minimumf>, %select_n3A_195, %reduce_min3A_196 [1] : vector<16x64xf32> to vector<16xf32>
    %broadcast_in_dim3A_198 = vector.shape_cast %reduce_min3A_197 : vector<16xf32> to vector<16x1xf32>
    %eq3A_199 = vector.broadcast %broadcast_in_dim3A_198 : vector<16x1xf32> to vector<16x64xf32>
    %eq3A_200 = arith.cmpf oeq, %select_n3A_195, %eq3A_199 : vector<16x64xf32>
    %jit3A_201 = arith.constant 1073741824 : i32
    %broadcast_in_dim3A_202 = vector.broadcast %jit3A_201 : i32 to vector<16x64xi32>
    %select_n3A_203 = arith.select %eq3A_200, %iota3A, %broadcast_in_dim3A_202 : vector<16x64xi1>, vector<16x64xi32>
    %reduce_min3A_204 = arith.constant dense<2147483647> : vector<16xi32>
    %reduce_min3A_205 = vector.multi_reduction <minsi>, %select_n3A_203, %reduce_min3A_204 [1] : vector<16x64xi32> to vector<16xi32>
    %broadcast_in_dim3A_206 = vector.shape_cast %reduce_min3A_205 : vector<16xi32> to vector<16x1xi32>
    %eq3A_207 = vector.broadcast %broadcast_in_dim3A_206 : vector<16x1xi32> to vector<16x64xi32>
    %eq3A_208 = arith.cmpi eq, %iota3A, %eq3A_207 : vector<16x64xi32>
    %jit3A_209 = arith.constant 0x7F800000 : f32
    %broadcast_in_dim3A_210 = vector.broadcast %jit3A_209 : f32 to vector<16x64xf32>
    %select_n3A_211 = arith.select %eq3A_208, %broadcast_in_dim3A_210, %select_n3A_195 : vector<16x64xi1>, vector<16x64xf32>
    %reduce_min3A_212 = arith.constant dense<0x7F800000> : vector<16xf32>
    %reduce_min3A_213 = vector.multi_reduction <minimumf>, %select_n3A_211, %reduce_min3A_212 [1] : vector<16x64xf32> to vector<16xf32>
    %broadcast_in_dim3A_214 = vector.shape_cast %reduce_min3A_213 : vector<16xf32> to vector<16x1xf32>
    %eq3A_215 = vector.broadcast %broadcast_in_dim3A_214 : vector<16x1xf32> to vector<16x64xf32>
    %eq3A_216 = arith.cmpf oeq, %select_n3A_211, %eq3A_215 : vector<16x64xf32>
    %jit3A_217 = arith.constant 1073741824 : i32
    %broadcast_in_dim3A_218 = vector.broadcast %jit3A_217 : i32 to vector<16x64xi32>
    %select_n3A_219 = arith.select %eq3A_216, %iota3A, %broadcast_in_dim3A_218 : vector<16x64xi1>, vector<16x64xi32>
    %reduce_min3A_220 = arith.constant dense<2147483647> : vector<16xi32>
    %reduce_min3A_221 = vector.multi_reduction <minsi>, %select_n3A_219, %reduce_min3A_220 [1] : vector<16x64xi32> to vector<16xi32>
    %broadcast_in_dim3A_222 = vector.shape_cast %reduce_min3A_221 : vector<16xi32> to vector<16x1xi32>
    %eq3A_223 = vector.broadcast %broadcast_in_dim3A_222 : vector<16x1xi32> to vector<16x64xi32>
    %eq3A_224 = arith.cmpi eq, %iota3A, %eq3A_223 : vector<16x64xi32>
    %jit3A_225 = arith.constant 0x7F800000 : f32
    %broadcast_in_dim3A_226 = vector.broadcast %jit3A_225 : f32 to vector<16x64xf32>
    %select_n3A_227 = arith.select %eq3A_224, %broadcast_in_dim3A_226, %select_n3A_211 : vector<16x64xi1>, vector<16x64xf32>
    %reduce_min3A_228 = arith.constant dense<0x7F800000> : vector<16xf32>
    %reduce_min3A_229 = vector.multi_reduction <minimumf>, %select_n3A_227, %reduce_min3A_228 [1] : vector<16x64xf32> to vector<16xf32>
    %broadcast_in_dim3A_230 = vector.shape_cast %reduce_min3A_229 : vector<16xf32> to vector<16x1xf32>
    %eq3A_231 = vector.broadcast %broadcast_in_dim3A_230 : vector<16x1xf32> to vector<16x64xf32>
    %eq3A_232 = arith.cmpf oeq, %select_n3A_227, %eq3A_231 : vector<16x64xf32>
    %jit3A_233 = arith.constant 1073741824 : i32
    %broadcast_in_dim3A_234 = vector.broadcast %jit3A_233 : i32 to vector<16x64xi32>
    %select_n3A_235 = arith.select %eq3A_232, %iota3A, %broadcast_in_dim3A_234 : vector<16x64xi1>, vector<16x64xi32>
    %reduce_min3A_236 = arith.constant dense<2147483647> : vector<16xi32>
    %reduce_min3A_237 = vector.multi_reduction <minsi>, %select_n3A_235, %reduce_min3A_236 [1] : vector<16x64xi32> to vector<16xi32>
    %broadcast_in_dim3A_238 = vector.shape_cast %reduce_min3A_237 : vector<16xi32> to vector<16x1xi32>
    %eq3A_239 = vector.broadcast %broadcast_in_dim3A_238 : vector<16x1xi32> to vector<16x64xi32>
    %eq3A_240 = arith.cmpi eq, %iota3A, %eq3A_239 : vector<16x64xi32>
    %jit3A_241 = arith.constant 0x7F800000 : f32
    %broadcast_in_dim3A_242 = vector.broadcast %jit3A_241 : f32 to vector<16x64xf32>
    %select_n3A_243 = arith.select %eq3A_240, %broadcast_in_dim3A_242, %select_n3A_227 : vector<16x64xi1>, vector<16x64xf32>
    %reduce_min3A_244 = arith.constant dense<0x7F800000> : vector<16xf32>
    %reduce_min3A_245 = vector.multi_reduction <minimumf>, %select_n3A_243, %reduce_min3A_244 [1] : vector<16x64xf32> to vector<16xf32>
    %broadcast_in_dim3A_246 = vector.shape_cast %reduce_min3A_245 : vector<16xf32> to vector<16x1xf32>
    %eq3A_247 = vector.broadcast %broadcast_in_dim3A_246 : vector<16x1xf32> to vector<16x64xf32>
    %eq3A_248 = arith.cmpf oeq, %select_n3A_243, %eq3A_247 : vector<16x64xf32>
    %jit3A_249 = arith.constant 1073741824 : i32
    %broadcast_in_dim3A_250 = vector.broadcast %jit3A_249 : i32 to vector<16x64xi32>
    %select_n3A_251 = arith.select %eq3A_248, %iota3A, %broadcast_in_dim3A_250 : vector<16x64xi1>, vector<16x64xi32>
    %reduce_min3A_252 = arith.constant dense<2147483647> : vector<16xi32>
    %reduce_min3A_253 = vector.multi_reduction <minsi>, %select_n3A_251, %reduce_min3A_252 [1] : vector<16x64xi32> to vector<16xi32>
    %broadcast_in_dim3A_254 = vector.shape_cast %reduce_min3A_253 : vector<16xi32> to vector<16x1xi32>
    %eq3A_255 = vector.broadcast %broadcast_in_dim3A_254 : vector<16x1xi32> to vector<16x64xi32>
    %eq3A_256 = arith.cmpi eq, %iota3A, %eq3A_255 : vector<16x64xi32>
    %jit3A_257 = arith.constant 0x7F800000 : f32
    %broadcast_in_dim3A_258 = vector.broadcast %jit3A_257 : f32 to vector<16x64xf32>
    %select_n3A_259 = arith.select %eq3A_256, %broadcast_in_dim3A_258, %select_n3A_243 : vector<16x64xi1>, vector<16x64xf32>
    %reduce_min3A_260 = arith.constant dense<0x7F800000> : vector<16xf32>
    %reduce_min3A_261 = vector.multi_reduction <minimumf>, %select_n3A_259, %reduce_min3A_260 [1] : vector<16x64xf32> to vector<16xf32>
    %broadcast_in_dim3A_262 = vector.shape_cast %reduce_min3A_261 : vector<16xf32> to vector<16x1xf32>
    %eq3A_263 = vector.broadcast %broadcast_in_dim3A_262 : vector<16x1xf32> to vector<16x64xf32>
    %eq3A_264 = arith.cmpf oeq, %select_n3A_259, %eq3A_263 : vector<16x64xf32>
    %jit3A_265 = arith.constant 1073741824 : i32
    %broadcast_in_dim3A_266 = vector.broadcast %jit3A_265 : i32 to vector<16x64xi32>
    %select_n3A_267 = arith.select %eq3A_264, %iota3A, %broadcast_in_dim3A_266 : vector<16x64xi1>, vector<16x64xi32>
    %reduce_min3A_268 = arith.constant dense<2147483647> : vector<16xi32>
    %reduce_min3A_269 = vector.multi_reduction <minsi>, %select_n3A_267, %reduce_min3A_268 [1] : vector<16x64xi32> to vector<16xi32>
    %broadcast_in_dim3A_270 = vector.shape_cast %reduce_min3A_269 : vector<16xi32> to vector<16x1xi32>
    %concatenate3A = tpu.concatenate %broadcast_in_dim3A_30, %broadcast_in_dim3A_46, %broadcast_in_dim3A_62, %broadcast_in_dim3A_78, %broadcast_in_dim3A_94, %broadcast_in_dim3A_110, %broadcast_in_dim3A_126, %broadcast_in_dim3A_142, %broadcast_in_dim3A_158, %broadcast_in_dim3A_174, %broadcast_in_dim3A_190, %broadcast_in_dim3A_206, %broadcast_in_dim3A_222, %broadcast_in_dim3A_238, %broadcast_in_dim3A_254, %broadcast_in_dim3A_270 in 1 : vector<16x1xi32>, vector<16x1xi32>, vector<16x1xi32>, vector<16x1xi32>, vector<16x1xi32>, vector<16x1xi32>, vector<16x1xi32>, vector<16x1xi32>, vector<16x1xi32>, vector<16x1xi32>, vector<16x1xi32>, vector<16x1xi32>, vector<16x1xi32>, vector<16x1xi32>, vector<16x1xi32>, vector<16x1xi32> -> vector<16x16xi32>
    %swap3A = arith.constant 0 : index
    %swap3A_271 = arith.constant 0 : index
    %swap3A_272 = arith.constant 0 : index
    %swap3A_273 = vector.load %arg6[%swap3A, %swap3A_271, %swap3A_272] : memref<1x16x16xi32, #tpu.memory_space<vmem>>, vector<1x16x16xi32>
    %swap3A_274 = vector.shape_cast %swap3A_273 : vector<1x16x16xi32> to vector<16x16xi32>
    %swap3A_275 = vector.shape_cast %concatenate3A : vector<16x16xi32> to vector<1x16x16xi32>
    tpu.vector_store %arg6[%swap3A, %swap3A_271, %swap3A_272], %swap3A_275 {strides = array<i32>} : memref<1x16x16xi32, #tpu.memory_space<vmem>>, vector<1x16x16xi32>,
    return
  }
  func.func @transform_0(%arg0: i32, %arg1: i32) -> (i32, i32, i32) {
    %c0_i32 = arith.constant 0 : i32
    %c0_i32_0 = arith.constant 0 : i32
    return %arg0, %arg1, %c0_i32 : i32, i32, i32
  }
  func.func @transform_1(%arg0: i32, %arg1: i32) -> (i32, i32, i32) {
    %c0_i32 = arith.constant 0 : i32
    %c0_i32_0 = arith.constant 0 : i32
    %c0_i32_1 = arith.constant 0 : i32
    return %arg0, %c0_i32, %c0_i32_0 : i32, i32, i32
  }
  func.func @transform_2(%arg0: i32, %arg1: i32) -> (i32, i32, i32) {
    %c0_i32 = arith.constant 0 : i32
    %c0_i32_0 = arith.constant 0 : i32
    return %arg0, %arg1, %c0_i32 : i32, i32, i32
  }
  func.func @transform_3(%arg0: i32, %arg1: i32) -> (i32, i32, i32) {
    %c0_i32 = arith.constant 0 : i32
    %c0_i32_0 = arith.constant 0 : i32
    %c0_i32_1 = arith.constant 0 : i32
    return %arg0, %c0_i32, %c0_i32_0 : i32, i32, i32
  }
  func.func @transform_4(%arg0: i32, %arg1: i32) -> (i32, i32, i32) {
    %c0_i32 = arith.constant 0 : i32
    %c0_i32_0 = arith.constant 0 : i32
    return %arg0, %arg1, %c0_i32 : i32, i32, i32
  }
}

module attributes {stable_mosaic.version = 14 : i64} {
  func.func @_tb_block_kernel(%arg0: i32, %arg1: i32, %arg2: memref<1x64x512xf32, #tpu.memory_space<vmem>>, %arg3: memref<1x1024x1xi32, #tpu.memory_space<vmem>>, %arg4: memref<1x64x512xbf16, #tpu.memory_space<vmem>>, %arg5: memref<1x64x512xbf16, #tpu.memory_space<vmem>>, %arg6: memref<1x64x512xbf16, #tpu.memory_space<vmem>>, %arg7: memref<1x64x512xbf16, #tpu.memory_space<vmem>>, %arg8: memref<1x64x512xbf16, #tpu.memory_space<vmem>>, %arg9: memref<1x64x512xbf16, #tpu.memory_space<vmem>>, %arg10: memref<1x64x3xf32, #tpu.memory_space<vmem>>, %arg11: memref<1x64x3xbf16, #tpu.memory_space<vmem>>, %arg12: memref<1x64x3xbf16, #tpu.memory_space<vmem>>, %arg13: memref<1x64x3xbf16, #tpu.memory_space<vmem>>, %arg14: memref<3x512xf32, #tpu.memory_space<vmem>>, %arg15: memref<1x512xf32, #tpu.memory_space<vmem>>, %arg16: memref<512x512xf32, #tpu.memory_space<vmem>>, %arg17: memref<1x512xf32, #tpu.memory_space<vmem>>, %arg18: memref<512x512xf32, #tpu.memory_space<vmem>>, %arg19: memref<1x512xf32, #tpu.memory_space<vmem>>, %arg20: memref<512x512xf32, #tpu.memory_space<vmem>>, %arg21: memref<1x512xf32, #tpu.memory_space<vmem>>, %arg22: memref<1x64x512xf32, #tpu.memory_space<vmem>>) attributes {dimension_semantics = [#tpu.dimension_semantics<parallel>, #tpu.dimension_semantics<arbitrary>], iteration_bounds = array<i64: 8, 1>, scalar_prefetch = 0 : i64, scratch_operands = 0 : i64, tpu.core_type = #tpu.core_type<tc>, window_params = [{transform_indices = @transform_0, window_bounds = array<i64: 1, 64, 512>}, {transform_indices = @transform_1, window_bounds = array<i64: 1, 1024, 1>}, {transform_indices = @transform_2, window_bounds = array<i64: 1, 64, 512>}, {transform_indices = @transform_3, window_bounds = array<i64: 1, 64, 512>}, {transform_indices = @transform_4, window_bounds = array<i64: 1, 64, 512>}, {transform_indices = @transform_5, window_bounds = array<i64: 1, 64, 512>}, {transform_indices = @transform_6, window_bounds = array<i64: 1, 64, 512>}, {transform_indices = @transform_7, window_bounds = array<i64: 1, 64, 512>}, {transform_indices = @transform_8, window_bounds = array<i64: 1, 64, 3>}, {transform_indices = @transform_9, window_bounds = array<i64: 1, 64, 3>}, {transform_indices = @transform_10, window_bounds = array<i64: 1, 64, 3>}, {transform_indices = @transform_11, window_bounds = array<i64: 1, 64, 3>}, {pipeline_mode = #tpu.pipeline_mode<synchronous>, transform_indices = @transform_12, window_bounds = array<i64: 3, 512>}, {pipeline_mode = #tpu.pipeline_mode<synchronous>, transform_indices = @transform_13, window_bounds = array<i64: 1, 512>}, {pipeline_mode = #tpu.pipeline_mode<synchronous>, transform_indices = @transform_14, window_bounds = array<i64: 512, 512>}, {pipeline_mode = #tpu.pipeline_mode<synchronous>, transform_indices = @transform_15, window_bounds = array<i64: 1, 512>}, {pipeline_mode = #tpu.pipeline_mode<synchronous>, transform_indices = @transform_16, window_bounds = array<i64: 512, 512>}, {pipeline_mode = #tpu.pipeline_mode<synchronous>, transform_indices = @transform_17, window_bounds = array<i64: 1, 512>}, {pipeline_mode = #tpu.pipeline_mode<synchronous>, transform_indices = @transform_18, window_bounds = array<i64: 512, 512>}, {pipeline_mode = #tpu.pipeline_mode<synchronous>, transform_indices = @transform_19, window_bounds = array<i64: 1, 512>}, {transform_indices = @transform_20, window_bounds = array<i64: 1, 64, 512>}]} {
    %get3A = arith.constant 0 : index
    %get3A_0 = arith.constant 0 : index
    %get3A_1 = arith.constant 0 : index
    %get3A_2 = vector.load %arg3[%get3A, %get3A_0, %get3A_1] : memref<1x1024x1xi32, #tpu.memory_space<vmem>>, vector<1x1024x1xi32>
    %get3A_3 = vector.shape_cast %get3A_2 : vector<1x1024x1xi32> to vector<1024x1xi32>
    %iota3A = tpu.iota {dimensions = array<i32: 1>} : vector<1024x64xi32>
    %eq3A = vector.broadcast %get3A_3 : vector<1024x1xi32> to vector<1024x64xi32>
    %eq3A_4 = arith.cmpi eq, %iota3A, %eq3A : vector<1024x64xi32>
    %jit3A = arith.constant 1.000000e+00 : f32
    %jit3A_5 = arith.constant 0.000000e+00 : f32
    %broadcast_in_dim3A = vector.broadcast %jit3A : f32 to vector<1024x64xf32>
    %broadcast_in_dim3A_6 = vector.broadcast %jit3A_5 : f32 to vector<1024x64xf32>
    %select_n3A = arith.select %eq3A_4, %broadcast_in_dim3A, %broadcast_in_dim3A_6 : vector<1024x64xi1>, vector<1024x64xf32>
    %convert_element_type3A = arith.truncf %select_n3A : vector<1024x64xf32> to vector<1024x64xbf16>
    %get3A_7 = arith.constant 0 : index
    %get3A_8 = arith.constant 0 : index
    %get3A_9 = arith.constant 0 : index
    %get3A_10 = vector.load %arg10[%get3A_7, %get3A_8, %get3A_9] : memref<1x64x3xf32, #tpu.memory_space<vmem>>, vector<1x64x3xf32>
    %get3A_11 = vector.shape_cast %get3A_10 : vector<1x64x3xf32> to vector<64x3xf32>
    %get3A_12 = arith.constant 0 : index
    %get3A_13 = arith.constant 0 : index
    %get3A_14 = arith.constant 0 : index
    %get3A_15 = vector.load %arg11[%get3A_12, %get3A_13, %get3A_14] : memref<1x64x3xbf16, #tpu.memory_space<vmem>>, vector<1x64x3xbf16>
    %get3A_16 = vector.shape_cast %get3A_15 : vector<1x64x3xbf16> to vector<64x3xbf16>
    %dot_general3A = arith.constant dense<0.000000e+00> : vector<1024x3xf32>
    %dot_general3A_17 = tpu.matmul %convert_element_type3A, %get3A_16, %dot_general3A {dimension_numbers = #tpu.dot_dimension_numbers<[1], [0], [0], [1], [0, 0, 1, 1], [], []>, transpose_lhs_hint = false} : vector<1024x64xbf16>, vector<64x3xbf16>, vector<1024x3xf32> -> vector<1024x3xf32>
    %get3A_18 = arith.constant 0 : index
    %get3A_19 = arith.constant 0 : index
    %get3A_20 = arith.constant 0 : index
    %get3A_21 = vector.load %arg12[%get3A_18, %get3A_19, %get3A_20] : memref<1x64x3xbf16, #tpu.memory_space<vmem>>, vector<1x64x3xbf16>
    %get3A_22 = vector.shape_cast %get3A_21 : vector<1x64x3xbf16> to vector<64x3xbf16>
    %dot_general3A_23 = arith.constant dense<0.000000e+00> : vector<1024x3xf32>
    %dot_general3A_24 = tpu.matmul %convert_element_type3A, %get3A_22, %dot_general3A_23 {dimension_numbers = #tpu.dot_dimension_numbers<[1], [0], [0], [1], [0, 0, 1, 1], [], []>, transpose_lhs_hint = false} : vector<1024x64xbf16>, vector<64x3xbf16>, vector<1024x3xf32> -> vector<1024x3xf32>
    %add3A = arith.addf %dot_general3A_17, %dot_general3A_24 : vector<1024x3xf32>
    %get3A_25 = arith.constant 0 : index
    %get3A_26 = arith.constant 0 : index
    %get3A_27 = arith.constant 0 : index
    %get3A_28 = vector.load %arg13[%get3A_25, %get3A_26, %get3A_27] : memref<1x64x3xbf16, #tpu.memory_space<vmem>>, vector<1x64x3xbf16>
    %get3A_29 = vector.shape_cast %get3A_28 : vector<1x64x3xbf16> to vector<64x3xbf16>
    %dot_general3A_30 = arith.constant dense<0.000000e+00> : vector<1024x3xf32>
    %dot_general3A_31 = tpu.matmul %convert_element_type3A, %get3A_29, %dot_general3A_30 {dimension_numbers = #tpu.dot_dimension_numbers<[1], [0], [0], [1], [0, 0, 1, 1], [], []>, transpose_lhs_hint = false} : vector<1024x64xbf16>, vector<64x3xbf16>, vector<1024x3xf32> -> vector<1024x3xf32>
    %add3A_32 = arith.addf %add3A, %dot_general3A_31 : vector<1024x3xf32>
    %broadcast_in_dim3A_33 = vector.shape_cast %get3A_11 : vector<64x3xf32> to vector<64x1x3xf32>
    %broadcast_in_dim3A_34 = vector.shape_cast %broadcast_in_dim3A_33 : vector<64x1x3xf32> to vector<64x1x3xf32>
    %broadcast_in_dim3A_35 = vector.broadcast %broadcast_in_dim3A_34 : vector<64x1x3xf32> to vector<64x16x3xf32>
    %reshape3A = vector.shape_cast %broadcast_in_dim3A_35 : vector<64x16x3xf32> to vector<1024x3xf32>
    %sub3A = arith.subf %reshape3A, %add3A_32 : vector<1024x3xf32>
    %get3A_36 = arith.constant 0 : index
    %get3A_37 = arith.constant 0 : index
    %get3A_38 = vector.load %arg14[%get3A_36, %get3A_37] : memref<3x512xf32, #tpu.memory_space<vmem>>, vector<3x512xf32>
    %dot_general3A_39 = arith.constant dense<0.000000e+00> : vector<1024x512xf32>
    %dot_general3A_40 = tpu.matmul %sub3A, %get3A_38, %dot_general3A_39 {dimension_numbers = #tpu.dot_dimension_numbers<[1], [0], [0], [1], [0, 0, 1, 1], [], []>, transpose_lhs_hint = false} : vector<1024x3xf32>, vector<3x512xf32>, vector<1024x512xf32> -> vector<1024x512xf32>
    %get3A_41 = arith.constant 0 : index
    %get3A_42 = arith.constant 0 : index
    %get3A_43 = vector.load %arg15[%get3A_41, %get3A_42] : memref<1x512xf32, #tpu.memory_space<vmem>>, vector<1x512xf32>
    %add3A_44 = vector.broadcast %get3A_43 : vector<1x512xf32> to vector<1024x512xf32>
    %add3A_45 = arith.addf %dot_general3A_40, %add3A_44 : vector<1024x512xf32>
    %max3A = arith.constant 0.000000e+00 : f32
    %max3A_46 = vector.broadcast %max3A : f32 to vector<1024x512xf32>
    %max3A_47 = arith.maximumf %add3A_45, %max3A_46 : vector<1024x512xf32>
    %get3A_48 = arith.constant 0 : index
    %get3A_49 = arith.constant 0 : index
    %get3A_50 = vector.load %arg17[%get3A_48, %get3A_49] : memref<1x512xf32, #tpu.memory_space<vmem>>, vector<1x512xf32>
    %get3A_51 = arith.constant 0 : index
    %get3A_52 = arith.constant 0 : index
    %get3A_53 = vector.load %arg16[%get3A_51, %get3A_52] : memref<512x512xf32, #tpu.memory_space<vmem>>, vector<512x512xf32>
    %dot_general3A_54 = arith.constant dense<0.000000e+00> : vector<1024x512xf32>
    %dot_general3A_55 = tpu.matmul %max3A_47, %get3A_53, %dot_general3A_54 {dimension_numbers = #tpu.dot_dimension_numbers<[1], [0], [0], [1], [0, 0, 1, 1], [], []>, transpose_lhs_hint = false} : vector<1024x512xf32>, vector<512x512xf32>, vector<1024x512xf32> -> vector<1024x512xf32>
    %add3A_56 = vector.broadcast %get3A_50 : vector<1x512xf32> to vector<1024x512xf32>
    %add3A_57 = arith.addf %add3A_56, %dot_general3A_55 : vector<1024x512xf32>
    %get3A_58 = arith.constant 0 : index
    %get3A_59 = arith.constant 0 : index
    %get3A_60 = arith.constant 0 : index
    %get3A_61 = vector.load %arg2[%get3A_58, %get3A_59, %get3A_60] : memref<1x64x512xf32, #tpu.memory_space<vmem>>, vector<1x64x512xf32>
    %get3A_62 = vector.shape_cast %get3A_61 : vector<1x64x512xf32> to vector<64x512xf32>
    %broadcast_in_dim3A_63 = vector.shape_cast %get3A_62 : vector<64x512xf32> to vector<64x1x512xf32>
    %broadcast_in_dim3A_64 = vector.shape_cast %broadcast_in_dim3A_63 : vector<64x1x512xf32> to vector<64x1x512xf32>
    %broadcast_in_dim3A_65 = vector.broadcast %broadcast_in_dim3A_64 : vector<64x1x512xf32> to vector<64x16x512xf32>
    %reshape3A_66 = vector.shape_cast %broadcast_in_dim3A_65 : vector<64x16x512xf32> to vector<1024x512xf32>
    %get3A_67 = arith.constant 0 : index
    %get3A_68 = arith.constant 0 : index
    %get3A_69 = arith.constant 0 : index
    %get3A_70 = vector.load %arg4[%get3A_67, %get3A_68, %get3A_69] : memref<1x64x512xbf16, #tpu.memory_space<vmem>>, vector<1x64x512xbf16>
    %get3A_71 = vector.shape_cast %get3A_70 : vector<1x64x512xbf16> to vector<64x512xbf16>
    %dot_general3A_72 = arith.constant dense<0.000000e+00> : vector<1024x512xf32>
    %dot_general3A_73 = tpu.matmul %convert_element_type3A, %get3A_71, %dot_general3A_72 {dimension_numbers = #tpu.dot_dimension_numbers<[1], [0], [0], [1], [0, 0, 1, 1], [], []>, transpose_lhs_hint = false} : vector<1024x64xbf16>, vector<64x512xbf16>, vector<1024x512xf32> -> vector<1024x512xf32>
    %get3A_74 = arith.constant 0 : index
    %get3A_75 = arith.constant 0 : index
    %get3A_76 = arith.constant 0 : index
    %get3A_77 = vector.load %arg5[%get3A_74, %get3A_75, %get3A_76] : memref<1x64x512xbf16, #tpu.memory_space<vmem>>, vector<1x64x512xbf16>
    %get3A_78 = vector.shape_cast %get3A_77 : vector<1x64x512xbf16> to vector<64x512xbf16>
    %dot_general3A_79 = arith.constant dense<0.000000e+00> : vector<1024x512xf32>
    %dot_general3A_80 = tpu.matmul %convert_element_type3A, %get3A_78, %dot_general3A_79 {dimension_numbers = #tpu.dot_dimension_numbers<[1], [0], [0], [1], [0, 0, 1, 1], [], []>, transpose_lhs_hint = false} : vector<1024x64xbf16>, vector<64x512xbf16>, vector<1024x512xf32> -> vector<1024x512xf32>
    %add3A_81 = arith.addf %dot_general3A_73, %dot_general3A_80 : vector<1024x512xf32>
    %get3A_82 = arith.constant 0 : index
    %get3A_83 = arith.constant 0 : index
    %get3A_84 = arith.constant 0 : index
    %get3A_85 = vector.load %arg6[%get3A_82, %get3A_83, %get3A_84] : memref<1x64x512xbf16, #tpu.memory_space<vmem>>, vector<1x64x512xbf16>
    %get3A_86 = vector.shape_cast %get3A_85 : vector<1x64x512xbf16> to vector<64x512xbf16>
    %dot_general3A_87 = arith.constant dense<0.000000e+00> : vector<1024x512xf32>
    %dot_general3A_88 = tpu.matmul %convert_element_type3A, %get3A_86, %dot_general3A_87 {dimension_numbers = #tpu.dot_dimension_numbers<[1], [0], [0], [1], [0, 0, 1, 1], [], []>, transpose_lhs_hint = false} : vector<1024x64xbf16>, vector<64x512xbf16>, vector<1024x512xf32> -> vector<1024x512xf32>
    %add3A_89 = arith.addf %add3A_81, %dot_general3A_88 : vector<1024x512xf32>
    %sub3A_90 = arith.subf %reshape3A_66, %add3A_89 : vector<1024x512xf32>
    %add3A_91 = arith.addf %sub3A_90, %add3A_57 : vector<1024x512xf32>
    %get3A_92 = arith.constant 0 : index
    %get3A_93 = arith.constant 0 : index
    %get3A_94 = vector.load %arg19[%get3A_92, %get3A_93] : memref<1x512xf32, #tpu.memory_space<vmem>>, vector<1x512xf32>
    %get3A_95 = arith.constant 0 : index
    %get3A_96 = arith.constant 0 : index
    %get3A_97 = vector.load %arg18[%get3A_95, %get3A_96] : memref<512x512xf32, #tpu.memory_space<vmem>>, vector<512x512xf32>
    %dot_general3A_98 = arith.constant dense<0.000000e+00> : vector<1024x512xf32>
    %dot_general3A_99 = tpu.matmul %add3A_91, %get3A_97, %dot_general3A_98 {dimension_numbers = #tpu.dot_dimension_numbers<[1], [0], [0], [1], [0, 0, 1, 1], [], []>, transpose_lhs_hint = false} : vector<1024x512xf32>, vector<512x512xf32>, vector<1024x512xf32> -> vector<1024x512xf32>
    %add3A_100 = vector.broadcast %get3A_94 : vector<1x512xf32> to vector<1024x512xf32>
    %add3A_101 = arith.addf %add3A_100, %dot_general3A_99 : vector<1024x512xf32>
    %max3A_102 = arith.constant 0.000000e+00 : f32
    %max3A_103 = vector.broadcast %max3A_102 : f32 to vector<1024x512xf32>
    %max3A_104 = arith.maximumf %add3A_101, %max3A_103 : vector<1024x512xf32>
    %get3A_105 = arith.constant 0 : index
    %get3A_106 = arith.constant 0 : index
    %get3A_107 = vector.load %arg21[%get3A_105, %get3A_106] : memref<1x512xf32, #tpu.memory_space<vmem>>, vector<1x512xf32>
    %get3A_108 = arith.constant 0 : index
    %get3A_109 = arith.constant 0 : index
    %get3A_110 = vector.load %arg20[%get3A_108, %get3A_109] : memref<512x512xf32, #tpu.memory_space<vmem>>, vector<512x512xf32>
    %dot_general3A_111 = arith.constant dense<0.000000e+00> : vector<1024x512xf32>
    %dot_general3A_112 = tpu.matmul %max3A_104, %get3A_110, %dot_general3A_111 {dimension_numbers = #tpu.dot_dimension_numbers<[1], [0], [0], [1], [0, 0, 1, 1], [], []>, transpose_lhs_hint = false} : vector<1024x512xf32>, vector<512x512xf32>, vector<1024x512xf32> -> vector<1024x512xf32>
    %add3A_113 = vector.broadcast %get3A_107 : vector<1x512xf32> to vector<1024x512xf32>
    %add3A_114 = arith.addf %add3A_113, %dot_general3A_112 : vector<1024x512xf32>
    %div3A = arith.constant 22.6274166 : f32
    %div3A_115 = vector.broadcast %div3A : f32 to vector<1024x512xf32>
    %div3A_116 = arith.divf %add3A_114, %div3A_115 : vector<1024x512xf32>
    %reshape3A_117 = vector.shape_cast %div3A_116 : vector<1024x512xf32> to vector<64x16x512xf32>
    %reduce_max3A = arith.constant dense<0xFF800000> : vector<64x512xf32>
    %reduce_max3A_118 = vector.multi_reduction <maximumf>, %reshape3A_117, %reduce_max3A [1] : vector<64x16x512xf32> to vector<64x512xf32>
    %broadcast_in_dim3A_119 = vector.shape_cast %reduce_max3A_118 : vector<64x512xf32> to vector<64x1x512xf32>
    %sub3A_120 = vector.broadcast %broadcast_in_dim3A_119 : vector<64x1x512xf32> to vector<64x16x512xf32>
    %sub3A_121 = arith.subf %reshape3A_117, %sub3A_120 : vector<64x16x512xf32>
    %exp3A = math.exp %sub3A_121 : vector<64x16x512xf32>
    %slice3A = vector.extract_strided_slice %exp3A {offsets = [0, 0, 0], sizes = [64, 1, 512], strides = [1, 1, 1]} : vector<64x16x512xf32> to vector<64x1x512xf32>
    %squeeze3A = vector.shape_cast %slice3A : vector<64x1x512xf32> to vector<64x512xf32>
    %slice3A_122 = vector.extract_strided_slice %exp3A {offsets = [0, 1, 0], sizes = [64, 1, 512], strides = [1, 1, 1]} : vector<64x16x512xf32> to vector<64x1x512xf32>
    %squeeze3A_123 = vector.shape_cast %slice3A_122 : vector<64x1x512xf32> to vector<64x512xf32>
    %add3A_124 = arith.addf %squeeze3A, %squeeze3A_123 : vector<64x512xf32>
    %slice3A_125 = vector.extract_strided_slice %exp3A {offsets = [0, 2, 0], sizes = [64, 1, 512], strides = [1, 1, 1]} : vector<64x16x512xf32> to vector<64x1x512xf32>
    %squeeze3A_126 = vector.shape_cast %slice3A_125 : vector<64x1x512xf32> to vector<64x512xf32>
    %add3A_127 = arith.addf %add3A_124, %squeeze3A_126 : vector<64x512xf32>
    %slice3A_128 = vector.extract_strided_slice %exp3A {offsets = [0, 3, 0], sizes = [64, 1, 512], strides = [1, 1, 1]} : vector<64x16x512xf32> to vector<64x1x512xf32>
    %squeeze3A_129 = vector.shape_cast %slice3A_128 : vector<64x1x512xf32> to vector<64x512xf32>
    %add3A_130 = arith.addf %add3A_127, %squeeze3A_129 : vector<64x512xf32>
    %slice3A_131 = vector.extract_strided_slice %exp3A {offsets = [0, 4, 0], sizes = [64, 1, 512], strides = [1, 1, 1]} : vector<64x16x512xf32> to vector<64x1x512xf32>
    %squeeze3A_132 = vector.shape_cast %slice3A_131 : vector<64x1x512xf32> to vector<64x512xf32>
    %add3A_133 = arith.addf %add3A_130, %squeeze3A_132 : vector<64x512xf32>
    %slice3A_134 = vector.extract_strided_slice %exp3A {offsets = [0, 5, 0], sizes = [64, 1, 512], strides = [1, 1, 1]} : vector<64x16x512xf32> to vector<64x1x512xf32>
    %squeeze3A_135 = vector.shape_cast %slice3A_134 : vector<64x1x512xf32> to vector<64x512xf32>
    %add3A_136 = arith.addf %add3A_133, %squeeze3A_135 : vector<64x512xf32>
    %slice3A_137 = vector.extract_strided_slice %exp3A {offsets = [0, 6, 0], sizes = [64, 1, 512], strides = [1, 1, 1]} : vector<64x16x512xf32> to vector<64x1x512xf32>
    %squeeze3A_138 = vector.shape_cast %slice3A_137 : vector<64x1x512xf32> to vector<64x512xf32>
    %add3A_139 = arith.addf %add3A_136, %squeeze3A_138 : vector<64x512xf32>
    %slice3A_140 = vector.extract_strided_slice %exp3A {offsets = [0, 7, 0], sizes = [64, 1, 512], strides = [1, 1, 1]} : vector<64x16x512xf32> to vector<64x1x512xf32>
    %squeeze3A_141 = vector.shape_cast %slice3A_140 : vector<64x1x512xf32> to vector<64x512xf32>
    %add3A_142 = arith.addf %add3A_139, %squeeze3A_141 : vector<64x512xf32>
    %slice3A_143 = vector.extract_strided_slice %exp3A {offsets = [0, 8, 0], sizes = [64, 1, 512], strides = [1, 1, 1]} : vector<64x16x512xf32> to vector<64x1x512xf32>
    %squeeze3A_144 = vector.shape_cast %slice3A_143 : vector<64x1x512xf32> to vector<64x512xf32>
    %add3A_145 = arith.addf %add3A_142, %squeeze3A_144 : vector<64x512xf32>
    %slice3A_146 = vector.extract_strided_slice %exp3A {offsets = [0, 9, 0], sizes = [64, 1, 512], strides = [1, 1, 1]} : vector<64x16x512xf32> to vector<64x1x512xf32>
    %squeeze3A_147 = vector.shape_cast %slice3A_146 : vector<64x1x512xf32> to vector<64x512xf32>
    %add3A_148 = arith.addf %add3A_145, %squeeze3A_147 : vector<64x512xf32>
    %slice3A_149 = vector.extract_strided_slice %exp3A {offsets = [0, 10, 0], sizes = [64, 1, 512], strides = [1, 1, 1]} : vector<64x16x512xf32> to vector<64x1x512xf32>
    %squeeze3A_150 = vector.shape_cast %slice3A_149 : vector<64x1x512xf32> to vector<64x512xf32>
    %add3A_151 = arith.addf %add3A_148, %squeeze3A_150 : vector<64x512xf32>
    %slice3A_152 = vector.extract_strided_slice %exp3A {offsets = [0, 11, 0], sizes = [64, 1, 512], strides = [1, 1, 1]} : vector<64x16x512xf32> to vector<64x1x512xf32>
    %squeeze3A_153 = vector.shape_cast %slice3A_152 : vector<64x1x512xf32> to vector<64x512xf32>
    %add3A_154 = arith.addf %add3A_151, %squeeze3A_153 : vector<64x512xf32>
    %slice3A_155 = vector.extract_strided_slice %exp3A {offsets = [0, 12, 0], sizes = [64, 1, 512], strides = [1, 1, 1]} : vector<64x16x512xf32> to vector<64x1x512xf32>
    %squeeze3A_156 = vector.shape_cast %slice3A_155 : vector<64x1x512xf32> to vector<64x512xf32>
    %add3A_157 = arith.addf %add3A_154, %squeeze3A_156 : vector<64x512xf32>
    %slice3A_158 = vector.extract_strided_slice %exp3A {offsets = [0, 13, 0], sizes = [64, 1, 512], strides = [1, 1, 1]} : vector<64x16x512xf32> to vector<64x1x512xf32>
    %squeeze3A_159 = vector.shape_cast %slice3A_158 : vector<64x1x512xf32> to vector<64x512xf32>
    %add3A_160 = arith.addf %add3A_157, %squeeze3A_159 : vector<64x512xf32>
    %slice3A_161 = vector.extract_strided_slice %exp3A {offsets = [0, 14, 0], sizes = [64, 1, 512], strides = [1, 1, 1]} : vector<64x16x512xf32> to vector<64x1x512xf32>
    %squeeze3A_162 = vector.shape_cast %slice3A_161 : vector<64x1x512xf32> to vector<64x512xf32>
    %add3A_163 = arith.addf %add3A_160, %squeeze3A_162 : vector<64x512xf32>
    %slice3A_164 = vector.extract_strided_slice %exp3A {offsets = [0, 15, 0], sizes = [64, 1, 512], strides = [1, 1, 1]} : vector<64x16x512xf32> to vector<64x1x512xf32>
    %squeeze3A_165 = vector.shape_cast %slice3A_164 : vector<64x1x512xf32> to vector<64x512xf32>
    %add3A_166 = arith.addf %add3A_163, %squeeze3A_165 : vector<64x512xf32>
    %broadcast_in_dim3A_167 = vector.shape_cast %add3A_166 : vector<64x512xf32> to vector<64x1x512xf32>
    %div3A_168 = vector.broadcast %broadcast_in_dim3A_167 : vector<64x1x512xf32> to vector<64x16x512xf32>
    %div3A_169 = arith.divf %exp3A, %div3A_168 : vector<64x16x512xf32>
    %get3A_170 = arith.constant 0 : index
    %get3A_171 = arith.constant 0 : index
    %get3A_172 = arith.constant 0 : index
    %get3A_173 = vector.load %arg7[%get3A_170, %get3A_171, %get3A_172] : memref<1x64x512xbf16, #tpu.memory_space<vmem>>, vector<1x64x512xbf16>
    %get3A_174 = vector.shape_cast %get3A_173 : vector<1x64x512xbf16> to vector<64x512xbf16>
    %dot_general3A_175 = arith.constant dense<0.000000e+00> : vector<1024x512xf32>
    %dot_general3A_176 = tpu.matmul %convert_element_type3A, %get3A_174, %dot_general3A_175 {dimension_numbers = #tpu.dot_dimension_numbers<[1], [0], [0], [1], [0, 0, 1, 1], [], []>, transpose_lhs_hint = false} : vector<1024x64xbf16>, vector<64x512xbf16>, vector<1024x512xf32> -> vector<1024x512xf32>
    %get3A_177 = arith.constant 0 : index
    %get3A_178 = arith.constant 0 : index
    %get3A_179 = arith.constant 0 : index
    %get3A_180 = vector.load %arg8[%get3A_177, %get3A_178, %get3A_179] : memref<1x64x512xbf16, #tpu.memory_space<vmem>>, vector<1x64x512xbf16>
    %get3A_181 = vector.shape_cast %get3A_180 : vector<1x64x512xbf16> to vector<64x512xbf16>
    %dot_general3A_182 = arith.constant dense<0.000000e+00> : vector<1024x512xf32>
    %dot_general3A_183 = tpu.matmul %convert_element_type3A, %get3A_181, %dot_general3A_182 {dimension_numbers = #tpu.dot_dimension_numbers<[1], [0], [0], [1], [0, 0, 1, 1], [], []>, transpose_lhs_hint = false} : vector<1024x64xbf16>, vector<64x512xbf16>, vector<1024x512xf32> -> vector<1024x512xf32>
    %add3A_184 = arith.addf %dot_general3A_176, %dot_general3A_183 : vector<1024x512xf32>
    %get3A_185 = arith.constant 0 : index
    %get3A_186 = arith.constant 0 : index
    %get3A_187 = arith.constant 0 : index
    %get3A_188 = vector.load %arg9[%get3A_185, %get3A_186, %get3A_187] : memref<1x64x512xbf16, #tpu.memory_space<vmem>>, vector<1x64x512xbf16>
    %get3A_189 = vector.shape_cast %get3A_188 : vector<1x64x512xbf16> to vector<64x512xbf16>
    %dot_general3A_190 = arith.constant dense<0.000000e+00> : vector<1024x512xf32>
    %dot_general3A_191 = tpu.matmul %convert_element_type3A, %get3A_189, %dot_general3A_190 {dimension_numbers = #tpu.dot_dimension_numbers<[1], [0], [0], [1], [0, 0, 1, 1], [], []>, transpose_lhs_hint = false} : vector<1024x64xbf16>, vector<64x512xbf16>, vector<1024x512xf32> -> vector<1024x512xf32>
    %add3A_192 = arith.addf %add3A_184, %dot_general3A_191 : vector<1024x512xf32>
    %add3A_193 = arith.addf %add3A_192, %add3A_57 : vector<1024x512xf32>
    %reshape3A_194 = vector.shape_cast %add3A_193 : vector<1024x512xf32> to vector<64x16x512xf32>
    %mul3A = arith.mulf %div3A_169, %reshape3A_194 : vector<64x16x512xf32>
    %slice3A_195 = vector.extract_strided_slice %mul3A {offsets = [0, 0, 0], sizes = [64, 1, 512], strides = [1, 1, 1]} : vector<64x16x512xf32> to vector<64x1x512xf32>
    %squeeze3A_196 = vector.shape_cast %slice3A_195 : vector<64x1x512xf32> to vector<64x512xf32>
    %slice3A_197 = vector.extract_strided_slice %mul3A {offsets = [0, 1, 0], sizes = [64, 1, 512], strides = [1, 1, 1]} : vector<64x16x512xf32> to vector<64x1x512xf32>
    %squeeze3A_198 = vector.shape_cast %slice3A_197 : vector<64x1x512xf32> to vector<64x512xf32>
    %add3A_199 = arith.addf %squeeze3A_196, %squeeze3A_198 : vector<64x512xf32>
    %slice3A_200 = vector.extract_strided_slice %mul3A {offsets = [0, 2, 0], sizes = [64, 1, 512], strides = [1, 1, 1]} : vector<64x16x512xf32> to vector<64x1x512xf32>
    %squeeze3A_201 = vector.shape_cast %slice3A_200 : vector<64x1x512xf32> to vector<64x512xf32>
    %add3A_202 = arith.addf %add3A_199, %squeeze3A_201 : vector<64x512xf32>
    %slice3A_203 = vector.extract_strided_slice %mul3A {offsets = [0, 3, 0], sizes = [64, 1, 512], strides = [1, 1, 1]} : vector<64x16x512xf32> to vector<64x1x512xf32>
    %squeeze3A_204 = vector.shape_cast %slice3A_203 : vector<64x1x512xf32> to vector<64x512xf32>
    %add3A_205 = arith.addf %add3A_202, %squeeze3A_204 : vector<64x512xf32>
    %slice3A_206 = vector.extract_strided_slice %mul3A {offsets = [0, 4, 0], sizes = [64, 1, 512], strides = [1, 1, 1]} : vector<64x16x512xf32> to vector<64x1x512xf32>
    %squeeze3A_207 = vector.shape_cast %slice3A_206 : vector<64x1x512xf32> to vector<64x512xf32>
    %add3A_208 = arith.addf %add3A_205, %squeeze3A_207 : vector<64x512xf32>
    %slice3A_209 = vector.extract_strided_slice %mul3A {offsets = [0, 5, 0], sizes = [64, 1, 512], strides = [1, 1, 1]} : vector<64x16x512xf32> to vector<64x1x512xf32>
    %squeeze3A_210 = vector.shape_cast %slice3A_209 : vector<64x1x512xf32> to vector<64x512xf32>
    %add3A_211 = arith.addf %add3A_208, %squeeze3A_210 : vector<64x512xf32>
    %slice3A_212 = vector.extract_strided_slice %mul3A {offsets = [0, 6, 0], sizes = [64, 1, 512], strides = [1, 1, 1]} : vector<64x16x512xf32> to vector<64x1x512xf32>
    %squeeze3A_213 = vector.shape_cast %slice3A_212 : vector<64x1x512xf32> to vector<64x512xf32>
    %add3A_214 = arith.addf %add3A_211, %squeeze3A_213 : vector<64x512xf32>
    %slice3A_215 = vector.extract_strided_slice %mul3A {offsets = [0, 7, 0], sizes = [64, 1, 512], strides = [1, 1, 1]} : vector<64x16x512xf32> to vector<64x1x512xf32>
    %squeeze3A_216 = vector.shape_cast %slice3A_215 : vector<64x1x512xf32> to vector<64x512xf32>
    %add3A_217 = arith.addf %add3A_214, %squeeze3A_216 : vector<64x512xf32>
    %slice3A_218 = vector.extract_strided_slice %mul3A {offsets = [0, 8, 0], sizes = [64, 1, 512], strides = [1, 1, 1]} : vector<64x16x512xf32> to vector<64x1x512xf32>
    %squeeze3A_219 = vector.shape_cast %slice3A_218 : vector<64x1x512xf32> to vector<64x512xf32>
    %add3A_220 = arith.addf %add3A_217, %squeeze3A_219 : vector<64x512xf32>
    %slice3A_221 = vector.extract_strided_slice %mul3A {offsets = [0, 9, 0], sizes = [64, 1, 512], strides = [1, 1, 1]} : vector<64x16x512xf32> to vector<64x1x512xf32>
    %squeeze3A_222 = vector.shape_cast %slice3A_221 : vector<64x1x512xf32> to vector<64x512xf32>
    %add3A_223 = arith.addf %add3A_220, %squeeze3A_222 : vector<64x512xf32>
    %slice3A_224 = vector.extract_strided_slice %mul3A {offsets = [0, 10, 0], sizes = [64, 1, 512], strides = [1, 1, 1]} : vector<64x16x512xf32> to vector<64x1x512xf32>
    %squeeze3A_225 = vector.shape_cast %slice3A_224 : vector<64x1x512xf32> to vector<64x512xf32>
    %add3A_226 = arith.addf %add3A_223, %squeeze3A_225 : vector<64x512xf32>
    %slice3A_227 = vector.extract_strided_slice %mul3A {offsets = [0, 11, 0], sizes = [64, 1, 512], strides = [1, 1, 1]} : vector<64x16x512xf32> to vector<64x1x512xf32>
    %squeeze3A_228 = vector.shape_cast %slice3A_227 : vector<64x1x512xf32> to vector<64x512xf32>
    %add3A_229 = arith.addf %add3A_226, %squeeze3A_228 : vector<64x512xf32>
    %slice3A_230 = vector.extract_strided_slice %mul3A {offsets = [0, 12, 0], sizes = [64, 1, 512], strides = [1, 1, 1]} : vector<64x16x512xf32> to vector<64x1x512xf32>
    %squeeze3A_231 = vector.shape_cast %slice3A_230 : vector<64x1x512xf32> to vector<64x512xf32>
    %add3A_232 = arith.addf %add3A_229, %squeeze3A_231 : vector<64x512xf32>
    %slice3A_233 = vector.extract_strided_slice %mul3A {offsets = [0, 13, 0], sizes = [64, 1, 512], strides = [1, 1, 1]} : vector<64x16x512xf32> to vector<64x1x512xf32>
    %squeeze3A_234 = vector.shape_cast %slice3A_233 : vector<64x1x512xf32> to vector<64x512xf32>
    %add3A_235 = arith.addf %add3A_232, %squeeze3A_234 : vector<64x512xf32>
    %slice3A_236 = vector.extract_strided_slice %mul3A {offsets = [0, 14, 0], sizes = [64, 1, 512], strides = [1, 1, 1]} : vector<64x16x512xf32> to vector<64x1x512xf32>
    %squeeze3A_237 = vector.shape_cast %slice3A_236 : vector<64x1x512xf32> to vector<64x512xf32>
    %add3A_238 = arith.addf %add3A_235, %squeeze3A_237 : vector<64x512xf32>
    %slice3A_239 = vector.extract_strided_slice %mul3A {offsets = [0, 15, 0], sizes = [64, 1, 512], strides = [1, 1, 1]} : vector<64x16x512xf32> to vector<64x1x512xf32>
    %squeeze3A_240 = vector.shape_cast %slice3A_239 : vector<64x1x512xf32> to vector<64x512xf32>
    %add3A_241 = arith.addf %add3A_238, %squeeze3A_240 : vector<64x512xf32>
    %swap3A = arith.constant 0 : index
    %swap3A_242 = arith.constant 0 : index
    %swap3A_243 = arith.constant 0 : index
    %swap3A_244 = vector.load %arg22[%swap3A, %swap3A_242, %swap3A_243] : memref<1x64x512xf32, #tpu.memory_space<vmem>>, vector<1x64x512xf32>
    %swap3A_245 = vector.shape_cast %swap3A_244 : vector<1x64x512xf32> to vector<64x512xf32>
    %swap3A_246 = vector.shape_cast %add3A_241 : vector<64x512xf32> to vector<1x64x512xf32>
    tpu.vector_store %arg22[%swap3A, %swap3A_242, %swap3A_243], %swap3A_246 {strides = array<i32>} : memref<1x64x512xf32, #tpu.memory_space<vmem>>, vector<1x64x512xf32>,
    return
  }
  func.func @transform_0(%arg0: i32, %arg1: i32) -> (i32, i32, i32) {
    %c0_i32 = arith.constant 0 : i32
    %c0_i32_0 = arith.constant 0 : i32
    return %arg0, %arg1, %c0_i32 : i32, i32, i32
  }
  func.func @transform_1(%arg0: i32, %arg1: i32) -> (i32, i32, i32) {
    %c0_i32 = arith.constant 0 : i32
    %c0_i32_0 = arith.constant 0 : i32
    return %arg0, %arg1, %c0_i32 : i32, i32, i32
  }
  func.func @transform_2(%arg0: i32, %arg1: i32) -> (i32, i32, i32) {
    %c0_i32 = arith.constant 0 : i32
    %c0_i32_0 = arith.constant 0 : i32
    %c0_i32_1 = arith.constant 0 : i32
    return %arg0, %c0_i32, %c0_i32_0 : i32, i32, i32
  }
  func.func @transform_3(%arg0: i32, %arg1: i32) -> (i32, i32, i32) {
    %c0_i32 = arith.constant 0 : i32
    %c0_i32_0 = arith.constant 0 : i32
    %c0_i32_1 = arith.constant 0 : i32
    return %arg0, %c0_i32, %c0_i32_0 : i32, i32, i32
  }
  func.func @transform_4(%arg0: i32, %arg1: i32) -> (i32, i32, i32) {
    %c0_i32 = arith.constant 0 : i32
    %c0_i32_0 = arith.constant 0 : i32
    %c0_i32_1 = arith.constant 0 : i32
    return %arg0, %c0_i32, %c0_i32_0 : i32, i32, i32
  }
  func.func @transform_5(%arg0: i32, %arg1: i32) -> (i32, i32, i32) {
    %c0_i32 = arith.constant 0 : i32
    %c0_i32_0 = arith.constant 0 : i32
    %c0_i32_1 = arith.constant 0 : i32
    return %arg0, %c0_i32, %c0_i32_0 : i32, i32, i32
  }
  func.func @transform_6(%arg0: i32, %arg1: i32) -> (i32, i32, i32) {
    %c0_i32 = arith.constant 0 : i32
    %c0_i32_0 = arith.constant 0 : i32
    %c0_i32_1 = arith.constant 0 : i32
    return %arg0, %c0_i32, %c0_i32_0 : i32, i32, i32
  }
  func.func @transform_7(%arg0: i32, %arg1: i32) -> (i32, i32, i32) {
    %c0_i32 = arith.constant 0 : i32
    %c0_i32_0 = arith.constant 0 : i32
    %c0_i32_1 = arith.constant 0 : i32
    return %arg0, %c0_i32, %c0_i32_0 : i32, i32, i32
  }
  func.func @transform_8(%arg0: i32, %arg1: i32) -> (i32, i32, i32) {
    %c0_i32 = arith.constant 0 : i32
    %c0_i32_0 = arith.constant 0 : i32
    return %arg0, %arg1, %c0_i32 : i32, i32, i32
  }
  func.func @transform_9(%arg0: i32, %arg1: i32) -> (i32, i32, i32) {
    %c0_i32 = arith.constant 0 : i32
    %c0_i32_0 = arith.constant 0 : i32
    %c0_i32_1 = arith.constant 0 : i32
    return %arg0, %c0_i32, %c0_i32_0 : i32, i32, i32
  }
  func.func @transform_10(%arg0: i32, %arg1: i32) -> (i32, i32, i32) {
    %c0_i32 = arith.constant 0 : i32
    %c0_i32_0 = arith.constant 0 : i32
    %c0_i32_1 = arith.constant 0 : i32
    return %arg0, %c0_i32, %c0_i32_0 : i32, i32, i32
  }
  func.func @transform_11(%arg0: i32, %arg1: i32) -> (i32, i32, i32) {
    %c0_i32 = arith.constant 0 : i32
    %c0_i32_0 = arith.constant 0 : i32
    %c0_i32_1 = arith.constant 0 : i32
    return %arg0, %c0_i32, %c0_i32_0 : i32, i32, i32
  }
  func.func @transform_12(%arg0: i32, %arg1: i32) -> (i32, i32) {
    %c0_i32 = arith.constant 0 : i32
    %c0_i32_0 = arith.constant 0 : i32
    %c0_i32_1 = arith.constant 0 : i32
    return %c0_i32, %c0_i32_0 : i32, i32
  }
  func.func @transform_13(%arg0: i32, %arg1: i32) -> (i32, i32) {
    %c0_i32 = arith.constant 0 : i32
    %c0_i32_0 = arith.constant 0 : i32
    %c0_i32_1 = arith.constant 0 : i32
    return %c0_i32, %c0_i32_0 : i32, i32
  }
  func.func @transform_14(%arg0: i32, %arg1: i32) -> (i32, i32) {
    %c0_i32 = arith.constant 0 : i32
    %c0_i32_0 = arith.constant 0 : i32
    %c0_i32_1 = arith.constant 0 : i32
    return %c0_i32, %c0_i32_0 : i32, i32
  }
  func.func @transform_15(%arg0: i32, %arg1: i32) -> (i32, i32) {
    %c0_i32 = arith.constant 0 : i32
    %c0_i32_0 = arith.constant 0 : i32
    %c0_i32_1 = arith.constant 0 : i32
    return %c0_i32, %c0_i32_0 : i32, i32
  }
  func.func @transform_16(%arg0: i32, %arg1: i32) -> (i32, i32) {
    %c0_i32 = arith.constant 0 : i32
    %c0_i32_0 = arith.constant 0 : i32
    %c0_i32_1 = arith.constant 0 : i32
    return %c0_i32, %c0_i32_0 : i32, i32
  }
  func.func @transform_17(%arg0: i32, %arg1: i32) -> (i32, i32) {
    %c0_i32 = arith.constant 0 : i32
    %c0_i32_0 = arith.constant 0 : i32
    %c0_i32_1 = arith.constant 0 : i32
    return %c0_i32, %c0_i32_0 : i32, i32
  }
  func.func @transform_18(%arg0: i32, %arg1: i32) -> (i32, i32) {
    %c0_i32 = arith.constant 0 : i32
    %c0_i32_0 = arith.constant 0 : i32
    %c0_i32_1 = arith.constant 0 : i32
    return %c0_i32, %c0_i32_0 : i32, i32
  }
  func.func @transform_19(%arg0: i32, %arg1: i32) -> (i32, i32) {
    %c0_i32 = arith.constant 0 : i32
    %c0_i32_0 = arith.constant 0 : i32
    %c0_i32_1 = arith.constant 0 : i32
    return %c0_i32, %c0_i32_0 : i32, i32
  }
  func.func @transform_20(%arg0: i32, %arg1: i32) -> (i32, i32, i32) {
    %c0_i32 = arith.constant 0 : i32
    %c0_i32_0 = arith.constant 0 : i32
    return %arg0, %arg1, %c0_i32 : i32, i32, i32
  }
}

module attributes {stable_mosaic.version = 14 : i64} {
  func.func @_knn_kernel(%arg0: i32, %arg1: i32, %arg2: memref<1x16x3xf32, #tpu.memory_space<vmem>>, %arg3: memref<1x3x16xf32, #tpu.memory_space<vmem>>, %arg4: memref<1x16x1xf32, #tpu.memory_space<vmem>>, %arg5: memref<1x1x16xf32, #tpu.memory_space<vmem>>, %arg6: memref<1x16x16xi32, #tpu.memory_space<vmem>>) attributes {dimension_semantics = [#tpu.dimension_semantics<parallel>, #tpu.dimension_semantics<arbitrary>], iteration_bounds = array<i64: 8, 1>, scalar_prefetch = 0 : i64, scratch_operands = 0 : i64, tpu.core_type = #tpu.core_type<tc>, window_params = [{transform_indices = @transform_0, window_bounds = array<i64: 1, 16, 3>}, {transform_indices = @transform_1, window_bounds = array<i64: 1, 3, 16>}, {transform_indices = @transform_2, window_bounds = array<i64: 1, 16, 1>}, {transform_indices = @transform_3, window_bounds = array<i64: 1, 1, 16>}, {transform_indices = @transform_4, window_bounds = array<i64: 1, 16, 16>}]} {
    %get3A = arith.constant 0 : index
    %get3A_0 = arith.constant 0 : index
    %get3A_1 = arith.constant 0 : index
    %get3A_2 = vector.load %arg2[%get3A, %get3A_0, %get3A_1] : memref<1x16x3xf32, #tpu.memory_space<vmem>>, vector<1x16x3xf32>
    %get3A_3 = vector.shape_cast %get3A_2 : vector<1x16x3xf32> to vector<16x3xf32>
    %get3A_4 = arith.constant 0 : index
    %get3A_5 = arith.constant 0 : index
    %get3A_6 = arith.constant 0 : index
    %get3A_7 = vector.load %arg3[%get3A_4, %get3A_5, %get3A_6] : memref<1x3x16xf32, #tpu.memory_space<vmem>>, vector<1x3x16xf32>
    %get3A_8 = vector.shape_cast %get3A_7 : vector<1x3x16xf32> to vector<3x16xf32>
    %dot_general3A = arith.constant dense<0.000000e+00> : vector<16x16xf32>
    %dot_general3A_9 = tpu.matmul %get3A_3, %get3A_8, %dot_general3A {dimension_numbers = #tpu.dot_dimension_numbers<[1], [0], [0], [1], [0, 0, 1, 1], [], []>, transpose_lhs_hint = false} : vector<16x3xf32>, vector<3x16xf32>, vector<16x16xf32> -> vector<16x16xf32>
    %mul3A = arith.constant -2.000000e+00 : f32
    %mul3A_10 = vector.broadcast %mul3A : f32 to vector<16x16xf32>
    %mul3A_11 = arith.mulf %mul3A_10, %dot_general3A_9 : vector<16x16xf32>
    %get3A_12 = arith.constant 0 : index
    %get3A_13 = arith.constant 0 : index
    %get3A_14 = arith.constant 0 : index
    %get3A_15 = vector.load %arg4[%get3A_12, %get3A_13, %get3A_14] : memref<1x16x1xf32, #tpu.memory_space<vmem>>, vector<1x16x1xf32>
    %get3A_16 = vector.shape_cast %get3A_15 : vector<1x16x1xf32> to vector<16x1xf32>
    %add3A = vector.broadcast %get3A_16 : vector<16x1xf32> to vector<16x16xf32>
    %add3A_17 = arith.addf %mul3A_11, %add3A : vector<16x16xf32>
    %get3A_18 = arith.constant 0 : index
    %get3A_19 = arith.constant 0 : index
    %get3A_20 = arith.constant 0 : index
    %get3A_21 = vector.load %arg5[%get3A_18, %get3A_19, %get3A_20] : memref<1x1x16xf32, #tpu.memory_space<vmem>>, vector<1x1x16xf32>
    %get3A_22 = vector.shape_cast %get3A_21 : vector<1x1x16xf32> to vector<1x16xf32>
    %add3A_23 = vector.broadcast %get3A_22 : vector<1x16xf32> to vector<16x16xf32>
    %add3A_24 = arith.addf %add3A_17, %add3A_23 : vector<16x16xf32>
    %iota3A = tpu.iota {dimensions = array<i32: 1>} : vector<16x16xi32>
    %reduce_min3A = arith.constant dense<0x7F800000> : vector<16xf32>
    %reduce_min3A_25 = vector.multi_reduction <minimumf>, %add3A_24, %reduce_min3A [1] : vector<16x16xf32> to vector<16xf32>
    %broadcast_in_dim3A = vector.shape_cast %reduce_min3A_25 : vector<16xf32> to vector<16x1xf32>
    %eq3A = vector.broadcast %broadcast_in_dim3A : vector<16x1xf32> to vector<16x16xf32>
    %eq3A_26 = arith.cmpf oeq, %add3A_24, %eq3A : vector<16x16xf32>
    %jit3A = arith.constant 1073741824 : i32
    %broadcast_in_dim3A_27 = vector.broadcast %jit3A : i32 to vector<16x16xi32>
    %select_n3A = arith.select %eq3A_26, %iota3A, %broadcast_in_dim3A_27 : vector<16x16xi1>, vector<16x16xi32>
    %reduce_min3A_28 = arith.constant dense<2147483647> : vector<16xi32>
    %reduce_min3A_29 = vector.multi_reduction <minsi>, %select_n3A, %reduce_min3A_28 [1] : vector<16x16xi32> to vector<16xi32>
    %broadcast_in_dim3A_30 = vector.shape_cast %reduce_min3A_29 : vector<16xi32> to vector<16x1xi32>
    %eq3A_31 = vector.broadcast %broadcast_in_dim3A_30 : vector<16x1xi32> to vector<16x16xi32>
    %eq3A_32 = arith.cmpi eq, %iota3A, %eq3A_31 : vector<16x16xi32>
    %jit3A_33 = arith.constant 0x7F800000 : f32
    %broadcast_in_dim3A_34 = vector.broadcast %jit3A_33 : f32 to vector<16x16xf32>
    %select_n3A_35 = arith.select %eq3A_32, %broadcast_in_dim3A_34, %add3A_24 : vector<16x16xi1>, vector<16x16xf32>
    %reduce_min3A_36 = arith.constant dense<0x7F800000> : vector<16xf32>
    %reduce_min3A_37 = vector.multi_reduction <minimumf>, %select_n3A_35, %reduce_min3A_36 [1] : vector<16x16xf32> to vector<16xf32>
    %broadcast_in_dim3A_38 = vector.shape_cast %reduce_min3A_37 : vector<16xf32> to vector<16x1xf32>
    %eq3A_39 = vector.broadcast %broadcast_in_dim3A_38 : vector<16x1xf32> to vector<16x16xf32>
    %eq3A_40 = arith.cmpf oeq, %select_n3A_35, %eq3A_39 : vector<16x16xf32>
    %jit3A_41 = arith.constant 1073741824 : i32
    %broadcast_in_dim3A_42 = vector.broadcast %jit3A_41 : i32 to vector<16x16xi32>
    %select_n3A_43 = arith.select %eq3A_40, %iota3A, %broadcast_in_dim3A_42 : vector<16x16xi1>, vector<16x16xi32>
    %reduce_min3A_44 = arith.constant dense<2147483647> : vector<16xi32>
    %reduce_min3A_45 = vector.multi_reduction <minsi>, %select_n3A_43, %reduce_min3A_44 [1] : vector<16x16xi32> to vector<16xi32>
    %broadcast_in_dim3A_46 = vector.shape_cast %reduce_min3A_45 : vector<16xi32> to vector<16x1xi32>
    %eq3A_47 = vector.broadcast %broadcast_in_dim3A_46 : vector<16x1xi32> to vector<16x16xi32>
    %eq3A_48 = arith.cmpi eq, %iota3A, %eq3A_47 : vector<16x16xi32>
    %jit3A_49 = arith.constant 0x7F800000 : f32
    %broadcast_in_dim3A_50 = vector.broadcast %jit3A_49 : f32 to vector<16x16xf32>
    %select_n3A_51 = arith.select %eq3A_48, %broadcast_in_dim3A_50, %select_n3A_35 : vector<16x16xi1>, vector<16x16xf32>
    %reduce_min3A_52 = arith.constant dense<0x7F800000> : vector<16xf32>
    %reduce_min3A_53 = vector.multi_reduction <minimumf>, %select_n3A_51, %reduce_min3A_52 [1] : vector<16x16xf32> to vector<16xf32>
    %broadcast_in_dim3A_54 = vector.shape_cast %reduce_min3A_53 : vector<16xf32> to vector<16x1xf32>
    %eq3A_55 = vector.broadcast %broadcast_in_dim3A_54 : vector<16x1xf32> to vector<16x16xf32>
    %eq3A_56 = arith.cmpf oeq, %select_n3A_51, %eq3A_55 : vector<16x16xf32>
    %jit3A_57 = arith.constant 1073741824 : i32
    %broadcast_in_dim3A_58 = vector.broadcast %jit3A_57 : i32 to vector<16x16xi32>
    %select_n3A_59 = arith.select %eq3A_56, %iota3A, %broadcast_in_dim3A_58 : vector<16x16xi1>, vector<16x16xi32>
    %reduce_min3A_60 = arith.constant dense<2147483647> : vector<16xi32>
    %reduce_min3A_61 = vector.multi_reduction <minsi>, %select_n3A_59, %reduce_min3A_60 [1] : vector<16x16xi32> to vector<16xi32>
    %broadcast_in_dim3A_62 = vector.shape_cast %reduce_min3A_61 : vector<16xi32> to vector<16x1xi32>
    %eq3A_63 = vector.broadcast %broadcast_in_dim3A_62 : vector<16x1xi32> to vector<16x16xi32>
    %eq3A_64 = arith.cmpi eq, %iota3A, %eq3A_63 : vector<16x16xi32>
    %jit3A_65 = arith.constant 0x7F800000 : f32
    %broadcast_in_dim3A_66 = vector.broadcast %jit3A_65 : f32 to vector<16x16xf32>
    %select_n3A_67 = arith.select %eq3A_64, %broadcast_in_dim3A_66, %select_n3A_51 : vector<16x16xi1>, vector<16x16xf32>
    %reduce_min3A_68 = arith.constant dense<0x7F800000> : vector<16xf32>
    %reduce_min3A_69 = vector.multi_reduction <minimumf>, %select_n3A_67, %reduce_min3A_68 [1] : vector<16x16xf32> to vector<16xf32>
    %broadcast_in_dim3A_70 = vector.shape_cast %reduce_min3A_69 : vector<16xf32> to vector<16x1xf32>
    %eq3A_71 = vector.broadcast %broadcast_in_dim3A_70 : vector<16x1xf32> to vector<16x16xf32>
    %eq3A_72 = arith.cmpf oeq, %select_n3A_67, %eq3A_71 : vector<16x16xf32>
    %jit3A_73 = arith.constant 1073741824 : i32
    %broadcast_in_dim3A_74 = vector.broadcast %jit3A_73 : i32 to vector<16x16xi32>
    %select_n3A_75 = arith.select %eq3A_72, %iota3A, %broadcast_in_dim3A_74 : vector<16x16xi1>, vector<16x16xi32>
    %reduce_min3A_76 = arith.constant dense<2147483647> : vector<16xi32>
    %reduce_min3A_77 = vector.multi_reduction <minsi>, %select_n3A_75, %reduce_min3A_76 [1] : vector<16x16xi32> to vector<16xi32>
    %broadcast_in_dim3A_78 = vector.shape_cast %reduce_min3A_77 : vector<16xi32> to vector<16x1xi32>
    %eq3A_79 = vector.broadcast %broadcast_in_dim3A_78 : vector<16x1xi32> to vector<16x16xi32>
    %eq3A_80 = arith.cmpi eq, %iota3A, %eq3A_79 : vector<16x16xi32>
    %jit3A_81 = arith.constant 0x7F800000 : f32
    %broadcast_in_dim3A_82 = vector.broadcast %jit3A_81 : f32 to vector<16x16xf32>
    %select_n3A_83 = arith.select %eq3A_80, %broadcast_in_dim3A_82, %select_n3A_67 : vector<16x16xi1>, vector<16x16xf32>
    %reduce_min3A_84 = arith.constant dense<0x7F800000> : vector<16xf32>
    %reduce_min3A_85 = vector.multi_reduction <minimumf>, %select_n3A_83, %reduce_min3A_84 [1] : vector<16x16xf32> to vector<16xf32>
    %broadcast_in_dim3A_86 = vector.shape_cast %reduce_min3A_85 : vector<16xf32> to vector<16x1xf32>
    %eq3A_87 = vector.broadcast %broadcast_in_dim3A_86 : vector<16x1xf32> to vector<16x16xf32>
    %eq3A_88 = arith.cmpf oeq, %select_n3A_83, %eq3A_87 : vector<16x16xf32>
    %jit3A_89 = arith.constant 1073741824 : i32
    %broadcast_in_dim3A_90 = vector.broadcast %jit3A_89 : i32 to vector<16x16xi32>
    %select_n3A_91 = arith.select %eq3A_88, %iota3A, %broadcast_in_dim3A_90 : vector<16x16xi1>, vector<16x16xi32>
    %reduce_min3A_92 = arith.constant dense<2147483647> : vector<16xi32>
    %reduce_min3A_93 = vector.multi_reduction <minsi>, %select_n3A_91, %reduce_min3A_92 [1] : vector<16x16xi32> to vector<16xi32>
    %broadcast_in_dim3A_94 = vector.shape_cast %reduce_min3A_93 : vector<16xi32> to vector<16x1xi32>
    %eq3A_95 = vector.broadcast %broadcast_in_dim3A_94 : vector<16x1xi32> to vector<16x16xi32>
    %eq3A_96 = arith.cmpi eq, %iota3A, %eq3A_95 : vector<16x16xi32>
    %jit3A_97 = arith.constant 0x7F800000 : f32
    %broadcast_in_dim3A_98 = vector.broadcast %jit3A_97 : f32 to vector<16x16xf32>
    %select_n3A_99 = arith.select %eq3A_96, %broadcast_in_dim3A_98, %select_n3A_83 : vector<16x16xi1>, vector<16x16xf32>
    %reduce_min3A_100 = arith.constant dense<0x7F800000> : vector<16xf32>
    %reduce_min3A_101 = vector.multi_reduction <minimumf>, %select_n3A_99, %reduce_min3A_100 [1] : vector<16x16xf32> to vector<16xf32>
    %broadcast_in_dim3A_102 = vector.shape_cast %reduce_min3A_101 : vector<16xf32> to vector<16x1xf32>
    %eq3A_103 = vector.broadcast %broadcast_in_dim3A_102 : vector<16x1xf32> to vector<16x16xf32>
    %eq3A_104 = arith.cmpf oeq, %select_n3A_99, %eq3A_103 : vector<16x16xf32>
    %jit3A_105 = arith.constant 1073741824 : i32
    %broadcast_in_dim3A_106 = vector.broadcast %jit3A_105 : i32 to vector<16x16xi32>
    %select_n3A_107 = arith.select %eq3A_104, %iota3A, %broadcast_in_dim3A_106 : vector<16x16xi1>, vector<16x16xi32>
    %reduce_min3A_108 = arith.constant dense<2147483647> : vector<16xi32>
    %reduce_min3A_109 = vector.multi_reduction <minsi>, %select_n3A_107, %reduce_min3A_108 [1] : vector<16x16xi32> to vector<16xi32>
    %broadcast_in_dim3A_110 = vector.shape_cast %reduce_min3A_109 : vector<16xi32> to vector<16x1xi32>
    %eq3A_111 = vector.broadcast %broadcast_in_dim3A_110 : vector<16x1xi32> to vector<16x16xi32>
    %eq3A_112 = arith.cmpi eq, %iota3A, %eq3A_111 : vector<16x16xi32>
    %jit3A_113 = arith.constant 0x7F800000 : f32
    %broadcast_in_dim3A_114 = vector.broadcast %jit3A_113 : f32 to vector<16x16xf32>
    %select_n3A_115 = arith.select %eq3A_112, %broadcast_in_dim3A_114, %select_n3A_99 : vector<16x16xi1>, vector<16x16xf32>
    %reduce_min3A_116 = arith.constant dense<0x7F800000> : vector<16xf32>
    %reduce_min3A_117 = vector.multi_reduction <minimumf>, %select_n3A_115, %reduce_min3A_116 [1] : vector<16x16xf32> to vector<16xf32>
    %broadcast_in_dim3A_118 = vector.shape_cast %reduce_min3A_117 : vector<16xf32> to vector<16x1xf32>
    %eq3A_119 = vector.broadcast %broadcast_in_dim3A_118 : vector<16x1xf32> to vector<16x16xf32>
    %eq3A_120 = arith.cmpf oeq, %select_n3A_115, %eq3A_119 : vector<16x16xf32>
    %jit3A_121 = arith.constant 1073741824 : i32
    %broadcast_in_dim3A_122 = vector.broadcast %jit3A_121 : i32 to vector<16x16xi32>
    %select_n3A_123 = arith.select %eq3A_120, %iota3A, %broadcast_in_dim3A_122 : vector<16x16xi1>, vector<16x16xi32>
    %reduce_min3A_124 = arith.constant dense<2147483647> : vector<16xi32>
    %reduce_min3A_125 = vector.multi_reduction <minsi>, %select_n3A_123, %reduce_min3A_124 [1] : vector<16x16xi32> to vector<16xi32>
    %broadcast_in_dim3A_126 = vector.shape_cast %reduce_min3A_125 : vector<16xi32> to vector<16x1xi32>
    %eq3A_127 = vector.broadcast %broadcast_in_dim3A_126 : vector<16x1xi32> to vector<16x16xi32>
    %eq3A_128 = arith.cmpi eq, %iota3A, %eq3A_127 : vector<16x16xi32>
    %jit3A_129 = arith.constant 0x7F800000 : f32
    %broadcast_in_dim3A_130 = vector.broadcast %jit3A_129 : f32 to vector<16x16xf32>
    %select_n3A_131 = arith.select %eq3A_128, %broadcast_in_dim3A_130, %select_n3A_115 : vector<16x16xi1>, vector<16x16xf32>
    %reduce_min3A_132 = arith.constant dense<0x7F800000> : vector<16xf32>
    %reduce_min3A_133 = vector.multi_reduction <minimumf>, %select_n3A_131, %reduce_min3A_132 [1] : vector<16x16xf32> to vector<16xf32>
    %broadcast_in_dim3A_134 = vector.shape_cast %reduce_min3A_133 : vector<16xf32> to vector<16x1xf32>
    %eq3A_135 = vector.broadcast %broadcast_in_dim3A_134 : vector<16x1xf32> to vector<16x16xf32>
    %eq3A_136 = arith.cmpf oeq, %select_n3A_131, %eq3A_135 : vector<16x16xf32>
    %jit3A_137 = arith.constant 1073741824 : i32
    %broadcast_in_dim3A_138 = vector.broadcast %jit3A_137 : i32 to vector<16x16xi32>
    %select_n3A_139 = arith.select %eq3A_136, %iota3A, %broadcast_in_dim3A_138 : vector<16x16xi1>, vector<16x16xi32>
    %reduce_min3A_140 = arith.constant dense<2147483647> : vector<16xi32>
    %reduce_min3A_141 = vector.multi_reduction <minsi>, %select_n3A_139, %reduce_min3A_140 [1] : vector<16x16xi32> to vector<16xi32>
    %broadcast_in_dim3A_142 = vector.shape_cast %reduce_min3A_141 : vector<16xi32> to vector<16x1xi32>
    %eq3A_143 = vector.broadcast %broadcast_in_dim3A_142 : vector<16x1xi32> to vector<16x16xi32>
    %eq3A_144 = arith.cmpi eq, %iota3A, %eq3A_143 : vector<16x16xi32>
    %jit3A_145 = arith.constant 0x7F800000 : f32
    %broadcast_in_dim3A_146 = vector.broadcast %jit3A_145 : f32 to vector<16x16xf32>
    %select_n3A_147 = arith.select %eq3A_144, %broadcast_in_dim3A_146, %select_n3A_131 : vector<16x16xi1>, vector<16x16xf32>
    %reduce_min3A_148 = arith.constant dense<0x7F800000> : vector<16xf32>
    %reduce_min3A_149 = vector.multi_reduction <minimumf>, %select_n3A_147, %reduce_min3A_148 [1] : vector<16x16xf32> to vector<16xf32>
    %broadcast_in_dim3A_150 = vector.shape_cast %reduce_min3A_149 : vector<16xf32> to vector<16x1xf32>
    %eq3A_151 = vector.broadcast %broadcast_in_dim3A_150 : vector<16x1xf32> to vector<16x16xf32>
    %eq3A_152 = arith.cmpf oeq, %select_n3A_147, %eq3A_151 : vector<16x16xf32>
    %jit3A_153 = arith.constant 1073741824 : i32
    %broadcast_in_dim3A_154 = vector.broadcast %jit3A_153 : i32 to vector<16x16xi32>
    %select_n3A_155 = arith.select %eq3A_152, %iota3A, %broadcast_in_dim3A_154 : vector<16x16xi1>, vector<16x16xi32>
    %reduce_min3A_156 = arith.constant dense<2147483647> : vector<16xi32>
    %reduce_min3A_157 = vector.multi_reduction <minsi>, %select_n3A_155, %reduce_min3A_156 [1] : vector<16x16xi32> to vector<16xi32>
    %broadcast_in_dim3A_158 = vector.shape_cast %reduce_min3A_157 : vector<16xi32> to vector<16x1xi32>
    %eq3A_159 = vector.broadcast %broadcast_in_dim3A_158 : vector<16x1xi32> to vector<16x16xi32>
    %eq3A_160 = arith.cmpi eq, %iota3A, %eq3A_159 : vector<16x16xi32>
    %jit3A_161 = arith.constant 0x7F800000 : f32
    %broadcast_in_dim3A_162 = vector.broadcast %jit3A_161 : f32 to vector<16x16xf32>
    %select_n3A_163 = arith.select %eq3A_160, %broadcast_in_dim3A_162, %select_n3A_147 : vector<16x16xi1>, vector<16x16xf32>
    %reduce_min3A_164 = arith.constant dense<0x7F800000> : vector<16xf32>
    %reduce_min3A_165 = vector.multi_reduction <minimumf>, %select_n3A_163, %reduce_min3A_164 [1] : vector<16x16xf32> to vector<16xf32>
    %broadcast_in_dim3A_166 = vector.shape_cast %reduce_min3A_165 : vector<16xf32> to vector<16x1xf32>
    %eq3A_167 = vector.broadcast %broadcast_in_dim3A_166 : vector<16x1xf32> to vector<16x16xf32>
    %eq3A_168 = arith.cmpf oeq, %select_n3A_163, %eq3A_167 : vector<16x16xf32>
    %jit3A_169 = arith.constant 1073741824 : i32
    %broadcast_in_dim3A_170 = vector.broadcast %jit3A_169 : i32 to vector<16x16xi32>
    %select_n3A_171 = arith.select %eq3A_168, %iota3A, %broadcast_in_dim3A_170 : vector<16x16xi1>, vector<16x16xi32>
    %reduce_min3A_172 = arith.constant dense<2147483647> : vector<16xi32>
    %reduce_min3A_173 = vector.multi_reduction <minsi>, %select_n3A_171, %reduce_min3A_172 [1] : vector<16x16xi32> to vector<16xi32>
    %broadcast_in_dim3A_174 = vector.shape_cast %reduce_min3A_173 : vector<16xi32> to vector<16x1xi32>
    %eq3A_175 = vector.broadcast %broadcast_in_dim3A_174 : vector<16x1xi32> to vector<16x16xi32>
    %eq3A_176 = arith.cmpi eq, %iota3A, %eq3A_175 : vector<16x16xi32>
    %jit3A_177 = arith.constant 0x7F800000 : f32
    %broadcast_in_dim3A_178 = vector.broadcast %jit3A_177 : f32 to vector<16x16xf32>
    %select_n3A_179 = arith.select %eq3A_176, %broadcast_in_dim3A_178, %select_n3A_163 : vector<16x16xi1>, vector<16x16xf32>
    %reduce_min3A_180 = arith.constant dense<0x7F800000> : vector<16xf32>
    %reduce_min3A_181 = vector.multi_reduction <minimumf>, %select_n3A_179, %reduce_min3A_180 [1] : vector<16x16xf32> to vector<16xf32>
    %broadcast_in_dim3A_182 = vector.shape_cast %reduce_min3A_181 : vector<16xf32> to vector<16x1xf32>
    %eq3A_183 = vector.broadcast %broadcast_in_dim3A_182 : vector<16x1xf32> to vector<16x16xf32>
    %eq3A_184 = arith.cmpf oeq, %select_n3A_179, %eq3A_183 : vector<16x16xf32>
    %jit3A_185 = arith.constant 1073741824 : i32
    %broadcast_in_dim3A_186 = vector.broadcast %jit3A_185 : i32 to vector<16x16xi32>
    %select_n3A_187 = arith.select %eq3A_184, %iota3A, %broadcast_in_dim3A_186 : vector<16x16xi1>, vector<16x16xi32>
    %reduce_min3A_188 = arith.constant dense<2147483647> : vector<16xi32>
    %reduce_min3A_189 = vector.multi_reduction <minsi>, %select_n3A_187, %reduce_min3A_188 [1] : vector<16x16xi32> to vector<16xi32>
    %broadcast_in_dim3A_190 = vector.shape_cast %reduce_min3A_189 : vector<16xi32> to vector<16x1xi32>
    %eq3A_191 = vector.broadcast %broadcast_in_dim3A_190 : vector<16x1xi32> to vector<16x16xi32>
    %eq3A_192 = arith.cmpi eq, %iota3A, %eq3A_191 : vector<16x16xi32>
    %jit3A_193 = arith.constant 0x7F800000 : f32
    %broadcast_in_dim3A_194 = vector.broadcast %jit3A_193 : f32 to vector<16x16xf32>
    %select_n3A_195 = arith.select %eq3A_192, %broadcast_in_dim3A_194, %select_n3A_179 : vector<16x16xi1>, vector<16x16xf32>
    %reduce_min3A_196 = arith.constant dense<0x7F800000> : vector<16xf32>
    %reduce_min3A_197 = vector.multi_reduction <minimumf>, %select_n3A_195, %reduce_min3A_196 [1] : vector<16x16xf32> to vector<16xf32>
    %broadcast_in_dim3A_198 = vector.shape_cast %reduce_min3A_197 : vector<16xf32> to vector<16x1xf32>
    %eq3A_199 = vector.broadcast %broadcast_in_dim3A_198 : vector<16x1xf32> to vector<16x16xf32>
    %eq3A_200 = arith.cmpf oeq, %select_n3A_195, %eq3A_199 : vector<16x16xf32>
    %jit3A_201 = arith.constant 1073741824 : i32
    %broadcast_in_dim3A_202 = vector.broadcast %jit3A_201 : i32 to vector<16x16xi32>
    %select_n3A_203 = arith.select %eq3A_200, %iota3A, %broadcast_in_dim3A_202 : vector<16x16xi1>, vector<16x16xi32>
    %reduce_min3A_204 = arith.constant dense<2147483647> : vector<16xi32>
    %reduce_min3A_205 = vector.multi_reduction <minsi>, %select_n3A_203, %reduce_min3A_204 [1] : vector<16x16xi32> to vector<16xi32>
    %broadcast_in_dim3A_206 = vector.shape_cast %reduce_min3A_205 : vector<16xi32> to vector<16x1xi32>
    %eq3A_207 = vector.broadcast %broadcast_in_dim3A_206 : vector<16x1xi32> to vector<16x16xi32>
    %eq3A_208 = arith.cmpi eq, %iota3A, %eq3A_207 : vector<16x16xi32>
    %jit3A_209 = arith.constant 0x7F800000 : f32
    %broadcast_in_dim3A_210 = vector.broadcast %jit3A_209 : f32 to vector<16x16xf32>
    %select_n3A_211 = arith.select %eq3A_208, %broadcast_in_dim3A_210, %select_n3A_195 : vector<16x16xi1>, vector<16x16xf32>
    %reduce_min3A_212 = arith.constant dense<0x7F800000> : vector<16xf32>
    %reduce_min3A_213 = vector.multi_reduction <minimumf>, %select_n3A_211, %reduce_min3A_212 [1] : vector<16x16xf32> to vector<16xf32>
    %broadcast_in_dim3A_214 = vector.shape_cast %reduce_min3A_213 : vector<16xf32> to vector<16x1xf32>
    %eq3A_215 = vector.broadcast %broadcast_in_dim3A_214 : vector<16x1xf32> to vector<16x16xf32>
    %eq3A_216 = arith.cmpf oeq, %select_n3A_211, %eq3A_215 : vector<16x16xf32>
    %jit3A_217 = arith.constant 1073741824 : i32
    %broadcast_in_dim3A_218 = vector.broadcast %jit3A_217 : i32 to vector<16x16xi32>
    %select_n3A_219 = arith.select %eq3A_216, %iota3A, %broadcast_in_dim3A_218 : vector<16x16xi1>, vector<16x16xi32>
    %reduce_min3A_220 = arith.constant dense<2147483647> : vector<16xi32>
    %reduce_min3A_221 = vector.multi_reduction <minsi>, %select_n3A_219, %reduce_min3A_220 [1] : vector<16x16xi32> to vector<16xi32>
    %broadcast_in_dim3A_222 = vector.shape_cast %reduce_min3A_221 : vector<16xi32> to vector<16x1xi32>
    %eq3A_223 = vector.broadcast %broadcast_in_dim3A_222 : vector<16x1xi32> to vector<16x16xi32>
    %eq3A_224 = arith.cmpi eq, %iota3A, %eq3A_223 : vector<16x16xi32>
    %jit3A_225 = arith.constant 0x7F800000 : f32
    %broadcast_in_dim3A_226 = vector.broadcast %jit3A_225 : f32 to vector<16x16xf32>
    %select_n3A_227 = arith.select %eq3A_224, %broadcast_in_dim3A_226, %select_n3A_211 : vector<16x16xi1>, vector<16x16xf32>
    %reduce_min3A_228 = arith.constant dense<0x7F800000> : vector<16xf32>
    %reduce_min3A_229 = vector.multi_reduction <minimumf>, %select_n3A_227, %reduce_min3A_228 [1] : vector<16x16xf32> to vector<16xf32>
    %broadcast_in_dim3A_230 = vector.shape_cast %reduce_min3A_229 : vector<16xf32> to vector<16x1xf32>
    %eq3A_231 = vector.broadcast %broadcast_in_dim3A_230 : vector<16x1xf32> to vector<16x16xf32>
    %eq3A_232 = arith.cmpf oeq, %select_n3A_227, %eq3A_231 : vector<16x16xf32>
    %jit3A_233 = arith.constant 1073741824 : i32
    %broadcast_in_dim3A_234 = vector.broadcast %jit3A_233 : i32 to vector<16x16xi32>
    %select_n3A_235 = arith.select %eq3A_232, %iota3A, %broadcast_in_dim3A_234 : vector<16x16xi1>, vector<16x16xi32>
    %reduce_min3A_236 = arith.constant dense<2147483647> : vector<16xi32>
    %reduce_min3A_237 = vector.multi_reduction <minsi>, %select_n3A_235, %reduce_min3A_236 [1] : vector<16x16xi32> to vector<16xi32>
    %broadcast_in_dim3A_238 = vector.shape_cast %reduce_min3A_237 : vector<16xi32> to vector<16x1xi32>
    %eq3A_239 = vector.broadcast %broadcast_in_dim3A_238 : vector<16x1xi32> to vector<16x16xi32>
    %eq3A_240 = arith.cmpi eq, %iota3A, %eq3A_239 : vector<16x16xi32>
    %jit3A_241 = arith.constant 0x7F800000 : f32
    %broadcast_in_dim3A_242 = vector.broadcast %jit3A_241 : f32 to vector<16x16xf32>
    %select_n3A_243 = arith.select %eq3A_240, %broadcast_in_dim3A_242, %select_n3A_227 : vector<16x16xi1>, vector<16x16xf32>
    %reduce_min3A_244 = arith.constant dense<0x7F800000> : vector<16xf32>
    %reduce_min3A_245 = vector.multi_reduction <minimumf>, %select_n3A_243, %reduce_min3A_244 [1] : vector<16x16xf32> to vector<16xf32>
    %broadcast_in_dim3A_246 = vector.shape_cast %reduce_min3A_245 : vector<16xf32> to vector<16x1xf32>
    %eq3A_247 = vector.broadcast %broadcast_in_dim3A_246 : vector<16x1xf32> to vector<16x16xf32>
    %eq3A_248 = arith.cmpf oeq, %select_n3A_243, %eq3A_247 : vector<16x16xf32>
    %jit3A_249 = arith.constant 1073741824 : i32
    %broadcast_in_dim3A_250 = vector.broadcast %jit3A_249 : i32 to vector<16x16xi32>
    %select_n3A_251 = arith.select %eq3A_248, %iota3A, %broadcast_in_dim3A_250 : vector<16x16xi1>, vector<16x16xi32>
    %reduce_min3A_252 = arith.constant dense<2147483647> : vector<16xi32>
    %reduce_min3A_253 = vector.multi_reduction <minsi>, %select_n3A_251, %reduce_min3A_252 [1] : vector<16x16xi32> to vector<16xi32>
    %broadcast_in_dim3A_254 = vector.shape_cast %reduce_min3A_253 : vector<16xi32> to vector<16x1xi32>
    %eq3A_255 = vector.broadcast %broadcast_in_dim3A_254 : vector<16x1xi32> to vector<16x16xi32>
    %eq3A_256 = arith.cmpi eq, %iota3A, %eq3A_255 : vector<16x16xi32>
    %jit3A_257 = arith.constant 0x7F800000 : f32
    %broadcast_in_dim3A_258 = vector.broadcast %jit3A_257 : f32 to vector<16x16xf32>
    %select_n3A_259 = arith.select %eq3A_256, %broadcast_in_dim3A_258, %select_n3A_243 : vector<16x16xi1>, vector<16x16xf32>
    %reduce_min3A_260 = arith.constant dense<0x7F800000> : vector<16xf32>
    %reduce_min3A_261 = vector.multi_reduction <minimumf>, %select_n3A_259, %reduce_min3A_260 [1] : vector<16x16xf32> to vector<16xf32>
    %broadcast_in_dim3A_262 = vector.shape_cast %reduce_min3A_261 : vector<16xf32> to vector<16x1xf32>
    %eq3A_263 = vector.broadcast %broadcast_in_dim3A_262 : vector<16x1xf32> to vector<16x16xf32>
    %eq3A_264 = arith.cmpf oeq, %select_n3A_259, %eq3A_263 : vector<16x16xf32>
    %jit3A_265 = arith.constant 1073741824 : i32
    %broadcast_in_dim3A_266 = vector.broadcast %jit3A_265 : i32 to vector<16x16xi32>
    %select_n3A_267 = arith.select %eq3A_264, %iota3A, %broadcast_in_dim3A_266 : vector<16x16xi1>, vector<16x16xi32>
    %reduce_min3A_268 = arith.constant dense<2147483647> : vector<16xi32>
    %reduce_min3A_269 = vector.multi_reduction <minsi>, %select_n3A_267, %reduce_min3A_268 [1] : vector<16x16xi32> to vector<16xi32>
    %broadcast_in_dim3A_270 = vector.shape_cast %reduce_min3A_269 : vector<16xi32> to vector<16x1xi32>
    %concatenate3A = tpu.concatenate %broadcast_in_dim3A_30, %broadcast_in_dim3A_46, %broadcast_in_dim3A_62, %broadcast_in_dim3A_78, %broadcast_in_dim3A_94, %broadcast_in_dim3A_110, %broadcast_in_dim3A_126, %broadcast_in_dim3A_142, %broadcast_in_dim3A_158, %broadcast_in_dim3A_174, %broadcast_in_dim3A_190, %broadcast_in_dim3A_206, %broadcast_in_dim3A_222, %broadcast_in_dim3A_238, %broadcast_in_dim3A_254, %broadcast_in_dim3A_270 in 1 : vector<16x1xi32>, vector<16x1xi32>, vector<16x1xi32>, vector<16x1xi32>, vector<16x1xi32>, vector<16x1xi32>, vector<16x1xi32>, vector<16x1xi32>, vector<16x1xi32>, vector<16x1xi32>, vector<16x1xi32>, vector<16x1xi32>, vector<16x1xi32>, vector<16x1xi32>, vector<16x1xi32>, vector<16x1xi32> -> vector<16x16xi32>
    %swap3A = arith.constant 0 : index
    %swap3A_271 = arith.constant 0 : index
    %swap3A_272 = arith.constant 0 : index
    %swap3A_273 = vector.load %arg6[%swap3A, %swap3A_271, %swap3A_272] : memref<1x16x16xi32, #tpu.memory_space<vmem>>, vector<1x16x16xi32>
    %swap3A_274 = vector.shape_cast %swap3A_273 : vector<1x16x16xi32> to vector<16x16xi32>
    %swap3A_275 = vector.shape_cast %concatenate3A : vector<16x16xi32> to vector<1x16x16xi32>
    tpu.vector_store %arg6[%swap3A, %swap3A_271, %swap3A_272], %swap3A_275 {strides = array<i32>} : memref<1x16x16xi32, #tpu.memory_space<vmem>>, vector<1x16x16xi32>,
    return
  }
  func.func @transform_0(%arg0: i32, %arg1: i32) -> (i32, i32, i32) {
    %c0_i32 = arith.constant 0 : i32
    %c0_i32_0 = arith.constant 0 : i32
    return %arg0, %arg1, %c0_i32 : i32, i32, i32
  }
  func.func @transform_1(%arg0: i32, %arg1: i32) -> (i32, i32, i32) {
    %c0_i32 = arith.constant 0 : i32
    %c0_i32_0 = arith.constant 0 : i32
    %c0_i32_1 = arith.constant 0 : i32
    return %arg0, %c0_i32, %c0_i32_0 : i32, i32, i32
  }
  func.func @transform_2(%arg0: i32, %arg1: i32) -> (i32, i32, i32) {
    %c0_i32 = arith.constant 0 : i32
    %c0_i32_0 = arith.constant 0 : i32
    return %arg0, %arg1, %c0_i32 : i32, i32, i32
  }
  func.func @transform_3(%arg0: i32, %arg1: i32) -> (i32, i32, i32) {
    %c0_i32 = arith.constant 0 : i32
    %c0_i32_0 = arith.constant 0 : i32
    %c0_i32_1 = arith.constant 0 : i32
    return %arg0, %c0_i32, %c0_i32_0 : i32, i32, i32
  }
  func.func @transform_4(%arg0: i32, %arg1: i32) -> (i32, i32, i32) {
    %c0_i32 = arith.constant 0 : i32
    %c0_i32_0 = arith.constant 0 : i32
    return %arg0, %arg1, %c0_i32 : i32, i32, i32
  }
}

module attributes {stable_mosaic.version = 14 : i64} {
  func.func @_knn_kernel(%arg0: i32, %arg1: i32, %arg2: memref<1x4x3xf32, #tpu.memory_space<vmem>>, %arg3: memref<1x3x16xf32, #tpu.memory_space<vmem>>, %arg4: memref<1x4x1xf32, #tpu.memory_space<vmem>>, %arg5: memref<1x1x16xf32, #tpu.memory_space<vmem>>, %arg6: memref<1x4x16xi32, #tpu.memory_space<vmem>>) attributes {dimension_semantics = [#tpu.dimension_semantics<parallel>, #tpu.dimension_semantics<arbitrary>], iteration_bounds = array<i64: 8, 1>, scalar_prefetch = 0 : i64, scratch_operands = 0 : i64, tpu.core_type = #tpu.core_type<tc>, window_params = [{transform_indices = @transform_0, window_bounds = array<i64: 1, 4, 3>}, {transform_indices = @transform_1, window_bounds = array<i64: 1, 3, 16>}, {transform_indices = @transform_2, window_bounds = array<i64: 1, 4, 1>}, {transform_indices = @transform_3, window_bounds = array<i64: 1, 1, 16>}, {transform_indices = @transform_4, window_bounds = array<i64: 1, 4, 16>}]} {
    %get3A = arith.constant 0 : index
    %get3A_0 = arith.constant 0 : index
    %get3A_1 = arith.constant 0 : index
    %get3A_2 = vector.load %arg2[%get3A, %get3A_0, %get3A_1] : memref<1x4x3xf32, #tpu.memory_space<vmem>>, vector<1x4x3xf32>
    %get3A_3 = vector.shape_cast %get3A_2 : vector<1x4x3xf32> to vector<4x3xf32>
    %get3A_4 = arith.constant 0 : index
    %get3A_5 = arith.constant 0 : index
    %get3A_6 = arith.constant 0 : index
    %get3A_7 = vector.load %arg3[%get3A_4, %get3A_5, %get3A_6] : memref<1x3x16xf32, #tpu.memory_space<vmem>>, vector<1x3x16xf32>
    %get3A_8 = vector.shape_cast %get3A_7 : vector<1x3x16xf32> to vector<3x16xf32>
    %dot_general3A = arith.constant dense<0.000000e+00> : vector<4x16xf32>
    %dot_general3A_9 = tpu.matmul %get3A_3, %get3A_8, %dot_general3A {dimension_numbers = #tpu.dot_dimension_numbers<[1], [0], [0], [1], [0, 0, 1, 1], [], []>, transpose_lhs_hint = false} : vector<4x3xf32>, vector<3x16xf32>, vector<4x16xf32> -> vector<4x16xf32>
    %mul3A = arith.constant -2.000000e+00 : f32
    %mul3A_10 = vector.broadcast %mul3A : f32 to vector<4x16xf32>
    %mul3A_11 = arith.mulf %mul3A_10, %dot_general3A_9 : vector<4x16xf32>
    %get3A_12 = arith.constant 0 : index
    %get3A_13 = arith.constant 0 : index
    %get3A_14 = arith.constant 0 : index
    %get3A_15 = vector.load %arg4[%get3A_12, %get3A_13, %get3A_14] : memref<1x4x1xf32, #tpu.memory_space<vmem>>, vector<1x4x1xf32>
    %get3A_16 = vector.shape_cast %get3A_15 : vector<1x4x1xf32> to vector<4x1xf32>
    %add3A = vector.broadcast %get3A_16 : vector<4x1xf32> to vector<4x16xf32>
    %add3A_17 = arith.addf %mul3A_11, %add3A : vector<4x16xf32>
    %get3A_18 = arith.constant 0 : index
    %get3A_19 = arith.constant 0 : index
    %get3A_20 = arith.constant 0 : index
    %get3A_21 = vector.load %arg5[%get3A_18, %get3A_19, %get3A_20] : memref<1x1x16xf32, #tpu.memory_space<vmem>>, vector<1x1x16xf32>
    %get3A_22 = vector.shape_cast %get3A_21 : vector<1x1x16xf32> to vector<1x16xf32>
    %add3A_23 = vector.broadcast %get3A_22 : vector<1x16xf32> to vector<4x16xf32>
    %add3A_24 = arith.addf %add3A_17, %add3A_23 : vector<4x16xf32>
    %iota3A = tpu.iota {dimensions = array<i32: 1>} : vector<4x16xi32>
    %reduce_min3A = arith.constant dense<0x7F800000> : vector<4xf32>
    %reduce_min3A_25 = vector.multi_reduction <minimumf>, %add3A_24, %reduce_min3A [1] : vector<4x16xf32> to vector<4xf32>
    %broadcast_in_dim3A = vector.shape_cast %reduce_min3A_25 : vector<4xf32> to vector<4x1xf32>
    %eq3A = vector.broadcast %broadcast_in_dim3A : vector<4x1xf32> to vector<4x16xf32>
    %eq3A_26 = arith.cmpf oeq, %add3A_24, %eq3A : vector<4x16xf32>
    %jit3A = arith.constant 1073741824 : i32
    %broadcast_in_dim3A_27 = vector.broadcast %jit3A : i32 to vector<4x16xi32>
    %select_n3A = arith.select %eq3A_26, %iota3A, %broadcast_in_dim3A_27 : vector<4x16xi1>, vector<4x16xi32>
    %reduce_min3A_28 = arith.constant dense<2147483647> : vector<4xi32>
    %reduce_min3A_29 = vector.multi_reduction <minsi>, %select_n3A, %reduce_min3A_28 [1] : vector<4x16xi32> to vector<4xi32>
    %broadcast_in_dim3A_30 = vector.shape_cast %reduce_min3A_29 : vector<4xi32> to vector<4x1xi32>
    %eq3A_31 = vector.broadcast %broadcast_in_dim3A_30 : vector<4x1xi32> to vector<4x16xi32>
    %eq3A_32 = arith.cmpi eq, %iota3A, %eq3A_31 : vector<4x16xi32>
    %jit3A_33 = arith.constant 0x7F800000 : f32
    %broadcast_in_dim3A_34 = vector.broadcast %jit3A_33 : f32 to vector<4x16xf32>
    %select_n3A_35 = arith.select %eq3A_32, %broadcast_in_dim3A_34, %add3A_24 : vector<4x16xi1>, vector<4x16xf32>
    %reduce_min3A_36 = arith.constant dense<0x7F800000> : vector<4xf32>
    %reduce_min3A_37 = vector.multi_reduction <minimumf>, %select_n3A_35, %reduce_min3A_36 [1] : vector<4x16xf32> to vector<4xf32>
    %broadcast_in_dim3A_38 = vector.shape_cast %reduce_min3A_37 : vector<4xf32> to vector<4x1xf32>
    %eq3A_39 = vector.broadcast %broadcast_in_dim3A_38 : vector<4x1xf32> to vector<4x16xf32>
    %eq3A_40 = arith.cmpf oeq, %select_n3A_35, %eq3A_39 : vector<4x16xf32>
    %jit3A_41 = arith.constant 1073741824 : i32
    %broadcast_in_dim3A_42 = vector.broadcast %jit3A_41 : i32 to vector<4x16xi32>
    %select_n3A_43 = arith.select %eq3A_40, %iota3A, %broadcast_in_dim3A_42 : vector<4x16xi1>, vector<4x16xi32>
    %reduce_min3A_44 = arith.constant dense<2147483647> : vector<4xi32>
    %reduce_min3A_45 = vector.multi_reduction <minsi>, %select_n3A_43, %reduce_min3A_44 [1] : vector<4x16xi32> to vector<4xi32>
    %broadcast_in_dim3A_46 = vector.shape_cast %reduce_min3A_45 : vector<4xi32> to vector<4x1xi32>
    %eq3A_47 = vector.broadcast %broadcast_in_dim3A_46 : vector<4x1xi32> to vector<4x16xi32>
    %eq3A_48 = arith.cmpi eq, %iota3A, %eq3A_47 : vector<4x16xi32>
    %jit3A_49 = arith.constant 0x7F800000 : f32
    %broadcast_in_dim3A_50 = vector.broadcast %jit3A_49 : f32 to vector<4x16xf32>
    %select_n3A_51 = arith.select %eq3A_48, %broadcast_in_dim3A_50, %select_n3A_35 : vector<4x16xi1>, vector<4x16xf32>
    %reduce_min3A_52 = arith.constant dense<0x7F800000> : vector<4xf32>
    %reduce_min3A_53 = vector.multi_reduction <minimumf>, %select_n3A_51, %reduce_min3A_52 [1] : vector<4x16xf32> to vector<4xf32>
    %broadcast_in_dim3A_54 = vector.shape_cast %reduce_min3A_53 : vector<4xf32> to vector<4x1xf32>
    %eq3A_55 = vector.broadcast %broadcast_in_dim3A_54 : vector<4x1xf32> to vector<4x16xf32>
    %eq3A_56 = arith.cmpf oeq, %select_n3A_51, %eq3A_55 : vector<4x16xf32>
    %jit3A_57 = arith.constant 1073741824 : i32
    %broadcast_in_dim3A_58 = vector.broadcast %jit3A_57 : i32 to vector<4x16xi32>
    %select_n3A_59 = arith.select %eq3A_56, %iota3A, %broadcast_in_dim3A_58 : vector<4x16xi1>, vector<4x16xi32>
    %reduce_min3A_60 = arith.constant dense<2147483647> : vector<4xi32>
    %reduce_min3A_61 = vector.multi_reduction <minsi>, %select_n3A_59, %reduce_min3A_60 [1] : vector<4x16xi32> to vector<4xi32>
    %broadcast_in_dim3A_62 = vector.shape_cast %reduce_min3A_61 : vector<4xi32> to vector<4x1xi32>
    %eq3A_63 = vector.broadcast %broadcast_in_dim3A_62 : vector<4x1xi32> to vector<4x16xi32>
    %eq3A_64 = arith.cmpi eq, %iota3A, %eq3A_63 : vector<4x16xi32>
    %jit3A_65 = arith.constant 0x7F800000 : f32
    %broadcast_in_dim3A_66 = vector.broadcast %jit3A_65 : f32 to vector<4x16xf32>
    %select_n3A_67 = arith.select %eq3A_64, %broadcast_in_dim3A_66, %select_n3A_51 : vector<4x16xi1>, vector<4x16xf32>
    %reduce_min3A_68 = arith.constant dense<0x7F800000> : vector<4xf32>
    %reduce_min3A_69 = vector.multi_reduction <minimumf>, %select_n3A_67, %reduce_min3A_68 [1] : vector<4x16xf32> to vector<4xf32>
    %broadcast_in_dim3A_70 = vector.shape_cast %reduce_min3A_69 : vector<4xf32> to vector<4x1xf32>
    %eq3A_71 = vector.broadcast %broadcast_in_dim3A_70 : vector<4x1xf32> to vector<4x16xf32>
    %eq3A_72 = arith.cmpf oeq, %select_n3A_67, %eq3A_71 : vector<4x16xf32>
    %jit3A_73 = arith.constant 1073741824 : i32
    %broadcast_in_dim3A_74 = vector.broadcast %jit3A_73 : i32 to vector<4x16xi32>
    %select_n3A_75 = arith.select %eq3A_72, %iota3A, %broadcast_in_dim3A_74 : vector<4x16xi1>, vector<4x16xi32>
    %reduce_min3A_76 = arith.constant dense<2147483647> : vector<4xi32>
    %reduce_min3A_77 = vector.multi_reduction <minsi>, %select_n3A_75, %reduce_min3A_76 [1] : vector<4x16xi32> to vector<4xi32>
    %broadcast_in_dim3A_78 = vector.shape_cast %reduce_min3A_77 : vector<4xi32> to vector<4x1xi32>
    %eq3A_79 = vector.broadcast %broadcast_in_dim3A_78 : vector<4x1xi32> to vector<4x16xi32>
    %eq3A_80 = arith.cmpi eq, %iota3A, %eq3A_79 : vector<4x16xi32>
    %jit3A_81 = arith.constant 0x7F800000 : f32
    %broadcast_in_dim3A_82 = vector.broadcast %jit3A_81 : f32 to vector<4x16xf32>
    %select_n3A_83 = arith.select %eq3A_80, %broadcast_in_dim3A_82, %select_n3A_67 : vector<4x16xi1>, vector<4x16xf32>
    %reduce_min3A_84 = arith.constant dense<0x7F800000> : vector<4xf32>
    %reduce_min3A_85 = vector.multi_reduction <minimumf>, %select_n3A_83, %reduce_min3A_84 [1] : vector<4x16xf32> to vector<4xf32>
    %broadcast_in_dim3A_86 = vector.shape_cast %reduce_min3A_85 : vector<4xf32> to vector<4x1xf32>
    %eq3A_87 = vector.broadcast %broadcast_in_dim3A_86 : vector<4x1xf32> to vector<4x16xf32>
    %eq3A_88 = arith.cmpf oeq, %select_n3A_83, %eq3A_87 : vector<4x16xf32>
    %jit3A_89 = arith.constant 1073741824 : i32
    %broadcast_in_dim3A_90 = vector.broadcast %jit3A_89 : i32 to vector<4x16xi32>
    %select_n3A_91 = arith.select %eq3A_88, %iota3A, %broadcast_in_dim3A_90 : vector<4x16xi1>, vector<4x16xi32>
    %reduce_min3A_92 = arith.constant dense<2147483647> : vector<4xi32>
    %reduce_min3A_93 = vector.multi_reduction <minsi>, %select_n3A_91, %reduce_min3A_92 [1] : vector<4x16xi32> to vector<4xi32>
    %broadcast_in_dim3A_94 = vector.shape_cast %reduce_min3A_93 : vector<4xi32> to vector<4x1xi32>
    %eq3A_95 = vector.broadcast %broadcast_in_dim3A_94 : vector<4x1xi32> to vector<4x16xi32>
    %eq3A_96 = arith.cmpi eq, %iota3A, %eq3A_95 : vector<4x16xi32>
    %jit3A_97 = arith.constant 0x7F800000 : f32
    %broadcast_in_dim3A_98 = vector.broadcast %jit3A_97 : f32 to vector<4x16xf32>
    %select_n3A_99 = arith.select %eq3A_96, %broadcast_in_dim3A_98, %select_n3A_83 : vector<4x16xi1>, vector<4x16xf32>
    %reduce_min3A_100 = arith.constant dense<0x7F800000> : vector<4xf32>
    %reduce_min3A_101 = vector.multi_reduction <minimumf>, %select_n3A_99, %reduce_min3A_100 [1] : vector<4x16xf32> to vector<4xf32>
    %broadcast_in_dim3A_102 = vector.shape_cast %reduce_min3A_101 : vector<4xf32> to vector<4x1xf32>
    %eq3A_103 = vector.broadcast %broadcast_in_dim3A_102 : vector<4x1xf32> to vector<4x16xf32>
    %eq3A_104 = arith.cmpf oeq, %select_n3A_99, %eq3A_103 : vector<4x16xf32>
    %jit3A_105 = arith.constant 1073741824 : i32
    %broadcast_in_dim3A_106 = vector.broadcast %jit3A_105 : i32 to vector<4x16xi32>
    %select_n3A_107 = arith.select %eq3A_104, %iota3A, %broadcast_in_dim3A_106 : vector<4x16xi1>, vector<4x16xi32>
    %reduce_min3A_108 = arith.constant dense<2147483647> : vector<4xi32>
    %reduce_min3A_109 = vector.multi_reduction <minsi>, %select_n3A_107, %reduce_min3A_108 [1] : vector<4x16xi32> to vector<4xi32>
    %broadcast_in_dim3A_110 = vector.shape_cast %reduce_min3A_109 : vector<4xi32> to vector<4x1xi32>
    %eq3A_111 = vector.broadcast %broadcast_in_dim3A_110 : vector<4x1xi32> to vector<4x16xi32>
    %eq3A_112 = arith.cmpi eq, %iota3A, %eq3A_111 : vector<4x16xi32>
    %jit3A_113 = arith.constant 0x7F800000 : f32
    %broadcast_in_dim3A_114 = vector.broadcast %jit3A_113 : f32 to vector<4x16xf32>
    %select_n3A_115 = arith.select %eq3A_112, %broadcast_in_dim3A_114, %select_n3A_99 : vector<4x16xi1>, vector<4x16xf32>
    %reduce_min3A_116 = arith.constant dense<0x7F800000> : vector<4xf32>
    %reduce_min3A_117 = vector.multi_reduction <minimumf>, %select_n3A_115, %reduce_min3A_116 [1] : vector<4x16xf32> to vector<4xf32>
    %broadcast_in_dim3A_118 = vector.shape_cast %reduce_min3A_117 : vector<4xf32> to vector<4x1xf32>
    %eq3A_119 = vector.broadcast %broadcast_in_dim3A_118 : vector<4x1xf32> to vector<4x16xf32>
    %eq3A_120 = arith.cmpf oeq, %select_n3A_115, %eq3A_119 : vector<4x16xf32>
    %jit3A_121 = arith.constant 1073741824 : i32
    %broadcast_in_dim3A_122 = vector.broadcast %jit3A_121 : i32 to vector<4x16xi32>
    %select_n3A_123 = arith.select %eq3A_120, %iota3A, %broadcast_in_dim3A_122 : vector<4x16xi1>, vector<4x16xi32>
    %reduce_min3A_124 = arith.constant dense<2147483647> : vector<4xi32>
    %reduce_min3A_125 = vector.multi_reduction <minsi>, %select_n3A_123, %reduce_min3A_124 [1] : vector<4x16xi32> to vector<4xi32>
    %broadcast_in_dim3A_126 = vector.shape_cast %reduce_min3A_125 : vector<4xi32> to vector<4x1xi32>
    %eq3A_127 = vector.broadcast %broadcast_in_dim3A_126 : vector<4x1xi32> to vector<4x16xi32>
    %eq3A_128 = arith.cmpi eq, %iota3A, %eq3A_127 : vector<4x16xi32>
    %jit3A_129 = arith.constant 0x7F800000 : f32
    %broadcast_in_dim3A_130 = vector.broadcast %jit3A_129 : f32 to vector<4x16xf32>
    %select_n3A_131 = arith.select %eq3A_128, %broadcast_in_dim3A_130, %select_n3A_115 : vector<4x16xi1>, vector<4x16xf32>
    %reduce_min3A_132 = arith.constant dense<0x7F800000> : vector<4xf32>
    %reduce_min3A_133 = vector.multi_reduction <minimumf>, %select_n3A_131, %reduce_min3A_132 [1] : vector<4x16xf32> to vector<4xf32>
    %broadcast_in_dim3A_134 = vector.shape_cast %reduce_min3A_133 : vector<4xf32> to vector<4x1xf32>
    %eq3A_135 = vector.broadcast %broadcast_in_dim3A_134 : vector<4x1xf32> to vector<4x16xf32>
    %eq3A_136 = arith.cmpf oeq, %select_n3A_131, %eq3A_135 : vector<4x16xf32>
    %jit3A_137 = arith.constant 1073741824 : i32
    %broadcast_in_dim3A_138 = vector.broadcast %jit3A_137 : i32 to vector<4x16xi32>
    %select_n3A_139 = arith.select %eq3A_136, %iota3A, %broadcast_in_dim3A_138 : vector<4x16xi1>, vector<4x16xi32>
    %reduce_min3A_140 = arith.constant dense<2147483647> : vector<4xi32>
    %reduce_min3A_141 = vector.multi_reduction <minsi>, %select_n3A_139, %reduce_min3A_140 [1] : vector<4x16xi32> to vector<4xi32>
    %broadcast_in_dim3A_142 = vector.shape_cast %reduce_min3A_141 : vector<4xi32> to vector<4x1xi32>
    %eq3A_143 = vector.broadcast %broadcast_in_dim3A_142 : vector<4x1xi32> to vector<4x16xi32>
    %eq3A_144 = arith.cmpi eq, %iota3A, %eq3A_143 : vector<4x16xi32>
    %jit3A_145 = arith.constant 0x7F800000 : f32
    %broadcast_in_dim3A_146 = vector.broadcast %jit3A_145 : f32 to vector<4x16xf32>
    %select_n3A_147 = arith.select %eq3A_144, %broadcast_in_dim3A_146, %select_n3A_131 : vector<4x16xi1>, vector<4x16xf32>
    %reduce_min3A_148 = arith.constant dense<0x7F800000> : vector<4xf32>
    %reduce_min3A_149 = vector.multi_reduction <minimumf>, %select_n3A_147, %reduce_min3A_148 [1] : vector<4x16xf32> to vector<4xf32>
    %broadcast_in_dim3A_150 = vector.shape_cast %reduce_min3A_149 : vector<4xf32> to vector<4x1xf32>
    %eq3A_151 = vector.broadcast %broadcast_in_dim3A_150 : vector<4x1xf32> to vector<4x16xf32>
    %eq3A_152 = arith.cmpf oeq, %select_n3A_147, %eq3A_151 : vector<4x16xf32>
    %jit3A_153 = arith.constant 1073741824 : i32
    %broadcast_in_dim3A_154 = vector.broadcast %jit3A_153 : i32 to vector<4x16xi32>
    %select_n3A_155 = arith.select %eq3A_152, %iota3A, %broadcast_in_dim3A_154 : vector<4x16xi1>, vector<4x16xi32>
    %reduce_min3A_156 = arith.constant dense<2147483647> : vector<4xi32>
    %reduce_min3A_157 = vector.multi_reduction <minsi>, %select_n3A_155, %reduce_min3A_156 [1] : vector<4x16xi32> to vector<4xi32>
    %broadcast_in_dim3A_158 = vector.shape_cast %reduce_min3A_157 : vector<4xi32> to vector<4x1xi32>
    %eq3A_159 = vector.broadcast %broadcast_in_dim3A_158 : vector<4x1xi32> to vector<4x16xi32>
    %eq3A_160 = arith.cmpi eq, %iota3A, %eq3A_159 : vector<4x16xi32>
    %jit3A_161 = arith.constant 0x7F800000 : f32
    %broadcast_in_dim3A_162 = vector.broadcast %jit3A_161 : f32 to vector<4x16xf32>
    %select_n3A_163 = arith.select %eq3A_160, %broadcast_in_dim3A_162, %select_n3A_147 : vector<4x16xi1>, vector<4x16xf32>
    %reduce_min3A_164 = arith.constant dense<0x7F800000> : vector<4xf32>
    %reduce_min3A_165 = vector.multi_reduction <minimumf>, %select_n3A_163, %reduce_min3A_164 [1] : vector<4x16xf32> to vector<4xf32>
    %broadcast_in_dim3A_166 = vector.shape_cast %reduce_min3A_165 : vector<4xf32> to vector<4x1xf32>
    %eq3A_167 = vector.broadcast %broadcast_in_dim3A_166 : vector<4x1xf32> to vector<4x16xf32>
    %eq3A_168 = arith.cmpf oeq, %select_n3A_163, %eq3A_167 : vector<4x16xf32>
    %jit3A_169 = arith.constant 1073741824 : i32
    %broadcast_in_dim3A_170 = vector.broadcast %jit3A_169 : i32 to vector<4x16xi32>
    %select_n3A_171 = arith.select %eq3A_168, %iota3A, %broadcast_in_dim3A_170 : vector<4x16xi1>, vector<4x16xi32>
    %reduce_min3A_172 = arith.constant dense<2147483647> : vector<4xi32>
    %reduce_min3A_173 = vector.multi_reduction <minsi>, %select_n3A_171, %reduce_min3A_172 [1] : vector<4x16xi32> to vector<4xi32>
    %broadcast_in_dim3A_174 = vector.shape_cast %reduce_min3A_173 : vector<4xi32> to vector<4x1xi32>
    %eq3A_175 = vector.broadcast %broadcast_in_dim3A_174 : vector<4x1xi32> to vector<4x16xi32>
    %eq3A_176 = arith.cmpi eq, %iota3A, %eq3A_175 : vector<4x16xi32>
    %jit3A_177 = arith.constant 0x7F800000 : f32
    %broadcast_in_dim3A_178 = vector.broadcast %jit3A_177 : f32 to vector<4x16xf32>
    %select_n3A_179 = arith.select %eq3A_176, %broadcast_in_dim3A_178, %select_n3A_163 : vector<4x16xi1>, vector<4x16xf32>
    %reduce_min3A_180 = arith.constant dense<0x7F800000> : vector<4xf32>
    %reduce_min3A_181 = vector.multi_reduction <minimumf>, %select_n3A_179, %reduce_min3A_180 [1] : vector<4x16xf32> to vector<4xf32>
    %broadcast_in_dim3A_182 = vector.shape_cast %reduce_min3A_181 : vector<4xf32> to vector<4x1xf32>
    %eq3A_183 = vector.broadcast %broadcast_in_dim3A_182 : vector<4x1xf32> to vector<4x16xf32>
    %eq3A_184 = arith.cmpf oeq, %select_n3A_179, %eq3A_183 : vector<4x16xf32>
    %jit3A_185 = arith.constant 1073741824 : i32
    %broadcast_in_dim3A_186 = vector.broadcast %jit3A_185 : i32 to vector<4x16xi32>
    %select_n3A_187 = arith.select %eq3A_184, %iota3A, %broadcast_in_dim3A_186 : vector<4x16xi1>, vector<4x16xi32>
    %reduce_min3A_188 = arith.constant dense<2147483647> : vector<4xi32>
    %reduce_min3A_189 = vector.multi_reduction <minsi>, %select_n3A_187, %reduce_min3A_188 [1] : vector<4x16xi32> to vector<4xi32>
    %broadcast_in_dim3A_190 = vector.shape_cast %reduce_min3A_189 : vector<4xi32> to vector<4x1xi32>
    %eq3A_191 = vector.broadcast %broadcast_in_dim3A_190 : vector<4x1xi32> to vector<4x16xi32>
    %eq3A_192 = arith.cmpi eq, %iota3A, %eq3A_191 : vector<4x16xi32>
    %jit3A_193 = arith.constant 0x7F800000 : f32
    %broadcast_in_dim3A_194 = vector.broadcast %jit3A_193 : f32 to vector<4x16xf32>
    %select_n3A_195 = arith.select %eq3A_192, %broadcast_in_dim3A_194, %select_n3A_179 : vector<4x16xi1>, vector<4x16xf32>
    %reduce_min3A_196 = arith.constant dense<0x7F800000> : vector<4xf32>
    %reduce_min3A_197 = vector.multi_reduction <minimumf>, %select_n3A_195, %reduce_min3A_196 [1] : vector<4x16xf32> to vector<4xf32>
    %broadcast_in_dim3A_198 = vector.shape_cast %reduce_min3A_197 : vector<4xf32> to vector<4x1xf32>
    %eq3A_199 = vector.broadcast %broadcast_in_dim3A_198 : vector<4x1xf32> to vector<4x16xf32>
    %eq3A_200 = arith.cmpf oeq, %select_n3A_195, %eq3A_199 : vector<4x16xf32>
    %jit3A_201 = arith.constant 1073741824 : i32
    %broadcast_in_dim3A_202 = vector.broadcast %jit3A_201 : i32 to vector<4x16xi32>
    %select_n3A_203 = arith.select %eq3A_200, %iota3A, %broadcast_in_dim3A_202 : vector<4x16xi1>, vector<4x16xi32>
    %reduce_min3A_204 = arith.constant dense<2147483647> : vector<4xi32>
    %reduce_min3A_205 = vector.multi_reduction <minsi>, %select_n3A_203, %reduce_min3A_204 [1] : vector<4x16xi32> to vector<4xi32>
    %broadcast_in_dim3A_206 = vector.shape_cast %reduce_min3A_205 : vector<4xi32> to vector<4x1xi32>
    %eq3A_207 = vector.broadcast %broadcast_in_dim3A_206 : vector<4x1xi32> to vector<4x16xi32>
    %eq3A_208 = arith.cmpi eq, %iota3A, %eq3A_207 : vector<4x16xi32>
    %jit3A_209 = arith.constant 0x7F800000 : f32
    %broadcast_in_dim3A_210 = vector.broadcast %jit3A_209 : f32 to vector<4x16xf32>
    %select_n3A_211 = arith.select %eq3A_208, %broadcast_in_dim3A_210, %select_n3A_195 : vector<4x16xi1>, vector<4x16xf32>
    %reduce_min3A_212 = arith.constant dense<0x7F800000> : vector<4xf32>
    %reduce_min3A_213 = vector.multi_reduction <minimumf>, %select_n3A_211, %reduce_min3A_212 [1] : vector<4x16xf32> to vector<4xf32>
    %broadcast_in_dim3A_214 = vector.shape_cast %reduce_min3A_213 : vector<4xf32> to vector<4x1xf32>
    %eq3A_215 = vector.broadcast %broadcast_in_dim3A_214 : vector<4x1xf32> to vector<4x16xf32>
    %eq3A_216 = arith.cmpf oeq, %select_n3A_211, %eq3A_215 : vector<4x16xf32>
    %jit3A_217 = arith.constant 1073741824 : i32
    %broadcast_in_dim3A_218 = vector.broadcast %jit3A_217 : i32 to vector<4x16xi32>
    %select_n3A_219 = arith.select %eq3A_216, %iota3A, %broadcast_in_dim3A_218 : vector<4x16xi1>, vector<4x16xi32>
    %reduce_min3A_220 = arith.constant dense<2147483647> : vector<4xi32>
    %reduce_min3A_221 = vector.multi_reduction <minsi>, %select_n3A_219, %reduce_min3A_220 [1] : vector<4x16xi32> to vector<4xi32>
    %broadcast_in_dim3A_222 = vector.shape_cast %reduce_min3A_221 : vector<4xi32> to vector<4x1xi32>
    %eq3A_223 = vector.broadcast %broadcast_in_dim3A_222 : vector<4x1xi32> to vector<4x16xi32>
    %eq3A_224 = arith.cmpi eq, %iota3A, %eq3A_223 : vector<4x16xi32>
    %jit3A_225 = arith.constant 0x7F800000 : f32
    %broadcast_in_dim3A_226 = vector.broadcast %jit3A_225 : f32 to vector<4x16xf32>
    %select_n3A_227 = arith.select %eq3A_224, %broadcast_in_dim3A_226, %select_n3A_211 : vector<4x16xi1>, vector<4x16xf32>
    %reduce_min3A_228 = arith.constant dense<0x7F800000> : vector<4xf32>
    %reduce_min3A_229 = vector.multi_reduction <minimumf>, %select_n3A_227, %reduce_min3A_228 [1] : vector<4x16xf32> to vector<4xf32>
    %broadcast_in_dim3A_230 = vector.shape_cast %reduce_min3A_229 : vector<4xf32> to vector<4x1xf32>
    %eq3A_231 = vector.broadcast %broadcast_in_dim3A_230 : vector<4x1xf32> to vector<4x16xf32>
    %eq3A_232 = arith.cmpf oeq, %select_n3A_227, %eq3A_231 : vector<4x16xf32>
    %jit3A_233 = arith.constant 1073741824 : i32
    %broadcast_in_dim3A_234 = vector.broadcast %jit3A_233 : i32 to vector<4x16xi32>
    %select_n3A_235 = arith.select %eq3A_232, %iota3A, %broadcast_in_dim3A_234 : vector<4x16xi1>, vector<4x16xi32>
    %reduce_min3A_236 = arith.constant dense<2147483647> : vector<4xi32>
    %reduce_min3A_237 = vector.multi_reduction <minsi>, %select_n3A_235, %reduce_min3A_236 [1] : vector<4x16xi32> to vector<4xi32>
    %broadcast_in_dim3A_238 = vector.shape_cast %reduce_min3A_237 : vector<4xi32> to vector<4x1xi32>
    %eq3A_239 = vector.broadcast %broadcast_in_dim3A_238 : vector<4x1xi32> to vector<4x16xi32>
    %eq3A_240 = arith.cmpi eq, %iota3A, %eq3A_239 : vector<4x16xi32>
    %jit3A_241 = arith.constant 0x7F800000 : f32
    %broadcast_in_dim3A_242 = vector.broadcast %jit3A_241 : f32 to vector<4x16xf32>
    %select_n3A_243 = arith.select %eq3A_240, %broadcast_in_dim3A_242, %select_n3A_227 : vector<4x16xi1>, vector<4x16xf32>
    %reduce_min3A_244 = arith.constant dense<0x7F800000> : vector<4xf32>
    %reduce_min3A_245 = vector.multi_reduction <minimumf>, %select_n3A_243, %reduce_min3A_244 [1] : vector<4x16xf32> to vector<4xf32>
    %broadcast_in_dim3A_246 = vector.shape_cast %reduce_min3A_245 : vector<4xf32> to vector<4x1xf32>
    %eq3A_247 = vector.broadcast %broadcast_in_dim3A_246 : vector<4x1xf32> to vector<4x16xf32>
    %eq3A_248 = arith.cmpf oeq, %select_n3A_243, %eq3A_247 : vector<4x16xf32>
    %jit3A_249 = arith.constant 1073741824 : i32
    %broadcast_in_dim3A_250 = vector.broadcast %jit3A_249 : i32 to vector<4x16xi32>
    %select_n3A_251 = arith.select %eq3A_248, %iota3A, %broadcast_in_dim3A_250 : vector<4x16xi1>, vector<4x16xi32>
    %reduce_min3A_252 = arith.constant dense<2147483647> : vector<4xi32>
    %reduce_min3A_253 = vector.multi_reduction <minsi>, %select_n3A_251, %reduce_min3A_252 [1] : vector<4x16xi32> to vector<4xi32>
    %broadcast_in_dim3A_254 = vector.shape_cast %reduce_min3A_253 : vector<4xi32> to vector<4x1xi32>
    %eq3A_255 = vector.broadcast %broadcast_in_dim3A_254 : vector<4x1xi32> to vector<4x16xi32>
    %eq3A_256 = arith.cmpi eq, %iota3A, %eq3A_255 : vector<4x16xi32>
    %jit3A_257 = arith.constant 0x7F800000 : f32
    %broadcast_in_dim3A_258 = vector.broadcast %jit3A_257 : f32 to vector<4x16xf32>
    %select_n3A_259 = arith.select %eq3A_256, %broadcast_in_dim3A_258, %select_n3A_243 : vector<4x16xi1>, vector<4x16xf32>
    %reduce_min3A_260 = arith.constant dense<0x7F800000> : vector<4xf32>
    %reduce_min3A_261 = vector.multi_reduction <minimumf>, %select_n3A_259, %reduce_min3A_260 [1] : vector<4x16xf32> to vector<4xf32>
    %broadcast_in_dim3A_262 = vector.shape_cast %reduce_min3A_261 : vector<4xf32> to vector<4x1xf32>
    %eq3A_263 = vector.broadcast %broadcast_in_dim3A_262 : vector<4x1xf32> to vector<4x16xf32>
    %eq3A_264 = arith.cmpf oeq, %select_n3A_259, %eq3A_263 : vector<4x16xf32>
    %jit3A_265 = arith.constant 1073741824 : i32
    %broadcast_in_dim3A_266 = vector.broadcast %jit3A_265 : i32 to vector<4x16xi32>
    %select_n3A_267 = arith.select %eq3A_264, %iota3A, %broadcast_in_dim3A_266 : vector<4x16xi1>, vector<4x16xi32>
    %reduce_min3A_268 = arith.constant dense<2147483647> : vector<4xi32>
    %reduce_min3A_269 = vector.multi_reduction <minsi>, %select_n3A_267, %reduce_min3A_268 [1] : vector<4x16xi32> to vector<4xi32>
    %broadcast_in_dim3A_270 = vector.shape_cast %reduce_min3A_269 : vector<4xi32> to vector<4x1xi32>
    %concatenate3A = tpu.concatenate %broadcast_in_dim3A_30, %broadcast_in_dim3A_46, %broadcast_in_dim3A_62, %broadcast_in_dim3A_78, %broadcast_in_dim3A_94, %broadcast_in_dim3A_110, %broadcast_in_dim3A_126, %broadcast_in_dim3A_142, %broadcast_in_dim3A_158, %broadcast_in_dim3A_174, %broadcast_in_dim3A_190, %broadcast_in_dim3A_206, %broadcast_in_dim3A_222, %broadcast_in_dim3A_238, %broadcast_in_dim3A_254, %broadcast_in_dim3A_270 in 1 : vector<4x1xi32>, vector<4x1xi32>, vector<4x1xi32>, vector<4x1xi32>, vector<4x1xi32>, vector<4x1xi32>, vector<4x1xi32>, vector<4x1xi32>, vector<4x1xi32>, vector<4x1xi32>, vector<4x1xi32>, vector<4x1xi32>, vector<4x1xi32>, vector<4x1xi32>, vector<4x1xi32>, vector<4x1xi32> -> vector<4x16xi32>
    %swap3A = arith.constant 0 : index
    %swap3A_271 = arith.constant 0 : index
    %swap3A_272 = arith.constant 0 : index
    %swap3A_273 = vector.load %arg6[%swap3A, %swap3A_271, %swap3A_272] : memref<1x4x16xi32, #tpu.memory_space<vmem>>, vector<1x4x16xi32>
    %swap3A_274 = vector.shape_cast %swap3A_273 : vector<1x4x16xi32> to vector<4x16xi32>
    %swap3A_275 = vector.shape_cast %concatenate3A : vector<4x16xi32> to vector<1x4x16xi32>
    tpu.vector_store %arg6[%swap3A, %swap3A_271, %swap3A_272], %swap3A_275 {strides = array<i32>} : memref<1x4x16xi32, #tpu.memory_space<vmem>>, vector<1x4x16xi32>,
    return
  }
  func.func @transform_0(%arg0: i32, %arg1: i32) -> (i32, i32, i32) {
    %c0_i32 = arith.constant 0 : i32
    %c0_i32_0 = arith.constant 0 : i32
    return %arg0, %arg1, %c0_i32 : i32, i32, i32
  }
  func.func @transform_1(%arg0: i32, %arg1: i32) -> (i32, i32, i32) {
    %c0_i32 = arith.constant 0 : i32
    %c0_i32_0 = arith.constant 0 : i32
    %c0_i32_1 = arith.constant 0 : i32
    return %arg0, %c0_i32, %c0_i32_0 : i32, i32, i32
  }
  func.func @transform_2(%arg0: i32, %arg1: i32) -> (i32, i32, i32) {
    %c0_i32 = arith.constant 0 : i32
    %c0_i32_0 = arith.constant 0 : i32
    return %arg0, %arg1, %c0_i32 : i32, i32, i32
  }
  func.func @transform_3(%arg0: i32, %arg1: i32) -> (i32, i32, i32) {
    %c0_i32 = arith.constant 0 : i32
    %c0_i32_0 = arith.constant 0 : i32
    %c0_i32_1 = arith.constant 0 : i32
    return %arg0, %c0_i32, %c0_i32_0 : i32, i32, i32
  }
  func.func @transform_4(%arg0: i32, %arg1: i32) -> (i32, i32, i32) {
    %c0_i32 = arith.constant 0 : i32
    %c0_i32_0 = arith.constant 0 : i32
    return %arg0, %arg1, %c0_i32 : i32, i32, i32
  }
}

module attributes {stable_mosaic.version = 14 : i64} {
  func.func @_tb_block_kernel(%arg0: i32, %arg1: i32, %arg2: memref<1x16x512xf32, #tpu.memory_space<vmem>>, %arg3: memref<1x256x1xi32, #tpu.memory_space<vmem>>, %arg4: memref<1x16x512xbf16, #tpu.memory_space<vmem>>, %arg5: memref<1x16x512xbf16, #tpu.memory_space<vmem>>, %arg6: memref<1x16x512xbf16, #tpu.memory_space<vmem>>, %arg7: memref<1x16x512xbf16, #tpu.memory_space<vmem>>, %arg8: memref<1x16x512xbf16, #tpu.memory_space<vmem>>, %arg9: memref<1x16x512xbf16, #tpu.memory_space<vmem>>, %arg10: memref<1x16x3xf32, #tpu.memory_space<vmem>>, %arg11: memref<1x16x3xbf16, #tpu.memory_space<vmem>>, %arg12: memref<1x16x3xbf16, #tpu.memory_space<vmem>>, %arg13: memref<1x16x3xbf16, #tpu.memory_space<vmem>>, %arg14: memref<3x512xf32, #tpu.memory_space<vmem>>, %arg15: memref<1x512xf32, #tpu.memory_space<vmem>>, %arg16: memref<512x512xf32, #tpu.memory_space<vmem>>, %arg17: memref<1x512xf32, #tpu.memory_space<vmem>>, %arg18: memref<512x512xf32, #tpu.memory_space<vmem>>, %arg19: memref<1x512xf32, #tpu.memory_space<vmem>>, %arg20: memref<512x512xf32, #tpu.memory_space<vmem>>, %arg21: memref<1x512xf32, #tpu.memory_space<vmem>>, %arg22: memref<1x16x512xf32, #tpu.memory_space<vmem>>) attributes {dimension_semantics = [#tpu.dimension_semantics<parallel>, #tpu.dimension_semantics<arbitrary>], iteration_bounds = array<i64: 8, 1>, scalar_prefetch = 0 : i64, scratch_operands = 0 : i64, tpu.core_type = #tpu.core_type<tc>, window_params = [{transform_indices = @transform_0, window_bounds = array<i64: 1, 16, 512>}, {transform_indices = @transform_1, window_bounds = array<i64: 1, 256, 1>}, {transform_indices = @transform_2, window_bounds = array<i64: 1, 16, 512>}, {transform_indices = @transform_3, window_bounds = array<i64: 1, 16, 512>}, {transform_indices = @transform_4, window_bounds = array<i64: 1, 16, 512>}, {transform_indices = @transform_5, window_bounds = array<i64: 1, 16, 512>}, {transform_indices = @transform_6, window_bounds = array<i64: 1, 16, 512>}, {transform_indices = @transform_7, window_bounds = array<i64: 1, 16, 512>}, {transform_indices = @transform_8, window_bounds = array<i64: 1, 16, 3>}, {transform_indices = @transform_9, window_bounds = array<i64: 1, 16, 3>}, {transform_indices = @transform_10, window_bounds = array<i64: 1, 16, 3>}, {transform_indices = @transform_11, window_bounds = array<i64: 1, 16, 3>}, {pipeline_mode = #tpu.pipeline_mode<synchronous>, transform_indices = @transform_12, window_bounds = array<i64: 3, 512>}, {pipeline_mode = #tpu.pipeline_mode<synchronous>, transform_indices = @transform_13, window_bounds = array<i64: 1, 512>}, {pipeline_mode = #tpu.pipeline_mode<synchronous>, transform_indices = @transform_14, window_bounds = array<i64: 512, 512>}, {pipeline_mode = #tpu.pipeline_mode<synchronous>, transform_indices = @transform_15, window_bounds = array<i64: 1, 512>}, {pipeline_mode = #tpu.pipeline_mode<synchronous>, transform_indices = @transform_16, window_bounds = array<i64: 512, 512>}, {pipeline_mode = #tpu.pipeline_mode<synchronous>, transform_indices = @transform_17, window_bounds = array<i64: 1, 512>}, {pipeline_mode = #tpu.pipeline_mode<synchronous>, transform_indices = @transform_18, window_bounds = array<i64: 512, 512>}, {pipeline_mode = #tpu.pipeline_mode<synchronous>, transform_indices = @transform_19, window_bounds = array<i64: 1, 512>}, {transform_indices = @transform_20, window_bounds = array<i64: 1, 16, 512>}]} {
    %get3A = arith.constant 0 : index
    %get3A_0 = arith.constant 0 : index
    %get3A_1 = arith.constant 0 : index
    %get3A_2 = vector.load %arg3[%get3A, %get3A_0, %get3A_1] : memref<1x256x1xi32, #tpu.memory_space<vmem>>, vector<1x256x1xi32>
    %get3A_3 = vector.shape_cast %get3A_2 : vector<1x256x1xi32> to vector<256x1xi32>
    %iota3A = tpu.iota {dimensions = array<i32: 1>} : vector<256x16xi32>
    %eq3A = vector.broadcast %get3A_3 : vector<256x1xi32> to vector<256x16xi32>
    %eq3A_4 = arith.cmpi eq, %iota3A, %eq3A : vector<256x16xi32>
    %jit3A = arith.constant 1.000000e+00 : f32
    %jit3A_5 = arith.constant 0.000000e+00 : f32
    %broadcast_in_dim3A = vector.broadcast %jit3A : f32 to vector<256x16xf32>
    %broadcast_in_dim3A_6 = vector.broadcast %jit3A_5 : f32 to vector<256x16xf32>
    %select_n3A = arith.select %eq3A_4, %broadcast_in_dim3A, %broadcast_in_dim3A_6 : vector<256x16xi1>, vector<256x16xf32>
    %convert_element_type3A = arith.truncf %select_n3A : vector<256x16xf32> to vector<256x16xbf16>
    %get3A_7 = arith.constant 0 : index
    %get3A_8 = arith.constant 0 : index
    %get3A_9 = arith.constant 0 : index
    %get3A_10 = vector.load %arg10[%get3A_7, %get3A_8, %get3A_9] : memref<1x16x3xf32, #tpu.memory_space<vmem>>, vector<1x16x3xf32>
    %get3A_11 = vector.shape_cast %get3A_10 : vector<1x16x3xf32> to vector<16x3xf32>
    %get3A_12 = arith.constant 0 : index
    %get3A_13 = arith.constant 0 : index
    %get3A_14 = arith.constant 0 : index
    %get3A_15 = vector.load %arg11[%get3A_12, %get3A_13, %get3A_14] : memref<1x16x3xbf16, #tpu.memory_space<vmem>>, vector<1x16x3xbf16>
    %get3A_16 = vector.shape_cast %get3A_15 : vector<1x16x3xbf16> to vector<16x3xbf16>
    %dot_general3A = arith.constant dense<0.000000e+00> : vector<256x3xf32>
    %dot_general3A_17 = tpu.matmul %convert_element_type3A, %get3A_16, %dot_general3A {dimension_numbers = #tpu.dot_dimension_numbers<[1], [0], [0], [1], [0, 0, 1, 1], [], []>, transpose_lhs_hint = false} : vector<256x16xbf16>, vector<16x3xbf16>, vector<256x3xf32> -> vector<256x3xf32>
    %get3A_18 = arith.constant 0 : index
    %get3A_19 = arith.constant 0 : index
    %get3A_20 = arith.constant 0 : index
    %get3A_21 = vector.load %arg12[%get3A_18, %get3A_19, %get3A_20] : memref<1x16x3xbf16, #tpu.memory_space<vmem>>, vector<1x16x3xbf16>
    %get3A_22 = vector.shape_cast %get3A_21 : vector<1x16x3xbf16> to vector<16x3xbf16>
    %dot_general3A_23 = arith.constant dense<0.000000e+00> : vector<256x3xf32>
    %dot_general3A_24 = tpu.matmul %convert_element_type3A, %get3A_22, %dot_general3A_23 {dimension_numbers = #tpu.dot_dimension_numbers<[1], [0], [0], [1], [0, 0, 1, 1], [], []>, transpose_lhs_hint = false} : vector<256x16xbf16>, vector<16x3xbf16>, vector<256x3xf32> -> vector<256x3xf32>
    %add3A = arith.addf %dot_general3A_17, %dot_general3A_24 : vector<256x3xf32>
    %get3A_25 = arith.constant 0 : index
    %get3A_26 = arith.constant 0 : index
    %get3A_27 = arith.constant 0 : index
    %get3A_28 = vector.load %arg13[%get3A_25, %get3A_26, %get3A_27] : memref<1x16x3xbf16, #tpu.memory_space<vmem>>, vector<1x16x3xbf16>
    %get3A_29 = vector.shape_cast %get3A_28 : vector<1x16x3xbf16> to vector<16x3xbf16>
    %dot_general3A_30 = arith.constant dense<0.000000e+00> : vector<256x3xf32>
    %dot_general3A_31 = tpu.matmul %convert_element_type3A, %get3A_29, %dot_general3A_30 {dimension_numbers = #tpu.dot_dimension_numbers<[1], [0], [0], [1], [0, 0, 1, 1], [], []>, transpose_lhs_hint = false} : vector<256x16xbf16>, vector<16x3xbf16>, vector<256x3xf32> -> vector<256x3xf32>
    %add3A_32 = arith.addf %add3A, %dot_general3A_31 : vector<256x3xf32>
    %broadcast_in_dim3A_33 = vector.shape_cast %get3A_11 : vector<16x3xf32> to vector<16x1x3xf32>
    %broadcast_in_dim3A_34 = vector.shape_cast %broadcast_in_dim3A_33 : vector<16x1x3xf32> to vector<16x1x3xf32>
    %broadcast_in_dim3A_35 = vector.broadcast %broadcast_in_dim3A_34 : vector<16x1x3xf32> to vector<16x16x3xf32>
    %reshape3A = vector.shape_cast %broadcast_in_dim3A_35 : vector<16x16x3xf32> to vector<256x3xf32>
    %sub3A = arith.subf %reshape3A, %add3A_32 : vector<256x3xf32>
    %get3A_36 = arith.constant 0 : index
    %get3A_37 = arith.constant 0 : index
    %get3A_38 = vector.load %arg14[%get3A_36, %get3A_37] : memref<3x512xf32, #tpu.memory_space<vmem>>, vector<3x512xf32>
    %dot_general3A_39 = arith.constant dense<0.000000e+00> : vector<256x512xf32>
    %dot_general3A_40 = tpu.matmul %sub3A, %get3A_38, %dot_general3A_39 {dimension_numbers = #tpu.dot_dimension_numbers<[1], [0], [0], [1], [0, 0, 1, 1], [], []>, transpose_lhs_hint = false} : vector<256x3xf32>, vector<3x512xf32>, vector<256x512xf32> -> vector<256x512xf32>
    %get3A_41 = arith.constant 0 : index
    %get3A_42 = arith.constant 0 : index
    %get3A_43 = vector.load %arg15[%get3A_41, %get3A_42] : memref<1x512xf32, #tpu.memory_space<vmem>>, vector<1x512xf32>
    %add3A_44 = vector.broadcast %get3A_43 : vector<1x512xf32> to vector<256x512xf32>
    %add3A_45 = arith.addf %dot_general3A_40, %add3A_44 : vector<256x512xf32>
    %max3A = arith.constant 0.000000e+00 : f32
    %max3A_46 = vector.broadcast %max3A : f32 to vector<256x512xf32>
    %max3A_47 = arith.maximumf %add3A_45, %max3A_46 : vector<256x512xf32>
    %get3A_48 = arith.constant 0 : index
    %get3A_49 = arith.constant 0 : index
    %get3A_50 = vector.load %arg17[%get3A_48, %get3A_49] : memref<1x512xf32, #tpu.memory_space<vmem>>, vector<1x512xf32>
    %get3A_51 = arith.constant 0 : index
    %get3A_52 = arith.constant 0 : index
    %get3A_53 = vector.load %arg16[%get3A_51, %get3A_52] : memref<512x512xf32, #tpu.memory_space<vmem>>, vector<512x512xf32>
    %dot_general3A_54 = arith.constant dense<0.000000e+00> : vector<256x512xf32>
    %dot_general3A_55 = tpu.matmul %max3A_47, %get3A_53, %dot_general3A_54 {dimension_numbers = #tpu.dot_dimension_numbers<[1], [0], [0], [1], [0, 0, 1, 1], [], []>, transpose_lhs_hint = false} : vector<256x512xf32>, vector<512x512xf32>, vector<256x512xf32> -> vector<256x512xf32>
    %add3A_56 = vector.broadcast %get3A_50 : vector<1x512xf32> to vector<256x512xf32>
    %add3A_57 = arith.addf %add3A_56, %dot_general3A_55 : vector<256x512xf32>
    %get3A_58 = arith.constant 0 : index
    %get3A_59 = arith.constant 0 : index
    %get3A_60 = arith.constant 0 : index
    %get3A_61 = vector.load %arg2[%get3A_58, %get3A_59, %get3A_60] : memref<1x16x512xf32, #tpu.memory_space<vmem>>, vector<1x16x512xf32>
    %get3A_62 = vector.shape_cast %get3A_61 : vector<1x16x512xf32> to vector<16x512xf32>
    %broadcast_in_dim3A_63 = vector.shape_cast %get3A_62 : vector<16x512xf32> to vector<16x1x512xf32>
    %broadcast_in_dim3A_64 = vector.shape_cast %broadcast_in_dim3A_63 : vector<16x1x512xf32> to vector<16x1x512xf32>
    %broadcast_in_dim3A_65 = vector.broadcast %broadcast_in_dim3A_64 : vector<16x1x512xf32> to vector<16x16x512xf32>
    %reshape3A_66 = vector.shape_cast %broadcast_in_dim3A_65 : vector<16x16x512xf32> to vector<256x512xf32>
    %get3A_67 = arith.constant 0 : index
    %get3A_68 = arith.constant 0 : index
    %get3A_69 = arith.constant 0 : index
    %get3A_70 = vector.load %arg4[%get3A_67, %get3A_68, %get3A_69] : memref<1x16x512xbf16, #tpu.memory_space<vmem>>, vector<1x16x512xbf16>
    %get3A_71 = vector.shape_cast %get3A_70 : vector<1x16x512xbf16> to vector<16x512xbf16>
    %dot_general3A_72 = arith.constant dense<0.000000e+00> : vector<256x512xf32>
    %dot_general3A_73 = tpu.matmul %convert_element_type3A, %get3A_71, %dot_general3A_72 {dimension_numbers = #tpu.dot_dimension_numbers<[1], [0], [0], [1], [0, 0, 1, 1], [], []>, transpose_lhs_hint = false} : vector<256x16xbf16>, vector<16x512xbf16>, vector<256x512xf32> -> vector<256x512xf32>
    %get3A_74 = arith.constant 0 : index
    %get3A_75 = arith.constant 0 : index
    %get3A_76 = arith.constant 0 : index
    %get3A_77 = vector.load %arg5[%get3A_74, %get3A_75, %get3A_76] : memref<1x16x512xbf16, #tpu.memory_space<vmem>>, vector<1x16x512xbf16>
    %get3A_78 = vector.shape_cast %get3A_77 : vector<1x16x512xbf16> to vector<16x512xbf16>
    %dot_general3A_79 = arith.constant dense<0.000000e+00> : vector<256x512xf32>
    %dot_general3A_80 = tpu.matmul %convert_element_type3A, %get3A_78, %dot_general3A_79 {dimension_numbers = #tpu.dot_dimension_numbers<[1], [0], [0], [1], [0, 0, 1, 1], [], []>, transpose_lhs_hint = false} : vector<256x16xbf16>, vector<16x512xbf16>, vector<256x512xf32> -> vector<256x512xf32>
    %add3A_81 = arith.addf %dot_general3A_73, %dot_general3A_80 : vector<256x512xf32>
    %get3A_82 = arith.constant 0 : index
    %get3A_83 = arith.constant 0 : index
    %get3A_84 = arith.constant 0 : index
    %get3A_85 = vector.load %arg6[%get3A_82, %get3A_83, %get3A_84] : memref<1x16x512xbf16, #tpu.memory_space<vmem>>, vector<1x16x512xbf16>
    %get3A_86 = vector.shape_cast %get3A_85 : vector<1x16x512xbf16> to vector<16x512xbf16>
    %dot_general3A_87 = arith.constant dense<0.000000e+00> : vector<256x512xf32>
    %dot_general3A_88 = tpu.matmul %convert_element_type3A, %get3A_86, %dot_general3A_87 {dimension_numbers = #tpu.dot_dimension_numbers<[1], [0], [0], [1], [0, 0, 1, 1], [], []>, transpose_lhs_hint = false} : vector<256x16xbf16>, vector<16x512xbf16>, vector<256x512xf32> -> vector<256x512xf32>
    %add3A_89 = arith.addf %add3A_81, %dot_general3A_88 : vector<256x512xf32>
    %sub3A_90 = arith.subf %reshape3A_66, %add3A_89 : vector<256x512xf32>
    %add3A_91 = arith.addf %sub3A_90, %add3A_57 : vector<256x512xf32>
    %get3A_92 = arith.constant 0 : index
    %get3A_93 = arith.constant 0 : index
    %get3A_94 = vector.load %arg19[%get3A_92, %get3A_93] : memref<1x512xf32, #tpu.memory_space<vmem>>, vector<1x512xf32>
    %get3A_95 = arith.constant 0 : index
    %get3A_96 = arith.constant 0 : index
    %get3A_97 = vector.load %arg18[%get3A_95, %get3A_96] : memref<512x512xf32, #tpu.memory_space<vmem>>, vector<512x512xf32>
    %dot_general3A_98 = arith.constant dense<0.000000e+00> : vector<256x512xf32>
    %dot_general3A_99 = tpu.matmul %add3A_91, %get3A_97, %dot_general3A_98 {dimension_numbers = #tpu.dot_dimension_numbers<[1], [0], [0], [1], [0, 0, 1, 1], [], []>, transpose_lhs_hint = false} : vector<256x512xf32>, vector<512x512xf32>, vector<256x512xf32> -> vector<256x512xf32>
    %add3A_100 = vector.broadcast %get3A_94 : vector<1x512xf32> to vector<256x512xf32>
    %add3A_101 = arith.addf %add3A_100, %dot_general3A_99 : vector<256x512xf32>
    %max3A_102 = arith.constant 0.000000e+00 : f32
    %max3A_103 = vector.broadcast %max3A_102 : f32 to vector<256x512xf32>
    %max3A_104 = arith.maximumf %add3A_101, %max3A_103 : vector<256x512xf32>
    %get3A_105 = arith.constant 0 : index
    %get3A_106 = arith.constant 0 : index
    %get3A_107 = vector.load %arg21[%get3A_105, %get3A_106] : memref<1x512xf32, #tpu.memory_space<vmem>>, vector<1x512xf32>
    %get3A_108 = arith.constant 0 : index
    %get3A_109 = arith.constant 0 : index
    %get3A_110 = vector.load %arg20[%get3A_108, %get3A_109] : memref<512x512xf32, #tpu.memory_space<vmem>>, vector<512x512xf32>
    %dot_general3A_111 = arith.constant dense<0.000000e+00> : vector<256x512xf32>
    %dot_general3A_112 = tpu.matmul %max3A_104, %get3A_110, %dot_general3A_111 {dimension_numbers = #tpu.dot_dimension_numbers<[1], [0], [0], [1], [0, 0, 1, 1], [], []>, transpose_lhs_hint = false} : vector<256x512xf32>, vector<512x512xf32>, vector<256x512xf32> -> vector<256x512xf32>
    %add3A_113 = vector.broadcast %get3A_107 : vector<1x512xf32> to vector<256x512xf32>
    %add3A_114 = arith.addf %add3A_113, %dot_general3A_112 : vector<256x512xf32>
    %div3A = arith.constant 22.6274166 : f32
    %div3A_115 = vector.broadcast %div3A : f32 to vector<256x512xf32>
    %div3A_116 = arith.divf %add3A_114, %div3A_115 : vector<256x512xf32>
    %reshape3A_117 = vector.shape_cast %div3A_116 : vector<256x512xf32> to vector<16x16x512xf32>
    %reduce_max3A = arith.constant dense<0xFF800000> : vector<16x512xf32>
    %reduce_max3A_118 = vector.multi_reduction <maximumf>, %reshape3A_117, %reduce_max3A [1] : vector<16x16x512xf32> to vector<16x512xf32>
    %broadcast_in_dim3A_119 = vector.shape_cast %reduce_max3A_118 : vector<16x512xf32> to vector<16x1x512xf32>
    %sub3A_120 = vector.broadcast %broadcast_in_dim3A_119 : vector<16x1x512xf32> to vector<16x16x512xf32>
    %sub3A_121 = arith.subf %reshape3A_117, %sub3A_120 : vector<16x16x512xf32>
    %exp3A = math.exp %sub3A_121 : vector<16x16x512xf32>
    %slice3A = vector.extract_strided_slice %exp3A {offsets = [0, 0, 0], sizes = [16, 1, 512], strides = [1, 1, 1]} : vector<16x16x512xf32> to vector<16x1x512xf32>
    %squeeze3A = vector.shape_cast %slice3A : vector<16x1x512xf32> to vector<16x512xf32>
    %slice3A_122 = vector.extract_strided_slice %exp3A {offsets = [0, 1, 0], sizes = [16, 1, 512], strides = [1, 1, 1]} : vector<16x16x512xf32> to vector<16x1x512xf32>
    %squeeze3A_123 = vector.shape_cast %slice3A_122 : vector<16x1x512xf32> to vector<16x512xf32>
    %add3A_124 = arith.addf %squeeze3A, %squeeze3A_123 : vector<16x512xf32>
    %slice3A_125 = vector.extract_strided_slice %exp3A {offsets = [0, 2, 0], sizes = [16, 1, 512], strides = [1, 1, 1]} : vector<16x16x512xf32> to vector<16x1x512xf32>
    %squeeze3A_126 = vector.shape_cast %slice3A_125 : vector<16x1x512xf32> to vector<16x512xf32>
    %add3A_127 = arith.addf %add3A_124, %squeeze3A_126 : vector<16x512xf32>
    %slice3A_128 = vector.extract_strided_slice %exp3A {offsets = [0, 3, 0], sizes = [16, 1, 512], strides = [1, 1, 1]} : vector<16x16x512xf32> to vector<16x1x512xf32>
    %squeeze3A_129 = vector.shape_cast %slice3A_128 : vector<16x1x512xf32> to vector<16x512xf32>
    %add3A_130 = arith.addf %add3A_127, %squeeze3A_129 : vector<16x512xf32>
    %slice3A_131 = vector.extract_strided_slice %exp3A {offsets = [0, 4, 0], sizes = [16, 1, 512], strides = [1, 1, 1]} : vector<16x16x512xf32> to vector<16x1x512xf32>
    %squeeze3A_132 = vector.shape_cast %slice3A_131 : vector<16x1x512xf32> to vector<16x512xf32>
    %add3A_133 = arith.addf %add3A_130, %squeeze3A_132 : vector<16x512xf32>
    %slice3A_134 = vector.extract_strided_slice %exp3A {offsets = [0, 5, 0], sizes = [16, 1, 512], strides = [1, 1, 1]} : vector<16x16x512xf32> to vector<16x1x512xf32>
    %squeeze3A_135 = vector.shape_cast %slice3A_134 : vector<16x1x512xf32> to vector<16x512xf32>
    %add3A_136 = arith.addf %add3A_133, %squeeze3A_135 : vector<16x512xf32>
    %slice3A_137 = vector.extract_strided_slice %exp3A {offsets = [0, 6, 0], sizes = [16, 1, 512], strides = [1, 1, 1]} : vector<16x16x512xf32> to vector<16x1x512xf32>
    %squeeze3A_138 = vector.shape_cast %slice3A_137 : vector<16x1x512xf32> to vector<16x512xf32>
    %add3A_139 = arith.addf %add3A_136, %squeeze3A_138 : vector<16x512xf32>
    %slice3A_140 = vector.extract_strided_slice %exp3A {offsets = [0, 7, 0], sizes = [16, 1, 512], strides = [1, 1, 1]} : vector<16x16x512xf32> to vector<16x1x512xf32>
    %squeeze3A_141 = vector.shape_cast %slice3A_140 : vector<16x1x512xf32> to vector<16x512xf32>
    %add3A_142 = arith.addf %add3A_139, %squeeze3A_141 : vector<16x512xf32>
    %slice3A_143 = vector.extract_strided_slice %exp3A {offsets = [0, 8, 0], sizes = [16, 1, 512], strides = [1, 1, 1]} : vector<16x16x512xf32> to vector<16x1x512xf32>
    %squeeze3A_144 = vector.shape_cast %slice3A_143 : vector<16x1x512xf32> to vector<16x512xf32>
    %add3A_145 = arith.addf %add3A_142, %squeeze3A_144 : vector<16x512xf32>
    %slice3A_146 = vector.extract_strided_slice %exp3A {offsets = [0, 9, 0], sizes = [16, 1, 512], strides = [1, 1, 1]} : vector<16x16x512xf32> to vector<16x1x512xf32>
    %squeeze3A_147 = vector.shape_cast %slice3A_146 : vector<16x1x512xf32> to vector<16x512xf32>
    %add3A_148 = arith.addf %add3A_145, %squeeze3A_147 : vector<16x512xf32>
    %slice3A_149 = vector.extract_strided_slice %exp3A {offsets = [0, 10, 0], sizes = [16, 1, 512], strides = [1, 1, 1]} : vector<16x16x512xf32> to vector<16x1x512xf32>
    %squeeze3A_150 = vector.shape_cast %slice3A_149 : vector<16x1x512xf32> to vector<16x512xf32>
    %add3A_151 = arith.addf %add3A_148, %squeeze3A_150 : vector<16x512xf32>
    %slice3A_152 = vector.extract_strided_slice %exp3A {offsets = [0, 11, 0], sizes = [16, 1, 512], strides = [1, 1, 1]} : vector<16x16x512xf32> to vector<16x1x512xf32>
    %squeeze3A_153 = vector.shape_cast %slice3A_152 : vector<16x1x512xf32> to vector<16x512xf32>
    %add3A_154 = arith.addf %add3A_151, %squeeze3A_153 : vector<16x512xf32>
    %slice3A_155 = vector.extract_strided_slice %exp3A {offsets = [0, 12, 0], sizes = [16, 1, 512], strides = [1, 1, 1]} : vector<16x16x512xf32> to vector<16x1x512xf32>
    %squeeze3A_156 = vector.shape_cast %slice3A_155 : vector<16x1x512xf32> to vector<16x512xf32>
    %add3A_157 = arith.addf %add3A_154, %squeeze3A_156 : vector<16x512xf32>
    %slice3A_158 = vector.extract_strided_slice %exp3A {offsets = [0, 13, 0], sizes = [16, 1, 512], strides = [1, 1, 1]} : vector<16x16x512xf32> to vector<16x1x512xf32>
    %squeeze3A_159 = vector.shape_cast %slice3A_158 : vector<16x1x512xf32> to vector<16x512xf32>
    %add3A_160 = arith.addf %add3A_157, %squeeze3A_159 : vector<16x512xf32>
    %slice3A_161 = vector.extract_strided_slice %exp3A {offsets = [0, 14, 0], sizes = [16, 1, 512], strides = [1, 1, 1]} : vector<16x16x512xf32> to vector<16x1x512xf32>
    %squeeze3A_162 = vector.shape_cast %slice3A_161 : vector<16x1x512xf32> to vector<16x512xf32>
    %add3A_163 = arith.addf %add3A_160, %squeeze3A_162 : vector<16x512xf32>
    %slice3A_164 = vector.extract_strided_slice %exp3A {offsets = [0, 15, 0], sizes = [16, 1, 512], strides = [1, 1, 1]} : vector<16x16x512xf32> to vector<16x1x512xf32>
    %squeeze3A_165 = vector.shape_cast %slice3A_164 : vector<16x1x512xf32> to vector<16x512xf32>
    %add3A_166 = arith.addf %add3A_163, %squeeze3A_165 : vector<16x512xf32>
    %broadcast_in_dim3A_167 = vector.shape_cast %add3A_166 : vector<16x512xf32> to vector<16x1x512xf32>
    %div3A_168 = vector.broadcast %broadcast_in_dim3A_167 : vector<16x1x512xf32> to vector<16x16x512xf32>
    %div3A_169 = arith.divf %exp3A, %div3A_168 : vector<16x16x512xf32>
    %get3A_170 = arith.constant 0 : index
    %get3A_171 = arith.constant 0 : index
    %get3A_172 = arith.constant 0 : index
    %get3A_173 = vector.load %arg7[%get3A_170, %get3A_171, %get3A_172] : memref<1x16x512xbf16, #tpu.memory_space<vmem>>, vector<1x16x512xbf16>
    %get3A_174 = vector.shape_cast %get3A_173 : vector<1x16x512xbf16> to vector<16x512xbf16>
    %dot_general3A_175 = arith.constant dense<0.000000e+00> : vector<256x512xf32>
    %dot_general3A_176 = tpu.matmul %convert_element_type3A, %get3A_174, %dot_general3A_175 {dimension_numbers = #tpu.dot_dimension_numbers<[1], [0], [0], [1], [0, 0, 1, 1], [], []>, transpose_lhs_hint = false} : vector<256x16xbf16>, vector<16x512xbf16>, vector<256x512xf32> -> vector<256x512xf32>
    %get3A_177 = arith.constant 0 : index
    %get3A_178 = arith.constant 0 : index
    %get3A_179 = arith.constant 0 : index
    %get3A_180 = vector.load %arg8[%get3A_177, %get3A_178, %get3A_179] : memref<1x16x512xbf16, #tpu.memory_space<vmem>>, vector<1x16x512xbf16>
    %get3A_181 = vector.shape_cast %get3A_180 : vector<1x16x512xbf16> to vector<16x512xbf16>
    %dot_general3A_182 = arith.constant dense<0.000000e+00> : vector<256x512xf32>
    %dot_general3A_183 = tpu.matmul %convert_element_type3A, %get3A_181, %dot_general3A_182 {dimension_numbers = #tpu.dot_dimension_numbers<[1], [0], [0], [1], [0, 0, 1, 1], [], []>, transpose_lhs_hint = false} : vector<256x16xbf16>, vector<16x512xbf16>, vector<256x512xf32> -> vector<256x512xf32>
    %add3A_184 = arith.addf %dot_general3A_176, %dot_general3A_183 : vector<256x512xf32>
    %get3A_185 = arith.constant 0 : index
    %get3A_186 = arith.constant 0 : index
    %get3A_187 = arith.constant 0 : index
    %get3A_188 = vector.load %arg9[%get3A_185, %get3A_186, %get3A_187] : memref<1x16x512xbf16, #tpu.memory_space<vmem>>, vector<1x16x512xbf16>
    %get3A_189 = vector.shape_cast %get3A_188 : vector<1x16x512xbf16> to vector<16x512xbf16>
    %dot_general3A_190 = arith.constant dense<0.000000e+00> : vector<256x512xf32>
    %dot_general3A_191 = tpu.matmul %convert_element_type3A, %get3A_189, %dot_general3A_190 {dimension_numbers = #tpu.dot_dimension_numbers<[1], [0], [0], [1], [0, 0, 1, 1], [], []>, transpose_lhs_hint = false} : vector<256x16xbf16>, vector<16x512xbf16>, vector<256x512xf32> -> vector<256x512xf32>
    %add3A_192 = arith.addf %add3A_184, %dot_general3A_191 : vector<256x512xf32>
    %add3A_193 = arith.addf %add3A_192, %add3A_57 : vector<256x512xf32>
    %reshape3A_194 = vector.shape_cast %add3A_193 : vector<256x512xf32> to vector<16x16x512xf32>
    %mul3A = arith.mulf %div3A_169, %reshape3A_194 : vector<16x16x512xf32>
    %slice3A_195 = vector.extract_strided_slice %mul3A {offsets = [0, 0, 0], sizes = [16, 1, 512], strides = [1, 1, 1]} : vector<16x16x512xf32> to vector<16x1x512xf32>
    %squeeze3A_196 = vector.shape_cast %slice3A_195 : vector<16x1x512xf32> to vector<16x512xf32>
    %slice3A_197 = vector.extract_strided_slice %mul3A {offsets = [0, 1, 0], sizes = [16, 1, 512], strides = [1, 1, 1]} : vector<16x16x512xf32> to vector<16x1x512xf32>
    %squeeze3A_198 = vector.shape_cast %slice3A_197 : vector<16x1x512xf32> to vector<16x512xf32>
    %add3A_199 = arith.addf %squeeze3A_196, %squeeze3A_198 : vector<16x512xf32>
    %slice3A_200 = vector.extract_strided_slice %mul3A {offsets = [0, 2, 0], sizes = [16, 1, 512], strides = [1, 1, 1]} : vector<16x16x512xf32> to vector<16x1x512xf32>
    %squeeze3A_201 = vector.shape_cast %slice3A_200 : vector<16x1x512xf32> to vector<16x512xf32>
    %add3A_202 = arith.addf %add3A_199, %squeeze3A_201 : vector<16x512xf32>
    %slice3A_203 = vector.extract_strided_slice %mul3A {offsets = [0, 3, 0], sizes = [16, 1, 512], strides = [1, 1, 1]} : vector<16x16x512xf32> to vector<16x1x512xf32>
    %squeeze3A_204 = vector.shape_cast %slice3A_203 : vector<16x1x512xf32> to vector<16x512xf32>
    %add3A_205 = arith.addf %add3A_202, %squeeze3A_204 : vector<16x512xf32>
    %slice3A_206 = vector.extract_strided_slice %mul3A {offsets = [0, 4, 0], sizes = [16, 1, 512], strides = [1, 1, 1]} : vector<16x16x512xf32> to vector<16x1x512xf32>
    %squeeze3A_207 = vector.shape_cast %slice3A_206 : vector<16x1x512xf32> to vector<16x512xf32>
    %add3A_208 = arith.addf %add3A_205, %squeeze3A_207 : vector<16x512xf32>
    %slice3A_209 = vector.extract_strided_slice %mul3A {offsets = [0, 5, 0], sizes = [16, 1, 512], strides = [1, 1, 1]} : vector<16x16x512xf32> to vector<16x1x512xf32>
    %squeeze3A_210 = vector.shape_cast %slice3A_209 : vector<16x1x512xf32> to vector<16x512xf32>
    %add3A_211 = arith.addf %add3A_208, %squeeze3A_210 : vector<16x512xf32>
    %slice3A_212 = vector.extract_strided_slice %mul3A {offsets = [0, 6, 0], sizes = [16, 1, 512], strides = [1, 1, 1]} : vector<16x16x512xf32> to vector<16x1x512xf32>
    %squeeze3A_213 = vector.shape_cast %slice3A_212 : vector<16x1x512xf32> to vector<16x512xf32>
    %add3A_214 = arith.addf %add3A_211, %squeeze3A_213 : vector<16x512xf32>
    %slice3A_215 = vector.extract_strided_slice %mul3A {offsets = [0, 7, 0], sizes = [16, 1, 512], strides = [1, 1, 1]} : vector<16x16x512xf32> to vector<16x1x512xf32>
    %squeeze3A_216 = vector.shape_cast %slice3A_215 : vector<16x1x512xf32> to vector<16x512xf32>
    %add3A_217 = arith.addf %add3A_214, %squeeze3A_216 : vector<16x512xf32>
    %slice3A_218 = vector.extract_strided_slice %mul3A {offsets = [0, 8, 0], sizes = [16, 1, 512], strides = [1, 1, 1]} : vector<16x16x512xf32> to vector<16x1x512xf32>
    %squeeze3A_219 = vector.shape_cast %slice3A_218 : vector<16x1x512xf32> to vector<16x512xf32>
    %add3A_220 = arith.addf %add3A_217, %squeeze3A_219 : vector<16x512xf32>
    %slice3A_221 = vector.extract_strided_slice %mul3A {offsets = [0, 9, 0], sizes = [16, 1, 512], strides = [1, 1, 1]} : vector<16x16x512xf32> to vector<16x1x512xf32>
    %squeeze3A_222 = vector.shape_cast %slice3A_221 : vector<16x1x512xf32> to vector<16x512xf32>
    %add3A_223 = arith.addf %add3A_220, %squeeze3A_222 : vector<16x512xf32>
    %slice3A_224 = vector.extract_strided_slice %mul3A {offsets = [0, 10, 0], sizes = [16, 1, 512], strides = [1, 1, 1]} : vector<16x16x512xf32> to vector<16x1x512xf32>
    %squeeze3A_225 = vector.shape_cast %slice3A_224 : vector<16x1x512xf32> to vector<16x512xf32>
    %add3A_226 = arith.addf %add3A_223, %squeeze3A_225 : vector<16x512xf32>
    %slice3A_227 = vector.extract_strided_slice %mul3A {offsets = [0, 11, 0], sizes = [16, 1, 512], strides = [1, 1, 1]} : vector<16x16x512xf32> to vector<16x1x512xf32>
    %squeeze3A_228 = vector.shape_cast %slice3A_227 : vector<16x1x512xf32> to vector<16x512xf32>
    %add3A_229 = arith.addf %add3A_226, %squeeze3A_228 : vector<16x512xf32>
    %slice3A_230 = vector.extract_strided_slice %mul3A {offsets = [0, 12, 0], sizes = [16, 1, 512], strides = [1, 1, 1]} : vector<16x16x512xf32> to vector<16x1x512xf32>
    %squeeze3A_231 = vector.shape_cast %slice3A_230 : vector<16x1x512xf32> to vector<16x512xf32>
    %add3A_232 = arith.addf %add3A_229, %squeeze3A_231 : vector<16x512xf32>
    %slice3A_233 = vector.extract_strided_slice %mul3A {offsets = [0, 13, 0], sizes = [16, 1, 512], strides = [1, 1, 1]} : vector<16x16x512xf32> to vector<16x1x512xf32>
    %squeeze3A_234 = vector.shape_cast %slice3A_233 : vector<16x1x512xf32> to vector<16x512xf32>
    %add3A_235 = arith.addf %add3A_232, %squeeze3A_234 : vector<16x512xf32>
    %slice3A_236 = vector.extract_strided_slice %mul3A {offsets = [0, 14, 0], sizes = [16, 1, 512], strides = [1, 1, 1]} : vector<16x16x512xf32> to vector<16x1x512xf32>
    %squeeze3A_237 = vector.shape_cast %slice3A_236 : vector<16x1x512xf32> to vector<16x512xf32>
    %add3A_238 = arith.addf %add3A_235, %squeeze3A_237 : vector<16x512xf32>
    %slice3A_239 = vector.extract_strided_slice %mul3A {offsets = [0, 15, 0], sizes = [16, 1, 512], strides = [1, 1, 1]} : vector<16x16x512xf32> to vector<16x1x512xf32>
    %squeeze3A_240 = vector.shape_cast %slice3A_239 : vector<16x1x512xf32> to vector<16x512xf32>
    %add3A_241 = arith.addf %add3A_238, %squeeze3A_240 : vector<16x512xf32>
    %swap3A = arith.constant 0 : index
    %swap3A_242 = arith.constant 0 : index
    %swap3A_243 = arith.constant 0 : index
    %swap3A_244 = vector.load %arg22[%swap3A, %swap3A_242, %swap3A_243] : memref<1x16x512xf32, #tpu.memory_space<vmem>>, vector<1x16x512xf32>
    %swap3A_245 = vector.shape_cast %swap3A_244 : vector<1x16x512xf32> to vector<16x512xf32>
    %swap3A_246 = vector.shape_cast %add3A_241 : vector<16x512xf32> to vector<1x16x512xf32>
    tpu.vector_store %arg22[%swap3A, %swap3A_242, %swap3A_243], %swap3A_246 {strides = array<i32>} : memref<1x16x512xf32, #tpu.memory_space<vmem>>, vector<1x16x512xf32>,
    return
  }
  func.func @transform_0(%arg0: i32, %arg1: i32) -> (i32, i32, i32) {
    %c0_i32 = arith.constant 0 : i32
    %c0_i32_0 = arith.constant 0 : i32
    return %arg0, %arg1, %c0_i32 : i32, i32, i32
  }
  func.func @transform_1(%arg0: i32, %arg1: i32) -> (i32, i32, i32) {
    %c0_i32 = arith.constant 0 : i32
    %c0_i32_0 = arith.constant 0 : i32
    return %arg0, %arg1, %c0_i32 : i32, i32, i32
  }
  func.func @transform_2(%arg0: i32, %arg1: i32) -> (i32, i32, i32) {
    %c0_i32 = arith.constant 0 : i32
    %c0_i32_0 = arith.constant 0 : i32
    %c0_i32_1 = arith.constant 0 : i32
    return %arg0, %c0_i32, %c0_i32_0 : i32, i32, i32
  }
  func.func @transform_3(%arg0: i32, %arg1: i32) -> (i32, i32, i32) {
    %c0_i32 = arith.constant 0 : i32
    %c0_i32_0 = arith.constant 0 : i32
    %c0_i32_1 = arith.constant 0 : i32
    return %arg0, %c0_i32, %c0_i32_0 : i32, i32, i32
  }
  func.func @transform_4(%arg0: i32, %arg1: i32) -> (i32, i32, i32) {
    %c0_i32 = arith.constant 0 : i32
    %c0_i32_0 = arith.constant 0 : i32
    %c0_i32_1 = arith.constant 0 : i32
    return %arg0, %c0_i32, %c0_i32_0 : i32, i32, i32
  }
  func.func @transform_5(%arg0: i32, %arg1: i32) -> (i32, i32, i32) {
    %c0_i32 = arith.constant 0 : i32
    %c0_i32_0 = arith.constant 0 : i32
    %c0_i32_1 = arith.constant 0 : i32
    return %arg0, %c0_i32, %c0_i32_0 : i32, i32, i32
  }
  func.func @transform_6(%arg0: i32, %arg1: i32) -> (i32, i32, i32) {
    %c0_i32 = arith.constant 0 : i32
    %c0_i32_0 = arith.constant 0 : i32
    %c0_i32_1 = arith.constant 0 : i32
    return %arg0, %c0_i32, %c0_i32_0 : i32, i32, i32
  }
  func.func @transform_7(%arg0: i32, %arg1: i32) -> (i32, i32, i32) {
    %c0_i32 = arith.constant 0 : i32
    %c0_i32_0 = arith.constant 0 : i32
    %c0_i32_1 = arith.constant 0 : i32
    return %arg0, %c0_i32, %c0_i32_0 : i32, i32, i32
  }
  func.func @transform_8(%arg0: i32, %arg1: i32) -> (i32, i32, i32) {
    %c0_i32 = arith.constant 0 : i32
    %c0_i32_0 = arith.constant 0 : i32
    return %arg0, %arg1, %c0_i32 : i32, i32, i32
  }
  func.func @transform_9(%arg0: i32, %arg1: i32) -> (i32, i32, i32) {
    %c0_i32 = arith.constant 0 : i32
    %c0_i32_0 = arith.constant 0 : i32
    %c0_i32_1 = arith.constant 0 : i32
    return %arg0, %c0_i32, %c0_i32_0 : i32, i32, i32
  }
  func.func @transform_10(%arg0: i32, %arg1: i32) -> (i32, i32, i32) {
    %c0_i32 = arith.constant 0 : i32
    %c0_i32_0 = arith.constant 0 : i32
    %c0_i32_1 = arith.constant 0 : i32
    return %arg0, %c0_i32, %c0_i32_0 : i32, i32, i32
  }
  func.func @transform_11(%arg0: i32, %arg1: i32) -> (i32, i32, i32) {
    %c0_i32 = arith.constant 0 : i32
    %c0_i32_0 = arith.constant 0 : i32
    %c0_i32_1 = arith.constant 0 : i32
    return %arg0, %c0_i32, %c0_i32_0 : i32, i32, i32
  }
  func.func @transform_12(%arg0: i32, %arg1: i32) -> (i32, i32) {
    %c0_i32 = arith.constant 0 : i32
    %c0_i32_0 = arith.constant 0 : i32
    %c0_i32_1 = arith.constant 0 : i32
    return %c0_i32, %c0_i32_0 : i32, i32
  }
  func.func @transform_13(%arg0: i32, %arg1: i32) -> (i32, i32) {
    %c0_i32 = arith.constant 0 : i32
    %c0_i32_0 = arith.constant 0 : i32
    %c0_i32_1 = arith.constant 0 : i32
    return %c0_i32, %c0_i32_0 : i32, i32
  }
  func.func @transform_14(%arg0: i32, %arg1: i32) -> (i32, i32) {
    %c0_i32 = arith.constant 0 : i32
    %c0_i32_0 = arith.constant 0 : i32
    %c0_i32_1 = arith.constant 0 : i32
    return %c0_i32, %c0_i32_0 : i32, i32
  }
  func.func @transform_15(%arg0: i32, %arg1: i32) -> (i32, i32) {
    %c0_i32 = arith.constant 0 : i32
    %c0_i32_0 = arith.constant 0 : i32
    %c0_i32_1 = arith.constant 0 : i32
    return %c0_i32, %c0_i32_0 : i32, i32
  }
  func.func @transform_16(%arg0: i32, %arg1: i32) -> (i32, i32) {
    %c0_i32 = arith.constant 0 : i32
    %c0_i32_0 = arith.constant 0 : i32
    %c0_i32_1 = arith.constant 0 : i32
    return %c0_i32, %c0_i32_0 : i32, i32
  }
  func.func @transform_17(%arg0: i32, %arg1: i32) -> (i32, i32) {
    %c0_i32 = arith.constant 0 : i32
    %c0_i32_0 = arith.constant 0 : i32
    %c0_i32_1 = arith.constant 0 : i32
    return %c0_i32, %c0_i32_0 : i32, i32
  }
  func.func @transform_18(%arg0: i32, %arg1: i32) -> (i32, i32) {
    %c0_i32 = arith.constant 0 : i32
    %c0_i32_0 = arith.constant 0 : i32
    %c0_i32_1 = arith.constant 0 : i32
    return %c0_i32, %c0_i32_0 : i32, i32
  }
  func.func @transform_19(%arg0: i32, %arg1: i32) -> (i32, i32) {
    %c0_i32 = arith.constant 0 : i32
    %c0_i32_0 = arith.constant 0 : i32
    %c0_i32_1 = arith.constant 0 : i32
    return %c0_i32, %c0_i32_0 : i32, i32
  }
  func.func @transform_20(%arg0: i32, %arg1: i32) -> (i32, i32, i32) {
    %c0_i32 = arith.constant 0 : i32
    %c0_i32_0 = arith.constant 0 : i32
    return %arg0, %arg1, %c0_i32 : i32, i32, i32
  }
}

module attributes {stable_mosaic.version = 14 : i64} {
  func.func @_knn_kernel(%arg0: i32, %arg1: i32, %arg2: memref<1x4x3xf32, #tpu.memory_space<vmem>>, %arg3: memref<1x3x4xf32, #tpu.memory_space<vmem>>, %arg4: memref<1x4x1xf32, #tpu.memory_space<vmem>>, %arg5: memref<1x1x4xf32, #tpu.memory_space<vmem>>, %arg6: memref<1x4x4xi32, #tpu.memory_space<vmem>>) attributes {dimension_semantics = [#tpu.dimension_semantics<parallel>, #tpu.dimension_semantics<arbitrary>], iteration_bounds = array<i64: 8, 1>, scalar_prefetch = 0 : i64, scratch_operands = 0 : i64, tpu.core_type = #tpu.core_type<tc>, window_params = [{transform_indices = @transform_0, window_bounds = array<i64: 1, 4, 3>}, {transform_indices = @transform_1, window_bounds = array<i64: 1, 3, 4>}, {transform_indices = @transform_2, window_bounds = array<i64: 1, 4, 1>}, {transform_indices = @transform_3, window_bounds = array<i64: 1, 1, 4>}, {transform_indices = @transform_4, window_bounds = array<i64: 1, 4, 4>}]} {
    %get3A = arith.constant 0 : index
    %get3A_0 = arith.constant 0 : index
    %get3A_1 = arith.constant 0 : index
    %get3A_2 = vector.load %arg2[%get3A, %get3A_0, %get3A_1] : memref<1x4x3xf32, #tpu.memory_space<vmem>>, vector<1x4x3xf32>
    %get3A_3 = vector.shape_cast %get3A_2 : vector<1x4x3xf32> to vector<4x3xf32>
    %get3A_4 = arith.constant 0 : index
    %get3A_5 = arith.constant 0 : index
    %get3A_6 = arith.constant 0 : index
    %get3A_7 = vector.load %arg3[%get3A_4, %get3A_5, %get3A_6] : memref<1x3x4xf32, #tpu.memory_space<vmem>>, vector<1x3x4xf32>
    %get3A_8 = vector.shape_cast %get3A_7 : vector<1x3x4xf32> to vector<3x4xf32>
    %dot_general3A = arith.constant dense<0.000000e+00> : vector<4x4xf32>
    %dot_general3A_9 = tpu.matmul %get3A_3, %get3A_8, %dot_general3A {dimension_numbers = #tpu.dot_dimension_numbers<[1], [0], [0], [1], [0, 0, 1, 1], [], []>, transpose_lhs_hint = false} : vector<4x3xf32>, vector<3x4xf32>, vector<4x4xf32> -> vector<4x4xf32>
    %mul3A = arith.constant -2.000000e+00 : f32
    %mul3A_10 = vector.broadcast %mul3A : f32 to vector<4x4xf32>
    %mul3A_11 = arith.mulf %mul3A_10, %dot_general3A_9 : vector<4x4xf32>
    %get3A_12 = arith.constant 0 : index
    %get3A_13 = arith.constant 0 : index
    %get3A_14 = arith.constant 0 : index
    %get3A_15 = vector.load %arg4[%get3A_12, %get3A_13, %get3A_14] : memref<1x4x1xf32, #tpu.memory_space<vmem>>, vector<1x4x1xf32>
    %get3A_16 = vector.shape_cast %get3A_15 : vector<1x4x1xf32> to vector<4x1xf32>
    %add3A = vector.broadcast %get3A_16 : vector<4x1xf32> to vector<4x4xf32>
    %add3A_17 = arith.addf %mul3A_11, %add3A : vector<4x4xf32>
    %get3A_18 = arith.constant 0 : index
    %get3A_19 = arith.constant 0 : index
    %get3A_20 = arith.constant 0 : index
    %get3A_21 = vector.load %arg5[%get3A_18, %get3A_19, %get3A_20] : memref<1x1x4xf32, #tpu.memory_space<vmem>>, vector<1x1x4xf32>
    %get3A_22 = vector.shape_cast %get3A_21 : vector<1x1x4xf32> to vector<1x4xf32>
    %add3A_23 = vector.broadcast %get3A_22 : vector<1x4xf32> to vector<4x4xf32>
    %add3A_24 = arith.addf %add3A_17, %add3A_23 : vector<4x4xf32>
    %iota3A = tpu.iota {dimensions = array<i32: 1>} : vector<4x4xi32>
    %reduce_min3A = arith.constant dense<0x7F800000> : vector<4xf32>
    %reduce_min3A_25 = vector.multi_reduction <minimumf>, %add3A_24, %reduce_min3A [1] : vector<4x4xf32> to vector<4xf32>
    %broadcast_in_dim3A = vector.shape_cast %reduce_min3A_25 : vector<4xf32> to vector<4x1xf32>
    %eq3A = vector.broadcast %broadcast_in_dim3A : vector<4x1xf32> to vector<4x4xf32>
    %eq3A_26 = arith.cmpf oeq, %add3A_24, %eq3A : vector<4x4xf32>
    %jit3A = arith.constant 1073741824 : i32
    %broadcast_in_dim3A_27 = vector.broadcast %jit3A : i32 to vector<4x4xi32>
    %select_n3A = arith.select %eq3A_26, %iota3A, %broadcast_in_dim3A_27 : vector<4x4xi1>, vector<4x4xi32>
    %reduce_min3A_28 = arith.constant dense<2147483647> : vector<4xi32>
    %reduce_min3A_29 = vector.multi_reduction <minsi>, %select_n3A, %reduce_min3A_28 [1] : vector<4x4xi32> to vector<4xi32>
    %broadcast_in_dim3A_30 = vector.shape_cast %reduce_min3A_29 : vector<4xi32> to vector<4x1xi32>
    %eq3A_31 = vector.broadcast %broadcast_in_dim3A_30 : vector<4x1xi32> to vector<4x4xi32>
    %eq3A_32 = arith.cmpi eq, %iota3A, %eq3A_31 : vector<4x4xi32>
    %jit3A_33 = arith.constant 0x7F800000 : f32
    %broadcast_in_dim3A_34 = vector.broadcast %jit3A_33 : f32 to vector<4x4xf32>
    %select_n3A_35 = arith.select %eq3A_32, %broadcast_in_dim3A_34, %add3A_24 : vector<4x4xi1>, vector<4x4xf32>
    %reduce_min3A_36 = arith.constant dense<0x7F800000> : vector<4xf32>
    %reduce_min3A_37 = vector.multi_reduction <minimumf>, %select_n3A_35, %reduce_min3A_36 [1] : vector<4x4xf32> to vector<4xf32>
    %broadcast_in_dim3A_38 = vector.shape_cast %reduce_min3A_37 : vector<4xf32> to vector<4x1xf32>
    %eq3A_39 = vector.broadcast %broadcast_in_dim3A_38 : vector<4x1xf32> to vector<4x4xf32>
    %eq3A_40 = arith.cmpf oeq, %select_n3A_35, %eq3A_39 : vector<4x4xf32>
    %jit3A_41 = arith.constant 1073741824 : i32
    %broadcast_in_dim3A_42 = vector.broadcast %jit3A_41 : i32 to vector<4x4xi32>
    %select_n3A_43 = arith.select %eq3A_40, %iota3A, %broadcast_in_dim3A_42 : vector<4x4xi1>, vector<4x4xi32>
    %reduce_min3A_44 = arith.constant dense<2147483647> : vector<4xi32>
    %reduce_min3A_45 = vector.multi_reduction <minsi>, %select_n3A_43, %reduce_min3A_44 [1] : vector<4x4xi32> to vector<4xi32>
    %broadcast_in_dim3A_46 = vector.shape_cast %reduce_min3A_45 : vector<4xi32> to vector<4x1xi32>
    %eq3A_47 = vector.broadcast %broadcast_in_dim3A_46 : vector<4x1xi32> to vector<4x4xi32>
    %eq3A_48 = arith.cmpi eq, %iota3A, %eq3A_47 : vector<4x4xi32>
    %jit3A_49 = arith.constant 0x7F800000 : f32
    %broadcast_in_dim3A_50 = vector.broadcast %jit3A_49 : f32 to vector<4x4xf32>
    %select_n3A_51 = arith.select %eq3A_48, %broadcast_in_dim3A_50, %select_n3A_35 : vector<4x4xi1>, vector<4x4xf32>
    %reduce_min3A_52 = arith.constant dense<0x7F800000> : vector<4xf32>
    %reduce_min3A_53 = vector.multi_reduction <minimumf>, %select_n3A_51, %reduce_min3A_52 [1] : vector<4x4xf32> to vector<4xf32>
    %broadcast_in_dim3A_54 = vector.shape_cast %reduce_min3A_53 : vector<4xf32> to vector<4x1xf32>
    %eq3A_55 = vector.broadcast %broadcast_in_dim3A_54 : vector<4x1xf32> to vector<4x4xf32>
    %eq3A_56 = arith.cmpf oeq, %select_n3A_51, %eq3A_55 : vector<4x4xf32>
    %jit3A_57 = arith.constant 1073741824 : i32
    %broadcast_in_dim3A_58 = vector.broadcast %jit3A_57 : i32 to vector<4x4xi32>
    %select_n3A_59 = arith.select %eq3A_56, %iota3A, %broadcast_in_dim3A_58 : vector<4x4xi1>, vector<4x4xi32>
    %reduce_min3A_60 = arith.constant dense<2147483647> : vector<4xi32>
    %reduce_min3A_61 = vector.multi_reduction <minsi>, %select_n3A_59, %reduce_min3A_60 [1] : vector<4x4xi32> to vector<4xi32>
    %broadcast_in_dim3A_62 = vector.shape_cast %reduce_min3A_61 : vector<4xi32> to vector<4x1xi32>
    %eq3A_63 = vector.broadcast %broadcast_in_dim3A_62 : vector<4x1xi32> to vector<4x4xi32>
    %eq3A_64 = arith.cmpi eq, %iota3A, %eq3A_63 : vector<4x4xi32>
    %jit3A_65 = arith.constant 0x7F800000 : f32
    %broadcast_in_dim3A_66 = vector.broadcast %jit3A_65 : f32 to vector<4x4xf32>
    %select_n3A_67 = arith.select %eq3A_64, %broadcast_in_dim3A_66, %select_n3A_51 : vector<4x4xi1>, vector<4x4xf32>
    %reduce_min3A_68 = arith.constant dense<0x7F800000> : vector<4xf32>
    %reduce_min3A_69 = vector.multi_reduction <minimumf>, %select_n3A_67, %reduce_min3A_68 [1] : vector<4x4xf32> to vector<4xf32>
    %broadcast_in_dim3A_70 = vector.shape_cast %reduce_min3A_69 : vector<4xf32> to vector<4x1xf32>
    %eq3A_71 = vector.broadcast %broadcast_in_dim3A_70 : vector<4x1xf32> to vector<4x4xf32>
    %eq3A_72 = arith.cmpf oeq, %select_n3A_67, %eq3A_71 : vector<4x4xf32>
    %jit3A_73 = arith.constant 1073741824 : i32
    %broadcast_in_dim3A_74 = vector.broadcast %jit3A_73 : i32 to vector<4x4xi32>
    %select_n3A_75 = arith.select %eq3A_72, %iota3A, %broadcast_in_dim3A_74 : vector<4x4xi1>, vector<4x4xi32>
    %reduce_min3A_76 = arith.constant dense<2147483647> : vector<4xi32>
    %reduce_min3A_77 = vector.multi_reduction <minsi>, %select_n3A_75, %reduce_min3A_76 [1] : vector<4x4xi32> to vector<4xi32>
    %broadcast_in_dim3A_78 = vector.shape_cast %reduce_min3A_77 : vector<4xi32> to vector<4x1xi32>
    %concatenate3A = tpu.concatenate %broadcast_in_dim3A_30, %broadcast_in_dim3A_46, %broadcast_in_dim3A_62, %broadcast_in_dim3A_78 in 1 : vector<4x1xi32>, vector<4x1xi32>, vector<4x1xi32>, vector<4x1xi32> -> vector<4x4xi32>
    %swap3A = arith.constant 0 : index
    %swap3A_79 = arith.constant 0 : index
    %swap3A_80 = arith.constant 0 : index
    %swap3A_81 = vector.load %arg6[%swap3A, %swap3A_79, %swap3A_80] : memref<1x4x4xi32, #tpu.memory_space<vmem>>, vector<1x4x4xi32>
    %swap3A_82 = vector.shape_cast %swap3A_81 : vector<1x4x4xi32> to vector<4x4xi32>
    %swap3A_83 = vector.shape_cast %concatenate3A : vector<4x4xi32> to vector<1x4x4xi32>
    tpu.vector_store %arg6[%swap3A, %swap3A_79, %swap3A_80], %swap3A_83 {strides = array<i32>} : memref<1x4x4xi32, #tpu.memory_space<vmem>>, vector<1x4x4xi32>,
    return
  }
  func.func @transform_0(%arg0: i32, %arg1: i32) -> (i32, i32, i32) {
    %c0_i32 = arith.constant 0 : i32
    %c0_i32_0 = arith.constant 0 : i32
    return %arg0, %arg1, %c0_i32 : i32, i32, i32
  }
  func.func @transform_1(%arg0: i32, %arg1: i32) -> (i32, i32, i32) {
    %c0_i32 = arith.constant 0 : i32
    %c0_i32_0 = arith.constant 0 : i32
    %c0_i32_1 = arith.constant 0 : i32
    return %arg0, %c0_i32, %c0_i32_0 : i32, i32, i32
  }
  func.func @transform_2(%arg0: i32, %arg1: i32) -> (i32, i32, i32) {
    %c0_i32 = arith.constant 0 : i32
    %c0_i32_0 = arith.constant 0 : i32
    return %arg0, %arg1, %c0_i32 : i32, i32, i32
  }
  func.func @transform_3(%arg0: i32, %arg1: i32) -> (i32, i32, i32) {
    %c0_i32 = arith.constant 0 : i32
    %c0_i32_0 = arith.constant 0 : i32
    %c0_i32_1 = arith.constant 0 : i32
    return %arg0, %c0_i32, %c0_i32_0 : i32, i32, i32
  }
  func.func @transform_4(%arg0: i32, %arg1: i32) -> (i32, i32, i32) {
    %c0_i32 = arith.constant 0 : i32
    %c0_i32_0 = arith.constant 0 : i32
    return %arg0, %arg1, %c0_i32 : i32, i32, i32
  }
}

module attributes {stable_mosaic.version = 14 : i64} {
  func.func @_tb_block_kernel(%arg0: i32, %arg1: i32, %arg2: memref<1x4x512xf32, #tpu.memory_space<vmem>>, %arg3: memref<1x16x1xi32, #tpu.memory_space<vmem>>, %arg4: memref<1x4x512xbf16, #tpu.memory_space<vmem>>, %arg5: memref<1x4x512xbf16, #tpu.memory_space<vmem>>, %arg6: memref<1x4x512xbf16, #tpu.memory_space<vmem>>, %arg7: memref<1x4x512xbf16, #tpu.memory_space<vmem>>, %arg8: memref<1x4x512xbf16, #tpu.memory_space<vmem>>, %arg9: memref<1x4x512xbf16, #tpu.memory_space<vmem>>, %arg10: memref<1x4x3xf32, #tpu.memory_space<vmem>>, %arg11: memref<1x4x3xbf16, #tpu.memory_space<vmem>>, %arg12: memref<1x4x3xbf16, #tpu.memory_space<vmem>>, %arg13: memref<1x4x3xbf16, #tpu.memory_space<vmem>>, %arg14: memref<3x512xf32, #tpu.memory_space<vmem>>, %arg15: memref<1x512xf32, #tpu.memory_space<vmem>>, %arg16: memref<512x512xf32, #tpu.memory_space<vmem>>, %arg17: memref<1x512xf32, #tpu.memory_space<vmem>>, %arg18: memref<512x512xf32, #tpu.memory_space<vmem>>, %arg19: memref<1x512xf32, #tpu.memory_space<vmem>>, %arg20: memref<512x512xf32, #tpu.memory_space<vmem>>, %arg21: memref<1x512xf32, #tpu.memory_space<vmem>>, %arg22: memref<1x4x512xf32, #tpu.memory_space<vmem>>) attributes {dimension_semantics = [#tpu.dimension_semantics<parallel>, #tpu.dimension_semantics<arbitrary>], iteration_bounds = array<i64: 8, 1>, scalar_prefetch = 0 : i64, scratch_operands = 0 : i64, tpu.core_type = #tpu.core_type<tc>, window_params = [{transform_indices = @transform_0, window_bounds = array<i64: 1, 4, 512>}, {transform_indices = @transform_1, window_bounds = array<i64: 1, 16, 1>}, {transform_indices = @transform_2, window_bounds = array<i64: 1, 4, 512>}, {transform_indices = @transform_3, window_bounds = array<i64: 1, 4, 512>}, {transform_indices = @transform_4, window_bounds = array<i64: 1, 4, 512>}, {transform_indices = @transform_5, window_bounds = array<i64: 1, 4, 512>}, {transform_indices = @transform_6, window_bounds = array<i64: 1, 4, 512>}, {transform_indices = @transform_7, window_bounds = array<i64: 1, 4, 512>}, {transform_indices = @transform_8, window_bounds = array<i64: 1, 4, 3>}, {transform_indices = @transform_9, window_bounds = array<i64: 1, 4, 3>}, {transform_indices = @transform_10, window_bounds = array<i64: 1, 4, 3>}, {transform_indices = @transform_11, window_bounds = array<i64: 1, 4, 3>}, {pipeline_mode = #tpu.pipeline_mode<synchronous>, transform_indices = @transform_12, window_bounds = array<i64: 3, 512>}, {pipeline_mode = #tpu.pipeline_mode<synchronous>, transform_indices = @transform_13, window_bounds = array<i64: 1, 512>}, {pipeline_mode = #tpu.pipeline_mode<synchronous>, transform_indices = @transform_14, window_bounds = array<i64: 512, 512>}, {pipeline_mode = #tpu.pipeline_mode<synchronous>, transform_indices = @transform_15, window_bounds = array<i64: 1, 512>}, {pipeline_mode = #tpu.pipeline_mode<synchronous>, transform_indices = @transform_16, window_bounds = array<i64: 512, 512>}, {pipeline_mode = #tpu.pipeline_mode<synchronous>, transform_indices = @transform_17, window_bounds = array<i64: 1, 512>}, {pipeline_mode = #tpu.pipeline_mode<synchronous>, transform_indices = @transform_18, window_bounds = array<i64: 512, 512>}, {pipeline_mode = #tpu.pipeline_mode<synchronous>, transform_indices = @transform_19, window_bounds = array<i64: 1, 512>}, {transform_indices = @transform_20, window_bounds = array<i64: 1, 4, 512>}]} {
    %get3A = arith.constant 0 : index
    %get3A_0 = arith.constant 0 : index
    %get3A_1 = arith.constant 0 : index
    %get3A_2 = vector.load %arg3[%get3A, %get3A_0, %get3A_1] : memref<1x16x1xi32, #tpu.memory_space<vmem>>, vector<1x16x1xi32>
    %get3A_3 = vector.shape_cast %get3A_2 : vector<1x16x1xi32> to vector<16x1xi32>
    %iota3A = tpu.iota {dimensions = array<i32: 1>} : vector<16x4xi32>
    %eq3A = vector.broadcast %get3A_3 : vector<16x1xi32> to vector<16x4xi32>
    %eq3A_4 = arith.cmpi eq, %iota3A, %eq3A : vector<16x4xi32>
    %jit3A = arith.constant 1.000000e+00 : f32
    %jit3A_5 = arith.constant 0.000000e+00 : f32
    %broadcast_in_dim3A = vector.broadcast %jit3A : f32 to vector<16x4xf32>
    %broadcast_in_dim3A_6 = vector.broadcast %jit3A_5 : f32 to vector<16x4xf32>
    %select_n3A = arith.select %eq3A_4, %broadcast_in_dim3A, %broadcast_in_dim3A_6 : vector<16x4xi1>, vector<16x4xf32>
    %convert_element_type3A = arith.truncf %select_n3A : vector<16x4xf32> to vector<16x4xbf16>
    %get3A_7 = arith.constant 0 : index
    %get3A_8 = arith.constant 0 : index
    %get3A_9 = arith.constant 0 : index
    %get3A_10 = vector.load %arg10[%get3A_7, %get3A_8, %get3A_9] : memref<1x4x3xf32, #tpu.memory_space<vmem>>, vector<1x4x3xf32>
    %get3A_11 = vector.shape_cast %get3A_10 : vector<1x4x3xf32> to vector<4x3xf32>
    %get3A_12 = arith.constant 0 : index
    %get3A_13 = arith.constant 0 : index
    %get3A_14 = arith.constant 0 : index
    %get3A_15 = vector.load %arg11[%get3A_12, %get3A_13, %get3A_14] : memref<1x4x3xbf16, #tpu.memory_space<vmem>>, vector<1x4x3xbf16>
    %get3A_16 = vector.shape_cast %get3A_15 : vector<1x4x3xbf16> to vector<4x3xbf16>
    %dot_general3A = arith.constant dense<0.000000e+00> : vector<16x3xf32>
    %dot_general3A_17 = tpu.matmul %convert_element_type3A, %get3A_16, %dot_general3A {dimension_numbers = #tpu.dot_dimension_numbers<[1], [0], [0], [1], [0, 0, 1, 1], [], []>, transpose_lhs_hint = false} : vector<16x4xbf16>, vector<4x3xbf16>, vector<16x3xf32> -> vector<16x3xf32>
    %get3A_18 = arith.constant 0 : index
    %get3A_19 = arith.constant 0 : index
    %get3A_20 = arith.constant 0 : index
    %get3A_21 = vector.load %arg12[%get3A_18, %get3A_19, %get3A_20] : memref<1x4x3xbf16, #tpu.memory_space<vmem>>, vector<1x4x3xbf16>
    %get3A_22 = vector.shape_cast %get3A_21 : vector<1x4x3xbf16> to vector<4x3xbf16>
    %dot_general3A_23 = arith.constant dense<0.000000e+00> : vector<16x3xf32>
    %dot_general3A_24 = tpu.matmul %convert_element_type3A, %get3A_22, %dot_general3A_23 {dimension_numbers = #tpu.dot_dimension_numbers<[1], [0], [0], [1], [0, 0, 1, 1], [], []>, transpose_lhs_hint = false} : vector<16x4xbf16>, vector<4x3xbf16>, vector<16x3xf32> -> vector<16x3xf32>
    %add3A = arith.addf %dot_general3A_17, %dot_general3A_24 : vector<16x3xf32>
    %get3A_25 = arith.constant 0 : index
    %get3A_26 = arith.constant 0 : index
    %get3A_27 = arith.constant 0 : index
    %get3A_28 = vector.load %arg13[%get3A_25, %get3A_26, %get3A_27] : memref<1x4x3xbf16, #tpu.memory_space<vmem>>, vector<1x4x3xbf16>
    %get3A_29 = vector.shape_cast %get3A_28 : vector<1x4x3xbf16> to vector<4x3xbf16>
    %dot_general3A_30 = arith.constant dense<0.000000e+00> : vector<16x3xf32>
    %dot_general3A_31 = tpu.matmul %convert_element_type3A, %get3A_29, %dot_general3A_30 {dimension_numbers = #tpu.dot_dimension_numbers<[1], [0], [0], [1], [0, 0, 1, 1], [], []>, transpose_lhs_hint = false} : vector<16x4xbf16>, vector<4x3xbf16>, vector<16x3xf32> -> vector<16x3xf32>
    %add3A_32 = arith.addf %add3A, %dot_general3A_31 : vector<16x3xf32>
    %broadcast_in_dim3A_33 = vector.shape_cast %get3A_11 : vector<4x3xf32> to vector<4x1x3xf32>
    %broadcast_in_dim3A_34 = vector.shape_cast %broadcast_in_dim3A_33 : vector<4x1x3xf32> to vector<4x1x3xf32>
    %broadcast_in_dim3A_35 = vector.broadcast %broadcast_in_dim3A_34 : vector<4x1x3xf32> to vector<4x4x3xf32>
    %reshape3A = vector.shape_cast %broadcast_in_dim3A_35 : vector<4x4x3xf32> to vector<16x3xf32>
    %sub3A = arith.subf %reshape3A, %add3A_32 : vector<16x3xf32>
    %get3A_36 = arith.constant 0 : index
    %get3A_37 = arith.constant 0 : index
    %get3A_38 = vector.load %arg14[%get3A_36, %get3A_37] : memref<3x512xf32, #tpu.memory_space<vmem>>, vector<3x512xf32>
    %dot_general3A_39 = arith.constant dense<0.000000e+00> : vector<16x512xf32>
    %dot_general3A_40 = tpu.matmul %sub3A, %get3A_38, %dot_general3A_39 {dimension_numbers = #tpu.dot_dimension_numbers<[1], [0], [0], [1], [0, 0, 1, 1], [], []>, transpose_lhs_hint = false} : vector<16x3xf32>, vector<3x512xf32>, vector<16x512xf32> -> vector<16x512xf32>
    %get3A_41 = arith.constant 0 : index
    %get3A_42 = arith.constant 0 : index
    %get3A_43 = vector.load %arg15[%get3A_41, %get3A_42] : memref<1x512xf32, #tpu.memory_space<vmem>>, vector<1x512xf32>
    %add3A_44 = vector.broadcast %get3A_43 : vector<1x512xf32> to vector<16x512xf32>
    %add3A_45 = arith.addf %dot_general3A_40, %add3A_44 : vector<16x512xf32>
    %max3A = arith.constant 0.000000e+00 : f32
    %max3A_46 = vector.broadcast %max3A : f32 to vector<16x512xf32>
    %max3A_47 = arith.maximumf %add3A_45, %max3A_46 : vector<16x512xf32>
    %get3A_48 = arith.constant 0 : index
    %get3A_49 = arith.constant 0 : index
    %get3A_50 = vector.load %arg17[%get3A_48, %get3A_49] : memref<1x512xf32, #tpu.memory_space<vmem>>, vector<1x512xf32>
    %get3A_51 = arith.constant 0 : index
    %get3A_52 = arith.constant 0 : index
    %get3A_53 = vector.load %arg16[%get3A_51, %get3A_52] : memref<512x512xf32, #tpu.memory_space<vmem>>, vector<512x512xf32>
    %dot_general3A_54 = arith.constant dense<0.000000e+00> : vector<16x512xf32>
    %dot_general3A_55 = tpu.matmul %max3A_47, %get3A_53, %dot_general3A_54 {dimension_numbers = #tpu.dot_dimension_numbers<[1], [0], [0], [1], [0, 0, 1, 1], [], []>, transpose_lhs_hint = false} : vector<16x512xf32>, vector<512x512xf32>, vector<16x512xf32> -> vector<16x512xf32>
    %add3A_56 = vector.broadcast %get3A_50 : vector<1x512xf32> to vector<16x512xf32>
    %add3A_57 = arith.addf %add3A_56, %dot_general3A_55 : vector<16x512xf32>
    %get3A_58 = arith.constant 0 : index
    %get3A_59 = arith.constant 0 : index
    %get3A_60 = arith.constant 0 : index
    %get3A_61 = vector.load %arg2[%get3A_58, %get3A_59, %get3A_60] : memref<1x4x512xf32, #tpu.memory_space<vmem>>, vector<1x4x512xf32>
    %get3A_62 = vector.shape_cast %get3A_61 : vector<1x4x512xf32> to vector<4x512xf32>
    %broadcast_in_dim3A_63 = vector.shape_cast %get3A_62 : vector<4x512xf32> to vector<4x1x512xf32>
    %broadcast_in_dim3A_64 = vector.shape_cast %broadcast_in_dim3A_63 : vector<4x1x512xf32> to vector<4x1x512xf32>
    %broadcast_in_dim3A_65 = vector.broadcast %broadcast_in_dim3A_64 : vector<4x1x512xf32> to vector<4x4x512xf32>
    %reshape3A_66 = vector.shape_cast %broadcast_in_dim3A_65 : vector<4x4x512xf32> to vector<16x512xf32>
    %get3A_67 = arith.constant 0 : index
    %get3A_68 = arith.constant 0 : index
    %get3A_69 = arith.constant 0 : index
    %get3A_70 = vector.load %arg4[%get3A_67, %get3A_68, %get3A_69] : memref<1x4x512xbf16, #tpu.memory_space<vmem>>, vector<1x4x512xbf16>
    %get3A_71 = vector.shape_cast %get3A_70 : vector<1x4x512xbf16> to vector<4x512xbf16>
    %dot_general3A_72 = arith.constant dense<0.000000e+00> : vector<16x512xf32>
    %dot_general3A_73 = tpu.matmul %convert_element_type3A, %get3A_71, %dot_general3A_72 {dimension_numbers = #tpu.dot_dimension_numbers<[1], [0], [0], [1], [0, 0, 1, 1], [], []>, transpose_lhs_hint = false} : vector<16x4xbf16>, vector<4x512xbf16>, vector<16x512xf32> -> vector<16x512xf32>
    %get3A_74 = arith.constant 0 : index
    %get3A_75 = arith.constant 0 : index
    %get3A_76 = arith.constant 0 : index
    %get3A_77 = vector.load %arg5[%get3A_74, %get3A_75, %get3A_76] : memref<1x4x512xbf16, #tpu.memory_space<vmem>>, vector<1x4x512xbf16>
    %get3A_78 = vector.shape_cast %get3A_77 : vector<1x4x512xbf16> to vector<4x512xbf16>
    %dot_general3A_79 = arith.constant dense<0.000000e+00> : vector<16x512xf32>
    %dot_general3A_80 = tpu.matmul %convert_element_type3A, %get3A_78, %dot_general3A_79 {dimension_numbers = #tpu.dot_dimension_numbers<[1], [0], [0], [1], [0, 0, 1, 1], [], []>, transpose_lhs_hint = false} : vector<16x4xbf16>, vector<4x512xbf16>, vector<16x512xf32> -> vector<16x512xf32>
    %add3A_81 = arith.addf %dot_general3A_73, %dot_general3A_80 : vector<16x512xf32>
    %get3A_82 = arith.constant 0 : index
    %get3A_83 = arith.constant 0 : index
    %get3A_84 = arith.constant 0 : index
    %get3A_85 = vector.load %arg6[%get3A_82, %get3A_83, %get3A_84] : memref<1x4x512xbf16, #tpu.memory_space<vmem>>, vector<1x4x512xbf16>
    %get3A_86 = vector.shape_cast %get3A_85 : vector<1x4x512xbf16> to vector<4x512xbf16>
    %dot_general3A_87 = arith.constant dense<0.000000e+00> : vector<16x512xf32>
    %dot_general3A_88 = tpu.matmul %convert_element_type3A, %get3A_86, %dot_general3A_87 {dimension_numbers = #tpu.dot_dimension_numbers<[1], [0], [0], [1], [0, 0, 1, 1], [], []>, transpose_lhs_hint = false} : vector<16x4xbf16>, vector<4x512xbf16>, vector<16x512xf32> -> vector<16x512xf32>
    %add3A_89 = arith.addf %add3A_81, %dot_general3A_88 : vector<16x512xf32>
    %sub3A_90 = arith.subf %reshape3A_66, %add3A_89 : vector<16x512xf32>
    %add3A_91 = arith.addf %sub3A_90, %add3A_57 : vector<16x512xf32>
    %get3A_92 = arith.constant 0 : index
    %get3A_93 = arith.constant 0 : index
    %get3A_94 = vector.load %arg19[%get3A_92, %get3A_93] : memref<1x512xf32, #tpu.memory_space<vmem>>, vector<1x512xf32>
    %get3A_95 = arith.constant 0 : index
    %get3A_96 = arith.constant 0 : index
    %get3A_97 = vector.load %arg18[%get3A_95, %get3A_96] : memref<512x512xf32, #tpu.memory_space<vmem>>, vector<512x512xf32>
    %dot_general3A_98 = arith.constant dense<0.000000e+00> : vector<16x512xf32>
    %dot_general3A_99 = tpu.matmul %add3A_91, %get3A_97, %dot_general3A_98 {dimension_numbers = #tpu.dot_dimension_numbers<[1], [0], [0], [1], [0, 0, 1, 1], [], []>, transpose_lhs_hint = false} : vector<16x512xf32>, vector<512x512xf32>, vector<16x512xf32> -> vector<16x512xf32>
    %add3A_100 = vector.broadcast %get3A_94 : vector<1x512xf32> to vector<16x512xf32>
    %add3A_101 = arith.addf %add3A_100, %dot_general3A_99 : vector<16x512xf32>
    %max3A_102 = arith.constant 0.000000e+00 : f32
    %max3A_103 = vector.broadcast %max3A_102 : f32 to vector<16x512xf32>
    %max3A_104 = arith.maximumf %add3A_101, %max3A_103 : vector<16x512xf32>
    %get3A_105 = arith.constant 0 : index
    %get3A_106 = arith.constant 0 : index
    %get3A_107 = vector.load %arg21[%get3A_105, %get3A_106] : memref<1x512xf32, #tpu.memory_space<vmem>>, vector<1x512xf32>
    %get3A_108 = arith.constant 0 : index
    %get3A_109 = arith.constant 0 : index
    %get3A_110 = vector.load %arg20[%get3A_108, %get3A_109] : memref<512x512xf32, #tpu.memory_space<vmem>>, vector<512x512xf32>
    %dot_general3A_111 = arith.constant dense<0.000000e+00> : vector<16x512xf32>
    %dot_general3A_112 = tpu.matmul %max3A_104, %get3A_110, %dot_general3A_111 {dimension_numbers = #tpu.dot_dimension_numbers<[1], [0], [0], [1], [0, 0, 1, 1], [], []>, transpose_lhs_hint = false} : vector<16x512xf32>, vector<512x512xf32>, vector<16x512xf32> -> vector<16x512xf32>
    %add3A_113 = vector.broadcast %get3A_107 : vector<1x512xf32> to vector<16x512xf32>
    %add3A_114 = arith.addf %add3A_113, %dot_general3A_112 : vector<16x512xf32>
    %div3A = arith.constant 22.6274166 : f32
    %div3A_115 = vector.broadcast %div3A : f32 to vector<16x512xf32>
    %div3A_116 = arith.divf %add3A_114, %div3A_115 : vector<16x512xf32>
    %reshape3A_117 = vector.shape_cast %div3A_116 : vector<16x512xf32> to vector<4x4x512xf32>
    %reduce_max3A = arith.constant dense<0xFF800000> : vector<4x512xf32>
    %reduce_max3A_118 = vector.multi_reduction <maximumf>, %reshape3A_117, %reduce_max3A [1] : vector<4x4x512xf32> to vector<4x512xf32>
    %broadcast_in_dim3A_119 = vector.shape_cast %reduce_max3A_118 : vector<4x512xf32> to vector<4x1x512xf32>
    %sub3A_120 = vector.broadcast %broadcast_in_dim3A_119 : vector<4x1x512xf32> to vector<4x4x512xf32>
    %sub3A_121 = arith.subf %reshape3A_117, %sub3A_120 : vector<4x4x512xf32>
    %exp3A = math.exp %sub3A_121 : vector<4x4x512xf32>
    %slice3A = vector.extract_strided_slice %exp3A {offsets = [0, 0, 0], sizes = [4, 1, 512], strides = [1, 1, 1]} : vector<4x4x512xf32> to vector<4x1x512xf32>
    %squeeze3A = vector.shape_cast %slice3A : vector<4x1x512xf32> to vector<4x512xf32>
    %slice3A_122 = vector.extract_strided_slice %exp3A {offsets = [0, 1, 0], sizes = [4, 1, 512], strides = [1, 1, 1]} : vector<4x4x512xf32> to vector<4x1x512xf32>
    %squeeze3A_123 = vector.shape_cast %slice3A_122 : vector<4x1x512xf32> to vector<4x512xf32>
    %add3A_124 = arith.addf %squeeze3A, %squeeze3A_123 : vector<4x512xf32>
    %slice3A_125 = vector.extract_strided_slice %exp3A {offsets = [0, 2, 0], sizes = [4, 1, 512], strides = [1, 1, 1]} : vector<4x4x512xf32> to vector<4x1x512xf32>
    %squeeze3A_126 = vector.shape_cast %slice3A_125 : vector<4x1x512xf32> to vector<4x512xf32>
    %add3A_127 = arith.addf %add3A_124, %squeeze3A_126 : vector<4x512xf32>
    %slice3A_128 = vector.extract_strided_slice %exp3A {offsets = [0, 3, 0], sizes = [4, 1, 512], strides = [1, 1, 1]} : vector<4x4x512xf32> to vector<4x1x512xf32>
    %squeeze3A_129 = vector.shape_cast %slice3A_128 : vector<4x1x512xf32> to vector<4x512xf32>
    %add3A_130 = arith.addf %add3A_127, %squeeze3A_129 : vector<4x512xf32>
    %broadcast_in_dim3A_131 = vector.shape_cast %add3A_130 : vector<4x512xf32> to vector<4x1x512xf32>
    %div3A_132 = vector.broadcast %broadcast_in_dim3A_131 : vector<4x1x512xf32> to vector<4x4x512xf32>
    %div3A_133 = arith.divf %exp3A, %div3A_132 : vector<4x4x512xf32>
    %get3A_134 = arith.constant 0 : index
    %get3A_135 = arith.constant 0 : index
    %get3A_136 = arith.constant 0 : index
    %get3A_137 = vector.load %arg7[%get3A_134, %get3A_135, %get3A_136] : memref<1x4x512xbf16, #tpu.memory_space<vmem>>, vector<1x4x512xbf16>
    %get3A_138 = vector.shape_cast %get3A_137 : vector<1x4x512xbf16> to vector<4x512xbf16>
    %dot_general3A_139 = arith.constant dense<0.000000e+00> : vector<16x512xf32>
    %dot_general3A_140 = tpu.matmul %convert_element_type3A, %get3A_138, %dot_general3A_139 {dimension_numbers = #tpu.dot_dimension_numbers<[1], [0], [0], [1], [0, 0, 1, 1], [], []>, transpose_lhs_hint = false} : vector<16x4xbf16>, vector<4x512xbf16>, vector<16x512xf32> -> vector<16x512xf32>
    %get3A_141 = arith.constant 0 : index
    %get3A_142 = arith.constant 0 : index
    %get3A_143 = arith.constant 0 : index
    %get3A_144 = vector.load %arg8[%get3A_141, %get3A_142, %get3A_143] : memref<1x4x512xbf16, #tpu.memory_space<vmem>>, vector<1x4x512xbf16>
    %get3A_145 = vector.shape_cast %get3A_144 : vector<1x4x512xbf16> to vector<4x512xbf16>
    %dot_general3A_146 = arith.constant dense<0.000000e+00> : vector<16x512xf32>
    %dot_general3A_147 = tpu.matmul %convert_element_type3A, %get3A_145, %dot_general3A_146 {dimension_numbers = #tpu.dot_dimension_numbers<[1], [0], [0], [1], [0, 0, 1, 1], [], []>, transpose_lhs_hint = false} : vector<16x4xbf16>, vector<4x512xbf16>, vector<16x512xf32> -> vector<16x512xf32>
    %add3A_148 = arith.addf %dot_general3A_140, %dot_general3A_147 : vector<16x512xf32>
    %get3A_149 = arith.constant 0 : index
    %get3A_150 = arith.constant 0 : index
    %get3A_151 = arith.constant 0 : index
    %get3A_152 = vector.load %arg9[%get3A_149, %get3A_150, %get3A_151] : memref<1x4x512xbf16, #tpu.memory_space<vmem>>, vector<1x4x512xbf16>
    %get3A_153 = vector.shape_cast %get3A_152 : vector<1x4x512xbf16> to vector<4x512xbf16>
    %dot_general3A_154 = arith.constant dense<0.000000e+00> : vector<16x512xf32>
    %dot_general3A_155 = tpu.matmul %convert_element_type3A, %get3A_153, %dot_general3A_154 {dimension_numbers = #tpu.dot_dimension_numbers<[1], [0], [0], [1], [0, 0, 1, 1], [], []>, transpose_lhs_hint = false} : vector<16x4xbf16>, vector<4x512xbf16>, vector<16x512xf32> -> vector<16x512xf32>
    %add3A_156 = arith.addf %add3A_148, %dot_general3A_155 : vector<16x512xf32>
    %add3A_157 = arith.addf %add3A_156, %add3A_57 : vector<16x512xf32>
    %reshape3A_158 = vector.shape_cast %add3A_157 : vector<16x512xf32> to vector<4x4x512xf32>
    %mul3A = arith.mulf %div3A_133, %reshape3A_158 : vector<4x4x512xf32>
    %slice3A_159 = vector.extract_strided_slice %mul3A {offsets = [0, 0, 0], sizes = [4, 1, 512], strides = [1, 1, 1]} : vector<4x4x512xf32> to vector<4x1x512xf32>
    %squeeze3A_160 = vector.shape_cast %slice3A_159 : vector<4x1x512xf32> to vector<4x512xf32>
    %slice3A_161 = vector.extract_strided_slice %mul3A {offsets = [0, 1, 0], sizes = [4, 1, 512], strides = [1, 1, 1]} : vector<4x4x512xf32> to vector<4x1x512xf32>
    %squeeze3A_162 = vector.shape_cast %slice3A_161 : vector<4x1x512xf32> to vector<4x512xf32>
    %add3A_163 = arith.addf %squeeze3A_160, %squeeze3A_162 : vector<4x512xf32>
    %slice3A_164 = vector.extract_strided_slice %mul3A {offsets = [0, 2, 0], sizes = [4, 1, 512], strides = [1, 1, 1]} : vector<4x4x512xf32> to vector<4x1x512xf32>
    %squeeze3A_165 = vector.shape_cast %slice3A_164 : vector<4x1x512xf32> to vector<4x512xf32>
    %add3A_166 = arith.addf %add3A_163, %squeeze3A_165 : vector<4x512xf32>
    %slice3A_167 = vector.extract_strided_slice %mul3A {offsets = [0, 3, 0], sizes = [4, 1, 512], strides = [1, 1, 1]} : vector<4x4x512xf32> to vector<4x1x512xf32>
    %squeeze3A_168 = vector.shape_cast %slice3A_167 : vector<4x1x512xf32> to vector<4x512xf32>
    %add3A_169 = arith.addf %add3A_166, %squeeze3A_168 : vector<4x512xf32>
    %swap3A = arith.constant 0 : index
    %swap3A_170 = arith.constant 0 : index
    %swap3A_171 = arith.constant 0 : index
    %swap3A_172 = vector.load %arg22[%swap3A, %swap3A_170, %swap3A_171] : memref<1x4x512xf32, #tpu.memory_space<vmem>>, vector<1x4x512xf32>
    %swap3A_173 = vector.shape_cast %swap3A_172 : vector<1x4x512xf32> to vector<4x512xf32>
    %swap3A_174 = vector.shape_cast %add3A_169 : vector<4x512xf32> to vector<1x4x512xf32>
    tpu.vector_store %arg22[%swap3A, %swap3A_170, %swap3A_171], %swap3A_174 {strides = array<i32>} : memref<1x4x512xf32, #tpu.memory_space<vmem>>, vector<1x4x512xf32>,
    return
  }
  func.func @transform_0(%arg0: i32, %arg1: i32) -> (i32, i32, i32) {
    %c0_i32 = arith.constant 0 : i32
    %c0_i32_0 = arith.constant 0 : i32
    return %arg0, %arg1, %c0_i32 : i32, i32, i32
  }
  func.func @transform_1(%arg0: i32, %arg1: i32) -> (i32, i32, i32) {
    %c0_i32 = arith.constant 0 : i32
    %c0_i32_0 = arith.constant 0 : i32
    return %arg0, %arg1, %c0_i32 : i32, i32, i32
  }
  func.func @transform_2(%arg0: i32, %arg1: i32) -> (i32, i32, i32) {
    %c0_i32 = arith.constant 0 : i32
    %c0_i32_0 = arith.constant 0 : i32
    %c0_i32_1 = arith.constant 0 : i32
    return %arg0, %c0_i32, %c0_i32_0 : i32, i32, i32
  }
  func.func @transform_3(%arg0: i32, %arg1: i32) -> (i32, i32, i32) {
    %c0_i32 = arith.constant 0 : i32
    %c0_i32_0 = arith.constant 0 : i32
    %c0_i32_1 = arith.constant 0 : i32
    return %arg0, %c0_i32, %c0_i32_0 : i32, i32, i32
  }
  func.func @transform_4(%arg0: i32, %arg1: i32) -> (i32, i32, i32) {
    %c0_i32 = arith.constant 0 : i32
    %c0_i32_0 = arith.constant 0 : i32
    %c0_i32_1 = arith.constant 0 : i32
    return %arg0, %c0_i32, %c0_i32_0 : i32, i32, i32
  }
  func.func @transform_5(%arg0: i32, %arg1: i32) -> (i32, i32, i32) {
    %c0_i32 = arith.constant 0 : i32
    %c0_i32_0 = arith.constant 0 : i32
    %c0_i32_1 = arith.constant 0 : i32
    return %arg0, %c0_i32, %c0_i32_0 : i32, i32, i32
  }
  func.func @transform_6(%arg0: i32, %arg1: i32) -> (i32, i32, i32) {
    %c0_i32 = arith.constant 0 : i32
    %c0_i32_0 = arith.constant 0 : i32
    %c0_i32_1 = arith.constant 0 : i32
    return %arg0, %c0_i32, %c0_i32_0 : i32, i32, i32
  }
  func.func @transform_7(%arg0: i32, %arg1: i32) -> (i32, i32, i32) {
    %c0_i32 = arith.constant 0 : i32
    %c0_i32_0 = arith.constant 0 : i32
    %c0_i32_1 = arith.constant 0 : i32
    return %arg0, %c0_i32, %c0_i32_0 : i32, i32, i32
  }
  func.func @transform_8(%arg0: i32, %arg1: i32) -> (i32, i32, i32) {
    %c0_i32 = arith.constant 0 : i32
    %c0_i32_0 = arith.constant 0 : i32
    return %arg0, %arg1, %c0_i32 : i32, i32, i32
  }
  func.func @transform_9(%arg0: i32, %arg1: i32) -> (i32, i32, i32) {
    %c0_i32 = arith.constant 0 : i32
    %c0_i32_0 = arith.constant 0 : i32
    %c0_i32_1 = arith.constant 0 : i32
    return %arg0, %c0_i32, %c0_i32_0 : i32, i32, i32
  }
  func.func @transform_10(%arg0: i32, %arg1: i32) -> (i32, i32, i32) {
    %c0_i32 = arith.constant 0 : i32
    %c0_i32_0 = arith.constant 0 : i32
    %c0_i32_1 = arith.constant 0 : i32
    return %arg0, %c0_i32, %c0_i32_0 : i32, i32, i32
  }
  func.func @transform_11(%arg0: i32, %arg1: i32) -> (i32, i32, i32) {
    %c0_i32 = arith.constant 0 : i32
    %c0_i32_0 = arith.constant 0 : i32
    %c0_i32_1 = arith.constant 0 : i32
    return %arg0, %c0_i32, %c0_i32_0 : i32, i32, i32
  }
  func.func @transform_12(%arg0: i32, %arg1: i32) -> (i32, i32) {
    %c0_i32 = arith.constant 0 : i32
    %c0_i32_0 = arith.constant 0 : i32
    %c0_i32_1 = arith.constant 0 : i32
    return %c0_i32, %c0_i32_0 : i32, i32
  }
  func.func @transform_13(%arg0: i32, %arg1: i32) -> (i32, i32) {
    %c0_i32 = arith.constant 0 : i32
    %c0_i32_0 = arith.constant 0 : i32
    %c0_i32_1 = arith.constant 0 : i32
    return %c0_i32, %c0_i32_0 : i32, i32
  }
  func.func @transform_14(%arg0: i32, %arg1: i32) -> (i32, i32) {
    %c0_i32 = arith.constant 0 : i32
    %c0_i32_0 = arith.constant 0 : i32
    %c0_i32_1 = arith.constant 0 : i32
    return %c0_i32, %c0_i32_0 : i32, i32
  }
  func.func @transform_15(%arg0: i32, %arg1: i32) -> (i32, i32) {
    %c0_i32 = arith.constant 0 : i32
    %c0_i32_0 = arith.constant 0 : i32
    %c0_i32_1 = arith.constant 0 : i32
    return %c0_i32, %c0_i32_0 : i32, i32
  }
  func.func @transform_16(%arg0: i32, %arg1: i32) -> (i32, i32) {
    %c0_i32 = arith.constant 0 : i32
    %c0_i32_0 = arith.constant 0 : i32
    %c0_i32_1 = arith.constant 0 : i32
    return %c0_i32, %c0_i32_0 : i32, i32
  }
  func.func @transform_17(%arg0: i32, %arg1: i32) -> (i32, i32) {
    %c0_i32 = arith.constant 0 : i32
    %c0_i32_0 = arith.constant 0 : i32
    %c0_i32_1 = arith.constant 0 : i32
    return %c0_i32, %c0_i32_0 : i32, i32
  }
  func.func @transform_18(%arg0: i32, %arg1: i32) -> (i32, i32) {
    %c0_i32 = arith.constant 0 : i32
    %c0_i32_0 = arith.constant 0 : i32
    %c0_i32_1 = arith.constant 0 : i32
    return %c0_i32, %c0_i32_0 : i32, i32
  }
  func.func @transform_19(%arg0: i32, %arg1: i32) -> (i32, i32) {
    %c0_i32 = arith.constant 0 : i32
    %c0_i32_0 = arith.constant 0 : i32
    %c0_i32_1 = arith.constant 0 : i32
    return %c0_i32, %c0_i32_0 : i32, i32
  }
  func.func @transform_20(%arg0: i32, %arg1: i32) -> (i32, i32, i32) {
    %c0_i32 = arith.constant 0 : i32
    %c0_i32_0 = arith.constant 0 : i32
    return %arg0, %arg1, %c0_i32 : i32, i32, i32
  }
}

</mosaic_0001>

<sc_bundles>
// kernel: gather_offload_async_start
scs
__scs_entry_jumppad:
0x0: {  	(pc) =	sbr.rel $0x88, $3  }
0x1: {  	(tag) =	ssettag $0x0;
	lr =	simm.s32 $0x1  }
0x2: {  	[smem:$0x3F31] =	sst lr;
	_ =	strace $0xD0000000  }
0x3: {  	_ = 	snop  }
0x4: {  	_ = 	snop  }
0x5: {  	_ = 	snop  }
0x6: {  	_ = 	snop  }
0x7: {  	_ = 	snop  }
__scs_overlays_trampoline_lowered:
0x8: {  	[smem:$0x3F40] =	sst s0  }
0x9: {  	[smem:$0x3F41] =	sst s1  }
0xa: {  	[smem:$0x3F42] =	sst s2  }
0xb: {  	[smem:$0x3F43] =	sst s3  }
0xc: {  	[smem:$0x3F44] =	sst s4  }
0xd: {  	[smem:$0x3F45] =	sst s5  }
0xe: {  	[smem:$0x3F46] =	sst s6  }
0xf: {  	[smem:$0x3F47] =	sst s7  }
0x10: {  	[smem:$0x3F48] =	sst s8  }
0x11: {  	[smem:$0x3F49] =	sst s9;
	s0 =	simm.s32 @!p0 $0x0  }
0x12: {  	s1 =	sld [smem:$0x3F2F];
	s0 =	simm.s32 @p0 $0x1  }
0x13: {  	[smem:$0x3F4A] =	sst s0;
	s0 =	simm.s32 @!p1 $0x0  }
0x14: {  	s2 =	sld [smem:$0x3F2E];
	s0 =	simm.s32 @p1 $0x1  }
0x15: {  	[smem:$0x3F4B] =	sst s0;
	s0 =	simm.s32 @!p2 $0x0  }
0x16: {  	s3 =	sld [smem:$0x3FDB];
	s0 =	simm.s32 @p2 $0x1  }
0x17: {  	s4 =	simm.s32 $0x1BF5;
	[smem:$0x3F4D] =	sst s0  }
0x18: {  	s0 =	sld [smem:$0x3F30];
	_ =	swait.ge [sflag:s4], $0x0  }
0x19: {  	s7 =	sld [smem:$0x3F31]  }
0x1a: {  	s8 =	sadd.s32 $0xFFFFE003, lr  }
0x1b: {  	s9 =	sadd.s32 $0xFFFFFEF7, lr;
	s5 =	simm.s32 $0xFFFFFFFF;
	p2 =	slt.u32 s8, $0xFFFFF086  }
0x1c: {  	p1 =	slt.u32 s9, $0xF7A;
	s5 =	simm.s32 @!p2 $0x0  }
0x1d: {  	s5 =	simm.s32 @p1 $0x1;
	p0 =	seq.s32 s7, s2  }
0x1e: {  	s7 =	smul.u32 @!p0 $0xF7A, s2;
	p2 =	seq.s32 @!p0 s5, $0x0  }
0x1f: {  	s9 =	smul.u32 $0xF7A, s1;
	s8 =	simm.s32 @!p0 $0x1BF5;
	p2 =	por !p2, p0  }
0x20: {  	[sflag:s8] =	ssyncset.s32 @!p0 $0xFFFFF086;
	s6 =	sadd.s32 @!p0 s3, s7;
	s7 =	simm.s32 @!p0 $0x108  }
0x21: {  	s3 =	sadd.s32 s3, s9;
	s6 =	sadd.s32 @!p0 $0x88, s6;
	s7 =	simm.s32 @p2 $0x1082  }
0x22: {  	[simem:s7], [sflag:s8] =	dma.local @!p0 [hbm:s6], $0xF7A  }
0x23: {  	s9 =	sor.u32 $0xD0000000, s2;
	s6 =	simm.s32 $0x108;
	_ =	swait.ge @!p0 [sflag:s8], $0x0  }
0x24: {  	s3 =	sadd.s32 $0x88, s3;
	s6 =	simm.s32 @!p1 $0x1082;
	[sflag:s4] =	ssyncset.s32 $0xFFFFF086  }
0x25: {  	[simem:s6], [sflag:s4] =	dma.local [hbm:s3], $0xF7A  }
0x26: {  	[smem:$0x3F31] =	sst s1;
	(tag) =	ssettag s2;
	_ =	strace s9  }
0x27: {  	s1 =	sld [smem:$0x3F41]  }
0x28: {  	s2 =	sld [smem:$0x3F42]  }
0x29: {  	s4 =	sld [smem:$0x3F44]  }
0x2a: {  	p0 =	seq.s32 s5, $0x0;
	s5 =	sld [smem:$0x3F45]  }
0x2b: {  	s6 =	sld [smem:$0x3F46]  }
0x2c: {  	s7 =	sld [smem:$0x3F47]  }
0x2d: {  	s3 =	simm.s32 $0x108;
	s8 =	sld [smem:$0x3F48]  }
0x2e: {  	s3 =	simm.s32 @!p0 $0x1082;
	s9 =	sld [smem:$0x3F49]  }
0x2f: {  	lr =	sadd.s32 s0, s3;
	s0 =	sld [smem:$0x3F40]  }
0x30: {  	s3 =	sld [smem:$0x3F43]  }
0x31: {  	[smem:$0x3F4C] =	sst s10  }
0x32: {  	s10 =	sld [smem:$0x3F4A];
	_ =	sdelay $0x3  }
0x33: {  	p0 =	seq.s32 s10, $0x1;
	s10 =	sld [smem:$0x3F4C];
	_ =	sdelay $0x3  }
0x34: {  	[smem:$0x3F4C] =	sst s10  }
0x35: {  	s10 =	sld [smem:$0x3F4B];
	_ =	sdelay $0x3  }
0x36: {  	p1 =	seq.s32 s10, $0x1;
	s10 =	sld [smem:$0x3F4C];
	_ =	sdelay $0x3  }
0x37: {  	[smem:$0x3F4C] =	sst s10  }
0x38: {  	s10 =	sld [smem:$0x3F4D]  }
0x39: {  	_ = 	snop;
	(pc) =	sbr.ind lr, $3  }
0x3a: {  	_ = 	snop  }
0x3b: {  	_ = 	snop  }
0x3c: {  	p2 =	seq.s32 s10, $0x1;
	s10 =	sld [smem:$0x3F4C]  }
0x3d: {  	_ =	shalt  }
0x3e: {  	_ =	shalt  }
0x3f: {  	_ =	shalt  }
0x40: {  	_ =	shalt  }
0x41: {  	_ =	shalt  }
0x42: {  	_ =	shalt  }
0x43: {  	_ =	shalt  }
0x44: {  	_ =	shalt  }
0x45: {  	_ =	shalt  }
0x46: {  	_ =	shalt  }
0x47: {  	_ =	shalt  }
0x48: {  	_ =	shalt  }
0x49: {  	_ =	shalt  }
0x4a: {  	_ =	shalt  }
0x4b: {  	_ =	shalt  }
0x4c: {  	_ =	shalt  }
0x4d: {  	_ =	shalt  }
0x4e: {  	_ =	shalt  }
0x4f: {  	_ =	shalt  }
0x50: {  	_ =	shalt  }
0x51: {  	_ =	shalt  }
0x52: {  	_ =	shalt  }
0x53: {  	_ =	shalt  }
0x54: {  	_ =	shalt  }
0x55: {  	_ =	shalt  }
0x56: {  	_ =	shalt  }
0x57: {  	_ =	shalt  }
0x58: {  	_ =	shalt  }
0x59: {  	_ =	shalt  }
0x5a: {  	_ =	shalt  }
0x5b: {  	_ =	shalt  }
0x5c: {  	_ =	shalt  }
0x5d: {  	_ =	shalt  }
0x5e: {  	_ =	shalt  }
0x5f: {  	_ =	shalt  }
0x60: {  	_ =	shalt  }
0x61: {  	_ =	shalt  }
0x62: {  	_ =	shalt  }
0x63: {  	_ =	shalt  }
0x64: {  	_ =	shalt  }
0x65: {  	_ =	shalt  }
0x66: {  	_ =	shalt  }
0x67: {  	_ =	shalt  }
0x68: {  	_ =	shalt  }
0x69: {  	_ =	shalt  }
0x6a: {  	_ =	shalt  }
0x6b: {  	_ =	shalt  }
0x6c: {  	_ =	shalt  }
0x6d: {  	_ =	shalt  }
0x6e: {  	_ =	shalt  }
0x6f: {  	_ =	shalt  }
0x70: {  	_ =	shalt  }
0x71: {  	_ =	shalt  }
0x72: {  	_ =	shalt  }
0x73: {  	_ =	shalt  }
0x74: {  	_ =	shalt  }
0x75: {  	_ =	shalt  }
0x76: {  	_ =	shalt  }
0x77: {  	_ =	shalt  }
0x78: {  	_ =	shalt  }
0x79: {  	_ =	shalt  }
0x7a: {  	_ =	shalt  }
0x7b: {  	_ =	shalt  }
0x7c: {  	_ =	shalt  }
0x7d: {  	_ =	shalt  }
0x7e: {  	_ =	shalt  }
0x7f: {  	_ =	shalt  }
0x80: {  	_ =	shalt  }
0x81: {  	_ =	shalt  }
0x82: {  	_ =	shalt  }
0x83: {  	_ =	shalt  }
0x84: {  	_ =	shalt  }
0x85: {  	_ =	shalt  }
0x86: {  	_ =	shalt  }
0x87: {  	_ =	shalt  }
.Lfunc_end0:
.L_simem_size_0:
called_computation_lowered:
.L_overlay_start_0:
0x88: {  	s2 =	sld [smem:$0x3FD9]  }
0x89: {  	s3 =	sld [smem:$0x3FFE];
	_ =	sdelay $0x1  }
0x8a: {  	s1 =	srdreg.scid  }
0x8b: {  	s0 =	sand.u32 $0x1, s1  }
0x8c: {  	s14 =	sshll.u32 s0, $0xA;
	s2 =	sadd.s32 s3, s2  }
0x8d: {  	s2 =	sadd.s32 s2, s14  }
0x8e: {  	[smem:$0x3F58] =	sst s2  }
0x8f: {  	_ = 	snop  }
0x90: {  	s2 =	sld [smem:$0x3FD0];
	_ =	sdelay $0x2  }
0x91: {  	s15 =	simm.s32 $0xA;
	s4 =	simm.s32 $0x10  }
0x92: {  	[smem:s4], [sflag:s15] =	dma.local [hbm:s2], $0x1  }
0x93: {  	_ =	swait.eq [sflag:s15], $0x1  }
0x94: {  	[sflag:s15] =	ssyncset.done $0x0  }
0x95: {  	[sflag:s15] =	ssyncadd.s32 $0xFFFFFFFF  }
0x96: {  	s16 =	sld [smem:$0x17];
	(tm) =	ssettm $0x1  }
0x97: {  	s17 =	sld [smem:$0x3FFB];
	_ =	sdelay $0x3  }
0x98: {  	_ =	strace s17  }
0x99: {  	s3 =	sld [smem:$0x3FFC];
	_ =	sdelay $0x3  }
0x9a: {  	_ =	strace s3  }
0x9b: {  	s3 =	sld [smem:$0x3FFD];
	_ =	sdelay $0x3  }
0x9c: {  	_ =	strace s3  }
0x9d: {  	_ =	strace $0x8FFFFFFF  }
0x9e: {  	s18 =	sld [smem:$0x3FDB];
	_ =	sdelay $0x1  }
0x9f: {  	s19 =	simm.s32 $_scs_section_size  }
0xa0: {  	s5 =	simm.s32 $_size__tile_overlayer_lowered;
	s6 =	simm.s32 $_tile_overlayer_lowered  }
0xa1: {  	s22 =	simm.s32 $0x1BFF;
	s21 =	sshll.u32 s6, $0x1;
	s3 =	sadd.s32 s19, s18  }
0xa2: {  	s7 =	simm.s32 $0x0;
	s20 =	sshll.u32 s5, $0x1;
	s5 =	sadd.s32 s21, s3  }
0xa3: {  	[timem:s7], [sflag:s22] =	dma.local [hbm:s5], s20  }
0xa4: {  	_ =	swait.ge [sflag:s22], s20  }
0xa5: {  	s4 =	ssub.s32 $0x0, s20;
	[sflag:s22] =	ssyncset.done $0x0  }
0xa6: {  	[sflag:s22] =	ssyncadd.s32 s4;
	_ =	sdelay $0x1  }
0xa7: {  	s23 =	simm.s32 $0x1B8B  }
0xa8: {  	_ =	swait.ge [sflag:s23], $0x1  }
0xa9: {  	[sflag:s23] =	ssyncset.done $0x0  }
0xaa: {  	s25 =	simm.s32 $0x1B8E;
	s24 =	sld [smem:$0x3FFE];
	[sflag:s23] =	ssyncadd.s32 $0xFFFFFFFF  }
0xab: {  	s26 =	simm.s32 $execute0_lowered;
	[smem:$0x3FD2] =	sst s25  }
0xac: {  	s5 =	sshll.u32 s26, $0x1;
	_ =	strace $0x80000046;
	[dreg:$0x1] =	wrdreg $0xFFFFFFFF  }
0xad: {  	s28 =	simm.s32 $_size_execute0_lowered;
	s3 =	sadd.s32 s3, s5;
	[dreg:$0x0] =	wrdreg $0x0  }
0xae: {  	s5 =	sshll.u32 s28, $0x1;
	[dreg:$0x2] =	wrdreg s3  }
0xaf: {  	[dreg:$0x3] =	wrdreg s5  }
0xb0: {  	[dreg:$0x4] =	wrdreg $0xC0  }
0xb1: {  	_ =	task [dreg:s7], $0x5FFFF  }
0xb2: {  	[dreg:$0x1] =	wrdreg $0xFFFFFFFF  }
0xb3: {  	[dreg:$0x0] =	wrdreg $0x60  }
0xb4: {  	[dreg:$0x2] =	wrdreg s24  }
0xb5: {  	[dreg:$0x3] =	wrdreg s16  }
0xb6: {  	[dreg:$0x4] =	wrdreg $0x9  }
0xb7: {  	_ =	task.clear_ibuf [dreg:s7], $0x5FFFF;
	_ =	strace $0x90000046  }
0xb8: {  	s29 =	simm.s32 $0x9;
	_ =	strace $0x80000048  }
0xb9: {  	_ =	swait.ge [sflag:s29], $0x1  }
0xba: {  	[sflag:s29] =	ssyncadd.s32 $0xFFFFFFFF  }
0xbb: {  	_ =	strace $0x90000048  }
0xbc: {  	_ =	sfence  }
0xbd: {  	s30 =	sld [smem:$0x0];
	_ =	sdelay $0x2  }
0xbe: {  	s31 =	sshll.u32 s1, $0xD;
	s1 =	sshrl.u32 s1, $0x2  }
0xbf: {  	s3 =	sand.u32 $0x4000, s31;
	s1 =	sadd.s32 s1, s30  }
0xc0: {  	s0 =	sor.u32 s3, s0;
	s1 =	sshll.u32 s1, $0x11  }
0xc1: {  	s0 =	sor.u32 s1, s0  }
0xc2: {  	s0 =	sadd.s32 $0x8F2B, s0  }
0xc3: {  	[sflag:s0] =	ssyncadd.remote.s32 $0x1  }
0xc4: {  	_ =	sfence.sel $0xFFFF  }
0xc5: {  	[dreg:$0x0] =	wrdreg $0xFFFFFFFF;
	(pc) =	sbr.abs _section_cstart, $3  }
0xc6: {  	[dreg:$0x1] =	wrdreg $0xFFFFFFFF  }
0xc7: {  	_ =	task.clear_ibuf [dreg:s7], $0x2FFFF;
	_ =	strace $0x9FFFFFFF  }
0xc8: {  	(tm) =	ssettm $0x7FFFFFFF  }
0xc9: {  	_ =	shalt  }
tec
execute0_lowered:
.L_overlay_start_1:
0x0: {  	(tag) =	ssettag $0x1  }
0x1: {  	s7 =	rddreg [dreg:$0x0]  }
0x2: {  	s2 =	rddreg [dreg:$0x1]  }
0x3: {  	s0 =	rddreg [dreg:$0x2]  }
0x4: {  	s1 =	srdreg.scid;
	_ =	strace $0x80000047;
	s4 =	simm.s32 $0x1  }
0x5: {  	s9 =	simm.s32 $0x3;
	s12 =	simm.s32 $0x0;
	s5 =	sshll.u32 s1, $0x4  }
.Ltmp0:
0x6: {  	s1 =	stileid.u32;
	s5 =	sand.u32 $0x10, s5;
	(pc) =	sbr.rel .LBB2_1-.Ltmp0, $4  }
0x7: {  	s10 =	simm.s32 $0x0;
	s3 =	sadd.s32 $0x203C00, s7;
	s6 =	sor.u32 s1, s5  }
0x8: {  	[sflag:s4] =	ssyncpa.u1 $0x0;
	s5 =	simm.s32 $0x2;
	s6 =	sshll.u32 s6, $0x6  }
0x9: {  	s7 =	sadd.s32 $0x3C00, s7;
	[sflag:s5] =	ssyncpa.u1 $0x0;
	s8 =	sadd.s32 $0x40, s6  }
0xa: {  	vm0 =	vmmov $0xff;
	vm1 =	vcmask $0x3F20;
	[sflag:s9] =	ssyncpa.u1 $0x0;
	s9 =	simm.s32 $0x40;
	s11 =	smov.u32 s6  }
.LBB2_9:
0xb: {  	p0 =	seq.s32 s10, $0x2  }
.Ltmp1:
0xc: {  	_ = 	snop;
	(pc) =	sbr.rel @p0 .LBB2_11-.Ltmp1, $1  }
0xd: {  	_ =	sdelay $0x3  }
.LBB2_10:
0xe: {  	s12 =	sadd.s32 $0x40, s11  }
0xf: {  	s13 =	smov.u32 s6;
	p0 =	slt.s32 s12, s8  }
0x10: {  	s13 =	smov.u32 @p0 s12  }
0x11: {  	s10 =	sadd.s32 $0x1, s10;
	s12 =	smov.u32 s11;
	s11 =	smov.u32 s13  }
.LBB2_1:
0x12: {  	p0 =	sne.s32 s10, $0x0  }
.Ltmp2:
0x13: {  	_ = 	snop;
	(pc) =	sbr.rel @!p0 .LBB2_2-.Ltmp2, $1  }
0x14: {  	_ =	sdelay $0x3  }
0x15: {  	s13 =	sand.u32 $0x1, s10  }
0x16: {  	p0 =	seq.s32 s13, $0x0  }
.Ltmp3:
0x17: {  	_ = 	snop;
	(pc) =	sbr.rel @p0 .LBB2_9-.Ltmp3, $1  }
0x18: {  	_ =	sdelay $0x3  }
0x19: {  	_ =	swait.ge [sflag:s5], $0x40  }
0x1a: {  	[sflag:s5] =	ssyncset.done $0x0  }
0x1b: {  	s13 =	simm.s32 $0x0;
	[sflag:s5] =	ssyncadd.s32 $0xFFFFFFC0  }
0x1c: {  	v0 =	vld.msk [tilespmem:s13+$0x40 ss:$0x1], $0xffff;
	_ =	sdelay $0x4  }
0x1d: {  	v1 =	vshll.u32 v0, $0x4  }
0x1e: {  	vm2 =	veq.s32 v0, $0x80000000;
	v0 =	vshll.u32 v0, $0x11;
	v1 =	vand.u32 $0x1FF80, v1  }
0x1f: {  	v0 =	vand.u32 $0xE0000, v0;
	v1 =	vsel vm2, $0xFFFFFF80, v1  }
0x20: {  	v0 =	vsel vm2, $0xFFFE0000, v0;
	v2 =	vand.u32 $0xFFFFFC00, v1  }
0x21: {  	v1 =	vand.u32 $0x380, v1;
	v0 =	vadd.s32 v0, v2  }
0x22: {  	v0 =	vor.u32 v1, v0  }
0x23: {  	v0 =	vshrl.u32 v0, $0x3;
	_ =	sdelay $0x3  }
0x24: {  	s13 =	simm.s32 $0x2080  }
0x25: {  	[tilespmem:s13], [sflag:$0x1] =	stream.indirect_vreg.gather [hbm:s3], $0x80, v0, vm0, $0x38;
	[tilespmem:$0x4080] =	vst v63  }
0x26: {  	s14 =	simm.s32 $0x2480;
	s31 =	simm.s32 $0x10  }
0x27: {  	[tilespmem:s14], [sflag:$0x1] =	stream.indirect_vreg.gather [hbm:s3], $0x80, v0, vm1, $0x38;
	[tilespmem:$0x4080] =	vst v63  }
0x28: {  	s14 =	simm.s32 $0x80;
	v0 =	vld.msk [tilespmem:s31+$0x40 ss:$0x1], $0xffff  }
.LBB2_5:
0x29: {  	p0 =	sne.s32 s14, $0xC0;
	_ =	sdelay $0x4  }
0x2a: {  	v1 =	vshll.u32 v0, $0x4  }
0x2b: {  	vm2 =	veq.s32 v0, $0x80000000;
	v0 =	vshll.u32 v0, $0x11;
	v1 =	vand.u32 $0x1FF80, v1  }
0x2c: {  	v0 =	vand.u32 $0xE0000, v0;
	v1 =	vsel vm2, $0xFFFFFF80, v1  }
0x2d: {  	v0 =	vsel vm2, $0xFFFE0000, v0;
	v2 =	vand.u32 $0xFFFFFC00, v1  }
0x2e: {  	v1 =	vand.u32 $0x380, v1;
	v0 =	vadd.s32 v0, v2  }
0x2f: {  	v0 =	vor.u32 v1, v0  }
0x30: {  	v0 =	vshrl.u32 v0, $0x3;
	_ =	sdelay $0x3  }
.Ltmp4:
0x31: {  	s13 =	sadd.s32 $0x800, s13;
	(pc) =	sbr.rel @p0 .LBB2_5-.Ltmp4, $4  }
0x32: {  	[tilespmem:s13], [sflag:$0x1] =	stream.indirect_vreg.gather [hbm:s3], $0x80, v0, vm0, $0x38;
	[tilespmem:$0x4080] =	vst v63  }
0x33: {  	s15 =	sshra.s32 s14, $0x2;
	s16 =	sadd.s32 $0x400, s13  }
0x34: {  	[tilespmem:s16], [sflag:$0x1] =	stream.indirect_vreg.gather [hbm:s3], $0x80, v0, vm1, $0x38;
	[tilespmem:$0x4080] =	vst v63  }
0x35: {  	s14 =	sadd.s32 $0x40, s14;
	v0 =	vld.msk [tilespmem:s15+$0x40 ss:$0x1], $0xffff  }
0x36: {  	_ =	sdelay $0x3  }
0x37: {  	v1 =	vshll.u32 v0, $0x4  }
0x38: {  	vm2 =	veq.s32 v0, $0x80000000;
	v63 =	vshll.u32 v0, $0x11;
	v1 =	vand.u32 $0x1FF80, v1  }
0x39: {  	v0 =	vand.u32 $0xE0000, v63;
	v1 =	vsel vm2, $0xFFFFFF80, v1  }
0x3a: {  	v0 =	vsel vm2, $0xFFFE0000, v0;
	v2 =	vand.u32 $0xFFFFFC00, v1  }
0x3b: {  	v1 =	vand.u32 $0x380, v1;
	v0 =	vadd.s32 v0, v2  }
0x3c: {  	v0 =	vor.u32 v1, v0  }
0x3d: {  	v0 =	vshrl.u32 v0, $0x3;
	_ =	sdelay $0x3  }
0x3e: {  	s13 =	sadd.s32 $0x800, s13  }
0x3f: {  	[tilespmem:s13], [sflag:$0x1] =	stream.indirect_vreg.gather [hbm:s3], $0x80, v0, vm0, $0x38;
	[tilespmem:$0x4080] =	vst v63  }
0x40: {  	s13 =	sadd.s32 $0x400, s13  }
0x41: {  	[tilespmem:s13], [sflag:$0x1] =	stream.indirect_vreg.gather [hbm:s3], $0x80, v0, vm1, $0x38;
	[tilespmem:$0x4080] =	vst v63  }
0x42: {  	s12 =	sshll.u32 s12, $0x4;
	s14 =	simm.s32 $0x80;
	_ =	swait.ge [sflag:s4], $0x2000  }
0x43: {  	s15 =	simm.s32 $0x2480;
	s12 =	sadd.s32 s12, s7;
	[sflag:s4] =	ssyncset.done $0x0  }
0x44: {  	s16 =	sadd.s32 $0x0, s12;
	s13 =	simm.s32 $0x2080;
	[sflag:s4] =	ssyncadd.s32 $0xFFFFE000  }
.LBB2_7:
0x45: {  	[hbm:s16] =	stream.linear.scatter [tilespmem:s13], [sflag:$0x3], $0x400, $0x38;
	[tilespmem:$0x4080] =	vst v63  }
0x46: {  	s16 =	smov.u32 s14;
	s13 =	smov.u32 s15;
	p0 =	sne.s32 s14, $0x380  }
.Ltmp5:
0x47: {  	s14 =	sadd.s32 $0x80, s14;
	(pc) =	sbr.rel @p0 .LBB2_7-.Ltmp5, $2  }
0x48: {  	_ =	sdelay $0x2  }
0x49: {  	s15 =	sadd.s32 $0x400, s15;
	s16 =	sadd.s32 s16, s12  }
.Ltmp6:
0x4a: {  	(pc) =	sbr.rel .LBB2_9-.Ltmp6, $2  }
0x4b: {  	_ =	sdelay $0x2  }
0x4c: {  	[hbm:s16] =	stream.linear.scatter [tilespmem:s13], [sflag:$0x3], $0x400, $0x38;
	[tilespmem:$0x4080] =	vst v63  }
.LBB2_2:
.Ltmp7:
0x4d: {  	(pc) =	sbr.rel .LBB2_10-.Ltmp7, $4  }
0x4e: {  	_ = 	snop  }
0x4f: {  	s12 =	sshrl.u32 s11, $0x3  }
0x50: {  	s13 =	sand.u32 $0x7, s11;
	s12 =	sadd.s32 s2, s12  }
0x51: {  	[tilespmem:s9], [sflag:$0x2] =	stream.linear.gather [hbm4b:s12+s13], $0x40, $0x38;
	[tilespmem:$0x4080] =	vst v63  }
.LBB2_11:
0x52: {  	s2 =	simm.s32 $0x3  }
0x53: {  	_ =	swait.ge [sflag:s2], $0x2000  }
0x54: {  	[sflag:s2] =	ssyncset.done $0x0  }
0x55: {  	[sflag:s2] =	ssyncadd.s32 $0xFFFFE000  }
0x56: {  	_ =	sfence.sel $0x180000  }
0x57: {  	s3 =	simm.s32 $0x2;
	[bflag:$0x0] =	sbarrier.arrive $0xFFFF  }
0x58: {  	[sflag:s3] =	ssyncpa.u1 $0x1  }
0x59: {  	s31 =	simm.s32 $0x1;
	[sflag:s2] =	ssyncpa.u1 $0x1  }
0x5a: {  	[sflag:s31] =	ssyncpa.u1 $0x1  }
0x5b: {  	p0 =	sne.s32 s1, $0x0;
	_ =	strace $0x90000047  }
0x5c: {  	s0 =	sadd.s32 @!p0 $0x100000, s0;
	[bflag:$0x2] =	sbarrier.arrive $0xFFFF  }
0x5d: {  	[sflag:s0] =	ssyncadd.tile.s32 @!p0 $0x1;
	_ =	shalt  }
.Lfunc_end2:
_tile_overlayer_lowered:
.L_overlay_start_2:
0x5e: {  	(tag) =	ssettag $0x2  }
0x5f: {  	s0 =	rddreg [dreg:$0x0];
	s2 =	stileid.u32  }
0x60: {  	s1 =	rddreg [dreg:$0x1];
	p0 =	sne.s32 s2, $0x0  }
0x61: {  	s3 =	rddreg [dreg:$0x2];
	[bflag:$0x3] =	sbarrier.arrive $0xFFFF;
	s2 =	simm.s32 @!p0 $0x1C01  }
0x62: {  	[timem:s3], [sflag:s2] =	dma.local @!p0 [hbm:s0], s1  }
0x63: {  	s0 =	simm.s32 @!p0 $0x1  }
0x64: {  	_ =	swait.ge @!p0 [sflag:s0], s1  }
0x65: {  	s1 =	ssub.s32 @!p0 $0x0, s1;
	[sflag:s0] =	ssyncset.done @!p0 $0x0  }
0x66: {  	[sflag:s0] =	ssyncadd.s32 @!p0 s1  }
0x67: {  	[bflag:$0x3] =	sbarrier.arrive $0xFFFF  }
0x68: {  	_ =	shalt  }

</sc_bundles>
